<compile_context>
chip_gen: v7x
topology: tpu7x:2x2x1
jax: 0.10.2.dev20260603
libtpu: 0.0.44.dev20260713+nightly
codegen_flags: <defaults>
</compile_context>

<pallas_src>
import functools

import jax
import jax.numpy as jnp
from jax import lax
from jax.experimental import pallas as pl
from jax.experimental.pallas import tpu as pltpu
from jax.experimental.pallas import tpu_sc as plsc

_B = 4096
_D = 32
_K = 5
_EPS = 1e-8

_NC = 2
_NS = 16
_L = 16
_NW = _NC * _NS
_R = _B // _NW
_F = _R * _K

_W = 20480


def _pack(table_t, n_rows):
  n = table_t.shape[1]
  grid = (n + _W - 1) // _W

  def body(in_ref, out_ref):
    x = in_ref[...]
    q = _W // 4
    y = x.T
    out_ref[...] = jnp.concatenate(
        [y[0:q], y[q:2 * q], y[2 * q:3 * q], y[3 * q:4 * q]], axis=1)

  return pl.pallas_call(
      body,
      grid=(grid,),
      in_specs=[pl.BlockSpec((_D, _W), lambda i: (0, i))],
      out_specs=pl.BlockSpec((_W // 4, 128), lambda i: (i, 0)),
      out_shape=jax.ShapeDtypeStruct((grid * (_W // 4), 128), jnp.float32),
  )(table_t)


def _sc_neg_products(batch_users, negidx_flat, tu_p, ts_p):
  mesh = plsc.VectorSubcoreMesh(core_axis_name="c", subcore_axis_name="s")

  @functools.partial(
      pl.kernel,
      mesh=mesh,
      out_type=jax.ShapeDtypeStruct((_B * _K,), jnp.float32),
      scratch_types=[
          pltpu.VMEM((_R,), jnp.int32),
          pltpu.VMEM((_F,), jnp.int32),
          pltpu.VMEM((_R, 128), jnp.float32),
          pltpu.VMEM((_R, _D), jnp.float32),
          pltpu.VMEM((_F, 128), jnp.float32),
          pltpu.VMEM((_F,), jnp.float32),
          pltpu.SemaphoreType.DMA,
      ],
  )
  def k(bu_hbm, ni_hbm, tu_hbm, ts_hbm, out_hbm,
        idxu_v, idxn_v, urows_v, ucomp_v, nrows_v, prod_v, sem):
    wid = lax.axis_index("s") * _NC + lax.axis_index("c")
    base = wid * _R
    pltpu.sync_copy(bu_hbm.at[pl.ds(base, _R)], idxu_v)
    pltpu.sync_copy(ni_hbm.at[pl.ds(wid * _F, _F)], idxn_v)

    def prow(i):
      q = lax.shift_right_logical(
          lax.shift_right_logical(i, 12) * 6554, 15)
      v = i - q * 20480
      t = lax.shift_right_logical(
          lax.shift_right_logical(v, 10) * 6554, 15)
      return q * 5120 + (v - t * 5120)

    def fetch_u(c, carry):
      iv = idxu_v[pl.ds(c * _L, _L)]
      for j in range(_L):
        pltpu.async_copy(tu_hbm.at[pl.ds(prow(iv[j]), 1)],
                         urows_v.at[pl.ds(c * _L + j, 1)], sem)
      return carry

    def fetch_n(c, carry):
      iv = idxn_v[pl.ds(c * _L, _L)]
      for j in range(_L):
        pltpu.async_copy(ts_hbm.at[pl.ds(prow(iv[j]), 1)],
                         nrows_v.at[pl.ds(c * _L + j, 1)], sem)
      return carry

    lax.fori_loop(0, _R // _L, fetch_u, 0)
    lax.fori_loop(0, _F // _L, fetch_n, 0)
    pltpu.make_async_copy(tu_hbm.at[pl.ds(0, _R)], urows_v, sem).wait()
    pltpu.make_async_copy(ts_hbm.at[pl.ds(0, _F)], nrows_v, sem).wait()

    def slot(i):
      q = lax.shift_right_logical(
          lax.shift_right_logical(i, 12) * 6554, 15)
      v = i - q * 20480
      return lax.shift_right_logical(
          lax.shift_right_logical(v, 10) * 6554, 15)

    def pick(ref, r, t):
      ps = [ref[r, pl.ds(o * _L, _L)] for o in range(8)]
      h0 = jnp.where(t == 0, ps[0], jnp.where(t == 1, ps[2],
                     jnp.where(t == 2, ps[4], ps[6])))
      h1 = jnp.where(t == 0, ps[1], jnp.where(t == 1, ps[3],
                     jnp.where(t == 2, ps[5], ps[7])))
      return h0, h1

    def extract_u(c, carry):
      iv = idxu_v[pl.ds(c * _L, _L)]
      for j in range(_L):
        r = c * _L + j
        h0, h1 = pick(urows_v, r, slot(iv[j]))
        ucomp_v[r, pl.ds(0, _L)] = h0
        ucomp_v[r, pl.ds(_L, _L)] = h1
      return carry

    lax.fori_loop(0, _R // _L, extract_u, 0)

    lanes = lax.iota(jnp.int32, _L)

    def merge(a, b, sh):
      ax = a + a.at[lanes ^ sh].get(mode="promise_in_bounds")
      bx = b + b.at[lanes ^ sh].get(mode="promise_in_bounds")
      return jnp.where((lanes & sh) == 0, ax, bx)

    def group(g, carry):
      gbase = g * _L
      ivn = idxn_v[pl.ds(gbase, _L)]
      v = []
      for j in range(_L):
        i = gbase + j
        ui = lax.shift_right_logical(i * 6554, 15)
        u0 = ucomp_v[ui, pl.ds(0, _L)]
        u1 = ucomp_v[ui, pl.ds(_L, _L)]
        n0, n1 = pick(nrows_v, i, slot(ivn[j]))
        v.append(u0 * n0 + u1 * n1)
      c = [merge(v[r], v[r + 8], 8) for r in range(8)]
      d = [merge(c[r], c[r + 4], 4) for r in range(4)]
      e = [merge(d[r], d[r + 2], 2) for r in range(2)]
      prod_v[pl.ds(gbase, _L)] = merge(e[0], e[1], 1)
      return carry

    lax.fori_loop(0, _F // _L, group, 0)
    pltpu.sync_copy(prod_v, out_hbm.at[pl.ds(wid * _F, _F)])

  return k(batch_users, negidx_flat, tu_p, ts_p)


def _tc_loss(ue, se, nprod2d):
  def body(ue_ref, se_ref, np_ref, out_ref):
    x = jnp.sum(ue_ref[...] * se_ref[...], axis=-1)
    pos = -jnp.log(1.0 / (1.0 + jnp.exp(-x)) + _EPS)
    y = np_ref[...]
    neg = jnp.log(1.0 / (1.0 + jnp.exp(y)) + _EPS)
    loss = jnp.sum(pos) / _B + jnp.sum(neg) / (_B * _K)
    out_ref[...] = jnp.reshape(loss, (1, 1))

  out = pl.pallas_call(
      body,
      out_shape=jax.ShapeDtypeStruct((1, 1), jnp.float32),
  )(ue, se, nprod2d)
  return out[0, 0]


def kernel(user_embeddings, subreddit_embeddings, batch_users, batch_subreddits,
           total_user_embeddings, total_subreddit_embeddings, negative_indices):
  del batch_subreddits
  negidx_flat = negative_indices.reshape(_B * _K)
  tu_p = _pack(total_user_embeddings.T, 100000)
  ts_p = _pack(total_subreddit_embeddings.T, 1000000)
  nprod = _sc_neg_products(batch_users, negidx_flat, tu_p, ts_p)
  return _tc_loss(user_embeddings, subreddit_embeddings,
                  nprod.reshape(_B * _K // 128, 128))

# --- scband reference (transcript-rebuilt; emitter-appended) ---
"""Pipeline reference for scband-similarity-loss-use-sigmoid-6287832121491 (READ-ONLY COPY).

The authoritative reference and input builder live on the scoring server;
editing this copy changes nothing except your own understanding.
"""

import jax, jax.numpy as jnp
import numpy as np

NEGATIVE_SAMPLES = 5
B = 4096
D = 32
N_USERS = 100000
N_SUBREDDITS = 1000000


def setup_inputs(seed: int = 0) -> dict:
    key = jax.random.key(seed)
    ks = jax.random.split(key, 7)
    user_embeddings = jax.random.normal(ks[0], (B, D), dtype=jnp.float32)
    subreddit_embeddings = jax.random.normal(ks[1], (B, D), dtype=jnp.float32)
    batch_users = jax.random.randint(ks[2], (B,), 0, N_USERS, dtype=jnp.int64 if jax.config.jax_enable_x64 else jnp.int32).astype(jnp.int32)
    batch_subreddits = jax.random.randint(ks[3], (B,), 0, N_SUBREDDITS).astype(jnp.int32)
    total_user_embeddings = jax.random.normal(ks[4], (N_USERS, D), dtype=jnp.float32)
    total_subreddit_embeddings = jax.random.normal(ks[5], (N_SUBREDDITS, D), dtype=jnp.float32)
    # graph.successors(...) + randperm negative sampling is replaced by precomputed
    # per-user negative candidate indices (uniform over subreddit vocab).
    negative_indices = jax.random.randint(ks[6], (B, NEGATIVE_SAMPLES), 0, N_SUBREDDITS).astype(jnp.int32)
    return {
        "user_embeddings": user_embeddings,
        "subreddit_embeddings": subreddit_embeddings,
        "batch_users": batch_users,
        "batch_subreddits": batch_subreddits,
        "total_user_embeddings": total_user_embeddings,
        "total_subreddit_embeddings": total_subreddit_embeddings,
        "negative_indices": negative_indices,
    }


def reference(user_embeddings, subreddit_embeddings, batch_users, batch_subreddits,
              total_user_embeddings, total_subreddit_embeddings, negative_indices):
    constant = 1e-08
    # positive part
    positive_product = jnp.sum(user_embeddings * subreddit_embeddings, axis=-1)
    positive_similarity = jax.nn.sigmoid(positive_product)
    positive_log_similarity_loss = -jnp.log(positive_similarity + constant)
    positive_loss = jnp.mean(positive_log_similarity_loss)
    # negative part (vectorized over the per-user loop)
    neg_user = jnp.take(total_user_embeddings, batch_users, axis=0)            # [B, D]
    neg_sub = jnp.take(total_subreddit_embeddings, negative_indices, axis=0)   # [B, K, D]
    negative_product = jnp.sum(neg_user[:, None, :] * neg_sub, axis=-1)        # [B, K]
    negative_similarity = jax.nn.sigmoid(-negative_product)
    negative_log_similarity_loss = jnp.log(negative_similarity + constant)
    # original accumulates +log(sigmoid(-prod)+eps).mean() per user then divides by count
    negative_loss = jnp.mean(jnp.mean(negative_log_similarity_loss, axis=-1))
    loss = positive_loss + negative_loss
    return loss

if __name__ == "__main__":
    import jax
    _d = setup_inputs()
    print(jax.jit(kernel)(*tuple(_d.values())))

</pallas_src>

<mosaic_0001>
#map = affine_map<(d0, d1) -> (0)>
#map1 = affine_map<(d0, d1) -> (0, 0)>
module attributes {stable_mosaic.version = 14 : i64} {
  func.func @k(%arg0: i32, %arg1: i32, %arg2: memref<4096xi32, #tpu.memory_space<hbm>>, %arg3: memref<20480xi32, #tpu.memory_space<hbm>>, %arg4: memref<25600x128xf32, #tpu.memory_space<hbm>>, %arg5: memref<250880x128xf32, #tpu.memory_space<hbm>>, %arg6: memref<20480xf32, #tpu.memory_space<hbm>>, %arg7: memref<128xi32, #tpu.memory_space<vmem>>, %arg8: memref<640xi32, #tpu.memory_space<vmem>>, %arg9: memref<128x128xf32, #tpu.memory_space<vmem>>, %arg10: memref<128x32xf32, #tpu.memory_space<vmem>>, %arg11: memref<640x128xf32, #tpu.memory_space<vmem>>, %arg12: memref<640xf32, #tpu.memory_space<vmem>>, %arg13: memref<!tpu.dma_semaphore, #tpu.memory_space<semaphore_mem>>) attributes {dimension_semantics = [#tpu.dimension_semantics<core_parallel>, #tpu.dimension_semantics<subcore_parallel>], iteration_bounds = array<i64: 2, 16>, scalar_prefetch = 0 : i64, scratch_operands = 7 : i64, tpu.core_type = #tpu.core_type<sc_vector_subcore>, window_params = [{transform_indices = #map}, {transform_indices = #map}, {transform_indices = #map1}, {transform_indices = #map1}, {transform_indices = #map}]} {
    %mul3A = arith.constant 2 : i32
    %mul3A_0 = arith.muli %arg1, %mul3A : i32
    %add3A = arith.addi %mul3A_0, %arg0 : i32
    %mul3A_1 = arith.constant 128 : i32
    %mul3A_2 = arith.muli %add3A, %mul3A_1 : i32
    "tpu.region"() ({
      %run_scoped3A = tpu.sem_alloc : memref<!tpu.dma_semaphore, #tpu.memory_space<semaphore_mem>>
      %dma_start3A = tpu.memref_slice %arg2[%mul3A_2] : memref<4096xi32, #tpu.memory_space<hbm>> -> memref<128xi32, #tpu.memory_space<hbm>>
      %dma_start3A_41 = tpu.memref_slice %arg2[%mul3A_2] : memref<4096xi32, #tpu.memory_space<hbm>> -> memref<128xi32, #tpu.memory_space<hbm>>
      tpu.enqueue_dma source(%dma_start3A_41 : memref<128xi32, #tpu.memory_space<hbm>>) target(%arg7 : memref<128xi32, #tpu.memory_space<vmem>>) target_semaphore(%run_scoped3A : memref<!tpu.dma_semaphore, #tpu.memory_space<semaphore_mem>>)
      %dma_wait3A_42 = tpu.memref_slice %arg2[%mul3A_2] : memref<4096xi32, #tpu.memory_space<hbm>> -> memref<128xi32, #tpu.memory_space<hbm>>
      %dma_wait3A_43 = tpu.memref_slice %arg2[%mul3A_2] : memref<4096xi32, #tpu.memory_space<hbm>> -> memref<128xi32, #tpu.memory_space<hbm>>
      tpu.wait_dma2 semaphore(%run_scoped3A : memref<!tpu.dma_semaphore, #tpu.memory_space<semaphore_mem>>) src(%dma_wait3A_43 : memref<128xi32, #tpu.memory_space<hbm>>) dst(%arg7 : memref<128xi32, #tpu.memory_space<vmem>>)
      tpu.yield
    }) : () -> ()
    %mul3A_3 = arith.constant 640 : i32
    %mul3A_4 = arith.muli %add3A, %mul3A_3 : i32
    "tpu.region"() ({
      %run_scoped3A = tpu.sem_alloc : memref<!tpu.dma_semaphore, #tpu.memory_space<semaphore_mem>>
      %dma_start3A = tpu.memref_slice %arg3[%mul3A_4] : memref<20480xi32, #tpu.memory_space<hbm>> -> memref<640xi32, #tpu.memory_space<hbm>>
      %dma_start3A_41 = tpu.memref_slice %arg3[%mul3A_4] : memref<20480xi32, #tpu.memory_space<hbm>> -> memref<640xi32, #tpu.memory_space<hbm>>
      tpu.enqueue_dma source(%dma_start3A_41 : memref<640xi32, #tpu.memory_space<hbm>>) target(%arg8 : memref<640xi32, #tpu.memory_space<vmem>>) target_semaphore(%run_scoped3A : memref<!tpu.dma_semaphore, #tpu.memory_space<semaphore_mem>>)
      %dma_wait3A_42 = tpu.memref_slice %arg3[%mul3A_4] : memref<20480xi32, #tpu.memory_space<hbm>> -> memref<640xi32, #tpu.memory_space<hbm>>
      %dma_wait3A_43 = tpu.memref_slice %arg3[%mul3A_4] : memref<20480xi32, #tpu.memory_space<hbm>> -> memref<640xi32, #tpu.memory_space<hbm>>
      tpu.wait_dma2 semaphore(%run_scoped3A : memref<!tpu.dma_semaphore, #tpu.memory_space<semaphore_mem>>) src(%dma_wait3A_43 : memref<640xi32, #tpu.memory_space<hbm>>) dst(%arg8 : memref<640xi32, #tpu.memory_space<vmem>>)
      tpu.yield
    }) : () -> ()
    %scan3A = arith.constant 0 : i32
    %scan3A_5 = arith.constant 0 : i32
    %scan3A_6 = arith.constant 8 : i32
    %scan3A_7 = arith.addi %scan3A_5, %scan3A_6 : i32
    %scan3A_8 = arith.constant 1 : i32
    scf.for %scan3A_41 = %scan3A_5 to %scan3A_7 step %scan3A_8  : i32 {
      %mul3A_42 = arith.constant 16 : i32
      %mul3A_43 = arith.muli %scan3A_41, %mul3A_42 : i32
      %get3A = arith.index_cast %mul3A_43 : i32 to index
      %get3A_44 = tpu.vector_load %arg7[%get3A] {strides = array<i32>} : memref<128xi32, #tpu.memory_space<vmem>>, vector<16xi32>,
      %get3A_45 = vector.shape_cast %get3A_44 : vector<16xi32> to vector<16xi32>
      %slice3A = vector.extract_strided_slice %get3A_45 {offsets = [0], sizes = [1], strides = [1]} : vector<16xi32> to vector<1xi32>
      %squeeze3A = vector.extract %slice3A[0] : i32 from vector<1xi32>
      %shift_right_logical3A = arith.constant 12 : i32
      %shift_right_logical3A_46 = arith.shrui %squeeze3A, %shift_right_logical3A : i32
      %mul3A_47 = arith.constant 6554 : i32
      %mul3A_48 = arith.muli %shift_right_logical3A_46, %mul3A_47 : i32
      %shift_right_logical3A_49 = arith.constant 15 : i32
      %shift_right_logical3A_50 = arith.shrui %mul3A_48, %shift_right_logical3A_49 : i32
      %mul3A_51 = arith.constant 20480 : i32
      %mul3A_52 = arith.muli %shift_right_logical3A_50, %mul3A_51 : i32
      %sub3A = arith.subi %squeeze3A, %mul3A_52 : i32
      %shift_right_logical3A_53 = arith.constant 10 : i32
      %shift_right_logical3A_54 = arith.shrui %sub3A, %shift_right_logical3A_53 : i32
      %mul3A_55 = arith.constant 6554 : i32
      %mul3A_56 = arith.muli %shift_right_logical3A_54, %mul3A_55 : i32
      %shift_right_logical3A_57 = arith.constant 15 : i32
      %shift_right_logical3A_58 = arith.shrui %mul3A_56, %shift_right_logical3A_57 : i32
      %mul3A_59 = arith.constant 5120 : i32
      %mul3A_60 = arith.muli %shift_right_logical3A_50, %mul3A_59 : i32
      %mul3A_61 = arith.constant 5120 : i32
      %mul3A_62 = arith.muli %shift_right_logical3A_58, %mul3A_61 : i32
      %sub3A_63 = arith.subi %sub3A, %mul3A_62 : i32
      %add3A_64 = arith.addi %mul3A_60, %sub3A_63 : i32
      %mul3A_65 = arith.constant 16 : i32
      %mul3A_66 = arith.muli %scan3A_41, %mul3A_65 : i32
      %add3A_67 = arith.constant 0 : i32
      %add3A_68 = arith.addi %mul3A_66, %add3A_67 : i32
      %dma_start3A = arith.constant 0 : i32
      %dma_start3A_69 = tpu.memref_slice %arg9[%add3A_68, %dma_start3A] : memref<128x128xf32, #tpu.memory_space<vmem>> -> memref<1x128xf32, #tpu.memory_space<vmem>>
      %dma_start3A_70 = arith.constant 0 : i32
      %dma_start3A_71 = tpu.memref_slice %arg4[%add3A_64, %dma_start3A_70] : memref<25600x128xf32, #tpu.memory_space<hbm>> -> memref<1x128xf32, #tpu.memory_space<hbm>>
      %dma_start3A_72 = arith.constant 0 : i32
      %dma_start3A_73 = tpu.memref_slice %arg9[%add3A_68, %dma_start3A_72] : memref<128x128xf32, #tpu.memory_space<vmem>> -> memref<1x128xf32, #tpu.memory_space<vmem>>
      %dma_start3A_74 = arith.constant 0 : i32
      %dma_start3A_75 = tpu.memref_slice %arg4[%add3A_64, %dma_start3A_74] : memref<25600x128xf32, #tpu.memory_space<hbm>> -> memref<1x128xf32, #tpu.memory_space<hbm>>
      tpu.enqueue_dma source(%dma_start3A_75 : memref<1x128xf32, #tpu.memory_space<hbm>>) target(%dma_start3A_73 : memref<1x128xf32, #tpu.memory_space<vmem>>) target_semaphore(%arg13 : memref<!tpu.dma_semaphore, #tpu.memory_space<semaphore_mem>>)
      %slice3A_76 = vector.extract_strided_slice %get3A_45 {offsets = [1], sizes = [1], strides = [1]} : vector<16xi32> to vector<1xi32>
      %squeeze3A_77 = vector.extract %slice3A_76[0] : i32 from vector<1xi32>
      %shift_right_logical3A_78 = arith.constant 12 : i32
      %shift_right_logical3A_79 = arith.shrui %squeeze3A_77, %shift_right_logical3A_78 : i32
      %mul3A_80 = arith.constant 6554 : i32
      %mul3A_81 = arith.muli %shift_right_logical3A_79, %mul3A_80 : i32
      %shift_right_logical3A_82 = arith.constant 15 : i32
      %shift_right_logical3A_83 = arith.shrui %mul3A_81, %shift_right_logical3A_82 : i32
      %mul3A_84 = arith.constant 20480 : i32
      %mul3A_85 = arith.muli %shift_right_logical3A_83, %mul3A_84 : i32
      %sub3A_86 = arith.subi %squeeze3A_77, %mul3A_85 : i32
      %shift_right_logical3A_87 = arith.constant 10 : i32
      %shift_right_logical3A_88 = arith.shrui %sub3A_86, %shift_right_logical3A_87 : i32
      %mul3A_89 = arith.constant 6554 : i32
      %mul3A_90 = arith.muli %shift_right_logical3A_88, %mul3A_89 : i32
      %shift_right_logical3A_91 = arith.constant 15 : i32
      %shift_right_logical3A_92 = arith.shrui %mul3A_90, %shift_right_logical3A_91 : i32
      %mul3A_93 = arith.constant 5120 : i32
      %mul3A_94 = arith.muli %shift_right_logical3A_83, %mul3A_93 : i32
      %mul3A_95 = arith.constant 5120 : i32
      %mul3A_96 = arith.muli %shift_right_logical3A_92, %mul3A_95 : i32
      %sub3A_97 = arith.subi %sub3A_86, %mul3A_96 : i32
      %add3A_98 = arith.addi %mul3A_94, %sub3A_97 : i32
      %mul3A_99 = arith.constant 16 : i32
      %mul3A_100 = arith.muli %scan3A_41, %mul3A_99 : i32
      %add3A_101 = arith.constant 1 : i32
      %add3A_102 = arith.addi %mul3A_100, %add3A_101 : i32
      %dma_start3A_103 = arith.constant 0 : i32
      %dma_start3A_104 = tpu.memref_slice %arg9[%add3A_102, %dma_start3A_103] : memref<128x128xf32, #tpu.memory_space<vmem>> -> memref<1x128xf32, #tpu.memory_space<vmem>>
      %dma_start3A_105 = arith.constant 0 : i32
      %dma_start3A_106 = tpu.memref_slice %arg4[%add3A_98, %dma_start3A_105] : memref<25600x128xf32, #tpu.memory_space<hbm>> -> memref<1x128xf32, #tpu.memory_space<hbm>>
      %dma_start3A_107 = arith.constant 0 : i32
      %dma_start3A_108 = tpu.memref_slice %arg9[%add3A_102, %dma_start3A_107] : memref<128x128xf32, #tpu.memory_space<vmem>> -> memref<1x128xf32, #tpu.memory_space<vmem>>
      %dma_start3A_109 = arith.constant 0 : i32
      %dma_start3A_110 = tpu.memref_slice %arg4[%add3A_98, %dma_start3A_109] : memref<25600x128xf32, #tpu.memory_space<hbm>> -> memref<1x128xf32, #tpu.memory_space<hbm>>
      tpu.enqueue_dma source(%dma_start3A_110 : memref<1x128xf32, #tpu.memory_space<hbm>>) target(%dma_start3A_108 : memref<1x128xf32, #tpu.memory_space<vmem>>) target_semaphore(%arg13 : memref<!tpu.dma_semaphore, #tpu.memory_space<semaphore_mem>>)
      %slice3A_111 = vector.extract_strided_slice %get3A_45 {offsets = [2], sizes = [1], strides = [1]} : vector<16xi32> to vector<1xi32>
      %squeeze3A_112 = vector.extract %slice3A_111[0] : i32 from vector<1xi32>
      %shift_right_logical3A_113 = arith.constant 12 : i32
      %shift_right_logical3A_114 = arith.shrui %squeeze3A_112, %shift_right_logical3A_113 : i32
      %mul3A_115 = arith.constant 6554 : i32
      %mul3A_116 = arith.muli %shift_right_logical3A_114, %mul3A_115 : i32
      %shift_right_logical3A_117 = arith.constant 15 : i32
      %shift_right_logical3A_118 = arith.shrui %mul3A_116, %shift_right_logical3A_117 : i32
      %mul3A_119 = arith.constant 20480 : i32
      %mul3A_120 = arith.muli %shift_right_logical3A_118, %mul3A_119 : i32
      %sub3A_121 = arith.subi %squeeze3A_112, %mul3A_120 : i32
      %shift_right_logical3A_122 = arith.constant 10 : i32
      %shift_right_logical3A_123 = arith.shrui %sub3A_121, %shift_right_logical3A_122 : i32
      %mul3A_124 = arith.constant 6554 : i32
      %mul3A_125 = arith.muli %shift_right_logical3A_123, %mul3A_124 : i32
      %shift_right_logical3A_126 = arith.constant 15 : i32
      %shift_right_logical3A_127 = arith.shrui %mul3A_125, %shift_right_logical3A_126 : i32
      %mul3A_128 = arith.constant 5120 : i32
      %mul3A_129 = arith.muli %shift_right_logical3A_118, %mul3A_128 : i32
      %mul3A_130 = arith.constant 5120 : i32
      %mul3A_131 = arith.muli %shift_right_logical3A_127, %mul3A_130 : i32
      %sub3A_132 = arith.subi %sub3A_121, %mul3A_131 : i32
      %add3A_133 = arith.addi %mul3A_129, %sub3A_132 : i32
      %mul3A_134 = arith.constant 16 : i32
      %mul3A_135 = arith.muli %scan3A_41, %mul3A_134 : i32
      %add3A_136 = arith.constant 2 : i32
      %add3A_137 = arith.addi %mul3A_135, %add3A_136 : i32
      %dma_start3A_138 = arith.constant 0 : i32
      %dma_start3A_139 = tpu.memref_slice %arg9[%add3A_137, %dma_start3A_138] : memref<128x128xf32, #tpu.memory_space<vmem>> -> memref<1x128xf32, #tpu.memory_space<vmem>>
      %dma_start3A_140 = arith.constant 0 : i32
      %dma_start3A_141 = tpu.memref_slice %arg4[%add3A_133, %dma_start3A_140] : memref<25600x128xf32, #tpu.memory_space<hbm>> -> memref<1x128xf32, #tpu.memory_space<hbm>>
      %dma_start3A_142 = arith.constant 0 : i32
      %dma_start3A_143 = tpu.memref_slice %arg9[%add3A_137, %dma_start3A_142] : memref<128x128xf32, #tpu.memory_space<vmem>> -> memref<1x128xf32, #tpu.memory_space<vmem>>
      %dma_start3A_144 = arith.constant 0 : i32
      %dma_start3A_145 = tpu.memref_slice %arg4[%add3A_133, %dma_start3A_144] : memref<25600x128xf32, #tpu.memory_space<hbm>> -> memref<1x128xf32, #tpu.memory_space<hbm>>
      tpu.enqueue_dma source(%dma_start3A_145 : memref<1x128xf32, #tpu.memory_space<hbm>>) target(%dma_start3A_143 : memref<1x128xf32, #tpu.memory_space<vmem>>) target_semaphore(%arg13 : memref<!tpu.dma_semaphore, #tpu.memory_space<semaphore_mem>>)
      %slice3A_146 = vector.extract_strided_slice %get3A_45 {offsets = [3], sizes = [1], strides = [1]} : vector<16xi32> to vector<1xi32>
      %squeeze3A_147 = vector.extract %slice3A_146[0] : i32 from vector<1xi32>
      %shift_right_logical3A_148 = arith.constant 12 : i32
      %shift_right_logical3A_149 = arith.shrui %squeeze3A_147, %shift_right_logical3A_148 : i32
      %mul3A_150 = arith.constant 6554 : i32
      %mul3A_151 = arith.muli %shift_right_logical3A_149, %mul3A_150 : i32
      %shift_right_logical3A_152 = arith.constant 15 : i32
      %shift_right_logical3A_153 = arith.shrui %mul3A_151, %shift_right_logical3A_152 : i32
      %mul3A_154 = arith.constant 20480 : i32
      %mul3A_155 = arith.muli %shift_right_logical3A_153, %mul3A_154 : i32
      %sub3A_156 = arith.subi %squeeze3A_147, %mul3A_155 : i32
      %shift_right_logical3A_157 = arith.constant 10 : i32
      %shift_right_logical3A_158 = arith.shrui %sub3A_156, %shift_right_logical3A_157 : i32
      %mul3A_159 = arith.constant 6554 : i32
      %mul3A_160 = arith.muli %shift_right_logical3A_158, %mul3A_159 : i32
      %shift_right_logical3A_161 = arith.constant 15 : i32
      %shift_right_logical3A_162 = arith.shrui %mul3A_160, %shift_right_logical3A_161 : i32
      %mul3A_163 = arith.constant 5120 : i32
      %mul3A_164 = arith.muli %shift_right_logical3A_153, %mul3A_163 : i32
      %mul3A_165 = arith.constant 5120 : i32
      %mul3A_166 = arith.muli %shift_right_logical3A_162, %mul3A_165 : i32
      %sub3A_167 = arith.subi %sub3A_156, %mul3A_166 : i32
      %add3A_168 = arith.addi %mul3A_164, %sub3A_167 : i32
      %mul3A_169 = arith.constant 16 : i32
      %mul3A_170 = arith.muli %scan3A_41, %mul3A_169 : i32
      %add3A_171 = arith.constant 3 : i32
      %add3A_172 = arith.addi %mul3A_170, %add3A_171 : i32
      %dma_start3A_173 = arith.constant 0 : i32
      %dma_start3A_174 = tpu.memref_slice %arg9[%add3A_172, %dma_start3A_173] : memref<128x128xf32, #tpu.memory_space<vmem>> -> memref<1x128xf32, #tpu.memory_space<vmem>>
      %dma_start3A_175 = arith.constant 0 : i32
      %dma_start3A_176 = tpu.memref_slice %arg4[%add3A_168, %dma_start3A_175] : memref<25600x128xf32, #tpu.memory_space<hbm>> -> memref<1x128xf32, #tpu.memory_space<hbm>>
      %dma_start3A_177 = arith.constant 0 : i32
      %dma_start3A_178 = tpu.memref_slice %arg9[%add3A_172, %dma_start3A_177] : memref<128x128xf32, #tpu.memory_space<vmem>> -> memref<1x128xf32, #tpu.memory_space<vmem>>
      %dma_start3A_179 = arith.constant 0 : i32
      %dma_start3A_180 = tpu.memref_slice %arg4[%add3A_168, %dma_start3A_179] : memref<25600x128xf32, #tpu.memory_space<hbm>> -> memref<1x128xf32, #tpu.memory_space<hbm>>
      tpu.enqueue_dma source(%dma_start3A_180 : memref<1x128xf32, #tpu.memory_space<hbm>>) target(%dma_start3A_178 : memref<1x128xf32, #tpu.memory_space<vmem>>) target_semaphore(%arg13 : memref<!tpu.dma_semaphore, #tpu.memory_space<semaphore_mem>>)
      %slice3A_181 = vector.extract_strided_slice %get3A_45 {offsets = [4], sizes = [1], strides = [1]} : vector<16xi32> to vector<1xi32>
      %squeeze3A_182 = vector.extract %slice3A_181[0] : i32 from vector<1xi32>
      %shift_right_logical3A_183 = arith.constant 12 : i32
      %shift_right_logical3A_184 = arith.shrui %squeeze3A_182, %shift_right_logical3A_183 : i32
      %mul3A_185 = arith.constant 6554 : i32
      %mul3A_186 = arith.muli %shift_right_logical3A_184, %mul3A_185 : i32
      %shift_right_logical3A_187 = arith.constant 15 : i32
      %shift_right_logical3A_188 = arith.shrui %mul3A_186, %shift_right_logical3A_187 : i32
      %mul3A_189 = arith.constant 20480 : i32
      %mul3A_190 = arith.muli %shift_right_logical3A_188, %mul3A_189 : i32
      %sub3A_191 = arith.subi %squeeze3A_182, %mul3A_190 : i32
      %shift_right_logical3A_192 = arith.constant 10 : i32
      %shift_right_logical3A_193 = arith.shrui %sub3A_191, %shift_right_logical3A_192 : i32
      %mul3A_194 = arith.constant 6554 : i32
      %mul3A_195 = arith.muli %shift_right_logical3A_193, %mul3A_194 : i32
      %shift_right_logical3A_196 = arith.constant 15 : i32
      %shift_right_logical3A_197 = arith.shrui %mul3A_195, %shift_right_logical3A_196 : i32
      %mul3A_198 = arith.constant 5120 : i32
      %mul3A_199 = arith.muli %shift_right_logical3A_188, %mul3A_198 : i32
      %mul3A_200 = arith.constant 5120 : i32
      %mul3A_201 = arith.muli %shift_right_logical3A_197, %mul3A_200 : i32
      %sub3A_202 = arith.subi %sub3A_191, %mul3A_201 : i32
      %add3A_203 = arith.addi %mul3A_199, %sub3A_202 : i32
      %mul3A_204 = arith.constant 16 : i32
      %mul3A_205 = arith.muli %scan3A_41, %mul3A_204 : i32
      %add3A_206 = arith.constant 4 : i32
      %add3A_207 = arith.addi %mul3A_205, %add3A_206 : i32
      %dma_start3A_208 = arith.constant 0 : i32
      %dma_start3A_209 = tpu.memref_slice %arg9[%add3A_207, %dma_start3A_208] : memref<128x128xf32, #tpu.memory_space<vmem>> -> memref<1x128xf32, #tpu.memory_space<vmem>>
      %dma_start3A_210 = arith.constant 0 : i32
      %dma_start3A_211 = tpu.memref_slice %arg4[%add3A_203, %dma_start3A_210] : memref<25600x128xf32, #tpu.memory_space<hbm>> -> memref<1x128xf32, #tpu.memory_space<hbm>>
      %dma_start3A_212 = arith.constant 0 : i32
      %dma_start3A_213 = tpu.memref_slice %arg9[%add3A_207, %dma_start3A_212] : memref<128x128xf32, #tpu.memory_space<vmem>> -> memref<1x128xf32, #tpu.memory_space<vmem>>
      %dma_start3A_214 = arith.constant 0 : i32
      %dma_start3A_215 = tpu.memref_slice %arg4[%add3A_203, %dma_start3A_214] : memref<25600x128xf32, #tpu.memory_space<hbm>> -> memref<1x128xf32, #tpu.memory_space<hbm>>
      tpu.enqueue_dma source(%dma_start3A_215 : memref<1x128xf32, #tpu.memory_space<hbm>>) target(%dma_start3A_213 : memref<1x128xf32, #tpu.memory_space<vmem>>) target_semaphore(%arg13 : memref<!tpu.dma_semaphore, #tpu.memory_space<semaphore_mem>>)
      %slice3A_216 = vector.extract_strided_slice %get3A_45 {offsets = [5], sizes = [1], strides = [1]} : vector<16xi32> to vector<1xi32>
      %squeeze3A_217 = vector.extract %slice3A_216[0] : i32 from vector<1xi32>
      %shift_right_logical3A_218 = arith.constant 12 : i32
      %shift_right_logical3A_219 = arith.shrui %squeeze3A_217, %shift_right_logical3A_218 : i32
      %mul3A_220 = arith.constant 6554 : i32
      %mul3A_221 = arith.muli %shift_right_logical3A_219, %mul3A_220 : i32
      %shift_right_logical3A_222 = arith.constant 15 : i32
      %shift_right_logical3A_223 = arith.shrui %mul3A_221, %shift_right_logical3A_222 : i32
      %mul3A_224 = arith.constant 20480 : i32
      %mul3A_225 = arith.muli %shift_right_logical3A_223, %mul3A_224 : i32
      %sub3A_226 = arith.subi %squeeze3A_217, %mul3A_225 : i32
      %shift_right_logical3A_227 = arith.constant 10 : i32
      %shift_right_logical3A_228 = arith.shrui %sub3A_226, %shift_right_logical3A_227 : i32
      %mul3A_229 = arith.constant 6554 : i32
      %mul3A_230 = arith.muli %shift_right_logical3A_228, %mul3A_229 : i32
      %shift_right_logical3A_231 = arith.constant 15 : i32
      %shift_right_logical3A_232 = arith.shrui %mul3A_230, %shift_right_logical3A_231 : i32
      %mul3A_233 = arith.constant 5120 : i32
      %mul3A_234 = arith.muli %shift_right_logical3A_223, %mul3A_233 : i32
      %mul3A_235 = arith.constant 5120 : i32
      %mul3A_236 = arith.muli %shift_right_logical3A_232, %mul3A_235 : i32
      %sub3A_237 = arith.subi %sub3A_226, %mul3A_236 : i32
      %add3A_238 = arith.addi %mul3A_234, %sub3A_237 : i32
      %mul3A_239 = arith.constant 16 : i32
      %mul3A_240 = arith.muli %scan3A_41, %mul3A_239 : i32
      %add3A_241 = arith.constant 5 : i32
      %add3A_242 = arith.addi %mul3A_240, %add3A_241 : i32
      %dma_start3A_243 = arith.constant 0 : i32
      %dma_start3A_244 = tpu.memref_slice %arg9[%add3A_242, %dma_start3A_243] : memref<128x128xf32, #tpu.memory_space<vmem>> -> memref<1x128xf32, #tpu.memory_space<vmem>>
      %dma_start3A_245 = arith.constant 0 : i32
      %dma_start3A_246 = tpu.memref_slice %arg4[%add3A_238, %dma_start3A_245] : memref<25600x128xf32, #tpu.memory_space<hbm>> -> memref<1x128xf32, #tpu.memory_space<hbm>>
      %dma_start3A_247 = arith.constant 0 : i32
      %dma_start3A_248 = tpu.memref_slice %arg9[%add3A_242, %dma_start3A_247] : memref<128x128xf32, #tpu.memory_space<vmem>> -> memref<1x128xf32, #tpu.memory_space<vmem>>
      %dma_start3A_249 = arith.constant 0 : i32
      %dma_start3A_250 = tpu.memref_slice %arg4[%add3A_238, %dma_start3A_249] : memref<25600x128xf32, #tpu.memory_space<hbm>> -> memref<1x128xf32, #tpu.memory_space<hbm>>
      tpu.enqueue_dma source(%dma_start3A_250 : memref<1x128xf32, #tpu.memory_space<hbm>>) target(%dma_start3A_248 : memref<1x128xf32, #tpu.memory_space<vmem>>) target_semaphore(%arg13 : memref<!tpu.dma_semaphore, #tpu.memory_space<semaphore_mem>>)
      %slice3A_251 = vector.extract_strided_slice %get3A_45 {offsets = [6], sizes = [1], strides = [1]} : vector<16xi32> to vector<1xi32>
      %squeeze3A_252 = vector.extract %slice3A_251[0] : i32 from vector<1xi32>
      %shift_right_logical3A_253 = arith.constant 12 : i32
      %shift_right_logical3A_254 = arith.shrui %squeeze3A_252, %shift_right_logical3A_253 : i32
      %mul3A_255 = arith.constant 6554 : i32
      %mul3A_256 = arith.muli %shift_right_logical3A_254, %mul3A_255 : i32
      %shift_right_logical3A_257 = arith.constant 15 : i32
      %shift_right_logical3A_258 = arith.shrui %mul3A_256, %shift_right_logical3A_257 : i32
      %mul3A_259 = arith.constant 20480 : i32
      %mul3A_260 = arith.muli %shift_right_logical3A_258, %mul3A_259 : i32
      %sub3A_261 = arith.subi %squeeze3A_252, %mul3A_260 : i32
      %shift_right_logical3A_262 = arith.constant 10 : i32
      %shift_right_logical3A_263 = arith.shrui %sub3A_261, %shift_right_logical3A_262 : i32
      %mul3A_264 = arith.constant 6554 : i32
      %mul3A_265 = arith.muli %shift_right_logical3A_263, %mul3A_264 : i32
      %shift_right_logical3A_266 = arith.constant 15 : i32
      %shift_right_logical3A_267 = arith.shrui %mul3A_265, %shift_right_logical3A_266 : i32
      %mul3A_268 = arith.constant 5120 : i32
      %mul3A_269 = arith.muli %shift_right_logical3A_258, %mul3A_268 : i32
      %mul3A_270 = arith.constant 5120 : i32
      %mul3A_271 = arith.muli %shift_right_logical3A_267, %mul3A_270 : i32
      %sub3A_272 = arith.subi %sub3A_261, %mul3A_271 : i32
      %add3A_273 = arith.addi %mul3A_269, %sub3A_272 : i32
      %mul3A_274 = arith.constant 16 : i32
      %mul3A_275 = arith.muli %scan3A_41, %mul3A_274 : i32
      %add3A_276 = arith.constant 6 : i32
      %add3A_277 = arith.addi %mul3A_275, %add3A_276 : i32
      %dma_start3A_278 = arith.constant 0 : i32
      %dma_start3A_279 = tpu.memref_slice %arg9[%add3A_277, %dma_start3A_278] : memref<128x128xf32, #tpu.memory_space<vmem>> -> memref<1x128xf32, #tpu.memory_space<vmem>>
      %dma_start3A_280 = arith.constant 0 : i32
      %dma_start3A_281 = tpu.memref_slice %arg4[%add3A_273, %dma_start3A_280] : memref<25600x128xf32, #tpu.memory_space<hbm>> -> memref<1x128xf32, #tpu.memory_space<hbm>>
      %dma_start3A_282 = arith.constant 0 : i32
      %dma_start3A_283 = tpu.memref_slice %arg9[%add3A_277, %dma_start3A_282] : memref<128x128xf32, #tpu.memory_space<vmem>> -> memref<1x128xf32, #tpu.memory_space<vmem>>
      %dma_start3A_284 = arith.constant 0 : i32
      %dma_start3A_285 = tpu.memref_slice %arg4[%add3A_273, %dma_start3A_284] : memref<25600x128xf32, #tpu.memory_space<hbm>> -> memref<1x128xf32, #tpu.memory_space<hbm>>
      tpu.enqueue_dma source(%dma_start3A_285 : memref<1x128xf32, #tpu.memory_space<hbm>>) target(%dma_start3A_283 : memref<1x128xf32, #tpu.memory_space<vmem>>) target_semaphore(%arg13 : memref<!tpu.dma_semaphore, #tpu.memory_space<semaphore_mem>>)
      %slice3A_286 = vector.extract_strided_slice %get3A_45 {offsets = [7], sizes = [1], strides = [1]} : vector<16xi32> to vector<1xi32>
      %squeeze3A_287 = vector.extract %slice3A_286[0] : i32 from vector<1xi32>
      %shift_right_logical3A_288 = arith.constant 12 : i32
      %shift_right_logical3A_289 = arith.shrui %squeeze3A_287, %shift_right_logical3A_288 : i32
      %mul3A_290 = arith.constant 6554 : i32
      %mul3A_291 = arith.muli %shift_right_logical3A_289, %mul3A_290 : i32
      %shift_right_logical3A_292 = arith.constant 15 : i32
      %shift_right_logical3A_293 = arith.shrui %mul3A_291, %shift_right_logical3A_292 : i32
      %mul3A_294 = arith.constant 20480 : i32
      %mul3A_295 = arith.muli %shift_right_logical3A_293, %mul3A_294 : i32
      %sub3A_296 = arith.subi %squeeze3A_287, %mul3A_295 : i32
      %shift_right_logical3A_297 = arith.constant 10 : i32
      %shift_right_logical3A_298 = arith.shrui %sub3A_296, %shift_right_logical3A_297 : i32
      %mul3A_299 = arith.constant 6554 : i32
      %mul3A_300 = arith.muli %shift_right_logical3A_298, %mul3A_299 : i32
      %shift_right_logical3A_301 = arith.constant 15 : i32
      %shift_right_logical3A_302 = arith.shrui %mul3A_300, %shift_right_logical3A_301 : i32
      %mul3A_303 = arith.constant 5120 : i32
      %mul3A_304 = arith.muli %shift_right_logical3A_293, %mul3A_303 : i32
      %mul3A_305 = arith.constant 5120 : i32
      %mul3A_306 = arith.muli %shift_right_logical3A_302, %mul3A_305 : i32
      %sub3A_307 = arith.subi %sub3A_296, %mul3A_306 : i32
      %add3A_308 = arith.addi %mul3A_304, %sub3A_307 : i32
      %mul3A_309 = arith.constant 16 : i32
      %mul3A_310 = arith.muli %scan3A_41, %mul3A_309 : i32
      %add3A_311 = arith.constant 7 : i32
      %add3A_312 = arith.addi %mul3A_310, %add3A_311 : i32
      %dma_start3A_313 = arith.constant 0 : i32
      %dma_start3A_314 = tpu.memref_slice %arg9[%add3A_312, %dma_start3A_313] : memref<128x128xf32, #tpu.memory_space<vmem>> -> memref<1x128xf32, #tpu.memory_space<vmem>>
      %dma_start3A_315 = arith.constant 0 : i32
      %dma_start3A_316 = tpu.memref_slice %arg4[%add3A_308, %dma_start3A_315] : memref<25600x128xf32, #tpu.memory_space<hbm>> -> memref<1x128xf32, #tpu.memory_space<hbm>>
      %dma_start3A_317 = arith.constant 0 : i32
      %dma_start3A_318 = tpu.memref_slice %arg9[%add3A_312, %dma_start3A_317] : memref<128x128xf32, #tpu.memory_space<vmem>> -> memref<1x128xf32, #tpu.memory_space<vmem>>
      %dma_start3A_319 = arith.constant 0 : i32
      %dma_start3A_320 = tpu.memref_slice %arg4[%add3A_308, %dma_start3A_319] : memref<25600x128xf32, #tpu.memory_space<hbm>> -> memref<1x128xf32, #tpu.memory_space<hbm>>
      tpu.enqueue_dma source(%dma_start3A_320 : memref<1x128xf32, #tpu.memory_space<hbm>>) target(%dma_start3A_318 : memref<1x128xf32, #tpu.memory_space<vmem>>) target_semaphore(%arg13 : memref<!tpu.dma_semaphore, #tpu.memory_space<semaphore_mem>>)
      %slice3A_321 = vector.extract_strided_slice %get3A_45 {offsets = [8], sizes = [1], strides = [1]} : vector<16xi32> to vector<1xi32>
      %squeeze3A_322 = vector.extract %slice3A_321[0] : i32 from vector<1xi32>
      %shift_right_logical3A_323 = arith.constant 12 : i32
      %shift_right_logical3A_324 = arith.shrui %squeeze3A_322, %shift_right_logical3A_323 : i32
      %mul3A_325 = arith.constant 6554 : i32
      %mul3A_326 = arith.muli %shift_right_logical3A_324, %mul3A_325 : i32
      %shift_right_logical3A_327 = arith.constant 15 : i32
      %shift_right_logical3A_328 = arith.shrui %mul3A_326, %shift_right_logical3A_327 : i32
      %mul3A_329 = arith.constant 20480 : i32
      %mul3A_330 = arith.muli %shift_right_logical3A_328, %mul3A_329 : i32
      %sub3A_331 = arith.subi %squeeze3A_322, %mul3A_330 : i32
      %shift_right_logical3A_332 = arith.constant 10 : i32
      %shift_right_logical3A_333 = arith.shrui %sub3A_331, %shift_right_logical3A_332 : i32
      %mul3A_334 = arith.constant 6554 : i32
      %mul3A_335 = arith.muli %shift_right_logical3A_333, %mul3A_334 : i32
      %shift_right_logical3A_336 = arith.constant 15 : i32
      %shift_right_logical3A_337 = arith.shrui %mul3A_335, %shift_right_logical3A_336 : i32
      %mul3A_338 = arith.constant 5120 : i32
      %mul3A_339 = arith.muli %shift_right_logical3A_328, %mul3A_338 : i32
      %mul3A_340 = arith.constant 5120 : i32
      %mul3A_341 = arith.muli %shift_right_logical3A_337, %mul3A_340 : i32
      %sub3A_342 = arith.subi %sub3A_331, %mul3A_341 : i32
      %add3A_343 = arith.addi %mul3A_339, %sub3A_342 : i32
      %mul3A_344 = arith.constant 16 : i32
      %mul3A_345 = arith.muli %scan3A_41, %mul3A_344 : i32
      %add3A_346 = arith.constant 8 : i32
      %add3A_347 = arith.addi %mul3A_345, %add3A_346 : i32
      %dma_start3A_348 = arith.constant 0 : i32
      %dma_start3A_349 = tpu.memref_slice %arg9[%add3A_347, %dma_start3A_348] : memref<128x128xf32, #tpu.memory_space<vmem>> -> memref<1x128xf32, #tpu.memory_space<vmem>>
      %dma_start3A_350 = arith.constant 0 : i32
      %dma_start3A_351 = tpu.memref_slice %arg4[%add3A_343, %dma_start3A_350] : memref<25600x128xf32, #tpu.memory_space<hbm>> -> memref<1x128xf32, #tpu.memory_space<hbm>>
      %dma_start3A_352 = arith.constant 0 : i32
      %dma_start3A_353 = tpu.memref_slice %arg9[%add3A_347, %dma_start3A_352] : memref<128x128xf32, #tpu.memory_space<vmem>> -> memref<1x128xf32, #tpu.memory_space<vmem>>
      %dma_start3A_354 = arith.constant 0 : i32
      %dma_start3A_355 = tpu.memref_slice %arg4[%add3A_343, %dma_start3A_354] : memref<25600x128xf32, #tpu.memory_space<hbm>> -> memref<1x128xf32, #tpu.memory_space<hbm>>
      tpu.enqueue_dma source(%dma_start3A_355 : memref<1x128xf32, #tpu.memory_space<hbm>>) target(%dma_start3A_353 : memref<1x128xf32, #tpu.memory_space<vmem>>) target_semaphore(%arg13 : memref<!tpu.dma_semaphore, #tpu.memory_space<semaphore_mem>>)
      %slice3A_356 = vector.extract_strided_slice %get3A_45 {offsets = [9], sizes = [1], strides = [1]} : vector<16xi32> to vector<1xi32>
      %squeeze3A_357 = vector.extract %slice3A_356[0] : i32 from vector<1xi32>
      %shift_right_logical3A_358 = arith.constant 12 : i32
      %shift_right_logical3A_359 = arith.shrui %squeeze3A_357, %shift_right_logical3A_358 : i32
      %mul3A_360 = arith.constant 6554 : i32
      %mul3A_361 = arith.muli %shift_right_logical3A_359, %mul3A_360 : i32
      %shift_right_logical3A_362 = arith.constant 15 : i32
      %shift_right_logical3A_363 = arith.shrui %mul3A_361, %shift_right_logical3A_362 : i32
      %mul3A_364 = arith.constant 20480 : i32
      %mul3A_365 = arith.muli %shift_right_logical3A_363, %mul3A_364 : i32
      %sub3A_366 = arith.subi %squeeze3A_357, %mul3A_365 : i32
      %shift_right_logical3A_367 = arith.constant 10 : i32
      %shift_right_logical3A_368 = arith.shrui %sub3A_366, %shift_right_logical3A_367 : i32
      %mul3A_369 = arith.constant 6554 : i32
      %mul3A_370 = arith.muli %shift_right_logical3A_368, %mul3A_369 : i32
      %shift_right_logical3A_371 = arith.constant 15 : i32
      %shift_right_logical3A_372 = arith.shrui %mul3A_370, %shift_right_logical3A_371 : i32
      %mul3A_373 = arith.constant 5120 : i32
      %mul3A_374 = arith.muli %shift_right_logical3A_363, %mul3A_373 : i32
      %mul3A_375 = arith.constant 5120 : i32
      %mul3A_376 = arith.muli %shift_right_logical3A_372, %mul3A_375 : i32
      %sub3A_377 = arith.subi %sub3A_366, %mul3A_376 : i32
      %add3A_378 = arith.addi %mul3A_374, %sub3A_377 : i32
      %mul3A_379 = arith.constant 16 : i32
      %mul3A_380 = arith.muli %scan3A_41, %mul3A_379 : i32
      %add3A_381 = arith.constant 9 : i32
      %add3A_382 = arith.addi %mul3A_380, %add3A_381 : i32
      %dma_start3A_383 = arith.constant 0 : i32
      %dma_start3A_384 = tpu.memref_slice %arg9[%add3A_382, %dma_start3A_383] : memref<128x128xf32, #tpu.memory_space<vmem>> -> memref<1x128xf32, #tpu.memory_space<vmem>>
      %dma_start3A_385 = arith.constant 0 : i32
      %dma_start3A_386 = tpu.memref_slice %arg4[%add3A_378, %dma_start3A_385] : memref<25600x128xf32, #tpu.memory_space<hbm>> -> memref<1x128xf32, #tpu.memory_space<hbm>>
      %dma_start3A_387 = arith.constant 0 : i32
      %dma_start3A_388 = tpu.memref_slice %arg9[%add3A_382, %dma_start3A_387] : memref<128x128xf32, #tpu.memory_space<vmem>> -> memref<1x128xf32, #tpu.memory_space<vmem>>
      %dma_start3A_389 = arith.constant 0 : i32
      %dma_start3A_390 = tpu.memref_slice %arg4[%add3A_378, %dma_start3A_389] : memref<25600x128xf32, #tpu.memory_space<hbm>> -> memref<1x128xf32, #tpu.memory_space<hbm>>
      tpu.enqueue_dma source(%dma_start3A_390 : memref<1x128xf32, #tpu.memory_space<hbm>>) target(%dma_start3A_388 : memref<1x128xf32, #tpu.memory_space<vmem>>) target_semaphore(%arg13 : memref<!tpu.dma_semaphore, #tpu.memory_space<semaphore_mem>>)
      %slice3A_391 = vector.extract_strided_slice %get3A_45 {offsets = [10], sizes = [1], strides = [1]} : vector<16xi32> to vector<1xi32>
      %squeeze3A_392 = vector.extract %slice3A_391[0] : i32 from vector<1xi32>
      %shift_right_logical3A_393 = arith.constant 12 : i32
      %shift_right_logical3A_394 = arith.shrui %squeeze3A_392, %shift_right_logical3A_393 : i32
      %mul3A_395 = arith.constant 6554 : i32
      %mul3A_396 = arith.muli %shift_right_logical3A_394, %mul3A_395 : i32
      %shift_right_logical3A_397 = arith.constant 15 : i32
      %shift_right_logical3A_398 = arith.shrui %mul3A_396, %shift_right_logical3A_397 : i32
      %mul3A_399 = arith.constant 20480 : i32
      %mul3A_400 = arith.muli %shift_right_logical3A_398, %mul3A_399 : i32
      %sub3A_401 = arith.subi %squeeze3A_392, %mul3A_400 : i32
      %shift_right_logical3A_402 = arith.constant 10 : i32
      %shift_right_logical3A_403 = arith.shrui %sub3A_401, %shift_right_logical3A_402 : i32
      %mul3A_404 = arith.constant 6554 : i32
      %mul3A_405 = arith.muli %shift_right_logical3A_403, %mul3A_404 : i32
      %shift_right_logical3A_406 = arith.constant 15 : i32
      %shift_right_logical3A_407 = arith.shrui %mul3A_405, %shift_right_logical3A_406 : i32
      %mul3A_408 = arith.constant 5120 : i32
      %mul3A_409 = arith.muli %shift_right_logical3A_398, %mul3A_408 : i32
      %mul3A_410 = arith.constant 5120 : i32
      %mul3A_411 = arith.muli %shift_right_logical3A_407, %mul3A_410 : i32
      %sub3A_412 = arith.subi %sub3A_401, %mul3A_411 : i32
      %add3A_413 = arith.addi %mul3A_409, %sub3A_412 : i32
      %mul3A_414 = arith.constant 16 : i32
      %mul3A_415 = arith.muli %scan3A_41, %mul3A_414 : i32
      %add3A_416 = arith.constant 10 : i32
      %add3A_417 = arith.addi %mul3A_415, %add3A_416 : i32
      %dma_start3A_418 = arith.constant 0 : i32
      %dma_start3A_419 = tpu.memref_slice %arg9[%add3A_417, %dma_start3A_418] : memref<128x128xf32, #tpu.memory_space<vmem>> -> memref<1x128xf32, #tpu.memory_space<vmem>>
      %dma_start3A_420 = arith.constant 0 : i32
      %dma_start3A_421 = tpu.memref_slice %arg4[%add3A_413, %dma_start3A_420] : memref<25600x128xf32, #tpu.memory_space<hbm>> -> memref<1x128xf32, #tpu.memory_space<hbm>>
      %dma_start3A_422 = arith.constant 0 : i32
      %dma_start3A_423 = tpu.memref_slice %arg9[%add3A_417, %dma_start3A_422] : memref<128x128xf32, #tpu.memory_space<vmem>> -> memref<1x128xf32, #tpu.memory_space<vmem>>
      %dma_start3A_424 = arith.constant 0 : i32
      %dma_start3A_425 = tpu.memref_slice %arg4[%add3A_413, %dma_start3A_424] : memref<25600x128xf32, #tpu.memory_space<hbm>> -> memref<1x128xf32, #tpu.memory_space<hbm>>
      tpu.enqueue_dma source(%dma_start3A_425 : memref<1x128xf32, #tpu.memory_space<hbm>>) target(%dma_start3A_423 : memref<1x128xf32, #tpu.memory_space<vmem>>) target_semaphore(%arg13 : memref<!tpu.dma_semaphore, #tpu.memory_space<semaphore_mem>>)
      %slice3A_426 = vector.extract_strided_slice %get3A_45 {offsets = [11], sizes = [1], strides = [1]} : vector<16xi32> to vector<1xi32>
      %squeeze3A_427 = vector.extract %slice3A_426[0] : i32 from vector<1xi32>
      %shift_right_logical3A_428 = arith.constant 12 : i32
      %shift_right_logical3A_429 = arith.shrui %squeeze3A_427, %shift_right_logical3A_428 : i32
      %mul3A_430 = arith.constant 6554 : i32
      %mul3A_431 = arith.muli %shift_right_logical3A_429, %mul3A_430 : i32
      %shift_right_logical3A_432 = arith.constant 15 : i32
      %shift_right_logical3A_433 = arith.shrui %mul3A_431, %shift_right_logical3A_432 : i32
      %mul3A_434 = arith.constant 20480 : i32
      %mul3A_435 = arith.muli %shift_right_logical3A_433, %mul3A_434 : i32
      %sub3A_436 = arith.subi %squeeze3A_427, %mul3A_435 : i32
      %shift_right_logical3A_437 = arith.constant 10 : i32
      %shift_right_logical3A_438 = arith.shrui %sub3A_436, %shift_right_logical3A_437 : i32
      %mul3A_439 = arith.constant 6554 : i32
      %mul3A_440 = arith.muli %shift_right_logical3A_438, %mul3A_439 : i32
      %shift_right_logical3A_441 = arith.constant 15 : i32
      %shift_right_logical3A_442 = arith.shrui %mul3A_440, %shift_right_logical3A_441 : i32
      %mul3A_443 = arith.constant 5120 : i32
      %mul3A_444 = arith.muli %shift_right_logical3A_433, %mul3A_443 : i32
      %mul3A_445 = arith.constant 5120 : i32
      %mul3A_446 = arith.muli %shift_right_logical3A_442, %mul3A_445 : i32
      %sub3A_447 = arith.subi %sub3A_436, %mul3A_446 : i32
      %add3A_448 = arith.addi %mul3A_444, %sub3A_447 : i32
      %mul3A_449 = arith.constant 16 : i32
      %mul3A_450 = arith.muli %scan3A_41, %mul3A_449 : i32
      %add3A_451 = arith.constant 11 : i32
      %add3A_452 = arith.addi %mul3A_450, %add3A_451 : i32
      %dma_start3A_453 = arith.constant 0 : i32
      %dma_start3A_454 = tpu.memref_slice %arg9[%add3A_452, %dma_start3A_453] : memref<128x128xf32, #tpu.memory_space<vmem>> -> memref<1x128xf32, #tpu.memory_space<vmem>>
      %dma_start3A_455 = arith.constant 0 : i32
      %dma_start3A_456 = tpu.memref_slice %arg4[%add3A_448, %dma_start3A_455] : memref<25600x128xf32, #tpu.memory_space<hbm>> -> memref<1x128xf32, #tpu.memory_space<hbm>>
      %dma_start3A_457 = arith.constant 0 : i32
      %dma_start3A_458 = tpu.memref_slice %arg9[%add3A_452, %dma_start3A_457] : memref<128x128xf32, #tpu.memory_space<vmem>> -> memref<1x128xf32, #tpu.memory_space<vmem>>
      %dma_start3A_459 = arith.constant 0 : i32
      %dma_start3A_460 = tpu.memref_slice %arg4[%add3A_448, %dma_start3A_459] : memref<25600x128xf32, #tpu.memory_space<hbm>> -> memref<1x128xf32, #tpu.memory_space<hbm>>
      tpu.enqueue_dma source(%dma_start3A_460 : memref<1x128xf32, #tpu.memory_space<hbm>>) target(%dma_start3A_458 : memref<1x128xf32, #tpu.memory_space<vmem>>) target_semaphore(%arg13 : memref<!tpu.dma_semaphore, #tpu.memory_space<semaphore_mem>>)
      %slice3A_461 = vector.extract_strided_slice %get3A_45 {offsets = [12], sizes = [1], strides = [1]} : vector<16xi32> to vector<1xi32>
      %squeeze3A_462 = vector.extract %slice3A_461[0] : i32 from vector<1xi32>
      %shift_right_logical3A_463 = arith.constant 12 : i32
      %shift_right_logical3A_464 = arith.shrui %squeeze3A_462, %shift_right_logical3A_463 : i32
      %mul3A_465 = arith.constant 6554 : i32
      %mul3A_466 = arith.muli %shift_right_logical3A_464, %mul3A_465 : i32
      %shift_right_logical3A_467 = arith.constant 15 : i32
      %shift_right_logical3A_468 = arith.shrui %mul3A_466, %shift_right_logical3A_467 : i32
      %mul3A_469 = arith.constant 20480 : i32
      %mul3A_470 = arith.muli %shift_right_logical3A_468, %mul3A_469 : i32
      %sub3A_471 = arith.subi %squeeze3A_462, %mul3A_470 : i32
      %shift_right_logical3A_472 = arith.constant 10 : i32
      %shift_right_logical3A_473 = arith.shrui %sub3A_471, %shift_right_logical3A_472 : i32
      %mul3A_474 = arith.constant 6554 : i32
      %mul3A_475 = arith.muli %shift_right_logical3A_473, %mul3A_474 : i32
      %shift_right_logical3A_476 = arith.constant 15 : i32
      %shift_right_logical3A_477 = arith.shrui %mul3A_475, %shift_right_logical3A_476 : i32
      %mul3A_478 = arith.constant 5120 : i32
      %mul3A_479 = arith.muli %shift_right_logical3A_468, %mul3A_478 : i32
      %mul3A_480 = arith.constant 5120 : i32
      %mul3A_481 = arith.muli %shift_right_logical3A_477, %mul3A_480 : i32
      %sub3A_482 = arith.subi %sub3A_471, %mul3A_481 : i32
      %add3A_483 = arith.addi %mul3A_479, %sub3A_482 : i32
      %mul3A_484 = arith.constant 16 : i32
      %mul3A_485 = arith.muli %scan3A_41, %mul3A_484 : i32
      %add3A_486 = arith.constant 12 : i32
      %add3A_487 = arith.addi %mul3A_485, %add3A_486 : i32
      %dma_start3A_488 = arith.constant 0 : i32
      %dma_start3A_489 = tpu.memref_slice %arg9[%add3A_487, %dma_start3A_488] : memref<128x128xf32, #tpu.memory_space<vmem>> -> memref<1x128xf32, #tpu.memory_space<vmem>>
      %dma_start3A_490 = arith.constant 0 : i32
      %dma_start3A_491 = tpu.memref_slice %arg4[%add3A_483, %dma_start3A_490] : memref<25600x128xf32, #tpu.memory_space<hbm>> -> memref<1x128xf32, #tpu.memory_space<hbm>>
      %dma_start3A_492 = arith.constant 0 : i32
      %dma_start3A_493 = tpu.memref_slice %arg9[%add3A_487, %dma_start3A_492] : memref<128x128xf32, #tpu.memory_space<vmem>> -> memref<1x128xf32, #tpu.memory_space<vmem>>
      %dma_start3A_494 = arith.constant 0 : i32
      %dma_start3A_495 = tpu.memref_slice %arg4[%add3A_483, %dma_start3A_494] : memref<25600x128xf32, #tpu.memory_space<hbm>> -> memref<1x128xf32, #tpu.memory_space<hbm>>
      tpu.enqueue_dma source(%dma_start3A_495 : memref<1x128xf32, #tpu.memory_space<hbm>>) target(%dma_start3A_493 : memref<1x128xf32, #tpu.memory_space<vmem>>) target_semaphore(%arg13 : memref<!tpu.dma_semaphore, #tpu.memory_space<semaphore_mem>>)
      %slice3A_496 = vector.extract_strided_slice %get3A_45 {offsets = [13], sizes = [1], strides = [1]} : vector<16xi32> to vector<1xi32>
      %squeeze3A_497 = vector.extract %slice3A_496[0] : i32 from vector<1xi32>
      %shift_right_logical3A_498 = arith.constant 12 : i32
      %shift_right_logical3A_499 = arith.shrui %squeeze3A_497, %shift_right_logical3A_498 : i32
      %mul3A_500 = arith.constant 6554 : i32
      %mul3A_501 = arith.muli %shift_right_logical3A_499, %mul3A_500 : i32
      %shift_right_logical3A_502 = arith.constant 15 : i32
      %shift_right_logical3A_503 = arith.shrui %mul3A_501, %shift_right_logical3A_502 : i32
      %mul3A_504 = arith.constant 20480 : i32
      %mul3A_505 = arith.muli %shift_right_logical3A_503, %mul3A_504 : i32
      %sub3A_506 = arith.subi %squeeze3A_497, %mul3A_505 : i32
      %shift_right_logical3A_507 = arith.constant 10 : i32
      %shift_right_logical3A_508 = arith.shrui %sub3A_506, %shift_right_logical3A_507 : i32
      %mul3A_509 = arith.constant 6554 : i32
      %mul3A_510 = arith.muli %shift_right_logical3A_508, %mul3A_509 : i32
      %shift_right_logical3A_511 = arith.constant 15 : i32
      %shift_right_logical3A_512 = arith.shrui %mul3A_510, %shift_right_logical3A_511 : i32
      %mul3A_513 = arith.constant 5120 : i32
      %mul3A_514 = arith.muli %shift_right_logical3A_503, %mul3A_513 : i32
      %mul3A_515 = arith.constant 5120 : i32
      %mul3A_516 = arith.muli %shift_right_logical3A_512, %mul3A_515 : i32
      %sub3A_517 = arith.subi %sub3A_506, %mul3A_516 : i32
      %add3A_518 = arith.addi %mul3A_514, %sub3A_517 : i32
      %mul3A_519 = arith.constant 16 : i32
      %mul3A_520 = arith.muli %scan3A_41, %mul3A_519 : i32
      %add3A_521 = arith.constant 13 : i32
      %add3A_522 = arith.addi %mul3A_520, %add3A_521 : i32
      %dma_start3A_523 = arith.constant 0 : i32
      %dma_start3A_524 = tpu.memref_slice %arg9[%add3A_522, %dma_start3A_523] : memref<128x128xf32, #tpu.memory_space<vmem>> -> memref<1x128xf32, #tpu.memory_space<vmem>>
      %dma_start3A_525 = arith.constant 0 : i32
      %dma_start3A_526 = tpu.memref_slice %arg4[%add3A_518, %dma_start3A_525] : memref<25600x128xf32, #tpu.memory_space<hbm>> -> memref<1x128xf32, #tpu.memory_space<hbm>>
      %dma_start3A_527 = arith.constant 0 : i32
      %dma_start3A_528 = tpu.memref_slice %arg9[%add3A_522, %dma_start3A_527] : memref<128x128xf32, #tpu.memory_space<vmem>> -> memref<1x128xf32, #tpu.memory_space<vmem>>
      %dma_start3A_529 = arith.constant 0 : i32
      %dma_start3A_530 = tpu.memref_slice %arg4[%add3A_518, %dma_start3A_529] : memref<25600x128xf32, #tpu.memory_space<hbm>> -> memref<1x128xf32, #tpu.memory_space<hbm>>
      tpu.enqueue_dma source(%dma_start3A_530 : memref<1x128xf32, #tpu.memory_space<hbm>>) target(%dma_start3A_528 : memref<1x128xf32, #tpu.memory_space<vmem>>) target_semaphore(%arg13 : memref<!tpu.dma_semaphore, #tpu.memory_space<semaphore_mem>>)
      %slice3A_531 = vector.extract_strided_slice %get3A_45 {offsets = [14], sizes = [1], strides = [1]} : vector<16xi32> to vector<1xi32>
      %squeeze3A_532 = vector.extract %slice3A_531[0] : i32 from vector<1xi32>
      %shift_right_logical3A_533 = arith.constant 12 : i32
      %shift_right_logical3A_534 = arith.shrui %squeeze3A_532, %shift_right_logical3A_533 : i32
      %mul3A_535 = arith.constant 6554 : i32
      %mul3A_536 = arith.muli %shift_right_logical3A_534, %mul3A_535 : i32
      %shift_right_logical3A_537 = arith.constant 15 : i32
      %shift_right_logical3A_538 = arith.shrui %mul3A_536, %shift_right_logical3A_537 : i32
      %mul3A_539 = arith.constant 20480 : i32
      %mul3A_540 = arith.muli %shift_right_logical3A_538, %mul3A_539 : i32
      %sub3A_541 = arith.subi %squeeze3A_532, %mul3A_540 : i32
      %shift_right_logical3A_542 = arith.constant 10 : i32
      %shift_right_logical3A_543 = arith.shrui %sub3A_541, %shift_right_logical3A_542 : i32
      %mul3A_544 = arith.constant 6554 : i32
      %mul3A_545 = arith.muli %shift_right_logical3A_543, %mul3A_544 : i32
      %shift_right_logical3A_546 = arith.constant 15 : i32
      %shift_right_logical3A_547 = arith.shrui %mul3A_545, %shift_right_logical3A_546 : i32
      %mul3A_548 = arith.constant 5120 : i32
      %mul3A_549 = arith.muli %shift_right_logical3A_538, %mul3A_548 : i32
      %mul3A_550 = arith.constant 5120 : i32
      %mul3A_551 = arith.muli %shift_right_logical3A_547, %mul3A_550 : i32
      %sub3A_552 = arith.subi %sub3A_541, %mul3A_551 : i32
      %add3A_553 = arith.addi %mul3A_549, %sub3A_552 : i32
      %mul3A_554 = arith.constant 16 : i32
      %mul3A_555 = arith.muli %scan3A_41, %mul3A_554 : i32
      %add3A_556 = arith.constant 14 : i32
      %add3A_557 = arith.addi %mul3A_555, %add3A_556 : i32
      %dma_start3A_558 = arith.constant 0 : i32
      %dma_start3A_559 = tpu.memref_slice %arg9[%add3A_557, %dma_start3A_558] : memref<128x128xf32, #tpu.memory_space<vmem>> -> memref<1x128xf32, #tpu.memory_space<vmem>>
      %dma_start3A_560 = arith.constant 0 : i32
      %dma_start3A_561 = tpu.memref_slice %arg4[%add3A_553, %dma_start3A_560] : memref<25600x128xf32, #tpu.memory_space<hbm>> -> memref<1x128xf32, #tpu.memory_space<hbm>>
      %dma_start3A_562 = arith.constant 0 : i32
      %dma_start3A_563 = tpu.memref_slice %arg9[%add3A_557, %dma_start3A_562] : memref<128x128xf32, #tpu.memory_space<vmem>> -> memref<1x128xf32, #tpu.memory_space<vmem>>
      %dma_start3A_564 = arith.constant 0 : i32
      %dma_start3A_565 = tpu.memref_slice %arg4[%add3A_553, %dma_start3A_564] : memref<25600x128xf32, #tpu.memory_space<hbm>> -> memref<1x128xf32, #tpu.memory_space<hbm>>
      tpu.enqueue_dma source(%dma_start3A_565 : memref<1x128xf32, #tpu.memory_space<hbm>>) target(%dma_start3A_563 : memref<1x128xf32, #tpu.memory_space<vmem>>) target_semaphore(%arg13 : memref<!tpu.dma_semaphore, #tpu.memory_space<semaphore_mem>>)
      %slice3A_566 = vector.extract_strided_slice %get3A_45 {offsets = [15], sizes = [1], strides = [1]} : vector<16xi32> to vector<1xi32>
      %squeeze3A_567 = vector.extract %slice3A_566[0] : i32 from vector<1xi32>
      %shift_right_logical3A_568 = arith.constant 12 : i32
      %shift_right_logical3A_569 = arith.shrui %squeeze3A_567, %shift_right_logical3A_568 : i32
      %mul3A_570 = arith.constant 6554 : i32
      %mul3A_571 = arith.muli %shift_right_logical3A_569, %mul3A_570 : i32
      %shift_right_logical3A_572 = arith.constant 15 : i32
      %shift_right_logical3A_573 = arith.shrui %mul3A_571, %shift_right_logical3A_572 : i32
      %mul3A_574 = arith.constant 20480 : i32
      %mul3A_575 = arith.muli %shift_right_logical3A_573, %mul3A_574 : i32
      %sub3A_576 = arith.subi %squeeze3A_567, %mul3A_575 : i32
      %shift_right_logical3A_577 = arith.constant 10 : i32
      %shift_right_logical3A_578 = arith.shrui %sub3A_576, %shift_right_logical3A_577 : i32
      %mul3A_579 = arith.constant 6554 : i32
      %mul3A_580 = arith.muli %shift_right_logical3A_578, %mul3A_579 : i32
      %shift_right_logical3A_581 = arith.constant 15 : i32
      %shift_right_logical3A_582 = arith.shrui %mul3A_580, %shift_right_logical3A_581 : i32
      %mul3A_583 = arith.constant 5120 : i32
      %mul3A_584 = arith.muli %shift_right_logical3A_573, %mul3A_583 : i32
      %mul3A_585 = arith.constant 5120 : i32
      %mul3A_586 = arith.muli %shift_right_logical3A_582, %mul3A_585 : i32
      %sub3A_587 = arith.subi %sub3A_576, %mul3A_586 : i32
      %add3A_588 = arith.addi %mul3A_584, %sub3A_587 : i32
      %mul3A_589 = arith.constant 16 : i32
      %mul3A_590 = arith.muli %scan3A_41, %mul3A_589 : i32
      %add3A_591 = arith.constant 15 : i32
      %add3A_592 = arith.addi %mul3A_590, %add3A_591 : i32
      %dma_start3A_593 = arith.constant 0 : i32
      %dma_start3A_594 = tpu.memref_slice %arg9[%add3A_592, %dma_start3A_593] : memref<128x128xf32, #tpu.memory_space<vmem>> -> memref<1x128xf32, #tpu.memory_space<vmem>>
      %dma_start3A_595 = arith.constant 0 : i32
      %dma_start3A_596 = tpu.memref_slice %arg4[%add3A_588, %dma_start3A_595] : memref<25600x128xf32, #tpu.memory_space<hbm>> -> memref<1x128xf32, #tpu.memory_space<hbm>>
      %dma_start3A_597 = arith.constant 0 : i32
      %dma_start3A_598 = tpu.memref_slice %arg9[%add3A_592, %dma_start3A_597] : memref<128x128xf32, #tpu.memory_space<vmem>> -> memref<1x128xf32, #tpu.memory_space<vmem>>
      %dma_start3A_599 = arith.constant 0 : i32
      %dma_start3A_600 = tpu.memref_slice %arg4[%add3A_588, %dma_start3A_599] : memref<25600x128xf32, #tpu.memory_space<hbm>> -> memref<1x128xf32, #tpu.memory_space<hbm>>
      tpu.enqueue_dma source(%dma_start3A_600 : memref<1x128xf32, #tpu.memory_space<hbm>>) target(%dma_start3A_598 : memref<1x128xf32, #tpu.memory_space<vmem>>) target_semaphore(%arg13 : memref<!tpu.dma_semaphore, #tpu.memory_space<semaphore_mem>>)
    }
    %scan3A_9 = arith.constant 8 : i32
    %scan3A_10 = arith.constant 0 : i32
    %scan3A_11 = arith.constant 0 : i32
    %scan3A_12 = arith.constant 40 : i32
    %scan3A_13 = arith.addi %scan3A_11, %scan3A_12 : i32
    %scan3A_14 = arith.constant 1 : i32
    scf.for %scan3A_41 = %scan3A_11 to %scan3A_13 step %scan3A_14  : i32 {
      %mul3A_42 = arith.constant 16 : i32
      %mul3A_43 = arith.muli %scan3A_41, %mul3A_42 : i32
      %get3A = arith.index_cast %mul3A_43 : i32 to index
      %get3A_44 = tpu.vector_load %arg8[%get3A] {strides = array<i32>} : memref<640xi32, #tpu.memory_space<vmem>>, vector<16xi32>,
      %get3A_45 = vector.shape_cast %get3A_44 : vector<16xi32> to vector<16xi32>
      %slice3A = vector.extract_strided_slice %get3A_45 {offsets = [0], sizes = [1], strides = [1]} : vector<16xi32> to vector<1xi32>
      %squeeze3A = vector.extract %slice3A[0] : i32 from vector<1xi32>
      %shift_right_logical3A = arith.constant 12 : i32
      %shift_right_logical3A_46 = arith.shrui %squeeze3A, %shift_right_logical3A : i32
      %mul3A_47 = arith.constant 6554 : i32
      %mul3A_48 = arith.muli %shift_right_logical3A_46, %mul3A_47 : i32
      %shift_right_logical3A_49 = arith.constant 15 : i32
      %shift_right_logical3A_50 = arith.shrui %mul3A_48, %shift_right_logical3A_49 : i32
      %mul3A_51 = arith.constant 20480 : i32
      %mul3A_52 = arith.muli %shift_right_logical3A_50, %mul3A_51 : i32
      %sub3A = arith.subi %squeeze3A, %mul3A_52 : i32
      %shift_right_logical3A_53 = arith.constant 10 : i32
      %shift_right_logical3A_54 = arith.shrui %sub3A, %shift_right_logical3A_53 : i32
      %mul3A_55 = arith.constant 6554 : i32
      %mul3A_56 = arith.muli %shift_right_logical3A_54, %mul3A_55 : i32
      %shift_right_logical3A_57 = arith.constant 15 : i32
      %shift_right_logical3A_58 = arith.shrui %mul3A_56, %shift_right_logical3A_57 : i32
      %mul3A_59 = arith.constant 5120 : i32
      %mul3A_60 = arith.muli %shift_right_logical3A_50, %mul3A_59 : i32
      %mul3A_61 = arith.constant 5120 : i32
      %mul3A_62 = arith.muli %shift_right_logical3A_58, %mul3A_61 : i32
      %sub3A_63 = arith.subi %sub3A, %mul3A_62 : i32
      %add3A_64 = arith.addi %mul3A_60, %sub3A_63 : i32
      %mul3A_65 = arith.constant 16 : i32
      %mul3A_66 = arith.muli %scan3A_41, %mul3A_65 : i32
      %add3A_67 = arith.constant 0 : i32
      %add3A_68 = arith.addi %mul3A_66, %add3A_67 : i32
      %dma_start3A = arith.constant 0 : i32
      %dma_start3A_69 = tpu.memref_slice %arg11[%add3A_68, %dma_start3A] : memref<640x128xf32, #tpu.memory_space<vmem>> -> memref<1x128xf32, #tpu.memory_space<vmem>>
      %dma_start3A_70 = arith.constant 0 : i32
      %dma_start3A_71 = tpu.memref_slice %arg5[%add3A_64, %dma_start3A_70] : memref<250880x128xf32, #tpu.memory_space<hbm>> -> memref<1x128xf32, #tpu.memory_space<hbm>>
      %dma_start3A_72 = arith.constant 0 : i32
      %dma_start3A_73 = tpu.memref_slice %arg11[%add3A_68, %dma_start3A_72] : memref<640x128xf32, #tpu.memory_space<vmem>> -> memref<1x128xf32, #tpu.memory_space<vmem>>
      %dma_start3A_74 = arith.constant 0 : i32
      %dma_start3A_75 = tpu.memref_slice %arg5[%add3A_64, %dma_start3A_74] : memref<250880x128xf32, #tpu.memory_space<hbm>> -> memref<1x128xf32, #tpu.memory_space<hbm>>
      tpu.enqueue_dma source(%dma_start3A_75 : memref<1x128xf32, #tpu.memory_space<hbm>>) target(%dma_start3A_73 : memref<1x128xf32, #tpu.memory_space<vmem>>) target_semaphore(%arg13 : memref<!tpu.dma_semaphore, #tpu.memory_space<semaphore_mem>>)
      %slice3A_76 = vector.extract_strided_slice %get3A_45 {offsets = [1], sizes = [1], strides = [1]} : vector<16xi32> to vector<1xi32>
      %squeeze3A_77 = vector.extract %slice3A_76[0] : i32 from vector<1xi32>
      %shift_right_logical3A_78 = arith.constant 12 : i32
      %shift_right_logical3A_79 = arith.shrui %squeeze3A_77, %shift_right_logical3A_78 : i32
      %mul3A_80 = arith.constant 6554 : i32
      %mul3A_81 = arith.muli %shift_right_logical3A_79, %mul3A_80 : i32
      %shift_right_logical3A_82 = arith.constant 15 : i32
      %shift_right_logical3A_83 = arith.shrui %mul3A_81, %shift_right_logical3A_82 : i32
      %mul3A_84 = arith.constant 20480 : i32
      %mul3A_85 = arith.muli %shift_right_logical3A_83, %mul3A_84 : i32
      %sub3A_86 = arith.subi %squeeze3A_77, %mul3A_85 : i32
      %shift_right_logical3A_87 = arith.constant 10 : i32
      %shift_right_logical3A_88 = arith.shrui %sub3A_86, %shift_right_logical3A_87 : i32
      %mul3A_89 = arith.constant 6554 : i32
      %mul3A_90 = arith.muli %shift_right_logical3A_88, %mul3A_89 : i32
      %shift_right_logical3A_91 = arith.constant 15 : i32
      %shift_right_logical3A_92 = arith.shrui %mul3A_90, %shift_right_logical3A_91 : i32
      %mul3A_93 = arith.constant 5120 : i32
      %mul3A_94 = arith.muli %shift_right_logical3A_83, %mul3A_93 : i32
      %mul3A_95 = arith.constant 5120 : i32
      %mul3A_96 = arith.muli %shift_right_logical3A_92, %mul3A_95 : i32
      %sub3A_97 = arith.subi %sub3A_86, %mul3A_96 : i32
      %add3A_98 = arith.addi %mul3A_94, %sub3A_97 : i32
      %mul3A_99 = arith.constant 16 : i32
      %mul3A_100 = arith.muli %scan3A_41, %mul3A_99 : i32
      %add3A_101 = arith.constant 1 : i32
      %add3A_102 = arith.addi %mul3A_100, %add3A_101 : i32
      %dma_start3A_103 = arith.constant 0 : i32
      %dma_start3A_104 = tpu.memref_slice %arg11[%add3A_102, %dma_start3A_103] : memref<640x128xf32, #tpu.memory_space<vmem>> -> memref<1x128xf32, #tpu.memory_space<vmem>>
      %dma_start3A_105 = arith.constant 0 : i32
      %dma_start3A_106 = tpu.memref_slice %arg5[%add3A_98, %dma_start3A_105] : memref<250880x128xf32, #tpu.memory_space<hbm>> -> memref<1x128xf32, #tpu.memory_space<hbm>>
      %dma_start3A_107 = arith.constant 0 : i32
      %dma_start3A_108 = tpu.memref_slice %arg11[%add3A_102, %dma_start3A_107] : memref<640x128xf32, #tpu.memory_space<vmem>> -> memref<1x128xf32, #tpu.memory_space<vmem>>
      %dma_start3A_109 = arith.constant 0 : i32
      %dma_start3A_110 = tpu.memref_slice %arg5[%add3A_98, %dma_start3A_109] : memref<250880x128xf32, #tpu.memory_space<hbm>> -> memref<1x128xf32, #tpu.memory_space<hbm>>
      tpu.enqueue_dma source(%dma_start3A_110 : memref<1x128xf32, #tpu.memory_space<hbm>>) target(%dma_start3A_108 : memref<1x128xf32, #tpu.memory_space<vmem>>) target_semaphore(%arg13 : memref<!tpu.dma_semaphore, #tpu.memory_space<semaphore_mem>>)
      %slice3A_111 = vector.extract_strided_slice %get3A_45 {offsets = [2], sizes = [1], strides = [1]} : vector<16xi32> to vector<1xi32>
      %squeeze3A_112 = vector.extract %slice3A_111[0] : i32 from vector<1xi32>
      %shift_right_logical3A_113 = arith.constant 12 : i32
      %shift_right_logical3A_114 = arith.shrui %squeeze3A_112, %shift_right_logical3A_113 : i32
      %mul3A_115 = arith.constant 6554 : i32
      %mul3A_116 = arith.muli %shift_right_logical3A_114, %mul3A_115 : i32
      %shift_right_logical3A_117 = arith.constant 15 : i32
      %shift_right_logical3A_118 = arith.shrui %mul3A_116, %shift_right_logical3A_117 : i32
      %mul3A_119 = arith.constant 20480 : i32
      %mul3A_120 = arith.muli %shift_right_logical3A_118, %mul3A_119 : i32
      %sub3A_121 = arith.subi %squeeze3A_112, %mul3A_120 : i32
      %shift_right_logical3A_122 = arith.constant 10 : i32
      %shift_right_logical3A_123 = arith.shrui %sub3A_121, %shift_right_logical3A_122 : i32
      %mul3A_124 = arith.constant 6554 : i32
      %mul3A_125 = arith.muli %shift_right_logical3A_123, %mul3A_124 : i32
      %shift_right_logical3A_126 = arith.constant 15 : i32
      %shift_right_logical3A_127 = arith.shrui %mul3A_125, %shift_right_logical3A_126 : i32
      %mul3A_128 = arith.constant 5120 : i32
      %mul3A_129 = arith.muli %shift_right_logical3A_118, %mul3A_128 : i32
      %mul3A_130 = arith.constant 5120 : i32
      %mul3A_131 = arith.muli %shift_right_logical3A_127, %mul3A_130 : i32
      %sub3A_132 = arith.subi %sub3A_121, %mul3A_131 : i32
      %add3A_133 = arith.addi %mul3A_129, %sub3A_132 : i32
      %mul3A_134 = arith.constant 16 : i32
      %mul3A_135 = arith.muli %scan3A_41, %mul3A_134 : i32
      %add3A_136 = arith.constant 2 : i32
      %add3A_137 = arith.addi %mul3A_135, %add3A_136 : i32
      %dma_start3A_138 = arith.constant 0 : i32
      %dma_start3A_139 = tpu.memref_slice %arg11[%add3A_137, %dma_start3A_138] : memref<640x128xf32, #tpu.memory_space<vmem>> -> memref<1x128xf32, #tpu.memory_space<vmem>>
      %dma_start3A_140 = arith.constant 0 : i32
      %dma_start3A_141 = tpu.memref_slice %arg5[%add3A_133, %dma_start3A_140] : memref<250880x128xf32, #tpu.memory_space<hbm>> -> memref<1x128xf32, #tpu.memory_space<hbm>>
      %dma_start3A_142 = arith.constant 0 : i32
      %dma_start3A_143 = tpu.memref_slice %arg11[%add3A_137, %dma_start3A_142] : memref<640x128xf32, #tpu.memory_space<vmem>> -> memref<1x128xf32, #tpu.memory_space<vmem>>
      %dma_start3A_144 = arith.constant 0 : i32
      %dma_start3A_145 = tpu.memref_slice %arg5[%add3A_133, %dma_start3A_144] : memref<250880x128xf32, #tpu.memory_space<hbm>> -> memref<1x128xf32, #tpu.memory_space<hbm>>
      tpu.enqueue_dma source(%dma_start3A_145 : memref<1x128xf32, #tpu.memory_space<hbm>>) target(%dma_start3A_143 : memref<1x128xf32, #tpu.memory_space<vmem>>) target_semaphore(%arg13 : memref<!tpu.dma_semaphore, #tpu.memory_space<semaphore_mem>>)
      %slice3A_146 = vector.extract_strided_slice %get3A_45 {offsets = [3], sizes = [1], strides = [1]} : vector<16xi32> to vector<1xi32>
      %squeeze3A_147 = vector.extract %slice3A_146[0] : i32 from vector<1xi32>
      %shift_right_logical3A_148 = arith.constant 12 : i32
      %shift_right_logical3A_149 = arith.shrui %squeeze3A_147, %shift_right_logical3A_148 : i32
      %mul3A_150 = arith.constant 6554 : i32
      %mul3A_151 = arith.muli %shift_right_logical3A_149, %mul3A_150 : i32
      %shift_right_logical3A_152 = arith.constant 15 : i32
      %shift_right_logical3A_153 = arith.shrui %mul3A_151, %shift_right_logical3A_152 : i32
      %mul3A_154 = arith.constant 20480 : i32
      %mul3A_155 = arith.muli %shift_right_logical3A_153, %mul3A_154 : i32
      %sub3A_156 = arith.subi %squeeze3A_147, %mul3A_155 : i32
      %shift_right_logical3A_157 = arith.constant 10 : i32
      %shift_right_logical3A_158 = arith.shrui %sub3A_156, %shift_right_logical3A_157 : i32
      %mul3A_159 = arith.constant 6554 : i32
      %mul3A_160 = arith.muli %shift_right_logical3A_158, %mul3A_159 : i32
      %shift_right_logical3A_161 = arith.constant 15 : i32
      %shift_right_logical3A_162 = arith.shrui %mul3A_160, %shift_right_logical3A_161 : i32
      %mul3A_163 = arith.constant 5120 : i32
      %mul3A_164 = arith.muli %shift_right_logical3A_153, %mul3A_163 : i32
      %mul3A_165 = arith.constant 5120 : i32
      %mul3A_166 = arith.muli %shift_right_logical3A_162, %mul3A_165 : i32
      %sub3A_167 = arith.subi %sub3A_156, %mul3A_166 : i32
      %add3A_168 = arith.addi %mul3A_164, %sub3A_167 : i32
      %mul3A_169 = arith.constant 16 : i32
      %mul3A_170 = arith.muli %scan3A_41, %mul3A_169 : i32
      %add3A_171 = arith.constant 3 : i32
      %add3A_172 = arith.addi %mul3A_170, %add3A_171 : i32
      %dma_start3A_173 = arith.constant 0 : i32
      %dma_start3A_174 = tpu.memref_slice %arg11[%add3A_172, %dma_start3A_173] : memref<640x128xf32, #tpu.memory_space<vmem>> -> memref<1x128xf32, #tpu.memory_space<vmem>>
      %dma_start3A_175 = arith.constant 0 : i32
      %dma_start3A_176 = tpu.memref_slice %arg5[%add3A_168, %dma_start3A_175] : memref<250880x128xf32, #tpu.memory_space<hbm>> -> memref<1x128xf32, #tpu.memory_space<hbm>>
      %dma_start3A_177 = arith.constant 0 : i32
      %dma_start3A_178 = tpu.memref_slice %arg11[%add3A_172, %dma_start3A_177] : memref<640x128xf32, #tpu.memory_space<vmem>> -> memref<1x128xf32, #tpu.memory_space<vmem>>
      %dma_start3A_179 = arith.constant 0 : i32
      %dma_start3A_180 = tpu.memref_slice %arg5[%add3A_168, %dma_start3A_179] : memref<250880x128xf32, #tpu.memory_space<hbm>> -> memref<1x128xf32, #tpu.memory_space<hbm>>
      tpu.enqueue_dma source(%dma_start3A_180 : memref<1x128xf32, #tpu.memory_space<hbm>>) target(%dma_start3A_178 : memref<1x128xf32, #tpu.memory_space<vmem>>) target_semaphore(%arg13 : memref<!tpu.dma_semaphore, #tpu.memory_space<semaphore_mem>>)
      %slice3A_181 = vector.extract_strided_slice %get3A_45 {offsets = [4], sizes = [1], strides = [1]} : vector<16xi32> to vector<1xi32>
      %squeeze3A_182 = vector.extract %slice3A_181[0] : i32 from vector<1xi32>
      %shift_right_logical3A_183 = arith.constant 12 : i32
      %shift_right_logical3A_184 = arith.shrui %squeeze3A_182, %shift_right_logical3A_183 : i32
      %mul3A_185 = arith.constant 6554 : i32
      %mul3A_186 = arith.muli %shift_right_logical3A_184, %mul3A_185 : i32
      %shift_right_logical3A_187 = arith.constant 15 : i32
      %shift_right_logical3A_188 = arith.shrui %mul3A_186, %shift_right_logical3A_187 : i32
      %mul3A_189 = arith.constant 20480 : i32
      %mul3A_190 = arith.muli %shift_right_logical3A_188, %mul3A_189 : i32
      %sub3A_191 = arith.subi %squeeze3A_182, %mul3A_190 : i32
      %shift_right_logical3A_192 = arith.constant 10 : i32
      %shift_right_logical3A_193 = arith.shrui %sub3A_191, %shift_right_logical3A_192 : i32
      %mul3A_194 = arith.constant 6554 : i32
      %mul3A_195 = arith.muli %shift_right_logical3A_193, %mul3A_194 : i32
      %shift_right_logical3A_196 = arith.constant 15 : i32
      %shift_right_logical3A_197 = arith.shrui %mul3A_195, %shift_right_logical3A_196 : i32
      %mul3A_198 = arith.constant 5120 : i32
      %mul3A_199 = arith.muli %shift_right_logical3A_188, %mul3A_198 : i32
      %mul3A_200 = arith.constant 5120 : i32
      %mul3A_201 = arith.muli %shift_right_logical3A_197, %mul3A_200 : i32
      %sub3A_202 = arith.subi %sub3A_191, %mul3A_201 : i32
      %add3A_203 = arith.addi %mul3A_199, %sub3A_202 : i32
      %mul3A_204 = arith.constant 16 : i32
      %mul3A_205 = arith.muli %scan3A_41, %mul3A_204 : i32
      %add3A_206 = arith.constant 4 : i32
      %add3A_207 = arith.addi %mul3A_205, %add3A_206 : i32
      %dma_start3A_208 = arith.constant 0 : i32
      %dma_start3A_209 = tpu.memref_slice %arg11[%add3A_207, %dma_start3A_208] : memref<640x128xf32, #tpu.memory_space<vmem>> -> memref<1x128xf32, #tpu.memory_space<vmem>>
      %dma_start3A_210 = arith.constant 0 : i32
      %dma_start3A_211 = tpu.memref_slice %arg5[%add3A_203, %dma_start3A_210] : memref<250880x128xf32, #tpu.memory_space<hbm>> -> memref<1x128xf32, #tpu.memory_space<hbm>>
      %dma_start3A_212 = arith.constant 0 : i32
      %dma_start3A_213 = tpu.memref_slice %arg11[%add3A_207, %dma_start3A_212] : memref<640x128xf32, #tpu.memory_space<vmem>> -> memref<1x128xf32, #tpu.memory_space<vmem>>
      %dma_start3A_214 = arith.constant 0 : i32
      %dma_start3A_215 = tpu.memref_slice %arg5[%add3A_203, %dma_start3A_214] : memref<250880x128xf32, #tpu.memory_space<hbm>> -> memref<1x128xf32, #tpu.memory_space<hbm>>
      tpu.enqueue_dma source(%dma_start3A_215 : memref<1x128xf32, #tpu.memory_space<hbm>>) target(%dma_start3A_213 : memref<1x128xf32, #tpu.memory_space<vmem>>) target_semaphore(%arg13 : memref<!tpu.dma_semaphore, #tpu.memory_space<semaphore_mem>>)
      %slice3A_216 = vector.extract_strided_slice %get3A_45 {offsets = [5], sizes = [1], strides = [1]} : vector<16xi32> to vector<1xi32>
      %squeeze3A_217 = vector.extract %slice3A_216[0] : i32 from vector<1xi32>
      %shift_right_logical3A_218 = arith.constant 12 : i32
      %shift_right_logical3A_219 = arith.shrui %squeeze3A_217, %shift_right_logical3A_218 : i32
      %mul3A_220 = arith.constant 6554 : i32
      %mul3A_221 = arith.muli %shift_right_logical3A_219, %mul3A_220 : i32
      %shift_right_logical3A_222 = arith.constant 15 : i32
      %shift_right_logical3A_223 = arith.shrui %mul3A_221, %shift_right_logical3A_222 : i32
      %mul3A_224 = arith.constant 20480 : i32
      %mul3A_225 = arith.muli %shift_right_logical3A_223, %mul3A_224 : i32
      %sub3A_226 = arith.subi %squeeze3A_217, %mul3A_225 : i32
      %shift_right_logical3A_227 = arith.constant 10 : i32
      %shift_right_logical3A_228 = arith.shrui %sub3A_226, %shift_right_logical3A_227 : i32
      %mul3A_229 = arith.constant 6554 : i32
      %mul3A_230 = arith.muli %shift_right_logical3A_228, %mul3A_229 : i32
      %shift_right_logical3A_231 = arith.constant 15 : i32
      %shift_right_logical3A_232 = arith.shrui %mul3A_230, %shift_right_logical3A_231 : i32
      %mul3A_233 = arith.constant 5120 : i32
      %mul3A_234 = arith.muli %shift_right_logical3A_223, %mul3A_233 : i32
      %mul3A_235 = arith.constant 5120 : i32
      %mul3A_236 = arith.muli %shift_right_logical3A_232, %mul3A_235 : i32
      %sub3A_237 = arith.subi %sub3A_226, %mul3A_236 : i32
      %add3A_238 = arith.addi %mul3A_234, %sub3A_237 : i32
      %mul3A_239 = arith.constant 16 : i32
      %mul3A_240 = arith.muli %scan3A_41, %mul3A_239 : i32
      %add3A_241 = arith.constant 5 : i32
      %add3A_242 = arith.addi %mul3A_240, %add3A_241 : i32
      %dma_start3A_243 = arith.constant 0 : i32
      %dma_start3A_244 = tpu.memref_slice %arg11[%add3A_242, %dma_start3A_243] : memref<640x128xf32, #tpu.memory_space<vmem>> -> memref<1x128xf32, #tpu.memory_space<vmem>>
      %dma_start3A_245 = arith.constant 0 : i32
      %dma_start3A_246 = tpu.memref_slice %arg5[%add3A_238, %dma_start3A_245] : memref<250880x128xf32, #tpu.memory_space<hbm>> -> memref<1x128xf32, #tpu.memory_space<hbm>>
      %dma_start3A_247 = arith.constant 0 : i32
      %dma_start3A_248 = tpu.memref_slice %arg11[%add3A_242, %dma_start3A_247] : memref<640x128xf32, #tpu.memory_space<vmem>> -> memref<1x128xf32, #tpu.memory_space<vmem>>
      %dma_start3A_249 = arith.constant 0 : i32
      %dma_start3A_250 = tpu.memref_slice %arg5[%add3A_238, %dma_start3A_249] : memref<250880x128xf32, #tpu.memory_space<hbm>> -> memref<1x128xf32, #tpu.memory_space<hbm>>
      tpu.enqueue_dma source(%dma_start3A_250 : memref<1x128xf32, #tpu.memory_space<hbm>>) target(%dma_start3A_248 : memref<1x128xf32, #tpu.memory_space<vmem>>) target_semaphore(%arg13 : memref<!tpu.dma_semaphore, #tpu.memory_space<semaphore_mem>>)
      %slice3A_251 = vector.extract_strided_slice %get3A_45 {offsets = [6], sizes = [1], strides = [1]} : vector<16xi32> to vector<1xi32>
      %squeeze3A_252 = vector.extract %slice3A_251[0] : i32 from vector<1xi32>
      %shift_right_logical3A_253 = arith.constant 12 : i32
      %shift_right_logical3A_254 = arith.shrui %squeeze3A_252, %shift_right_logical3A_253 : i32
      %mul3A_255 = arith.constant 6554 : i32
      %mul3A_256 = arith.muli %shift_right_logical3A_254, %mul3A_255 : i32
      %shift_right_logical3A_257 = arith.constant 15 : i32
      %shift_right_logical3A_258 = arith.shrui %mul3A_256, %shift_right_logical3A_257 : i32
      %mul3A_259 = arith.constant 20480 : i32
      %mul3A_260 = arith.muli %shift_right_logical3A_258, %mul3A_259 : i32
      %sub3A_261 = arith.subi %squeeze3A_252, %mul3A_260 : i32
      %shift_right_logical3A_262 = arith.constant 10 : i32
      %shift_right_logical3A_263 = arith.shrui %sub3A_261, %shift_right_logical3A_262 : i32
      %mul3A_264 = arith.constant 6554 : i32
      %mul3A_265 = arith.muli %shift_right_logical3A_263, %mul3A_264 : i32
      %shift_right_logical3A_266 = arith.constant 15 : i32
      %shift_right_logical3A_267 = arith.shrui %mul3A_265, %shift_right_logical3A_266 : i32
      %mul3A_268 = arith.constant 5120 : i32
      %mul3A_269 = arith.muli %shift_right_logical3A_258, %mul3A_268 : i32
      %mul3A_270 = arith.constant 5120 : i32
      %mul3A_271 = arith.muli %shift_right_logical3A_267, %mul3A_270 : i32
      %sub3A_272 = arith.subi %sub3A_261, %mul3A_271 : i32
      %add3A_273 = arith.addi %mul3A_269, %sub3A_272 : i32
      %mul3A_274 = arith.constant 16 : i32
      %mul3A_275 = arith.muli %scan3A_41, %mul3A_274 : i32
      %add3A_276 = arith.constant 6 : i32
      %add3A_277 = arith.addi %mul3A_275, %add3A_276 : i32
      %dma_start3A_278 = arith.constant 0 : i32
      %dma_start3A_279 = tpu.memref_slice %arg11[%add3A_277, %dma_start3A_278] : memref<640x128xf32, #tpu.memory_space<vmem>> -> memref<1x128xf32, #tpu.memory_space<vmem>>
      %dma_start3A_280 = arith.constant 0 : i32
      %dma_start3A_281 = tpu.memref_slice %arg5[%add3A_273, %dma_start3A_280] : memref<250880x128xf32, #tpu.memory_space<hbm>> -> memref<1x128xf32, #tpu.memory_space<hbm>>
      %dma_start3A_282 = arith.constant 0 : i32
      %dma_start3A_283 = tpu.memref_slice %arg11[%add3A_277, %dma_start3A_282] : memref<640x128xf32, #tpu.memory_space<vmem>> -> memref<1x128xf32, #tpu.memory_space<vmem>>
      %dma_start3A_284 = arith.constant 0 : i32
      %dma_start3A_285 = tpu.memref_slice %arg5[%add3A_273, %dma_start3A_284] : memref<250880x128xf32, #tpu.memory_space<hbm>> -> memref<1x128xf32, #tpu.memory_space<hbm>>
      tpu.enqueue_dma source(%dma_start3A_285 : memref<1x128xf32, #tpu.memory_space<hbm>>) target(%dma_start3A_283 : memref<1x128xf32, #tpu.memory_space<vmem>>) target_semaphore(%arg13 : memref<!tpu.dma_semaphore, #tpu.memory_space<semaphore_mem>>)
      %slice3A_286 = vector.extract_strided_slice %get3A_45 {offsets = [7], sizes = [1], strides = [1]} : vector<16xi32> to vector<1xi32>
      %squeeze3A_287 = vector.extract %slice3A_286[0] : i32 from vector<1xi32>
      %shift_right_logical3A_288 = arith.constant 12 : i32
      %shift_right_logical3A_289 = arith.shrui %squeeze3A_287, %shift_right_logical3A_288 : i32
      %mul3A_290 = arith.constant 6554 : i32
      %mul3A_291 = arith.muli %shift_right_logical3A_289, %mul3A_290 : i32
      %shift_right_logical3A_292 = arith.constant 15 : i32
      %shift_right_logical3A_293 = arith.shrui %mul3A_291, %shift_right_logical3A_292 : i32
      %mul3A_294 = arith.constant 20480 : i32
      %mul3A_295 = arith.muli %shift_right_logical3A_293, %mul3A_294 : i32
      %sub3A_296 = arith.subi %squeeze3A_287, %mul3A_295 : i32
      %shift_right_logical3A_297 = arith.constant 10 : i32
      %shift_right_logical3A_298 = arith.shrui %sub3A_296, %shift_right_logical3A_297 : i32
      %mul3A_299 = arith.constant 6554 : i32
      %mul3A_300 = arith.muli %shift_right_logical3A_298, %mul3A_299 : i32
      %shift_right_logical3A_301 = arith.constant 15 : i32
      %shift_right_logical3A_302 = arith.shrui %mul3A_300, %shift_right_logical3A_301 : i32
      %mul3A_303 = arith.constant 5120 : i32
      %mul3A_304 = arith.muli %shift_right_logical3A_293, %mul3A_303 : i32
      %mul3A_305 = arith.constant 5120 : i32
      %mul3A_306 = arith.muli %shift_right_logical3A_302, %mul3A_305 : i32
      %sub3A_307 = arith.subi %sub3A_296, %mul3A_306 : i32
      %add3A_308 = arith.addi %mul3A_304, %sub3A_307 : i32
      %mul3A_309 = arith.constant 16 : i32
      %mul3A_310 = arith.muli %scan3A_41, %mul3A_309 : i32
      %add3A_311 = arith.constant 7 : i32
      %add3A_312 = arith.addi %mul3A_310, %add3A_311 : i32
      %dma_start3A_313 = arith.constant 0 : i32
      %dma_start3A_314 = tpu.memref_slice %arg11[%add3A_312, %dma_start3A_313] : memref<640x128xf32, #tpu.memory_space<vmem>> -> memref<1x128xf32, #tpu.memory_space<vmem>>
      %dma_start3A_315 = arith.constant 0 : i32
      %dma_start3A_316 = tpu.memref_slice %arg5[%add3A_308, %dma_start3A_315] : memref<250880x128xf32, #tpu.memory_space<hbm>> -> memref<1x128xf32, #tpu.memory_space<hbm>>
      %dma_start3A_317 = arith.constant 0 : i32
      %dma_start3A_318 = tpu.memref_slice %arg11[%add3A_312, %dma_start3A_317] : memref<640x128xf32, #tpu.memory_space<vmem>> -> memref<1x128xf32, #tpu.memory_space<vmem>>
      %dma_start3A_319 = arith.constant 0 : i32
      %dma_start3A_320 = tpu.memref_slice %arg5[%add3A_308, %dma_start3A_319] : memref<250880x128xf32, #tpu.memory_space<hbm>> -> memref<1x128xf32, #tpu.memory_space<hbm>>
      tpu.enqueue_dma source(%dma_start3A_320 : memref<1x128xf32, #tpu.memory_space<hbm>>) target(%dma_start3A_318 : memref<1x128xf32, #tpu.memory_space<vmem>>) target_semaphore(%arg13 : memref<!tpu.dma_semaphore, #tpu.memory_space<semaphore_mem>>)
      %slice3A_321 = vector.extract_strided_slice %get3A_45 {offsets = [8], sizes = [1], strides = [1]} : vector<16xi32> to vector<1xi32>
      %squeeze3A_322 = vector.extract %slice3A_321[0] : i32 from vector<1xi32>
      %shift_right_logical3A_323 = arith.constant 12 : i32
      %shift_right_logical3A_324 = arith.shrui %squeeze3A_322, %shift_right_logical3A_323 : i32
      %mul3A_325 = arith.constant 6554 : i32
      %mul3A_326 = arith.muli %shift_right_logical3A_324, %mul3A_325 : i32
      %shift_right_logical3A_327 = arith.constant 15 : i32
      %shift_right_logical3A_328 = arith.shrui %mul3A_326, %shift_right_logical3A_327 : i32
      %mul3A_329 = arith.constant 20480 : i32
      %mul3A_330 = arith.muli %shift_right_logical3A_328, %mul3A_329 : i32
      %sub3A_331 = arith.subi %squeeze3A_322, %mul3A_330 : i32
      %shift_right_logical3A_332 = arith.constant 10 : i32
      %shift_right_logical3A_333 = arith.shrui %sub3A_331, %shift_right_logical3A_332 : i32
      %mul3A_334 = arith.constant 6554 : i32
      %mul3A_335 = arith.muli %shift_right_logical3A_333, %mul3A_334 : i32
      %shift_right_logical3A_336 = arith.constant 15 : i32
      %shift_right_logical3A_337 = arith.shrui %mul3A_335, %shift_right_logical3A_336 : i32
      %mul3A_338 = arith.constant 5120 : i32
      %mul3A_339 = arith.muli %shift_right_logical3A_328, %mul3A_338 : i32
      %mul3A_340 = arith.constant 5120 : i32
      %mul3A_341 = arith.muli %shift_right_logical3A_337, %mul3A_340 : i32
      %sub3A_342 = arith.subi %sub3A_331, %mul3A_341 : i32
      %add3A_343 = arith.addi %mul3A_339, %sub3A_342 : i32
      %mul3A_344 = arith.constant 16 : i32
      %mul3A_345 = arith.muli %scan3A_41, %mul3A_344 : i32
      %add3A_346 = arith.constant 8 : i32
      %add3A_347 = arith.addi %mul3A_345, %add3A_346 : i32
      %dma_start3A_348 = arith.constant 0 : i32
      %dma_start3A_349 = tpu.memref_slice %arg11[%add3A_347, %dma_start3A_348] : memref<640x128xf32, #tpu.memory_space<vmem>> -> memref<1x128xf32, #tpu.memory_space<vmem>>
      %dma_start3A_350 = arith.constant 0 : i32
      %dma_start3A_351 = tpu.memref_slice %arg5[%add3A_343, %dma_start3A_350] : memref<250880x128xf32, #tpu.memory_space<hbm>> -> memref<1x128xf32, #tpu.memory_space<hbm>>
      %dma_start3A_352 = arith.constant 0 : i32
      %dma_start3A_353 = tpu.memref_slice %arg11[%add3A_347, %dma_start3A_352] : memref<640x128xf32, #tpu.memory_space<vmem>> -> memref<1x128xf32, #tpu.memory_space<vmem>>
      %dma_start3A_354 = arith.constant 0 : i32
      %dma_start3A_355 = tpu.memref_slice %arg5[%add3A_343, %dma_start3A_354] : memref<250880x128xf32, #tpu.memory_space<hbm>> -> memref<1x128xf32, #tpu.memory_space<hbm>>
      tpu.enqueue_dma source(%dma_start3A_355 : memref<1x128xf32, #tpu.memory_space<hbm>>) target(%dma_start3A_353 : memref<1x128xf32, #tpu.memory_space<vmem>>) target_semaphore(%arg13 : memref<!tpu.dma_semaphore, #tpu.memory_space<semaphore_mem>>)
      %slice3A_356 = vector.extract_strided_slice %get3A_45 {offsets = [9], sizes = [1], strides = [1]} : vector<16xi32> to vector<1xi32>
      %squeeze3A_357 = vector.extract %slice3A_356[0] : i32 from vector<1xi32>
      %shift_right_logical3A_358 = arith.constant 12 : i32
      %shift_right_logical3A_359 = arith.shrui %squeeze3A_357, %shift_right_logical3A_358 : i32
      %mul3A_360 = arith.constant 6554 : i32
      %mul3A_361 = arith.muli %shift_right_logical3A_359, %mul3A_360 : i32
      %shift_right_logical3A_362 = arith.constant 15 : i32
      %shift_right_logical3A_363 = arith.shrui %mul3A_361, %shift_right_logical3A_362 : i32
      %mul3A_364 = arith.constant 20480 : i32
      %mul3A_365 = arith.muli %shift_right_logical3A_363, %mul3A_364 : i32
      %sub3A_366 = arith.subi %squeeze3A_357, %mul3A_365 : i32
      %shift_right_logical3A_367 = arith.constant 10 : i32
      %shift_right_logical3A_368 = arith.shrui %sub3A_366, %shift_right_logical3A_367 : i32
      %mul3A_369 = arith.constant 6554 : i32
      %mul3A_370 = arith.muli %shift_right_logical3A_368, %mul3A_369 : i32
      %shift_right_logical3A_371 = arith.constant 15 : i32
      %shift_right_logical3A_372 = arith.shrui %mul3A_370, %shift_right_logical3A_371 : i32
      %mul3A_373 = arith.constant 5120 : i32
      %mul3A_374 = arith.muli %shift_right_logical3A_363, %mul3A_373 : i32
      %mul3A_375 = arith.constant 5120 : i32
      %mul3A_376 = arith.muli %shift_right_logical3A_372, %mul3A_375 : i32
      %sub3A_377 = arith.subi %sub3A_366, %mul3A_376 : i32
      %add3A_378 = arith.addi %mul3A_374, %sub3A_377 : i32
      %mul3A_379 = arith.constant 16 : i32
      %mul3A_380 = arith.muli %scan3A_41, %mul3A_379 : i32
      %add3A_381 = arith.constant 9 : i32
      %add3A_382 = arith.addi %mul3A_380, %add3A_381 : i32
      %dma_start3A_383 = arith.constant 0 : i32
      %dma_start3A_384 = tpu.memref_slice %arg11[%add3A_382, %dma_start3A_383] : memref<640x128xf32, #tpu.memory_space<vmem>> -> memref<1x128xf32, #tpu.memory_space<vmem>>
      %dma_start3A_385 = arith.constant 0 : i32
      %dma_start3A_386 = tpu.memref_slice %arg5[%add3A_378, %dma_start3A_385] : memref<250880x128xf32, #tpu.memory_space<hbm>> -> memref<1x128xf32, #tpu.memory_space<hbm>>
      %dma_start3A_387 = arith.constant 0 : i32
      %dma_start3A_388 = tpu.memref_slice %arg11[%add3A_382, %dma_start3A_387] : memref<640x128xf32, #tpu.memory_space<vmem>> -> memref<1x128xf32, #tpu.memory_space<vmem>>
      %dma_start3A_389 = arith.constant 0 : i32
      %dma_start3A_390 = tpu.memref_slice %arg5[%add3A_378, %dma_start3A_389] : memref<250880x128xf32, #tpu.memory_space<hbm>> -> memref<1x128xf32, #tpu.memory_space<hbm>>
      tpu.enqueue_dma source(%dma_start3A_390 : memref<1x128xf32, #tpu.memory_space<hbm>>) target(%dma_start3A_388 : memref<1x128xf32, #tpu.memory_space<vmem>>) target_semaphore(%arg13 : memref<!tpu.dma_semaphore, #tpu.memory_space<semaphore_mem>>)
      %slice3A_391 = vector.extract_strided_slice %get3A_45 {offsets = [10], sizes = [1], strides = [1]} : vector<16xi32> to vector<1xi32>
      %squeeze3A_392 = vector.extract %slice3A_391[0] : i32 from vector<1xi32>
      %shift_right_logical3A_393 = arith.constant 12 : i32
      %shift_right_logical3A_394 = arith.shrui %squeeze3A_392, %shift_right_logical3A_393 : i32
      %mul3A_395 = arith.constant 6554 : i32
      %mul3A_396 = arith.muli %shift_right_logical3A_394, %mul3A_395 : i32
      %shift_right_logical3A_397 = arith.constant 15 : i32
      %shift_right_logical3A_398 = arith.shrui %mul3A_396, %shift_right_logical3A_397 : i32
      %mul3A_399 = arith.constant 20480 : i32
      %mul3A_400 = arith.muli %shift_right_logical3A_398, %mul3A_399 : i32
      %sub3A_401 = arith.subi %squeeze3A_392, %mul3A_400 : i32
      %shift_right_logical3A_402 = arith.constant 10 : i32
      %shift_right_logical3A_403 = arith.shrui %sub3A_401, %shift_right_logical3A_402 : i32
      %mul3A_404 = arith.constant 6554 : i32
      %mul3A_405 = arith.muli %shift_right_logical3A_403, %mul3A_404 : i32
      %shift_right_logical3A_406 = arith.constant 15 : i32
      %shift_right_logical3A_407 = arith.shrui %mul3A_405, %shift_right_logical3A_406 : i32
      %mul3A_408 = arith.constant 5120 : i32
      %mul3A_409 = arith.muli %shift_right_logical3A_398, %mul3A_408 : i32
      %mul3A_410 = arith.constant 5120 : i32
      %mul3A_411 = arith.muli %shift_right_logical3A_407, %mul3A_410 : i32
      %sub3A_412 = arith.subi %sub3A_401, %mul3A_411 : i32
      %add3A_413 = arith.addi %mul3A_409, %sub3A_412 : i32
      %mul3A_414 = arith.constant 16 : i32
      %mul3A_415 = arith.muli %scan3A_41, %mul3A_414 : i32
      %add3A_416 = arith.constant 10 : i32
      %add3A_417 = arith.addi %mul3A_415, %add3A_416 : i32
      %dma_start3A_418 = arith.constant 0 : i32
      %dma_start3A_419 = tpu.memref_slice %arg11[%add3A_417, %dma_start3A_418] : memref<640x128xf32, #tpu.memory_space<vmem>> -> memref<1x128xf32, #tpu.memory_space<vmem>>
      %dma_start3A_420 = arith.constant 0 : i32
      %dma_start3A_421 = tpu.memref_slice %arg5[%add3A_413, %dma_start3A_420] : memref<250880x128xf32, #tpu.memory_space<hbm>> -> memref<1x128xf32, #tpu.memory_space<hbm>>
      %dma_start3A_422 = arith.constant 0 : i32
      %dma_start3A_423 = tpu.memref_slice %arg11[%add3A_417, %dma_start3A_422] : memref<640x128xf32, #tpu.memory_space<vmem>> -> memref<1x128xf32, #tpu.memory_space<vmem>>
      %dma_start3A_424 = arith.constant 0 : i32
      %dma_start3A_425 = tpu.memref_slice %arg5[%add3A_413, %dma_start3A_424] : memref<250880x128xf32, #tpu.memory_space<hbm>> -> memref<1x128xf32, #tpu.memory_space<hbm>>
      tpu.enqueue_dma source(%dma_start3A_425 : memref<1x128xf32, #tpu.memory_space<hbm>>) target(%dma_start3A_423 : memref<1x128xf32, #tpu.memory_space<vmem>>) target_semaphore(%arg13 : memref<!tpu.dma_semaphore, #tpu.memory_space<semaphore_mem>>)
      %slice3A_426 = vector.extract_strided_slice %get3A_45 {offsets = [11], sizes = [1], strides = [1]} : vector<16xi32> to vector<1xi32>
      %squeeze3A_427 = vector.extract %slice3A_426[0] : i32 from vector<1xi32>
      %shift_right_logical3A_428 = arith.constant 12 : i32
      %shift_right_logical3A_429 = arith.shrui %squeeze3A_427, %shift_right_logical3A_428 : i32
      %mul3A_430 = arith.constant 6554 : i32
      %mul3A_431 = arith.muli %shift_right_logical3A_429, %mul3A_430 : i32
      %shift_right_logical3A_432 = arith.constant 15 : i32
      %shift_right_logical3A_433 = arith.shrui %mul3A_431, %shift_right_logical3A_432 : i32
      %mul3A_434 = arith.constant 20480 : i32
      %mul3A_435 = arith.muli %shift_right_logical3A_433, %mul3A_434 : i32
      %sub3A_436 = arith.subi %squeeze3A_427, %mul3A_435 : i32
      %shift_right_logical3A_437 = arith.constant 10 : i32
      %shift_right_logical3A_438 = arith.shrui %sub3A_436, %shift_right_logical3A_437 : i32
      %mul3A_439 = arith.constant 6554 : i32
      %mul3A_440 = arith.muli %shift_right_logical3A_438, %mul3A_439 : i32
      %shift_right_logical3A_441 = arith.constant 15 : i32
      %shift_right_logical3A_442 = arith.shrui %mul3A_440, %shift_right_logical3A_441 : i32
      %mul3A_443 = arith.constant 5120 : i32
      %mul3A_444 = arith.muli %shift_right_logical3A_433, %mul3A_443 : i32
      %mul3A_445 = arith.constant 5120 : i32
      %mul3A_446 = arith.muli %shift_right_logical3A_442, %mul3A_445 : i32
      %sub3A_447 = arith.subi %sub3A_436, %mul3A_446 : i32
      %add3A_448 = arith.addi %mul3A_444, %sub3A_447 : i32
      %mul3A_449 = arith.constant 16 : i32
      %mul3A_450 = arith.muli %scan3A_41, %mul3A_449 : i32
      %add3A_451 = arith.constant 11 : i32
      %add3A_452 = arith.addi %mul3A_450, %add3A_451 : i32
      %dma_start3A_453 = arith.constant 0 : i32
      %dma_start3A_454 = tpu.memref_slice %arg11[%add3A_452, %dma_start3A_453] : memref<640x128xf32, #tpu.memory_space<vmem>> -> memref<1x128xf32, #tpu.memory_space<vmem>>
      %dma_start3A_455 = arith.constant 0 : i32
      %dma_start3A_456 = tpu.memref_slice %arg5[%add3A_448, %dma_start3A_455] : memref<250880x128xf32, #tpu.memory_space<hbm>> -> memref<1x128xf32, #tpu.memory_space<hbm>>
      %dma_start3A_457 = arith.constant 0 : i32
      %dma_start3A_458 = tpu.memref_slice %arg11[%add3A_452, %dma_start3A_457] : memref<640x128xf32, #tpu.memory_space<vmem>> -> memref<1x128xf32, #tpu.memory_space<vmem>>
      %dma_start3A_459 = arith.constant 0 : i32
      %dma_start3A_460 = tpu.memref_slice %arg5[%add3A_448, %dma_start3A_459] : memref<250880x128xf32, #tpu.memory_space<hbm>> -> memref<1x128xf32, #tpu.memory_space<hbm>>
      tpu.enqueue_dma source(%dma_start3A_460 : memref<1x128xf32, #tpu.memory_space<hbm>>) target(%dma_start3A_458 : memref<1x128xf32, #tpu.memory_space<vmem>>) target_semaphore(%arg13 : memref<!tpu.dma_semaphore, #tpu.memory_space<semaphore_mem>>)
      %slice3A_461 = vector.extract_strided_slice %get3A_45 {offsets = [12], sizes = [1], strides = [1]} : vector<16xi32> to vector<1xi32>
      %squeeze3A_462 = vector.extract %slice3A_461[0] : i32 from vector<1xi32>
      %shift_right_logical3A_463 = arith.constant 12 : i32
      %shift_right_logical3A_464 = arith.shrui %squeeze3A_462, %shift_right_logical3A_463 : i32
      %mul3A_465 = arith.constant 6554 : i32
      %mul3A_466 = arith.muli %shift_right_logical3A_464, %mul3A_465 : i32
      %shift_right_logical3A_467 = arith.constant 15 : i32
      %shift_right_logical3A_468 = arith.shrui %mul3A_466, %shift_right_logical3A_467 : i32
      %mul3A_469 = arith.constant 20480 : i32
      %mul3A_470 = arith.muli %shift_right_logical3A_468, %mul3A_469 : i32
      %sub3A_471 = arith.subi %squeeze3A_462, %mul3A_470 : i32
      %shift_right_logical3A_472 = arith.constant 10 : i32
      %shift_right_logical3A_473 = arith.shrui %sub3A_471, %shift_right_logical3A_472 : i32
      %mul3A_474 = arith.constant 6554 : i32
      %mul3A_475 = arith.muli %shift_right_logical3A_473, %mul3A_474 : i32
      %shift_right_logical3A_476 = arith.constant 15 : i32
      %shift_right_logical3A_477 = arith.shrui %mul3A_475, %shift_right_logical3A_476 : i32
      %mul3A_478 = arith.constant 5120 : i32
      %mul3A_479 = arith.muli %shift_right_logical3A_468, %mul3A_478 : i32
      %mul3A_480 = arith.constant 5120 : i32
      %mul3A_481 = arith.muli %shift_right_logical3A_477, %mul3A_480 : i32
      %sub3A_482 = arith.subi %sub3A_471, %mul3A_481 : i32
      %add3A_483 = arith.addi %mul3A_479, %sub3A_482 : i32
      %mul3A_484 = arith.constant 16 : i32
      %mul3A_485 = arith.muli %scan3A_41, %mul3A_484 : i32
      %add3A_486 = arith.constant 12 : i32
      %add3A_487 = arith.addi %mul3A_485, %add3A_486 : i32
      %dma_start3A_488 = arith.constant 0 : i32
      %dma_start3A_489 = tpu.memref_slice %arg11[%add3A_487, %dma_start3A_488] : memref<640x128xf32, #tpu.memory_space<vmem>> -> memref<1x128xf32, #tpu.memory_space<vmem>>
      %dma_start3A_490 = arith.constant 0 : i32
      %dma_start3A_491 = tpu.memref_slice %arg5[%add3A_483, %dma_start3A_490] : memref<250880x128xf32, #tpu.memory_space<hbm>> -> memref<1x128xf32, #tpu.memory_space<hbm>>
      %dma_start3A_492 = arith.constant 0 : i32
      %dma_start3A_493 = tpu.memref_slice %arg11[%add3A_487, %dma_start3A_492] : memref<640x128xf32, #tpu.memory_space<vmem>> -> memref<1x128xf32, #tpu.memory_space<vmem>>
      %dma_start3A_494 = arith.constant 0 : i32
      %dma_start3A_495 = tpu.memref_slice %arg5[%add3A_483, %dma_start3A_494] : memref<250880x128xf32, #tpu.memory_space<hbm>> -> memref<1x128xf32, #tpu.memory_space<hbm>>
      tpu.enqueue_dma source(%dma_start3A_495 : memref<1x128xf32, #tpu.memory_space<hbm>>) target(%dma_start3A_493 : memref<1x128xf32, #tpu.memory_space<vmem>>) target_semaphore(%arg13 : memref<!tpu.dma_semaphore, #tpu.memory_space<semaphore_mem>>)
      %slice3A_496 = vector.extract_strided_slice %get3A_45 {offsets = [13], sizes = [1], strides = [1]} : vector<16xi32> to vector<1xi32>
      %squeeze3A_497 = vector.extract %slice3A_496[0] : i32 from vector<1xi32>
      %shift_right_logical3A_498 = arith.constant 12 : i32
      %shift_right_logical3A_499 = arith.shrui %squeeze3A_497, %shift_right_logical3A_498 : i32
      %mul3A_500 = arith.constant 6554 : i32
      %mul3A_501 = arith.muli %shift_right_logical3A_499, %mul3A_500 : i32
      %shift_right_logical3A_502 = arith.constant 15 : i32
      %shift_right_logical3A_503 = arith.shrui %mul3A_501, %shift_right_logical3A_502 : i32
      %mul3A_504 = arith.constant 20480 : i32
      %mul3A_505 = arith.muli %shift_right_logical3A_503, %mul3A_504 : i32
      %sub3A_506 = arith.subi %squeeze3A_497, %mul3A_505 : i32
      %shift_right_logical3A_507 = arith.constant 10 : i32
      %shift_right_logical3A_508 = arith.shrui %sub3A_506, %shift_right_logical3A_507 : i32
      %mul3A_509 = arith.constant 6554 : i32
      %mul3A_510 = arith.muli %shift_right_logical3A_508, %mul3A_509 : i32
      %shift_right_logical3A_511 = arith.constant 15 : i32
      %shift_right_logical3A_512 = arith.shrui %mul3A_510, %shift_right_logical3A_511 : i32
      %mul3A_513 = arith.constant 5120 : i32
      %mul3A_514 = arith.muli %shift_right_logical3A_503, %mul3A_513 : i32
      %mul3A_515 = arith.constant 5120 : i32
      %mul3A_516 = arith.muli %shift_right_logical3A_512, %mul3A_515 : i32
      %sub3A_517 = arith.subi %sub3A_506, %mul3A_516 : i32
      %add3A_518 = arith.addi %mul3A_514, %sub3A_517 : i32
      %mul3A_519 = arith.constant 16 : i32
      %mul3A_520 = arith.muli %scan3A_41, %mul3A_519 : i32
      %add3A_521 = arith.constant 13 : i32
      %add3A_522 = arith.addi %mul3A_520, %add3A_521 : i32
      %dma_start3A_523 = arith.constant 0 : i32
      %dma_start3A_524 = tpu.memref_slice %arg11[%add3A_522, %dma_start3A_523] : memref<640x128xf32, #tpu.memory_space<vmem>> -> memref<1x128xf32, #tpu.memory_space<vmem>>
      %dma_start3A_525 = arith.constant 0 : i32
      %dma_start3A_526 = tpu.memref_slice %arg5[%add3A_518, %dma_start3A_525] : memref<250880x128xf32, #tpu.memory_space<hbm>> -> memref<1x128xf32, #tpu.memory_space<hbm>>
      %dma_start3A_527 = arith.constant 0 : i32
      %dma_start3A_528 = tpu.memref_slice %arg11[%add3A_522, %dma_start3A_527] : memref<640x128xf32, #tpu.memory_space<vmem>> -> memref<1x128xf32, #tpu.memory_space<vmem>>
      %dma_start3A_529 = arith.constant 0 : i32
      %dma_start3A_530 = tpu.memref_slice %arg5[%add3A_518, %dma_start3A_529] : memref<250880x128xf32, #tpu.memory_space<hbm>> -> memref<1x128xf32, #tpu.memory_space<hbm>>
      tpu.enqueue_dma source(%dma_start3A_530 : memref<1x128xf32, #tpu.memory_space<hbm>>) target(%dma_start3A_528 : memref<1x128xf32, #tpu.memory_space<vmem>>) target_semaphore(%arg13 : memref<!tpu.dma_semaphore, #tpu.memory_space<semaphore_mem>>)
      %slice3A_531 = vector.extract_strided_slice %get3A_45 {offsets = [14], sizes = [1], strides = [1]} : vector<16xi32> to vector<1xi32>
      %squeeze3A_532 = vector.extract %slice3A_531[0] : i32 from vector<1xi32>
      %shift_right_logical3A_533 = arith.constant 12 : i32
      %shift_right_logical3A_534 = arith.shrui %squeeze3A_532, %shift_right_logical3A_533 : i32
      %mul3A_535 = arith.constant 6554 : i32
      %mul3A_536 = arith.muli %shift_right_logical3A_534, %mul3A_535 : i32
      %shift_right_logical3A_537 = arith.constant 15 : i32
      %shift_right_logical3A_538 = arith.shrui %mul3A_536, %shift_right_logical3A_537 : i32
      %mul3A_539 = arith.constant 20480 : i32
      %mul3A_540 = arith.muli %shift_right_logical3A_538, %mul3A_539 : i32
      %sub3A_541 = arith.subi %squeeze3A_532, %mul3A_540 : i32
      %shift_right_logical3A_542 = arith.constant 10 : i32
      %shift_right_logical3A_543 = arith.shrui %sub3A_541, %shift_right_logical3A_542 : i32
      %mul3A_544 = arith.constant 6554 : i32
      %mul3A_545 = arith.muli %shift_right_logical3A_543, %mul3A_544 : i32
      %shift_right_logical3A_546 = arith.constant 15 : i32
      %shift_right_logical3A_547 = arith.shrui %mul3A_545, %shift_right_logical3A_546 : i32
      %mul3A_548 = arith.constant 5120 : i32
      %mul3A_549 = arith.muli %shift_right_logical3A_538, %mul3A_548 : i32
      %mul3A_550 = arith.constant 5120 : i32
      %mul3A_551 = arith.muli %shift_right_logical3A_547, %mul3A_550 : i32
      %sub3A_552 = arith.subi %sub3A_541, %mul3A_551 : i32
      %add3A_553 = arith.addi %mul3A_549, %sub3A_552 : i32
      %mul3A_554 = arith.constant 16 : i32
      %mul3A_555 = arith.muli %scan3A_41, %mul3A_554 : i32
      %add3A_556 = arith.constant 14 : i32
      %add3A_557 = arith.addi %mul3A_555, %add3A_556 : i32
      %dma_start3A_558 = arith.constant 0 : i32
      %dma_start3A_559 = tpu.memref_slice %arg11[%add3A_557, %dma_start3A_558] : memref<640x128xf32, #tpu.memory_space<vmem>> -> memref<1x128xf32, #tpu.memory_space<vmem>>
      %dma_start3A_560 = arith.constant 0 : i32
      %dma_start3A_561 = tpu.memref_slice %arg5[%add3A_553, %dma_start3A_560] : memref<250880x128xf32, #tpu.memory_space<hbm>> -> memref<1x128xf32, #tpu.memory_space<hbm>>
      %dma_start3A_562 = arith.constant 0 : i32
      %dma_start3A_563 = tpu.memref_slice %arg11[%add3A_557, %dma_start3A_562] : memref<640x128xf32, #tpu.memory_space<vmem>> -> memref<1x128xf32, #tpu.memory_space<vmem>>
      %dma_start3A_564 = arith.constant 0 : i32
      %dma_start3A_565 = tpu.memref_slice %arg5[%add3A_553, %dma_start3A_564] : memref<250880x128xf32, #tpu.memory_space<hbm>> -> memref<1x128xf32, #tpu.memory_space<hbm>>
      tpu.enqueue_dma source(%dma_start3A_565 : memref<1x128xf32, #tpu.memory_space<hbm>>) target(%dma_start3A_563 : memref<1x128xf32, #tpu.memory_space<vmem>>) target_semaphore(%arg13 : memref<!tpu.dma_semaphore, #tpu.memory_space<semaphore_mem>>)
      %slice3A_566 = vector.extract_strided_slice %get3A_45 {offsets = [15], sizes = [1], strides = [1]} : vector<16xi32> to vector<1xi32>
      %squeeze3A_567 = vector.extract %slice3A_566[0] : i32 from vector<1xi32>
      %shift_right_logical3A_568 = arith.constant 12 : i32
      %shift_right_logical3A_569 = arith.shrui %squeeze3A_567, %shift_right_logical3A_568 : i32
      %mul3A_570 = arith.constant 6554 : i32
      %mul3A_571 = arith.muli %shift_right_logical3A_569, %mul3A_570 : i32
      %shift_right_logical3A_572 = arith.constant 15 : i32
      %shift_right_logical3A_573 = arith.shrui %mul3A_571, %shift_right_logical3A_572 : i32
      %mul3A_574 = arith.constant 20480 : i32
      %mul3A_575 = arith.muli %shift_right_logical3A_573, %mul3A_574 : i32
      %sub3A_576 = arith.subi %squeeze3A_567, %mul3A_575 : i32
      %shift_right_logical3A_577 = arith.constant 10 : i32
      %shift_right_logical3A_578 = arith.shrui %sub3A_576, %shift_right_logical3A_577 : i32
      %mul3A_579 = arith.constant 6554 : i32
      %mul3A_580 = arith.muli %shift_right_logical3A_578, %mul3A_579 : i32
      %shift_right_logical3A_581 = arith.constant 15 : i32
      %shift_right_logical3A_582 = arith.shrui %mul3A_580, %shift_right_logical3A_581 : i32
      %mul3A_583 = arith.constant 5120 : i32
      %mul3A_584 = arith.muli %shift_right_logical3A_573, %mul3A_583 : i32
      %mul3A_585 = arith.constant 5120 : i32
      %mul3A_586 = arith.muli %shift_right_logical3A_582, %mul3A_585 : i32
      %sub3A_587 = arith.subi %sub3A_576, %mul3A_586 : i32
      %add3A_588 = arith.addi %mul3A_584, %sub3A_587 : i32
      %mul3A_589 = arith.constant 16 : i32
      %mul3A_590 = arith.muli %scan3A_41, %mul3A_589 : i32
      %add3A_591 = arith.constant 15 : i32
      %add3A_592 = arith.addi %mul3A_590, %add3A_591 : i32
      %dma_start3A_593 = arith.constant 0 : i32
      %dma_start3A_594 = tpu.memref_slice %arg11[%add3A_592, %dma_start3A_593] : memref<640x128xf32, #tpu.memory_space<vmem>> -> memref<1x128xf32, #tpu.memory_space<vmem>>
      %dma_start3A_595 = arith.constant 0 : i32
      %dma_start3A_596 = tpu.memref_slice %arg5[%add3A_588, %dma_start3A_595] : memref<250880x128xf32, #tpu.memory_space<hbm>> -> memref<1x128xf32, #tpu.memory_space<hbm>>
      %dma_start3A_597 = arith.constant 0 : i32
      %dma_start3A_598 = tpu.memref_slice %arg11[%add3A_592, %dma_start3A_597] : memref<640x128xf32, #tpu.memory_space<vmem>> -> memref<1x128xf32, #tpu.memory_space<vmem>>
      %dma_start3A_599 = arith.constant 0 : i32
      %dma_start3A_600 = tpu.memref_slice %arg5[%add3A_588, %dma_start3A_599] : memref<250880x128xf32, #tpu.memory_space<hbm>> -> memref<1x128xf32, #tpu.memory_space<hbm>>
      tpu.enqueue_dma source(%dma_start3A_600 : memref<1x128xf32, #tpu.memory_space<hbm>>) target(%dma_start3A_598 : memref<1x128xf32, #tpu.memory_space<vmem>>) target_semaphore(%arg13 : memref<!tpu.dma_semaphore, #tpu.memory_space<semaphore_mem>>)
    }
    %scan3A_15 = arith.constant 40 : i32
    %dma_wait3A = arith.constant 0 : i32
    %dma_wait3A_16 = arith.constant 0 : i32
    %dma_wait3A_17 = tpu.memref_slice %arg4[%dma_wait3A, %dma_wait3A_16] : memref<25600x128xf32, #tpu.memory_space<hbm>> -> memref<128x128xf32, #tpu.memory_space<hbm>>
    %dma_wait3A_18 = arith.constant 0 : i32
    %dma_wait3A_19 = arith.constant 0 : i32
    %dma_wait3A_20 = tpu.memref_slice %arg4[%dma_wait3A_18, %dma_wait3A_19] : memref<25600x128xf32, #tpu.memory_space<hbm>> -> memref<128x128xf32, #tpu.memory_space<hbm>>
    tpu.wait_dma2 semaphore(%arg13 : memref<!tpu.dma_semaphore, #tpu.memory_space<semaphore_mem>>) src(%dma_wait3A_20 : memref<128x128xf32, #tpu.memory_space<hbm>>) dst(%arg9 : memref<128x128xf32, #tpu.memory_space<vmem>>)
    %dma_wait3A_21 = arith.constant 0 : i32
    %dma_wait3A_22 = arith.constant 0 : i32
    %dma_wait3A_23 = tpu.memref_slice %arg5[%dma_wait3A_21, %dma_wait3A_22] : memref<250880x128xf32, #tpu.memory_space<hbm>> -> memref<640x128xf32, #tpu.memory_space<hbm>>
    %dma_wait3A_24 = arith.constant 0 : i32
    %dma_wait3A_25 = arith.constant 0 : i32
    %dma_wait3A_26 = tpu.memref_slice %arg5[%dma_wait3A_24, %dma_wait3A_25] : memref<250880x128xf32, #tpu.memory_space<hbm>> -> memref<640x128xf32, #tpu.memory_space<hbm>>
    tpu.wait_dma2 semaphore(%arg13 : memref<!tpu.dma_semaphore, #tpu.memory_space<semaphore_mem>>) src(%dma_wait3A_26 : memref<640x128xf32, #tpu.memory_space<hbm>>) dst(%arg11 : memref<640x128xf32, #tpu.memory_space<vmem>>)
    %scan3A_27 = arith.constant 0 : i32
    %scan3A_28 = arith.constant 0 : i32
    %scan3A_29 = arith.constant 8 : i32
    %scan3A_30 = arith.addi %scan3A_28, %scan3A_29 : i32
    %scan3A_31 = arith.constant 1 : i32
    scf.for %scan3A_41 = %scan3A_28 to %scan3A_30 step %scan3A_31  : i32 {
      %mul3A_42 = arith.constant 16 : i32
      %mul3A_43 = arith.muli %scan3A_41, %mul3A_42 : i32
      %get3A = arith.index_cast %mul3A_43 : i32 to index
      %get3A_44 = tpu.vector_load %arg7[%get3A] {strides = array<i32>} : memref<128xi32, #tpu.memory_space<vmem>>, vector<16xi32>,
      %get3A_45 = vector.shape_cast %get3A_44 : vector<16xi32> to vector<16xi32>
      %mul3A_46 = arith.constant 16 : i32
      %mul3A_47 = arith.muli %scan3A_41, %mul3A_46 : i32
      %add3A_48 = arith.constant 0 : i32
      %add3A_49 = arith.addi %mul3A_47, %add3A_48 : i32
      %slice3A = vector.extract_strided_slice %get3A_45 {offsets = [0], sizes = [1], strides = [1]} : vector<16xi32> to vector<1xi32>
      %squeeze3A = vector.extract %slice3A[0] : i32 from vector<1xi32>
      %shift_right_logical3A = arith.constant 12 : i32
      %shift_right_logical3A_50 = arith.shrui %squeeze3A, %shift_right_logical3A : i32
      %mul3A_51 = arith.constant 6554 : i32
      %mul3A_52 = arith.muli %shift_right_logical3A_50, %mul3A_51 : i32
      %shift_right_logical3A_53 = arith.constant 15 : i32
      %shift_right_logical3A_54 = arith.shrui %mul3A_52, %shift_right_logical3A_53 : i32
      %mul3A_55 = arith.constant 20480 : i32
      %mul3A_56 = arith.muli %shift_right_logical3A_54, %mul3A_55 : i32
      %sub3A = arith.subi %squeeze3A, %mul3A_56 : i32
      %shift_right_logical3A_57 = arith.constant 10 : i32
      %shift_right_logical3A_58 = arith.shrui %sub3A, %shift_right_logical3A_57 : i32
      %mul3A_59 = arith.constant 6554 : i32
      %mul3A_60 = arith.muli %shift_right_logical3A_58, %mul3A_59 : i32
      %shift_right_logical3A_61 = arith.constant 15 : i32
      %shift_right_logical3A_62 = arith.shrui %mul3A_60, %shift_right_logical3A_61 : i32
      %get3A_63 = arith.index_cast %add3A_49 : i32 to index
      %get3A_64 = arith.constant 0 : index
      %get3A_65 = tpu.vector_load %arg9[%get3A_63, %get3A_64] {strides = array<i32>} : memref<128x128xf32, #tpu.memory_space<vmem>>, vector<1x16xf32>,
      %get3A_66 = vector.shape_cast %get3A_65 : vector<1x16xf32> to vector<16xf32>
      %get3A_67 = arith.index_cast %add3A_49 : i32 to index
      %get3A_68 = arith.constant 16 : index
      %get3A_69 = tpu.vector_load %arg9[%get3A_67, %get3A_68] {strides = array<i32>} : memref<128x128xf32, #tpu.memory_space<vmem>>, vector<1x16xf32>,
      %get3A_70 = vector.shape_cast %get3A_69 : vector<1x16xf32> to vector<16xf32>
      %get3A_71 = arith.index_cast %add3A_49 : i32 to index
      %get3A_72 = arith.constant 32 : index
      %get3A_73 = tpu.vector_load %arg9[%get3A_71, %get3A_72] {strides = array<i32>} : memref<128x128xf32, #tpu.memory_space<vmem>>, vector<1x16xf32>,
      %get3A_74 = vector.shape_cast %get3A_73 : vector<1x16xf32> to vector<16xf32>
      %get3A_75 = arith.index_cast %add3A_49 : i32 to index
      %get3A_76 = arith.constant 48 : index
      %get3A_77 = tpu.vector_load %arg9[%get3A_75, %get3A_76] {strides = array<i32>} : memref<128x128xf32, #tpu.memory_space<vmem>>, vector<1x16xf32>,
      %get3A_78 = vector.shape_cast %get3A_77 : vector<1x16xf32> to vector<16xf32>
      %get3A_79 = arith.index_cast %add3A_49 : i32 to index
      %get3A_80 = arith.constant 64 : index
      %get3A_81 = tpu.vector_load %arg9[%get3A_79, %get3A_80] {strides = array<i32>} : memref<128x128xf32, #tpu.memory_space<vmem>>, vector<1x16xf32>,
      %get3A_82 = vector.shape_cast %get3A_81 : vector<1x16xf32> to vector<16xf32>
      %get3A_83 = arith.index_cast %add3A_49 : i32 to index
      %get3A_84 = arith.constant 80 : index
      %get3A_85 = tpu.vector_load %arg9[%get3A_83, %get3A_84] {strides = array<i32>} : memref<128x128xf32, #tpu.memory_space<vmem>>, vector<1x16xf32>,
      %get3A_86 = vector.shape_cast %get3A_85 : vector<1x16xf32> to vector<16xf32>
      %get3A_87 = arith.index_cast %add3A_49 : i32 to index
      %get3A_88 = arith.constant 96 : index
      %get3A_89 = tpu.vector_load %arg9[%get3A_87, %get3A_88] {strides = array<i32>} : memref<128x128xf32, #tpu.memory_space<vmem>>, vector<1x16xf32>,
      %get3A_90 = vector.shape_cast %get3A_89 : vector<1x16xf32> to vector<16xf32>
      %get3A_91 = arith.index_cast %add3A_49 : i32 to index
      %get3A_92 = arith.constant 112 : index
      %get3A_93 = tpu.vector_load %arg9[%get3A_91, %get3A_92] {strides = array<i32>} : memref<128x128xf32, #tpu.memory_space<vmem>>, vector<1x16xf32>,
      %get3A_94 = vector.shape_cast %get3A_93 : vector<1x16xf32> to vector<16xf32>
      %eq3A = arith.constant 0 : i32
      %eq3A_95 = arith.cmpi eq, %shift_right_logical3A_62, %eq3A : i32
      %eq3A_96 = arith.constant 1 : i32
      %eq3A_97 = arith.cmpi eq, %shift_right_logical3A_62, %eq3A_96 : i32
      %eq3A_98 = arith.constant 2 : i32
      %eq3A_99 = arith.cmpi eq, %shift_right_logical3A_62, %eq3A_98 : i32
      %select_n3A = arith.select %eq3A_99, %get3A_82, %get3A_90 : vector<16xf32>
      %select_n3A_100 = arith.select %eq3A_97, %get3A_74, %select_n3A : vector<16xf32>
      %select_n3A_101 = arith.select %eq3A_95, %get3A_66, %select_n3A_100 : vector<16xf32>
      %eq3A_102 = arith.constant 0 : i32
      %eq3A_103 = arith.cmpi eq, %shift_right_logical3A_62, %eq3A_102 : i32
      %eq3A_104 = arith.constant 1 : i32
      %eq3A_105 = arith.cmpi eq, %shift_right_logical3A_62, %eq3A_104 : i32
      %eq3A_106 = arith.constant 2 : i32
      %eq3A_107 = arith.cmpi eq, %shift_right_logical3A_62, %eq3A_106 : i32
      %select_n3A_108 = arith.select %eq3A_107, %get3A_86, %get3A_94 : vector<16xf32>
      %select_n3A_109 = arith.select %eq3A_105, %get3A_78, %select_n3A_108 : vector<16xf32>
      %select_n3A_110 = arith.select %eq3A_103, %get3A_70, %select_n3A_109 : vector<16xf32>
      %swap3A = arith.index_cast %add3A_49 : i32 to index
      %swap3A_111 = arith.constant 0 : index
      %swap3A_112 = tpu.vector_load %arg10[%swap3A, %swap3A_111] {strides = array<i32>} : memref<128x32xf32, #tpu.memory_space<vmem>>, vector<1x16xf32>,
      %swap3A_113 = vector.shape_cast %swap3A_112 : vector<1x16xf32> to vector<16xf32>
      %swap3A_114 = vector.shape_cast %select_n3A_101 : vector<16xf32> to vector<1x16xf32>
      tpu.vector_store %arg10[%swap3A, %swap3A_111], %swap3A_114 {strides = array<i32>} : memref<128x32xf32, #tpu.memory_space<vmem>>, vector<1x16xf32>,
      %swap3A_115 = arith.index_cast %add3A_49 : i32 to index
      %swap3A_116 = arith.constant 16 : index
      %swap3A_117 = tpu.vector_load %arg10[%swap3A_115, %swap3A_116] {strides = array<i32>} : memref<128x32xf32, #tpu.memory_space<vmem>>, vector<1x16xf32>,
      %swap3A_118 = vector.shape_cast %swap3A_117 : vector<1x16xf32> to vector<16xf32>
      %swap3A_119 = vector.shape_cast %select_n3A_110 : vector<16xf32> to vector<1x16xf32>
      tpu.vector_store %arg10[%swap3A_115, %swap3A_116], %swap3A_119 {strides = array<i32>} : memref<128x32xf32, #tpu.memory_space<vmem>>, vector<1x16xf32>,
      %mul3A_120 = arith.constant 16 : i32
      %mul3A_121 = arith.muli %scan3A_41, %mul3A_120 : i32
      %add3A_122 = arith.constant 1 : i32
      %add3A_123 = arith.addi %mul3A_121, %add3A_122 : i32
      %slice3A_124 = vector.extract_strided_slice %get3A_45 {offsets = [1], sizes = [1], strides = [1]} : vector<16xi32> to vector<1xi32>
      %squeeze3A_125 = vector.extract %slice3A_124[0] : i32 from vector<1xi32>
      %shift_right_logical3A_126 = arith.constant 12 : i32
      %shift_right_logical3A_127 = arith.shrui %squeeze3A_125, %shift_right_logical3A_126 : i32
      %mul3A_128 = arith.constant 6554 : i32
      %mul3A_129 = arith.muli %shift_right_logical3A_127, %mul3A_128 : i32
      %shift_right_logical3A_130 = arith.constant 15 : i32
      %shift_right_logical3A_131 = arith.shrui %mul3A_129, %shift_right_logical3A_130 : i32
      %mul3A_132 = arith.constant 20480 : i32
      %mul3A_133 = arith.muli %shift_right_logical3A_131, %mul3A_132 : i32
      %sub3A_134 = arith.subi %squeeze3A_125, %mul3A_133 : i32
      %shift_right_logical3A_135 = arith.constant 10 : i32
      %shift_right_logical3A_136 = arith.shrui %sub3A_134, %shift_right_logical3A_135 : i32
      %mul3A_137 = arith.constant 6554 : i32
      %mul3A_138 = arith.muli %shift_right_logical3A_136, %mul3A_137 : i32
      %shift_right_logical3A_139 = arith.constant 15 : i32
      %shift_right_logical3A_140 = arith.shrui %mul3A_138, %shift_right_logical3A_139 : i32
      %get3A_141 = arith.index_cast %add3A_123 : i32 to index
      %get3A_142 = arith.constant 0 : index
      %get3A_143 = tpu.vector_load %arg9[%get3A_141, %get3A_142] {strides = array<i32>} : memref<128x128xf32, #tpu.memory_space<vmem>>, vector<1x16xf32>,
      %get3A_144 = vector.shape_cast %get3A_143 : vector<1x16xf32> to vector<16xf32>
      %get3A_145 = arith.index_cast %add3A_123 : i32 to index
      %get3A_146 = arith.constant 16 : index
      %get3A_147 = tpu.vector_load %arg9[%get3A_145, %get3A_146] {strides = array<i32>} : memref<128x128xf32, #tpu.memory_space<vmem>>, vector<1x16xf32>,
      %get3A_148 = vector.shape_cast %get3A_147 : vector<1x16xf32> to vector<16xf32>
      %get3A_149 = arith.index_cast %add3A_123 : i32 to index
      %get3A_150 = arith.constant 32 : index
      %get3A_151 = tpu.vector_load %arg9[%get3A_149, %get3A_150] {strides = array<i32>} : memref<128x128xf32, #tpu.memory_space<vmem>>, vector<1x16xf32>,
      %get3A_152 = vector.shape_cast %get3A_151 : vector<1x16xf32> to vector<16xf32>
      %get3A_153 = arith.index_cast %add3A_123 : i32 to index
      %get3A_154 = arith.constant 48 : index
      %get3A_155 = tpu.vector_load %arg9[%get3A_153, %get3A_154] {strides = array<i32>} : memref<128x128xf32, #tpu.memory_space<vmem>>, vector<1x16xf32>,
      %get3A_156 = vector.shape_cast %get3A_155 : vector<1x16xf32> to vector<16xf32>
      %get3A_157 = arith.index_cast %add3A_123 : i32 to index
      %get3A_158 = arith.constant 64 : index
      %get3A_159 = tpu.vector_load %arg9[%get3A_157, %get3A_158] {strides = array<i32>} : memref<128x128xf32, #tpu.memory_space<vmem>>, vector<1x16xf32>,
      %get3A_160 = vector.shape_cast %get3A_159 : vector<1x16xf32> to vector<16xf32>
      %get3A_161 = arith.index_cast %add3A_123 : i32 to index
      %get3A_162 = arith.constant 80 : index
      %get3A_163 = tpu.vector_load %arg9[%get3A_161, %get3A_162] {strides = array<i32>} : memref<128x128xf32, #tpu.memory_space<vmem>>, vector<1x16xf32>,
      %get3A_164 = vector.shape_cast %get3A_163 : vector<1x16xf32> to vector<16xf32>
      %get3A_165 = arith.index_cast %add3A_123 : i32 to index
      %get3A_166 = arith.constant 96 : index
      %get3A_167 = tpu.vector_load %arg9[%get3A_165, %get3A_166] {strides = array<i32>} : memref<128x128xf32, #tpu.memory_space<vmem>>, vector<1x16xf32>,
      %get3A_168 = vector.shape_cast %get3A_167 : vector<1x16xf32> to vector<16xf32>
      %get3A_169 = arith.index_cast %add3A_123 : i32 to index
      %get3A_170 = arith.constant 112 : index
      %get3A_171 = tpu.vector_load %arg9[%get3A_169, %get3A_170] {strides = array<i32>} : memref<128x128xf32, #tpu.memory_space<vmem>>, vector<1x16xf32>,
      %get3A_172 = vector.shape_cast %get3A_171 : vector<1x16xf32> to vector<16xf32>
      %eq3A_173 = arith.constant 0 : i32
      %eq3A_174 = arith.cmpi eq, %shift_right_logical3A_140, %eq3A_173 : i32
      %eq3A_175 = arith.constant 1 : i32
      %eq3A_176 = arith.cmpi eq, %shift_right_logical3A_140, %eq3A_175 : i32
      %eq3A_177 = arith.constant 2 : i32
      %eq3A_178 = arith.cmpi eq, %shift_right_logical3A_140, %eq3A_177 : i32
      %select_n3A_179 = arith.select %eq3A_178, %get3A_160, %get3A_168 : vector<16xf32>
      %select_n3A_180 = arith.select %eq3A_176, %get3A_152, %select_n3A_179 : vector<16xf32>
      %select_n3A_181 = arith.select %eq3A_174, %get3A_144, %select_n3A_180 : vector<16xf32>
      %eq3A_182 = arith.constant 0 : i32
      %eq3A_183 = arith.cmpi eq, %shift_right_logical3A_140, %eq3A_182 : i32
      %eq3A_184 = arith.constant 1 : i32
      %eq3A_185 = arith.cmpi eq, %shift_right_logical3A_140, %eq3A_184 : i32
      %eq3A_186 = arith.constant 2 : i32
      %eq3A_187 = arith.cmpi eq, %shift_right_logical3A_140, %eq3A_186 : i32
      %select_n3A_188 = arith.select %eq3A_187, %get3A_164, %get3A_172 : vector<16xf32>
      %select_n3A_189 = arith.select %eq3A_185, %get3A_156, %select_n3A_188 : vector<16xf32>
      %select_n3A_190 = arith.select %eq3A_183, %get3A_148, %select_n3A_189 : vector<16xf32>
      %swap3A_191 = arith.index_cast %add3A_123 : i32 to index
      %swap3A_192 = arith.constant 0 : index
      %swap3A_193 = tpu.vector_load %arg10[%swap3A_191, %swap3A_192] {strides = array<i32>} : memref<128x32xf32, #tpu.memory_space<vmem>>, vector<1x16xf32>,
      %swap3A_194 = vector.shape_cast %swap3A_193 : vector<1x16xf32> to vector<16xf32>
      %swap3A_195 = vector.shape_cast %select_n3A_181 : vector<16xf32> to vector<1x16xf32>
      tpu.vector_store %arg10[%swap3A_191, %swap3A_192], %swap3A_195 {strides = array<i32>} : memref<128x32xf32, #tpu.memory_space<vmem>>, vector<1x16xf32>,
      %swap3A_196 = arith.index_cast %add3A_123 : i32 to index
      %swap3A_197 = arith.constant 16 : index
      %swap3A_198 = tpu.vector_load %arg10[%swap3A_196, %swap3A_197] {strides = array<i32>} : memref<128x32xf32, #tpu.memory_space<vmem>>, vector<1x16xf32>,
      %swap3A_199 = vector.shape_cast %swap3A_198 : vector<1x16xf32> to vector<16xf32>
      %swap3A_200 = vector.shape_cast %select_n3A_190 : vector<16xf32> to vector<1x16xf32>
      tpu.vector_store %arg10[%swap3A_196, %swap3A_197], %swap3A_200 {strides = array<i32>} : memref<128x32xf32, #tpu.memory_space<vmem>>, vector<1x16xf32>,
      %mul3A_201 = arith.constant 16 : i32
      %mul3A_202 = arith.muli %scan3A_41, %mul3A_201 : i32
      %add3A_203 = arith.constant 2 : i32
      %add3A_204 = arith.addi %mul3A_202, %add3A_203 : i32
      %slice3A_205 = vector.extract_strided_slice %get3A_45 {offsets = [2], sizes = [1], strides = [1]} : vector<16xi32> to vector<1xi32>
      %squeeze3A_206 = vector.extract %slice3A_205[0] : i32 from vector<1xi32>
      %shift_right_logical3A_207 = arith.constant 12 : i32
      %shift_right_logical3A_208 = arith.shrui %squeeze3A_206, %shift_right_logical3A_207 : i32
      %mul3A_209 = arith.constant 6554 : i32
      %mul3A_210 = arith.muli %shift_right_logical3A_208, %mul3A_209 : i32
      %shift_right_logical3A_211 = arith.constant 15 : i32
      %shift_right_logical3A_212 = arith.shrui %mul3A_210, %shift_right_logical3A_211 : i32
      %mul3A_213 = arith.constant 20480 : i32
      %mul3A_214 = arith.muli %shift_right_logical3A_212, %mul3A_213 : i32
      %sub3A_215 = arith.subi %squeeze3A_206, %mul3A_214 : i32
      %shift_right_logical3A_216 = arith.constant 10 : i32
      %shift_right_logical3A_217 = arith.shrui %sub3A_215, %shift_right_logical3A_216 : i32
      %mul3A_218 = arith.constant 6554 : i32
      %mul3A_219 = arith.muli %shift_right_logical3A_217, %mul3A_218 : i32
      %shift_right_logical3A_220 = arith.constant 15 : i32
      %shift_right_logical3A_221 = arith.shrui %mul3A_219, %shift_right_logical3A_220 : i32
      %get3A_222 = arith.index_cast %add3A_204 : i32 to index
      %get3A_223 = arith.constant 0 : index
      %get3A_224 = tpu.vector_load %arg9[%get3A_222, %get3A_223] {strides = array<i32>} : memref<128x128xf32, #tpu.memory_space<vmem>>, vector<1x16xf32>,
      %get3A_225 = vector.shape_cast %get3A_224 : vector<1x16xf32> to vector<16xf32>
      %get3A_226 = arith.index_cast %add3A_204 : i32 to index
      %get3A_227 = arith.constant 16 : index
      %get3A_228 = tpu.vector_load %arg9[%get3A_226, %get3A_227] {strides = array<i32>} : memref<128x128xf32, #tpu.memory_space<vmem>>, vector<1x16xf32>,
      %get3A_229 = vector.shape_cast %get3A_228 : vector<1x16xf32> to vector<16xf32>
      %get3A_230 = arith.index_cast %add3A_204 : i32 to index
      %get3A_231 = arith.constant 32 : index
      %get3A_232 = tpu.vector_load %arg9[%get3A_230, %get3A_231] {strides = array<i32>} : memref<128x128xf32, #tpu.memory_space<vmem>>, vector<1x16xf32>,
      %get3A_233 = vector.shape_cast %get3A_232 : vector<1x16xf32> to vector<16xf32>
      %get3A_234 = arith.index_cast %add3A_204 : i32 to index
      %get3A_235 = arith.constant 48 : index
      %get3A_236 = tpu.vector_load %arg9[%get3A_234, %get3A_235] {strides = array<i32>} : memref<128x128xf32, #tpu.memory_space<vmem>>, vector<1x16xf32>,
      %get3A_237 = vector.shape_cast %get3A_236 : vector<1x16xf32> to vector<16xf32>
      %get3A_238 = arith.index_cast %add3A_204 : i32 to index
      %get3A_239 = arith.constant 64 : index
      %get3A_240 = tpu.vector_load %arg9[%get3A_238, %get3A_239] {strides = array<i32>} : memref<128x128xf32, #tpu.memory_space<vmem>>, vector<1x16xf32>,
      %get3A_241 = vector.shape_cast %get3A_240 : vector<1x16xf32> to vector<16xf32>
      %get3A_242 = arith.index_cast %add3A_204 : i32 to index
      %get3A_243 = arith.constant 80 : index
      %get3A_244 = tpu.vector_load %arg9[%get3A_242, %get3A_243] {strides = array<i32>} : memref<128x128xf32, #tpu.memory_space<vmem>>, vector<1x16xf32>,
      %get3A_245 = vector.shape_cast %get3A_244 : vector<1x16xf32> to vector<16xf32>
      %get3A_246 = arith.index_cast %add3A_204 : i32 to index
      %get3A_247 = arith.constant 96 : index
      %get3A_248 = tpu.vector_load %arg9[%get3A_246, %get3A_247] {strides = array<i32>} : memref<128x128xf32, #tpu.memory_space<vmem>>, vector<1x16xf32>,
      %get3A_249 = vector.shape_cast %get3A_248 : vector<1x16xf32> to vector<16xf32>
      %get3A_250 = arith.index_cast %add3A_204 : i32 to index
      %get3A_251 = arith.constant 112 : index
      %get3A_252 = tpu.vector_load %arg9[%get3A_250, %get3A_251] {strides = array<i32>} : memref<128x128xf32, #tpu.memory_space<vmem>>, vector<1x16xf32>,
      %get3A_253 = vector.shape_cast %get3A_252 : vector<1x16xf32> to vector<16xf32>
      %eq3A_254 = arith.constant 0 : i32
      %eq3A_255 = arith.cmpi eq, %shift_right_logical3A_221, %eq3A_254 : i32
      %eq3A_256 = arith.constant 1 : i32
      %eq3A_257 = arith.cmpi eq, %shift_right_logical3A_221, %eq3A_256 : i32
      %eq3A_258 = arith.constant 2 : i32
      %eq3A_259 = arith.cmpi eq, %shift_right_logical3A_221, %eq3A_258 : i32
      %select_n3A_260 = arith.select %eq3A_259, %get3A_241, %get3A_249 : vector<16xf32>
      %select_n3A_261 = arith.select %eq3A_257, %get3A_233, %select_n3A_260 : vector<16xf32>
      %select_n3A_262 = arith.select %eq3A_255, %get3A_225, %select_n3A_261 : vector<16xf32>
      %eq3A_263 = arith.constant 0 : i32
      %eq3A_264 = arith.cmpi eq, %shift_right_logical3A_221, %eq3A_263 : i32
      %eq3A_265 = arith.constant 1 : i32
      %eq3A_266 = arith.cmpi eq, %shift_right_logical3A_221, %eq3A_265 : i32
      %eq3A_267 = arith.constant 2 : i32
      %eq3A_268 = arith.cmpi eq, %shift_right_logical3A_221, %eq3A_267 : i32
      %select_n3A_269 = arith.select %eq3A_268, %get3A_245, %get3A_253 : vector<16xf32>
      %select_n3A_270 = arith.select %eq3A_266, %get3A_237, %select_n3A_269 : vector<16xf32>
      %select_n3A_271 = arith.select %eq3A_264, %get3A_229, %select_n3A_270 : vector<16xf32>
      %swap3A_272 = arith.index_cast %add3A_204 : i32 to index
      %swap3A_273 = arith.constant 0 : index
      %swap3A_274 = tpu.vector_load %arg10[%swap3A_272, %swap3A_273] {strides = array<i32>} : memref<128x32xf32, #tpu.memory_space<vmem>>, vector<1x16xf32>,
      %swap3A_275 = vector.shape_cast %swap3A_274 : vector<1x16xf32> to vector<16xf32>
      %swap3A_276 = vector.shape_cast %select_n3A_262 : vector<16xf32> to vector<1x16xf32>
      tpu.vector_store %arg10[%swap3A_272, %swap3A_273], %swap3A_276 {strides = array<i32>} : memref<128x32xf32, #tpu.memory_space<vmem>>, vector<1x16xf32>,
      %swap3A_277 = arith.index_cast %add3A_204 : i32 to index
      %swap3A_278 = arith.constant 16 : index
      %swap3A_279 = tpu.vector_load %arg10[%swap3A_277, %swap3A_278] {strides = array<i32>} : memref<128x32xf32, #tpu.memory_space<vmem>>, vector<1x16xf32>,
      %swap3A_280 = vector.shape_cast %swap3A_279 : vector<1x16xf32> to vector<16xf32>
      %swap3A_281 = vector.shape_cast %select_n3A_271 : vector<16xf32> to vector<1x16xf32>
      tpu.vector_store %arg10[%swap3A_277, %swap3A_278], %swap3A_281 {strides = array<i32>} : memref<128x32xf32, #tpu.memory_space<vmem>>, vector<1x16xf32>,
      %mul3A_282 = arith.constant 16 : i32
      %mul3A_283 = arith.muli %scan3A_41, %mul3A_282 : i32
      %add3A_284 = arith.constant 3 : i32
      %add3A_285 = arith.addi %mul3A_283, %add3A_284 : i32
      %slice3A_286 = vector.extract_strided_slice %get3A_45 {offsets = [3], sizes = [1], strides = [1]} : vector<16xi32> to vector<1xi32>
      %squeeze3A_287 = vector.extract %slice3A_286[0] : i32 from vector<1xi32>
      %shift_right_logical3A_288 = arith.constant 12 : i32
      %shift_right_logical3A_289 = arith.shrui %squeeze3A_287, %shift_right_logical3A_288 : i32
      %mul3A_290 = arith.constant 6554 : i32
      %mul3A_291 = arith.muli %shift_right_logical3A_289, %mul3A_290 : i32
      %shift_right_logical3A_292 = arith.constant 15 : i32
      %shift_right_logical3A_293 = arith.shrui %mul3A_291, %shift_right_logical3A_292 : i32
      %mul3A_294 = arith.constant 20480 : i32
      %mul3A_295 = arith.muli %shift_right_logical3A_293, %mul3A_294 : i32
      %sub3A_296 = arith.subi %squeeze3A_287, %mul3A_295 : i32
      %shift_right_logical3A_297 = arith.constant 10 : i32
      %shift_right_logical3A_298 = arith.shrui %sub3A_296, %shift_right_logical3A_297 : i32
      %mul3A_299 = arith.constant 6554 : i32
      %mul3A_300 = arith.muli %shift_right_logical3A_298, %mul3A_299 : i32
      %shift_right_logical3A_301 = arith.constant 15 : i32
      %shift_right_logical3A_302 = arith.shrui %mul3A_300, %shift_right_logical3A_301 : i32
      %get3A_303 = arith.index_cast %add3A_285 : i32 to index
      %get3A_304 = arith.constant 0 : index
      %get3A_305 = tpu.vector_load %arg9[%get3A_303, %get3A_304] {strides = array<i32>} : memref<128x128xf32, #tpu.memory_space<vmem>>, vector<1x16xf32>,
      %get3A_306 = vector.shape_cast %get3A_305 : vector<1x16xf32> to vector<16xf32>
      %get3A_307 = arith.index_cast %add3A_285 : i32 to index
      %get3A_308 = arith.constant 16 : index
      %get3A_309 = tpu.vector_load %arg9[%get3A_307, %get3A_308] {strides = array<i32>} : memref<128x128xf32, #tpu.memory_space<vmem>>, vector<1x16xf32>,
      %get3A_310 = vector.shape_cast %get3A_309 : vector<1x16xf32> to vector<16xf32>
      %get3A_311 = arith.index_cast %add3A_285 : i32 to index
      %get3A_312 = arith.constant 32 : index
      %get3A_313 = tpu.vector_load %arg9[%get3A_311, %get3A_312] {strides = array<i32>} : memref<128x128xf32, #tpu.memory_space<vmem>>, vector<1x16xf32>,
      %get3A_314 = vector.shape_cast %get3A_313 : vector<1x16xf32> to vector<16xf32>
      %get3A_315 = arith.index_cast %add3A_285 : i32 to index
      %get3A_316 = arith.constant 48 : index
      %get3A_317 = tpu.vector_load %arg9[%get3A_315, %get3A_316] {strides = array<i32>} : memref<128x128xf32, #tpu.memory_space<vmem>>, vector<1x16xf32>,
      %get3A_318 = vector.shape_cast %get3A_317 : vector<1x16xf32> to vector<16xf32>
      %get3A_319 = arith.index_cast %add3A_285 : i32 to index
      %get3A_320 = arith.constant 64 : index
      %get3A_321 = tpu.vector_load %arg9[%get3A_319, %get3A_320] {strides = array<i32>} : memref<128x128xf32, #tpu.memory_space<vmem>>, vector<1x16xf32>,
      %get3A_322 = vector.shape_cast %get3A_321 : vector<1x16xf32> to vector<16xf32>
      %get3A_323 = arith.index_cast %add3A_285 : i32 to index
      %get3A_324 = arith.constant 80 : index
      %get3A_325 = tpu.vector_load %arg9[%get3A_323, %get3A_324] {strides = array<i32>} : memref<128x128xf32, #tpu.memory_space<vmem>>, vector<1x16xf32>,
      %get3A_326 = vector.shape_cast %get3A_325 : vector<1x16xf32> to vector<16xf32>
      %get3A_327 = arith.index_cast %add3A_285 : i32 to index
      %get3A_328 = arith.constant 96 : index
      %get3A_329 = tpu.vector_load %arg9[%get3A_327, %get3A_328] {strides = array<i32>} : memref<128x128xf32, #tpu.memory_space<vmem>>, vector<1x16xf32>,
      %get3A_330 = vector.shape_cast %get3A_329 : vector<1x16xf32> to vector<16xf32>
      %get3A_331 = arith.index_cast %add3A_285 : i32 to index
      %get3A_332 = arith.constant 112 : index
      %get3A_333 = tpu.vector_load %arg9[%get3A_331, %get3A_332] {strides = array<i32>} : memref<128x128xf32, #tpu.memory_space<vmem>>, vector<1x16xf32>,
      %get3A_334 = vector.shape_cast %get3A_333 : vector<1x16xf32> to vector<16xf32>
      %eq3A_335 = arith.constant 0 : i32
      %eq3A_336 = arith.cmpi eq, %shift_right_logical3A_302, %eq3A_335 : i32
      %eq3A_337 = arith.constant 1 : i32
      %eq3A_338 = arith.cmpi eq, %shift_right_logical3A_302, %eq3A_337 : i32
      %eq3A_339 = arith.constant 2 : i32
      %eq3A_340 = arith.cmpi eq, %shift_right_logical3A_302, %eq3A_339 : i32
      %select_n3A_341 = arith.select %eq3A_340, %get3A_322, %get3A_330 : vector<16xf32>
      %select_n3A_342 = arith.select %eq3A_338, %get3A_314, %select_n3A_341 : vector<16xf32>
      %select_n3A_343 = arith.select %eq3A_336, %get3A_306, %select_n3A_342 : vector<16xf32>
      %eq3A_344 = arith.constant 0 : i32
      %eq3A_345 = arith.cmpi eq, %shift_right_logical3A_302, %eq3A_344 : i32
      %eq3A_346 = arith.constant 1 : i32
      %eq3A_347 = arith.cmpi eq, %shift_right_logical3A_302, %eq3A_346 : i32
      %eq3A_348 = arith.constant 2 : i32
      %eq3A_349 = arith.cmpi eq, %shift_right_logical3A_302, %eq3A_348 : i32
      %select_n3A_350 = arith.select %eq3A_349, %get3A_326, %get3A_334 : vector<16xf32>
      %select_n3A_351 = arith.select %eq3A_347, %get3A_318, %select_n3A_350 : vector<16xf32>
      %select_n3A_352 = arith.select %eq3A_345, %get3A_310, %select_n3A_351 : vector<16xf32>
      %swap3A_353 = arith.index_cast %add3A_285 : i32 to index
      %swap3A_354 = arith.constant 0 : index
      %swap3A_355 = tpu.vector_load %arg10[%swap3A_353, %swap3A_354] {strides = array<i32>} : memref<128x32xf32, #tpu.memory_space<vmem>>, vector<1x16xf32>,
      %swap3A_356 = vector.shape_cast %swap3A_355 : vector<1x16xf32> to vector<16xf32>
      %swap3A_357 = vector.shape_cast %select_n3A_343 : vector<16xf32> to vector<1x16xf32>
      tpu.vector_store %arg10[%swap3A_353, %swap3A_354], %swap3A_357 {strides = array<i32>} : memref<128x32xf32, #tpu.memory_space<vmem>>, vector<1x16xf32>,
      %swap3A_358 = arith.index_cast %add3A_285 : i32 to index
      %swap3A_359 = arith.constant 16 : index
      %swap3A_360 = tpu.vector_load %arg10[%swap3A_358, %swap3A_359] {strides = array<i32>} : memref<128x32xf32, #tpu.memory_space<vmem>>, vector<1x16xf32>,
      %swap3A_361 = vector.shape_cast %swap3A_360 : vector<1x16xf32> to vector<16xf32>
      %swap3A_362 = vector.shape_cast %select_n3A_352 : vector<16xf32> to vector<1x16xf32>
      tpu.vector_store %arg10[%swap3A_358, %swap3A_359], %swap3A_362 {strides = array<i32>} : memref<128x32xf32, #tpu.memory_space<vmem>>, vector<1x16xf32>,
      %mul3A_363 = arith.constant 16 : i32
      %mul3A_364 = arith.muli %scan3A_41, %mul3A_363 : i32
      %add3A_365 = arith.constant 4 : i32
      %add3A_366 = arith.addi %mul3A_364, %add3A_365 : i32
      %slice3A_367 = vector.extract_strided_slice %get3A_45 {offsets = [4], sizes = [1], strides = [1]} : vector<16xi32> to vector<1xi32>
      %squeeze3A_368 = vector.extract %slice3A_367[0] : i32 from vector<1xi32>
      %shift_right_logical3A_369 = arith.constant 12 : i32
      %shift_right_logical3A_370 = arith.shrui %squeeze3A_368, %shift_right_logical3A_369 : i32
      %mul3A_371 = arith.constant 6554 : i32
      %mul3A_372 = arith.muli %shift_right_logical3A_370, %mul3A_371 : i32
      %shift_right_logical3A_373 = arith.constant 15 : i32
      %shift_right_logical3A_374 = arith.shrui %mul3A_372, %shift_right_logical3A_373 : i32
      %mul3A_375 = arith.constant 20480 : i32
      %mul3A_376 = arith.muli %shift_right_logical3A_374, %mul3A_375 : i32
      %sub3A_377 = arith.subi %squeeze3A_368, %mul3A_376 : i32
      %shift_right_logical3A_378 = arith.constant 10 : i32
      %shift_right_logical3A_379 = arith.shrui %sub3A_377, %shift_right_logical3A_378 : i32
      %mul3A_380 = arith.constant 6554 : i32
      %mul3A_381 = arith.muli %shift_right_logical3A_379, %mul3A_380 : i32
      %shift_right_logical3A_382 = arith.constant 15 : i32
      %shift_right_logical3A_383 = arith.shrui %mul3A_381, %shift_right_logical3A_382 : i32
      %get3A_384 = arith.index_cast %add3A_366 : i32 to index
      %get3A_385 = arith.constant 0 : index
      %get3A_386 = tpu.vector_load %arg9[%get3A_384, %get3A_385] {strides = array<i32>} : memref<128x128xf32, #tpu.memory_space<vmem>>, vector<1x16xf32>,
      %get3A_387 = vector.shape_cast %get3A_386 : vector<1x16xf32> to vector<16xf32>
      %get3A_388 = arith.index_cast %add3A_366 : i32 to index
      %get3A_389 = arith.constant 16 : index
      %get3A_390 = tpu.vector_load %arg9[%get3A_388, %get3A_389] {strides = array<i32>} : memref<128x128xf32, #tpu.memory_space<vmem>>, vector<1x16xf32>,
      %get3A_391 = vector.shape_cast %get3A_390 : vector<1x16xf32> to vector<16xf32>
      %get3A_392 = arith.index_cast %add3A_366 : i32 to index
      %get3A_393 = arith.constant 32 : index
      %get3A_394 = tpu.vector_load %arg9[%get3A_392, %get3A_393] {strides = array<i32>} : memref<128x128xf32, #tpu.memory_space<vmem>>, vector<1x16xf32>,
      %get3A_395 = vector.shape_cast %get3A_394 : vector<1x16xf32> to vector<16xf32>
      %get3A_396 = arith.index_cast %add3A_366 : i32 to index
      %get3A_397 = arith.constant 48 : index
      %get3A_398 = tpu.vector_load %arg9[%get3A_396, %get3A_397] {strides = array<i32>} : memref<128x128xf32, #tpu.memory_space<vmem>>, vector<1x16xf32>,
      %get3A_399 = vector.shape_cast %get3A_398 : vector<1x16xf32> to vector<16xf32>
      %get3A_400 = arith.index_cast %add3A_366 : i32 to index
      %get3A_401 = arith.constant 64 : index
      %get3A_402 = tpu.vector_load %arg9[%get3A_400, %get3A_401] {strides = array<i32>} : memref<128x128xf32, #tpu.memory_space<vmem>>, vector<1x16xf32>,
      %get3A_403 = vector.shape_cast %get3A_402 : vector<1x16xf32> to vector<16xf32>
      %get3A_404 = arith.index_cast %add3A_366 : i32 to index
      %get3A_405 = arith.constant 80 : index
      %get3A_406 = tpu.vector_load %arg9[%get3A_404, %get3A_405] {strides = array<i32>} : memref<128x128xf32, #tpu.memory_space<vmem>>, vector<1x16xf32>,
      %get3A_407 = vector.shape_cast %get3A_406 : vector<1x16xf32> to vector<16xf32>
      %get3A_408 = arith.index_cast %add3A_366 : i32 to index
      %get3A_409 = arith.constant 96 : index
      %get3A_410 = tpu.vector_load %arg9[%get3A_408, %get3A_409] {strides = array<i32>} : memref<128x128xf32, #tpu.memory_space<vmem>>, vector<1x16xf32>,
      %get3A_411 = vector.shape_cast %get3A_410 : vector<1x16xf32> to vector<16xf32>
      %get3A_412 = arith.index_cast %add3A_366 : i32 to index
      %get3A_413 = arith.constant 112 : index
      %get3A_414 = tpu.vector_load %arg9[%get3A_412, %get3A_413] {strides = array<i32>} : memref<128x128xf32, #tpu.memory_space<vmem>>, vector<1x16xf32>,
      %get3A_415 = vector.shape_cast %get3A_414 : vector<1x16xf32> to vector<16xf32>
      %eq3A_416 = arith.constant 0 : i32
      %eq3A_417 = arith.cmpi eq, %shift_right_logical3A_383, %eq3A_416 : i32
      %eq3A_418 = arith.constant 1 : i32
      %eq3A_419 = arith.cmpi eq, %shift_right_logical3A_383, %eq3A_418 : i32
      %eq3A_420 = arith.constant 2 : i32
      %eq3A_421 = arith.cmpi eq, %shift_right_logical3A_383, %eq3A_420 : i32
      %select_n3A_422 = arith.select %eq3A_421, %get3A_403, %get3A_411 : vector<16xf32>
      %select_n3A_423 = arith.select %eq3A_419, %get3A_395, %select_n3A_422 : vector<16xf32>
      %select_n3A_424 = arith.select %eq3A_417, %get3A_387, %select_n3A_423 : vector<16xf32>
      %eq3A_425 = arith.constant 0 : i32
      %eq3A_426 = arith.cmpi eq, %shift_right_logical3A_383, %eq3A_425 : i32
      %eq3A_427 = arith.constant 1 : i32
      %eq3A_428 = arith.cmpi eq, %shift_right_logical3A_383, %eq3A_427 : i32
      %eq3A_429 = arith.constant 2 : i32
      %eq3A_430 = arith.cmpi eq, %shift_right_logical3A_383, %eq3A_429 : i32
      %select_n3A_431 = arith.select %eq3A_430, %get3A_407, %get3A_415 : vector<16xf32>
      %select_n3A_432 = arith.select %eq3A_428, %get3A_399, %select_n3A_431 : vector<16xf32>
      %select_n3A_433 = arith.select %eq3A_426, %get3A_391, %select_n3A_432 : vector<16xf32>
      %swap3A_434 = arith.index_cast %add3A_366 : i32 to index
      %swap3A_435 = arith.constant 0 : index
      %swap3A_436 = tpu.vector_load %arg10[%swap3A_434, %swap3A_435] {strides = array<i32>} : memref<128x32xf32, #tpu.memory_space<vmem>>, vector<1x16xf32>,
      %swap3A_437 = vector.shape_cast %swap3A_436 : vector<1x16xf32> to vector<16xf32>
      %swap3A_438 = vector.shape_cast %select_n3A_424 : vector<16xf32> to vector<1x16xf32>
      tpu.vector_store %arg10[%swap3A_434, %swap3A_435], %swap3A_438 {strides = array<i32>} : memref<128x32xf32, #tpu.memory_space<vmem>>, vector<1x16xf32>,
      %swap3A_439 = arith.index_cast %add3A_366 : i32 to index
      %swap3A_440 = arith.constant 16 : index
      %swap3A_441 = tpu.vector_load %arg10[%swap3A_439, %swap3A_440] {strides = array<i32>} : memref<128x32xf32, #tpu.memory_space<vmem>>, vector<1x16xf32>,
      %swap3A_442 = vector.shape_cast %swap3A_441 : vector<1x16xf32> to vector<16xf32>
      %swap3A_443 = vector.shape_cast %select_n3A_433 : vector<16xf32> to vector<1x16xf32>
      tpu.vector_store %arg10[%swap3A_439, %swap3A_440], %swap3A_443 {strides = array<i32>} : memref<128x32xf32, #tpu.memory_space<vmem>>, vector<1x16xf32>,
      %mul3A_444 = arith.constant 16 : i32
      %mul3A_445 = arith.muli %scan3A_41, %mul3A_444 : i32
      %add3A_446 = arith.constant 5 : i32
      %add3A_447 = arith.addi %mul3A_445, %add3A_446 : i32
      %slice3A_448 = vector.extract_strided_slice %get3A_45 {offsets = [5], sizes = [1], strides = [1]} : vector<16xi32> to vector<1xi32>
      %squeeze3A_449 = vector.extract %slice3A_448[0] : i32 from vector<1xi32>
      %shift_right_logical3A_450 = arith.constant 12 : i32
      %shift_right_logical3A_451 = arith.shrui %squeeze3A_449, %shift_right_logical3A_450 : i32
      %mul3A_452 = arith.constant 6554 : i32
      %mul3A_453 = arith.muli %shift_right_logical3A_451, %mul3A_452 : i32
      %shift_right_logical3A_454 = arith.constant 15 : i32
      %shift_right_logical3A_455 = arith.shrui %mul3A_453, %shift_right_logical3A_454 : i32
      %mul3A_456 = arith.constant 20480 : i32
      %mul3A_457 = arith.muli %shift_right_logical3A_455, %mul3A_456 : i32
      %sub3A_458 = arith.subi %squeeze3A_449, %mul3A_457 : i32
      %shift_right_logical3A_459 = arith.constant 10 : i32
      %shift_right_logical3A_460 = arith.shrui %sub3A_458, %shift_right_logical3A_459 : i32
      %mul3A_461 = arith.constant 6554 : i32
      %mul3A_462 = arith.muli %shift_right_logical3A_460, %mul3A_461 : i32
      %shift_right_logical3A_463 = arith.constant 15 : i32
      %shift_right_logical3A_464 = arith.shrui %mul3A_462, %shift_right_logical3A_463 : i32
      %get3A_465 = arith.index_cast %add3A_447 : i32 to index
      %get3A_466 = arith.constant 0 : index
      %get3A_467 = tpu.vector_load %arg9[%get3A_465, %get3A_466] {strides = array<i32>} : memref<128x128xf32, #tpu.memory_space<vmem>>, vector<1x16xf32>,
      %get3A_468 = vector.shape_cast %get3A_467 : vector<1x16xf32> to vector<16xf32>
      %get3A_469 = arith.index_cast %add3A_447 : i32 to index
      %get3A_470 = arith.constant 16 : index
      %get3A_471 = tpu.vector_load %arg9[%get3A_469, %get3A_470] {strides = array<i32>} : memref<128x128xf32, #tpu.memory_space<vmem>>, vector<1x16xf32>,
      %get3A_472 = vector.shape_cast %get3A_471 : vector<1x16xf32> to vector<16xf32>
      %get3A_473 = arith.index_cast %add3A_447 : i32 to index
      %get3A_474 = arith.constant 32 : index
      %get3A_475 = tpu.vector_load %arg9[%get3A_473, %get3A_474] {strides = array<i32>} : memref<128x128xf32, #tpu.memory_space<vmem>>, vector<1x16xf32>,
      %get3A_476 = vector.shape_cast %get3A_475 : vector<1x16xf32> to vector<16xf32>
      %get3A_477 = arith.index_cast %add3A_447 : i32 to index
      %get3A_478 = arith.constant 48 : index
      %get3A_479 = tpu.vector_load %arg9[%get3A_477, %get3A_478] {strides = array<i32>} : memref<128x128xf32, #tpu.memory_space<vmem>>, vector<1x16xf32>,
      %get3A_480 = vector.shape_cast %get3A_479 : vector<1x16xf32> to vector<16xf32>
      %get3A_481 = arith.index_cast %add3A_447 : i32 to index
      %get3A_482 = arith.constant 64 : index
      %get3A_483 = tpu.vector_load %arg9[%get3A_481, %get3A_482] {strides = array<i32>} : memref<128x128xf32, #tpu.memory_space<vmem>>, vector<1x16xf32>,
      %get3A_484 = vector.shape_cast %get3A_483 : vector<1x16xf32> to vector<16xf32>
      %get3A_485 = arith.index_cast %add3A_447 : i32 to index
      %get3A_486 = arith.constant 80 : index
      %get3A_487 = tpu.vector_load %arg9[%get3A_485, %get3A_486] {strides = array<i32>} : memref<128x128xf32, #tpu.memory_space<vmem>>, vector<1x16xf32>,
      %get3A_488 = vector.shape_cast %get3A_487 : vector<1x16xf32> to vector<16xf32>
      %get3A_489 = arith.index_cast %add3A_447 : i32 to index
      %get3A_490 = arith.constant 96 : index
      %get3A_491 = tpu.vector_load %arg9[%get3A_489, %get3A_490] {strides = array<i32>} : memref<128x128xf32, #tpu.memory_space<vmem>>, vector<1x16xf32>,
      %get3A_492 = vector.shape_cast %get3A_491 : vector<1x16xf32> to vector<16xf32>
      %get3A_493 = arith.index_cast %add3A_447 : i32 to index
      %get3A_494 = arith.constant 112 : index
      %get3A_495 = tpu.vector_load %arg9[%get3A_493, %get3A_494] {strides = array<i32>} : memref<128x128xf32, #tpu.memory_space<vmem>>, vector<1x16xf32>,
      %get3A_496 = vector.shape_cast %get3A_495 : vector<1x16xf32> to vector<16xf32>
      %eq3A_497 = arith.constant 0 : i32
      %eq3A_498 = arith.cmpi eq, %shift_right_logical3A_464, %eq3A_497 : i32
      %eq3A_499 = arith.constant 1 : i32
      %eq3A_500 = arith.cmpi eq, %shift_right_logical3A_464, %eq3A_499 : i32
      %eq3A_501 = arith.constant 2 : i32
      %eq3A_502 = arith.cmpi eq, %shift_right_logical3A_464, %eq3A_501 : i32
      %select_n3A_503 = arith.select %eq3A_502, %get3A_484, %get3A_492 : vector<16xf32>
      %select_n3A_504 = arith.select %eq3A_500, %get3A_476, %select_n3A_503 : vector<16xf32>
      %select_n3A_505 = arith.select %eq3A_498, %get3A_468, %select_n3A_504 : vector<16xf32>
      %eq3A_506 = arith.constant 0 : i32
      %eq3A_507 = arith.cmpi eq, %shift_right_logical3A_464, %eq3A_506 : i32
      %eq3A_508 = arith.constant 1 : i32
      %eq3A_509 = arith.cmpi eq, %shift_right_logical3A_464, %eq3A_508 : i32
      %eq3A_510 = arith.constant 2 : i32
      %eq3A_511 = arith.cmpi eq, %shift_right_logical3A_464, %eq3A_510 : i32
      %select_n3A_512 = arith.select %eq3A_511, %get3A_488, %get3A_496 : vector<16xf32>
      %select_n3A_513 = arith.select %eq3A_509, %get3A_480, %select_n3A_512 : vector<16xf32>
      %select_n3A_514 = arith.select %eq3A_507, %get3A_472, %select_n3A_513 : vector<16xf32>
      %swap3A_515 = arith.index_cast %add3A_447 : i32 to index
      %swap3A_516 = arith.constant 0 : index
      %swap3A_517 = tpu.vector_load %arg10[%swap3A_515, %swap3A_516] {strides = array<i32>} : memref<128x32xf32, #tpu.memory_space<vmem>>, vector<1x16xf32>,
      %swap3A_518 = vector.shape_cast %swap3A_517 : vector<1x16xf32> to vector<16xf32>
      %swap3A_519 = vector.shape_cast %select_n3A_505 : vector<16xf32> to vector<1x16xf32>
      tpu.vector_store %arg10[%swap3A_515, %swap3A_516], %swap3A_519 {strides = array<i32>} : memref<128x32xf32, #tpu.memory_space<vmem>>, vector<1x16xf32>,
      %swap3A_520 = arith.index_cast %add3A_447 : i32 to index
      %swap3A_521 = arith.constant 16 : index
      %swap3A_522 = tpu.vector_load %arg10[%swap3A_520, %swap3A_521] {strides = array<i32>} : memref<128x32xf32, #tpu.memory_space<vmem>>, vector<1x16xf32>,
      %swap3A_523 = vector.shape_cast %swap3A_522 : vector<1x16xf32> to vector<16xf32>
      %swap3A_524 = vector.shape_cast %select_n3A_514 : vector<16xf32> to vector<1x16xf32>
      tpu.vector_store %arg10[%swap3A_520, %swap3A_521], %swap3A_524 {strides = array<i32>} : memref<128x32xf32, #tpu.memory_space<vmem>>, vector<1x16xf32>,
      %mul3A_525 = arith.constant 16 : i32
      %mul3A_526 = arith.muli %scan3A_41, %mul3A_525 : i32
      %add3A_527 = arith.constant 6 : i32
      %add3A_528 = arith.addi %mul3A_526, %add3A_527 : i32
      %slice3A_529 = vector.extract_strided_slice %get3A_45 {offsets = [6], sizes = [1], strides = [1]} : vector<16xi32> to vector<1xi32>
      %squeeze3A_530 = vector.extract %slice3A_529[0] : i32 from vector<1xi32>
      %shift_right_logical3A_531 = arith.constant 12 : i32
      %shift_right_logical3A_532 = arith.shrui %squeeze3A_530, %shift_right_logical3A_531 : i32
      %mul3A_533 = arith.constant 6554 : i32
      %mul3A_534 = arith.muli %shift_right_logical3A_532, %mul3A_533 : i32
      %shift_right_logical3A_535 = arith.constant 15 : i32
      %shift_right_logical3A_536 = arith.shrui %mul3A_534, %shift_right_logical3A_535 : i32
      %mul3A_537 = arith.constant 20480 : i32
      %mul3A_538 = arith.muli %shift_right_logical3A_536, %mul3A_537 : i32
      %sub3A_539 = arith.subi %squeeze3A_530, %mul3A_538 : i32
      %shift_right_logical3A_540 = arith.constant 10 : i32
      %shift_right_logical3A_541 = arith.shrui %sub3A_539, %shift_right_logical3A_540 : i32
      %mul3A_542 = arith.constant 6554 : i32
      %mul3A_543 = arith.muli %shift_right_logical3A_541, %mul3A_542 : i32
      %shift_right_logical3A_544 = arith.constant 15 : i32
      %shift_right_logical3A_545 = arith.shrui %mul3A_543, %shift_right_logical3A_544 : i32
      %get3A_546 = arith.index_cast %add3A_528 : i32 to index
      %get3A_547 = arith.constant 0 : index
      %get3A_548 = tpu.vector_load %arg9[%get3A_546, %get3A_547] {strides = array<i32>} : memref<128x128xf32, #tpu.memory_space<vmem>>, vector<1x16xf32>,
      %get3A_549 = vector.shape_cast %get3A_548 : vector<1x16xf32> to vector<16xf32>
      %get3A_550 = arith.index_cast %add3A_528 : i32 to index
      %get3A_551 = arith.constant 16 : index
      %get3A_552 = tpu.vector_load %arg9[%get3A_550, %get3A_551] {strides = array<i32>} : memref<128x128xf32, #tpu.memory_space<vmem>>, vector<1x16xf32>,
      %get3A_553 = vector.shape_cast %get3A_552 : vector<1x16xf32> to vector<16xf32>
      %get3A_554 = arith.index_cast %add3A_528 : i32 to index
      %get3A_555 = arith.constant 32 : index
      %get3A_556 = tpu.vector_load %arg9[%get3A_554, %get3A_555] {strides = array<i32>} : memref<128x128xf32, #tpu.memory_space<vmem>>, vector<1x16xf32>,
      %get3A_557 = vector.shape_cast %get3A_556 : vector<1x16xf32> to vector<16xf32>
      %get3A_558 = arith.index_cast %add3A_528 : i32 to index
      %get3A_559 = arith.constant 48 : index
      %get3A_560 = tpu.vector_load %arg9[%get3A_558, %get3A_559] {strides = array<i32>} : memref<128x128xf32, #tpu.memory_space<vmem>>, vector<1x16xf32>,
      %get3A_561 = vector.shape_cast %get3A_560 : vector<1x16xf32> to vector<16xf32>
      %get3A_562 = arith.index_cast %add3A_528 : i32 to index
      %get3A_563 = arith.constant 64 : index
      %get3A_564 = tpu.vector_load %arg9[%get3A_562, %get3A_563] {strides = array<i32>} : memref<128x128xf32, #tpu.memory_space<vmem>>, vector<1x16xf32>,
      %get3A_565 = vector.shape_cast %get3A_564 : vector<1x16xf32> to vector<16xf32>
      %get3A_566 = arith.index_cast %add3A_528 : i32 to index
      %get3A_567 = arith.constant 80 : index
      %get3A_568 = tpu.vector_load %arg9[%get3A_566, %get3A_567] {strides = array<i32>} : memref<128x128xf32, #tpu.memory_space<vmem>>, vector<1x16xf32>,
      %get3A_569 = vector.shape_cast %get3A_568 : vector<1x16xf32> to vector<16xf32>
      %get3A_570 = arith.index_cast %add3A_528 : i32 to index
      %get3A_571 = arith.constant 96 : index
      %get3A_572 = tpu.vector_load %arg9[%get3A_570, %get3A_571] {strides = array<i32>} : memref<128x128xf32, #tpu.memory_space<vmem>>, vector<1x16xf32>,
      %get3A_573 = vector.shape_cast %get3A_572 : vector<1x16xf32> to vector<16xf32>
      %get3A_574 = arith.index_cast %add3A_528 : i32 to index
      %get3A_575 = arith.constant 112 : index
      %get3A_576 = tpu.vector_load %arg9[%get3A_574, %get3A_575] {strides = array<i32>} : memref<128x128xf32, #tpu.memory_space<vmem>>, vector<1x16xf32>,
      %get3A_577 = vector.shape_cast %get3A_576 : vector<1x16xf32> to vector<16xf32>
      %eq3A_578 = arith.constant 0 : i32
      %eq3A_579 = arith.cmpi eq, %shift_right_logical3A_545, %eq3A_578 : i32
      %eq3A_580 = arith.constant 1 : i32
      %eq3A_581 = arith.cmpi eq, %shift_right_logical3A_545, %eq3A_580 : i32
      %eq3A_582 = arith.constant 2 : i32
      %eq3A_583 = arith.cmpi eq, %shift_right_logical3A_545, %eq3A_582 : i32
      %select_n3A_584 = arith.select %eq3A_583, %get3A_565, %get3A_573 : vector<16xf32>
      %select_n3A_585 = arith.select %eq3A_581, %get3A_557, %select_n3A_584 : vector<16xf32>
      %select_n3A_586 = arith.select %eq3A_579, %get3A_549, %select_n3A_585 : vector<16xf32>
      %eq3A_587 = arith.constant 0 : i32
      %eq3A_588 = arith.cmpi eq, %shift_right_logical3A_545, %eq3A_587 : i32
      %eq3A_589 = arith.constant 1 : i32
      %eq3A_590 = arith.cmpi eq, %shift_right_logical3A_545, %eq3A_589 : i32
      %eq3A_591 = arith.constant 2 : i32
      %eq3A_592 = arith.cmpi eq, %shift_right_logical3A_545, %eq3A_591 : i32
      %select_n3A_593 = arith.select %eq3A_592, %get3A_569, %get3A_577 : vector<16xf32>
      %select_n3A_594 = arith.select %eq3A_590, %get3A_561, %select_n3A_593 : vector<16xf32>
      %select_n3A_595 = arith.select %eq3A_588, %get3A_553, %select_n3A_594 : vector<16xf32>
      %swap3A_596 = arith.index_cast %add3A_528 : i32 to index
      %swap3A_597 = arith.constant 0 : index
      %swap3A_598 = tpu.vector_load %arg10[%swap3A_596, %swap3A_597] {strides = array<i32>} : memref<128x32xf32, #tpu.memory_space<vmem>>, vector<1x16xf32>,
      %swap3A_599 = vector.shape_cast %swap3A_598 : vector<1x16xf32> to vector<16xf32>
      %swap3A_600 = vector.shape_cast %select_n3A_586 : vector<16xf32> to vector<1x16xf32>
      tpu.vector_store %arg10[%swap3A_596, %swap3A_597], %swap3A_600 {strides = array<i32>} : memref<128x32xf32, #tpu.memory_space<vmem>>, vector<1x16xf32>,
      %swap3A_601 = arith.index_cast %add3A_528 : i32 to index
      %swap3A_602 = arith.constant 16 : index
      %swap3A_603 = tpu.vector_load %arg10[%swap3A_601, %swap3A_602] {strides = array<i32>} : memref<128x32xf32, #tpu.memory_space<vmem>>, vector<1x16xf32>,
      %swap3A_604 = vector.shape_cast %swap3A_603 : vector<1x16xf32> to vector<16xf32>
      %swap3A_605 = vector.shape_cast %select_n3A_595 : vector<16xf32> to vector<1x16xf32>
      tpu.vector_store %arg10[%swap3A_601, %swap3A_602], %swap3A_605 {strides = array<i32>} : memref<128x32xf32, #tpu.memory_space<vmem>>, vector<1x16xf32>,
      %mul3A_606 = arith.constant 16 : i32
      %mul3A_607 = arith.muli %scan3A_41, %mul3A_606 : i32
      %add3A_608 = arith.constant 7 : i32
      %add3A_609 = arith.addi %mul3A_607, %add3A_608 : i32
      %slice3A_610 = vector.extract_strided_slice %get3A_45 {offsets = [7], sizes = [1], strides = [1]} : vector<16xi32> to vector<1xi32>
      %squeeze3A_611 = vector.extract %slice3A_610[0] : i32 from vector<1xi32>
      %shift_right_logical3A_612 = arith.constant 12 : i32
      %shift_right_logical3A_613 = arith.shrui %squeeze3A_611, %shift_right_logical3A_612 : i32
      %mul3A_614 = arith.constant 6554 : i32
      %mul3A_615 = arith.muli %shift_right_logical3A_613, %mul3A_614 : i32
      %shift_right_logical3A_616 = arith.constant 15 : i32
      %shift_right_logical3A_617 = arith.shrui %mul3A_615, %shift_right_logical3A_616 : i32
      %mul3A_618 = arith.constant 20480 : i32
      %mul3A_619 = arith.muli %shift_right_logical3A_617, %mul3A_618 : i32
      %sub3A_620 = arith.subi %squeeze3A_611, %mul3A_619 : i32
      %shift_right_logical3A_621 = arith.constant 10 : i32
      %shift_right_logical3A_622 = arith.shrui %sub3A_620, %shift_right_logical3A_621 : i32
      %mul3A_623 = arith.constant 6554 : i32
      %mul3A_624 = arith.muli %shift_right_logical3A_622, %mul3A_623 : i32
      %shift_right_logical3A_625 = arith.constant 15 : i32
      %shift_right_logical3A_626 = arith.shrui %mul3A_624, %shift_right_logical3A_625 : i32
      %get3A_627 = arith.index_cast %add3A_609 : i32 to index
      %get3A_628 = arith.constant 0 : index
      %get3A_629 = tpu.vector_load %arg9[%get3A_627, %get3A_628] {strides = array<i32>} : memref<128x128xf32, #tpu.memory_space<vmem>>, vector<1x16xf32>,
      %get3A_630 = vector.shape_cast %get3A_629 : vector<1x16xf32> to vector<16xf32>
      %get3A_631 = arith.index_cast %add3A_609 : i32 to index
      %get3A_632 = arith.constant 16 : index
      %get3A_633 = tpu.vector_load %arg9[%get3A_631, %get3A_632] {strides = array<i32>} : memref<128x128xf32, #tpu.memory_space<vmem>>, vector<1x16xf32>,
      %get3A_634 = vector.shape_cast %get3A_633 : vector<1x16xf32> to vector<16xf32>
      %get3A_635 = arith.index_cast %add3A_609 : i32 to index
      %get3A_636 = arith.constant 32 : index
      %get3A_637 = tpu.vector_load %arg9[%get3A_635, %get3A_636] {strides = array<i32>} : memref<128x128xf32, #tpu.memory_space<vmem>>, vector<1x16xf32>,
      %get3A_638 = vector.shape_cast %get3A_637 : vector<1x16xf32> to vector<16xf32>
      %get3A_639 = arith.index_cast %add3A_609 : i32 to index
      %get3A_640 = arith.constant 48 : index
      %get3A_641 = tpu.vector_load %arg9[%get3A_639, %get3A_640] {strides = array<i32>} : memref<128x128xf32, #tpu.memory_space<vmem>>, vector<1x16xf32>,
      %get3A_642 = vector.shape_cast %get3A_641 : vector<1x16xf32> to vector<16xf32>
      %get3A_643 = arith.index_cast %add3A_609 : i32 to index
      %get3A_644 = arith.constant 64 : index
      %get3A_645 = tpu.vector_load %arg9[%get3A_643, %get3A_644] {strides = array<i32>} : memref<128x128xf32, #tpu.memory_space<vmem>>, vector<1x16xf32>,
      %get3A_646 = vector.shape_cast %get3A_645 : vector<1x16xf32> to vector<16xf32>
      %get3A_647 = arith.index_cast %add3A_609 : i32 to index
      %get3A_648 = arith.constant 80 : index
      %get3A_649 = tpu.vector_load %arg9[%get3A_647, %get3A_648] {strides = array<i32>} : memref<128x128xf32, #tpu.memory_space<vmem>>, vector<1x16xf32>,
      %get3A_650 = vector.shape_cast %get3A_649 : vector<1x16xf32> to vector<16xf32>
      %get3A_651 = arith.index_cast %add3A_609 : i32 to index
      %get3A_652 = arith.constant 96 : index
      %get3A_653 = tpu.vector_load %arg9[%get3A_651, %get3A_652] {strides = array<i32>} : memref<128x128xf32, #tpu.memory_space<vmem>>, vector<1x16xf32>,
      %get3A_654 = vector.shape_cast %get3A_653 : vector<1x16xf32> to vector<16xf32>
      %get3A_655 = arith.index_cast %add3A_609 : i32 to index
      %get3A_656 = arith.constant 112 : index
      %get3A_657 = tpu.vector_load %arg9[%get3A_655, %get3A_656] {strides = array<i32>} : memref<128x128xf32, #tpu.memory_space<vmem>>, vector<1x16xf32>,
      %get3A_658 = vector.shape_cast %get3A_657 : vector<1x16xf32> to vector<16xf32>
      %eq3A_659 = arith.constant 0 : i32
      %eq3A_660 = arith.cmpi eq, %shift_right_logical3A_626, %eq3A_659 : i32
      %eq3A_661 = arith.constant 1 : i32
      %eq3A_662 = arith.cmpi eq, %shift_right_logical3A_626, %eq3A_661 : i32
      %eq3A_663 = arith.constant 2 : i32
      %eq3A_664 = arith.cmpi eq, %shift_right_logical3A_626, %eq3A_663 : i32
      %select_n3A_665 = arith.select %eq3A_664, %get3A_646, %get3A_654 : vector<16xf32>
      %select_n3A_666 = arith.select %eq3A_662, %get3A_638, %select_n3A_665 : vector<16xf32>
      %select_n3A_667 = arith.select %eq3A_660, %get3A_630, %select_n3A_666 : vector<16xf32>
      %eq3A_668 = arith.constant 0 : i32
      %eq3A_669 = arith.cmpi eq, %shift_right_logical3A_626, %eq3A_668 : i32
      %eq3A_670 = arith.constant 1 : i32
      %eq3A_671 = arith.cmpi eq, %shift_right_logical3A_626, %eq3A_670 : i32
      %eq3A_672 = arith.constant 2 : i32
      %eq3A_673 = arith.cmpi eq, %shift_right_logical3A_626, %eq3A_672 : i32
      %select_n3A_674 = arith.select %eq3A_673, %get3A_650, %get3A_658 : vector<16xf32>
      %select_n3A_675 = arith.select %eq3A_671, %get3A_642, %select_n3A_674 : vector<16xf32>
      %select_n3A_676 = arith.select %eq3A_669, %get3A_634, %select_n3A_675 : vector<16xf32>
      %swap3A_677 = arith.index_cast %add3A_609 : i32 to index
      %swap3A_678 = arith.constant 0 : index
      %swap3A_679 = tpu.vector_load %arg10[%swap3A_677, %swap3A_678] {strides = array<i32>} : memref<128x32xf32, #tpu.memory_space<vmem>>, vector<1x16xf32>,
      %swap3A_680 = vector.shape_cast %swap3A_679 : vector<1x16xf32> to vector<16xf32>
      %swap3A_681 = vector.shape_cast %select_n3A_667 : vector<16xf32> to vector<1x16xf32>
      tpu.vector_store %arg10[%swap3A_677, %swap3A_678], %swap3A_681 {strides = array<i32>} : memref<128x32xf32, #tpu.memory_space<vmem>>, vector<1x16xf32>,
      %swap3A_682 = arith.index_cast %add3A_609 : i32 to index
      %swap3A_683 = arith.constant 16 : index
      %swap3A_684 = tpu.vector_load %arg10[%swap3A_682, %swap3A_683] {strides = array<i32>} : memref<128x32xf32, #tpu.memory_space<vmem>>, vector<1x16xf32>,
      %swap3A_685 = vector.shape_cast %swap3A_684 : vector<1x16xf32> to vector<16xf32>
      %swap3A_686 = vector.shape_cast %select_n3A_676 : vector<16xf32> to vector<1x16xf32>
      tpu.vector_store %arg10[%swap3A_682, %swap3A_683], %swap3A_686 {strides = array<i32>} : memref<128x32xf32, #tpu.memory_space<vmem>>, vector<1x16xf32>,
      %mul3A_687 = arith.constant 16 : i32
      %mul3A_688 = arith.muli %scan3A_41, %mul3A_687 : i32
      %add3A_689 = arith.constant 8 : i32
      %add3A_690 = arith.addi %mul3A_688, %add3A_689 : i32
      %slice3A_691 = vector.extract_strided_slice %get3A_45 {offsets = [8], sizes = [1], strides = [1]} : vector<16xi32> to vector<1xi32>
      %squeeze3A_692 = vector.extract %slice3A_691[0] : i32 from vector<1xi32>
      %shift_right_logical3A_693 = arith.constant 12 : i32
      %shift_right_logical3A_694 = arith.shrui %squeeze3A_692, %shift_right_logical3A_693 : i32
      %mul3A_695 = arith.constant 6554 : i32
      %mul3A_696 = arith.muli %shift_right_logical3A_694, %mul3A_695 : i32
      %shift_right_logical3A_697 = arith.constant 15 : i32
      %shift_right_logical3A_698 = arith.shrui %mul3A_696, %shift_right_logical3A_697 : i32
      %mul3A_699 = arith.constant 20480 : i32
      %mul3A_700 = arith.muli %shift_right_logical3A_698, %mul3A_699 : i32
      %sub3A_701 = arith.subi %squeeze3A_692, %mul3A_700 : i32
      %shift_right_logical3A_702 = arith.constant 10 : i32
      %shift_right_logical3A_703 = arith.shrui %sub3A_701, %shift_right_logical3A_702 : i32
      %mul3A_704 = arith.constant 6554 : i32
      %mul3A_705 = arith.muli %shift_right_logical3A_703, %mul3A_704 : i32
      %shift_right_logical3A_706 = arith.constant 15 : i32
      %shift_right_logical3A_707 = arith.shrui %mul3A_705, %shift_right_logical3A_706 : i32
      %get3A_708 = arith.index_cast %add3A_690 : i32 to index
      %get3A_709 = arith.constant 0 : index
      %get3A_710 = tpu.vector_load %arg9[%get3A_708, %get3A_709] {strides = array<i32>} : memref<128x128xf32, #tpu.memory_space<vmem>>, vector<1x16xf32>,
      %get3A_711 = vector.shape_cast %get3A_710 : vector<1x16xf32> to vector<16xf32>
      %get3A_712 = arith.index_cast %add3A_690 : i32 to index
      %get3A_713 = arith.constant 16 : index
      %get3A_714 = tpu.vector_load %arg9[%get3A_712, %get3A_713] {strides = array<i32>} : memref<128x128xf32, #tpu.memory_space<vmem>>, vector<1x16xf32>,
      %get3A_715 = vector.shape_cast %get3A_714 : vector<1x16xf32> to vector<16xf32>
      %get3A_716 = arith.index_cast %add3A_690 : i32 to index
      %get3A_717 = arith.constant 32 : index
      %get3A_718 = tpu.vector_load %arg9[%get3A_716, %get3A_717] {strides = array<i32>} : memref<128x128xf32, #tpu.memory_space<vmem>>, vector<1x16xf32>,
      %get3A_719 = vector.shape_cast %get3A_718 : vector<1x16xf32> to vector<16xf32>
      %get3A_720 = arith.index_cast %add3A_690 : i32 to index
      %get3A_721 = arith.constant 48 : index
      %get3A_722 = tpu.vector_load %arg9[%get3A_720, %get3A_721] {strides = array<i32>} : memref<128x128xf32, #tpu.memory_space<vmem>>, vector<1x16xf32>,
      %get3A_723 = vector.shape_cast %get3A_722 : vector<1x16xf32> to vector<16xf32>
      %get3A_724 = arith.index_cast %add3A_690 : i32 to index
      %get3A_725 = arith.constant 64 : index
      %get3A_726 = tpu.vector_load %arg9[%get3A_724, %get3A_725] {strides = array<i32>} : memref<128x128xf32, #tpu.memory_space<vmem>>, vector<1x16xf32>,
      %get3A_727 = vector.shape_cast %get3A_726 : vector<1x16xf32> to vector<16xf32>
      %get3A_728 = arith.index_cast %add3A_690 : i32 to index
      %get3A_729 = arith.constant 80 : index
      %get3A_730 = tpu.vector_load %arg9[%get3A_728, %get3A_729] {strides = array<i32>} : memref<128x128xf32, #tpu.memory_space<vmem>>, vector<1x16xf32>,
      %get3A_731 = vector.shape_cast %get3A_730 : vector<1x16xf32> to vector<16xf32>
      %get3A_732 = arith.index_cast %add3A_690 : i32 to index
      %get3A_733 = arith.constant 96 : index
      %get3A_734 = tpu.vector_load %arg9[%get3A_732, %get3A_733] {strides = array<i32>} : memref<128x128xf32, #tpu.memory_space<vmem>>, vector<1x16xf32>,
      %get3A_735 = vector.shape_cast %get3A_734 : vector<1x16xf32> to vector<16xf32>
      %get3A_736 = arith.index_cast %add3A_690 : i32 to index
      %get3A_737 = arith.constant 112 : index
      %get3A_738 = tpu.vector_load %arg9[%get3A_736, %get3A_737] {strides = array<i32>} : memref<128x128xf32, #tpu.memory_space<vmem>>, vector<1x16xf32>,
      %get3A_739 = vector.shape_cast %get3A_738 : vector<1x16xf32> to vector<16xf32>
      %eq3A_740 = arith.constant 0 : i32
      %eq3A_741 = arith.cmpi eq, %shift_right_logical3A_707, %eq3A_740 : i32
      %eq3A_742 = arith.constant 1 : i32
      %eq3A_743 = arith.cmpi eq, %shift_right_logical3A_707, %eq3A_742 : i32
      %eq3A_744 = arith.constant 2 : i32
      %eq3A_745 = arith.cmpi eq, %shift_right_logical3A_707, %eq3A_744 : i32
      %select_n3A_746 = arith.select %eq3A_745, %get3A_727, %get3A_735 : vector<16xf32>
      %select_n3A_747 = arith.select %eq3A_743, %get3A_719, %select_n3A_746 : vector<16xf32>
      %select_n3A_748 = arith.select %eq3A_741, %get3A_711, %select_n3A_747 : vector<16xf32>
      %eq3A_749 = arith.constant 0 : i32
      %eq3A_750 = arith.cmpi eq, %shift_right_logical3A_707, %eq3A_749 : i32
      %eq3A_751 = arith.constant 1 : i32
      %eq3A_752 = arith.cmpi eq, %shift_right_logical3A_707, %eq3A_751 : i32
      %eq3A_753 = arith.constant 2 : i32
      %eq3A_754 = arith.cmpi eq, %shift_right_logical3A_707, %eq3A_753 : i32
      %select_n3A_755 = arith.select %eq3A_754, %get3A_731, %get3A_739 : vector<16xf32>
      %select_n3A_756 = arith.select %eq3A_752, %get3A_723, %select_n3A_755 : vector<16xf32>
      %select_n3A_757 = arith.select %eq3A_750, %get3A_715, %select_n3A_756 : vector<16xf32>
      %swap3A_758 = arith.index_cast %add3A_690 : i32 to index
      %swap3A_759 = arith.constant 0 : index
      %swap3A_760 = tpu.vector_load %arg10[%swap3A_758, %swap3A_759] {strides = array<i32>} : memref<128x32xf32, #tpu.memory_space<vmem>>, vector<1x16xf32>,
      %swap3A_761 = vector.shape_cast %swap3A_760 : vector<1x16xf32> to vector<16xf32>
      %swap3A_762 = vector.shape_cast %select_n3A_748 : vector<16xf32> to vector<1x16xf32>
      tpu.vector_store %arg10[%swap3A_758, %swap3A_759], %swap3A_762 {strides = array<i32>} : memref<128x32xf32, #tpu.memory_space<vmem>>, vector<1x16xf32>,
      %swap3A_763 = arith.index_cast %add3A_690 : i32 to index
      %swap3A_764 = arith.constant 16 : index
      %swap3A_765 = tpu.vector_load %arg10[%swap3A_763, %swap3A_764] {strides = array<i32>} : memref<128x32xf32, #tpu.memory_space<vmem>>, vector<1x16xf32>,
      %swap3A_766 = vector.shape_cast %swap3A_765 : vector<1x16xf32> to vector<16xf32>
      %swap3A_767 = vector.shape_cast %select_n3A_757 : vector<16xf32> to vector<1x16xf32>
      tpu.vector_store %arg10[%swap3A_763, %swap3A_764], %swap3A_767 {strides = array<i32>} : memref<128x32xf32, #tpu.memory_space<vmem>>, vector<1x16xf32>,
      %mul3A_768 = arith.constant 16 : i32
      %mul3A_769 = arith.muli %scan3A_41, %mul3A_768 : i32
      %add3A_770 = arith.constant 9 : i32
      %add3A_771 = arith.addi %mul3A_769, %add3A_770 : i32
      %slice3A_772 = vector.extract_strided_slice %get3A_45 {offsets = [9], sizes = [1], strides = [1]} : vector<16xi32> to vector<1xi32>
      %squeeze3A_773 = vector.extract %slice3A_772[0] : i32 from vector<1xi32>
      %shift_right_logical3A_774 = arith.constant 12 : i32
      %shift_right_logical3A_775 = arith.shrui %squeeze3A_773, %shift_right_logical3A_774 : i32
      %mul3A_776 = arith.constant 6554 : i32
      %mul3A_777 = arith.muli %shift_right_logical3A_775, %mul3A_776 : i32
      %shift_right_logical3A_778 = arith.constant 15 : i32
      %shift_right_logical3A_779 = arith.shrui %mul3A_777, %shift_right_logical3A_778 : i32
      %mul3A_780 = arith.constant 20480 : i32
      %mul3A_781 = arith.muli %shift_right_logical3A_779, %mul3A_780 : i32
      %sub3A_782 = arith.subi %squeeze3A_773, %mul3A_781 : i32
      %shift_right_logical3A_783 = arith.constant 10 : i32
      %shift_right_logical3A_784 = arith.shrui %sub3A_782, %shift_right_logical3A_783 : i32
      %mul3A_785 = arith.constant 6554 : i32
      %mul3A_786 = arith.muli %shift_right_logical3A_784, %mul3A_785 : i32
      %shift_right_logical3A_787 = arith.constant 15 : i32
      %shift_right_logical3A_788 = arith.shrui %mul3A_786, %shift_right_logical3A_787 : i32
      %get3A_789 = arith.index_cast %add3A_771 : i32 to index
      %get3A_790 = arith.constant 0 : index
      %get3A_791 = tpu.vector_load %arg9[%get3A_789, %get3A_790] {strides = array<i32>} : memref<128x128xf32, #tpu.memory_space<vmem>>, vector<1x16xf32>,
      %get3A_792 = vector.shape_cast %get3A_791 : vector<1x16xf32> to vector<16xf32>
      %get3A_793 = arith.index_cast %add3A_771 : i32 to index
      %get3A_794 = arith.constant 16 : index
      %get3A_795 = tpu.vector_load %arg9[%get3A_793, %get3A_794] {strides = array<i32>} : memref<128x128xf32, #tpu.memory_space<vmem>>, vector<1x16xf32>,
      %get3A_796 = vector.shape_cast %get3A_795 : vector<1x16xf32> to vector<16xf32>
      %get3A_797 = arith.index_cast %add3A_771 : i32 to index
      %get3A_798 = arith.constant 32 : index
      %get3A_799 = tpu.vector_load %arg9[%get3A_797, %get3A_798] {strides = array<i32>} : memref<128x128xf32, #tpu.memory_space<vmem>>, vector<1x16xf32>,
      %get3A_800 = vector.shape_cast %get3A_799 : vector<1x16xf32> to vector<16xf32>
      %get3A_801 = arith.index_cast %add3A_771 : i32 to index
      %get3A_802 = arith.constant 48 : index
      %get3A_803 = tpu.vector_load %arg9[%get3A_801, %get3A_802] {strides = array<i32>} : memref<128x128xf32, #tpu.memory_space<vmem>>, vector<1x16xf32>,
      %get3A_804 = vector.shape_cast %get3A_803 : vector<1x16xf32> to vector<16xf32>
      %get3A_805 = arith.index_cast %add3A_771 : i32 to index
      %get3A_806 = arith.constant 64 : index
      %get3A_807 = tpu.vector_load %arg9[%get3A_805, %get3A_806] {strides = array<i32>} : memref<128x128xf32, #tpu.memory_space<vmem>>, vector<1x16xf32>,
      %get3A_808 = vector.shape_cast %get3A_807 : vector<1x16xf32> to vector<16xf32>
      %get3A_809 = arith.index_cast %add3A_771 : i32 to index
      %get3A_810 = arith.constant 80 : index
      %get3A_811 = tpu.vector_load %arg9[%get3A_809, %get3A_810] {strides = array<i32>} : memref<128x128xf32, #tpu.memory_space<vmem>>, vector<1x16xf32>,
      %get3A_812 = vector.shape_cast %get3A_811 : vector<1x16xf32> to vector<16xf32>
      %get3A_813 = arith.index_cast %add3A_771 : i32 to index
      %get3A_814 = arith.constant 96 : index
      %get3A_815 = tpu.vector_load %arg9[%get3A_813, %get3A_814] {strides = array<i32>} : memref<128x128xf32, #tpu.memory_space<vmem>>, vector<1x16xf32>,
      %get3A_816 = vector.shape_cast %get3A_815 : vector<1x16xf32> to vector<16xf32>
      %get3A_817 = arith.index_cast %add3A_771 : i32 to index
      %get3A_818 = arith.constant 112 : index
      %get3A_819 = tpu.vector_load %arg9[%get3A_817, %get3A_818] {strides = array<i32>} : memref<128x128xf32, #tpu.memory_space<vmem>>, vector<1x16xf32>,
      %get3A_820 = vector.shape_cast %get3A_819 : vector<1x16xf32> to vector<16xf32>
      %eq3A_821 = arith.constant 0 : i32
      %eq3A_822 = arith.cmpi eq, %shift_right_logical3A_788, %eq3A_821 : i32
      %eq3A_823 = arith.constant 1 : i32
      %eq3A_824 = arith.cmpi eq, %shift_right_logical3A_788, %eq3A_823 : i32
      %eq3A_825 = arith.constant 2 : i32
      %eq3A_826 = arith.cmpi eq, %shift_right_logical3A_788, %eq3A_825 : i32
      %select_n3A_827 = arith.select %eq3A_826, %get3A_808, %get3A_816 : vector<16xf32>
      %select_n3A_828 = arith.select %eq3A_824, %get3A_800, %select_n3A_827 : vector<16xf32>
      %select_n3A_829 = arith.select %eq3A_822, %get3A_792, %select_n3A_828 : vector<16xf32>
      %eq3A_830 = arith.constant 0 : i32
      %eq3A_831 = arith.cmpi eq, %shift_right_logical3A_788, %eq3A_830 : i32
      %eq3A_832 = arith.constant 1 : i32
      %eq3A_833 = arith.cmpi eq, %shift_right_logical3A_788, %eq3A_832 : i32
      %eq3A_834 = arith.constant 2 : i32
      %eq3A_835 = arith.cmpi eq, %shift_right_logical3A_788, %eq3A_834 : i32
      %select_n3A_836 = arith.select %eq3A_835, %get3A_812, %get3A_820 : vector<16xf32>
      %select_n3A_837 = arith.select %eq3A_833, %get3A_804, %select_n3A_836 : vector<16xf32>
      %select_n3A_838 = arith.select %eq3A_831, %get3A_796, %select_n3A_837 : vector<16xf32>
      %swap3A_839 = arith.index_cast %add3A_771 : i32 to index
      %swap3A_840 = arith.constant 0 : index
      %swap3A_841 = tpu.vector_load %arg10[%swap3A_839, %swap3A_840] {strides = array<i32>} : memref<128x32xf32, #tpu.memory_space<vmem>>, vector<1x16xf32>,
      %swap3A_842 = vector.shape_cast %swap3A_841 : vector<1x16xf32> to vector<16xf32>
      %swap3A_843 = vector.shape_cast %select_n3A_829 : vector<16xf32> to vector<1x16xf32>
      tpu.vector_store %arg10[%swap3A_839, %swap3A_840], %swap3A_843 {strides = array<i32>} : memref<128x32xf32, #tpu.memory_space<vmem>>, vector<1x16xf32>,
      %swap3A_844 = arith.index_cast %add3A_771 : i32 to index
      %swap3A_845 = arith.constant 16 : index
      %swap3A_846 = tpu.vector_load %arg10[%swap3A_844, %swap3A_845] {strides = array<i32>} : memref<128x32xf32, #tpu.memory_space<vmem>>, vector<1x16xf32>,
      %swap3A_847 = vector.shape_cast %swap3A_846 : vector<1x16xf32> to vector<16xf32>
      %swap3A_848 = vector.shape_cast %select_n3A_838 : vector<16xf32> to vector<1x16xf32>
      tpu.vector_store %arg10[%swap3A_844, %swap3A_845], %swap3A_848 {strides = array<i32>} : memref<128x32xf32, #tpu.memory_space<vmem>>, vector<1x16xf32>,
      %mul3A_849 = arith.constant 16 : i32
      %mul3A_850 = arith.muli %scan3A_41, %mul3A_849 : i32
      %add3A_851 = arith.constant 10 : i32
      %add3A_852 = arith.addi %mul3A_850, %add3A_851 : i32
      %slice3A_853 = vector.extract_strided_slice %get3A_45 {offsets = [10], sizes = [1], strides = [1]} : vector<16xi32> to vector<1xi32>
      %squeeze3A_854 = vector.extract %slice3A_853[0] : i32 from vector<1xi32>
      %shift_right_logical3A_855 = arith.constant 12 : i32
      %shift_right_logical3A_856 = arith.shrui %squeeze3A_854, %shift_right_logical3A_855 : i32
      %mul3A_857 = arith.constant 6554 : i32
      %mul3A_858 = arith.muli %shift_right_logical3A_856, %mul3A_857 : i32
      %shift_right_logical3A_859 = arith.constant 15 : i32
      %shift_right_logical3A_860 = arith.shrui %mul3A_858, %shift_right_logical3A_859 : i32
      %mul3A_861 = arith.constant 20480 : i32
      %mul3A_862 = arith.muli %shift_right_logical3A_860, %mul3A_861 : i32
      %sub3A_863 = arith.subi %squeeze3A_854, %mul3A_862 : i32
      %shift_right_logical3A_864 = arith.constant 10 : i32
      %shift_right_logical3A_865 = arith.shrui %sub3A_863, %shift_right_logical3A_864 : i32
      %mul3A_866 = arith.constant 6554 : i32
      %mul3A_867 = arith.muli %shift_right_logical3A_865, %mul3A_866 : i32
      %shift_right_logical3A_868 = arith.constant 15 : i32
      %shift_right_logical3A_869 = arith.shrui %mul3A_867, %shift_right_logical3A_868 : i32
      %get3A_870 = arith.index_cast %add3A_852 : i32 to index
      %get3A_871 = arith.constant 0 : index
      %get3A_872 = tpu.vector_load %arg9[%get3A_870, %get3A_871] {strides = array<i32>} : memref<128x128xf32, #tpu.memory_space<vmem>>, vector<1x16xf32>,
      %get3A_873 = vector.shape_cast %get3A_872 : vector<1x16xf32> to vector<16xf32>
      %get3A_874 = arith.index_cast %add3A_852 : i32 to index
      %get3A_875 = arith.constant 16 : index
      %get3A_876 = tpu.vector_load %arg9[%get3A_874, %get3A_875] {strides = array<i32>} : memref<128x128xf32, #tpu.memory_space<vmem>>, vector<1x16xf32>,
      %get3A_877 = vector.shape_cast %get3A_876 : vector<1x16xf32> to vector<16xf32>
      %get3A_878 = arith.index_cast %add3A_852 : i32 to index
      %get3A_879 = arith.constant 32 : index
      %get3A_880 = tpu.vector_load %arg9[%get3A_878, %get3A_879] {strides = array<i32>} : memref<128x128xf32, #tpu.memory_space<vmem>>, vector<1x16xf32>,
      %get3A_881 = vector.shape_cast %get3A_880 : vector<1x16xf32> to vector<16xf32>
      %get3A_882 = arith.index_cast %add3A_852 : i32 to index
      %get3A_883 = arith.constant 48 : index
      %get3A_884 = tpu.vector_load %arg9[%get3A_882, %get3A_883] {strides = array<i32>} : memref<128x128xf32, #tpu.memory_space<vmem>>, vector<1x16xf32>,
      %get3A_885 = vector.shape_cast %get3A_884 : vector<1x16xf32> to vector<16xf32>
      %get3A_886 = arith.index_cast %add3A_852 : i32 to index
      %get3A_887 = arith.constant 64 : index
      %get3A_888 = tpu.vector_load %arg9[%get3A_886, %get3A_887] {strides = array<i32>} : memref<128x128xf32, #tpu.memory_space<vmem>>, vector<1x16xf32>,
      %get3A_889 = vector.shape_cast %get3A_888 : vector<1x16xf32> to vector<16xf32>
      %get3A_890 = arith.index_cast %add3A_852 : i32 to index
      %get3A_891 = arith.constant 80 : index
      %get3A_892 = tpu.vector_load %arg9[%get3A_890, %get3A_891] {strides = array<i32>} : memref<128x128xf32, #tpu.memory_space<vmem>>, vector<1x16xf32>,
      %get3A_893 = vector.shape_cast %get3A_892 : vector<1x16xf32> to vector<16xf32>
      %get3A_894 = arith.index_cast %add3A_852 : i32 to index
      %get3A_895 = arith.constant 96 : index
      %get3A_896 = tpu.vector_load %arg9[%get3A_894, %get3A_895] {strides = array<i32>} : memref<128x128xf32, #tpu.memory_space<vmem>>, vector<1x16xf32>,
      %get3A_897 = vector.shape_cast %get3A_896 : vector<1x16xf32> to vector<16xf32>
      %get3A_898 = arith.index_cast %add3A_852 : i32 to index
      %get3A_899 = arith.constant 112 : index
      %get3A_900 = tpu.vector_load %arg9[%get3A_898, %get3A_899] {strides = array<i32>} : memref<128x128xf32, #tpu.memory_space<vmem>>, vector<1x16xf32>,
      %get3A_901 = vector.shape_cast %get3A_900 : vector<1x16xf32> to vector<16xf32>
      %eq3A_902 = arith.constant 0 : i32
      %eq3A_903 = arith.cmpi eq, %shift_right_logical3A_869, %eq3A_902 : i32
      %eq3A_904 = arith.constant 1 : i32
      %eq3A_905 = arith.cmpi eq, %shift_right_logical3A_869, %eq3A_904 : i32
      %eq3A_906 = arith.constant 2 : i32
      %eq3A_907 = arith.cmpi eq, %shift_right_logical3A_869, %eq3A_906 : i32
      %select_n3A_908 = arith.select %eq3A_907, %get3A_889, %get3A_897 : vector<16xf32>
      %select_n3A_909 = arith.select %eq3A_905, %get3A_881, %select_n3A_908 : vector<16xf32>
      %select_n3A_910 = arith.select %eq3A_903, %get3A_873, %select_n3A_909 : vector<16xf32>
      %eq3A_911 = arith.constant 0 : i32
      %eq3A_912 = arith.cmpi eq, %shift_right_logical3A_869, %eq3A_911 : i32
      %eq3A_913 = arith.constant 1 : i32
      %eq3A_914 = arith.cmpi eq, %shift_right_logical3A_869, %eq3A_913 : i32
      %eq3A_915 = arith.constant 2 : i32
      %eq3A_916 = arith.cmpi eq, %shift_right_logical3A_869, %eq3A_915 : i32
      %select_n3A_917 = arith.select %eq3A_916, %get3A_893, %get3A_901 : vector<16xf32>
      %select_n3A_918 = arith.select %eq3A_914, %get3A_885, %select_n3A_917 : vector<16xf32>
      %select_n3A_919 = arith.select %eq3A_912, %get3A_877, %select_n3A_918 : vector<16xf32>
      %swap3A_920 = arith.index_cast %add3A_852 : i32 to index
      %swap3A_921 = arith.constant 0 : index
      %swap3A_922 = tpu.vector_load %arg10[%swap3A_920, %swap3A_921] {strides = array<i32>} : memref<128x32xf32, #tpu.memory_space<vmem>>, vector<1x16xf32>,
      %swap3A_923 = vector.shape_cast %swap3A_922 : vector<1x16xf32> to vector<16xf32>
      %swap3A_924 = vector.shape_cast %select_n3A_910 : vector<16xf32> to vector<1x16xf32>
      tpu.vector_store %arg10[%swap3A_920, %swap3A_921], %swap3A_924 {strides = array<i32>} : memref<128x32xf32, #tpu.memory_space<vmem>>, vector<1x16xf32>,
      %swap3A_925 = arith.index_cast %add3A_852 : i32 to index
      %swap3A_926 = arith.constant 16 : index
      %swap3A_927 = tpu.vector_load %arg10[%swap3A_925, %swap3A_926] {strides = array<i32>} : memref<128x32xf32, #tpu.memory_space<vmem>>, vector<1x16xf32>,
      %swap3A_928 = vector.shape_cast %swap3A_927 : vector<1x16xf32> to vector<16xf32>
      %swap3A_929 = vector.shape_cast %select_n3A_919 : vector<16xf32> to vector<1x16xf32>
      tpu.vector_store %arg10[%swap3A_925, %swap3A_926], %swap3A_929 {strides = array<i32>} : memref<128x32xf32, #tpu.memory_space<vmem>>, vector<1x16xf32>,
      %mul3A_930 = arith.constant 16 : i32
      %mul3A_931 = arith.muli %scan3A_41, %mul3A_930 : i32
      %add3A_932 = arith.constant 11 : i32
      %add3A_933 = arith.addi %mul3A_931, %add3A_932 : i32
      %slice3A_934 = vector.extract_strided_slice %get3A_45 {offsets = [11], sizes = [1], strides = [1]} : vector<16xi32> to vector<1xi32>
      %squeeze3A_935 = vector.extract %slice3A_934[0] : i32 from vector<1xi32>
      %shift_right_logical3A_936 = arith.constant 12 : i32
      %shift_right_logical3A_937 = arith.shrui %squeeze3A_935, %shift_right_logical3A_936 : i32
      %mul3A_938 = arith.constant 6554 : i32
      %mul3A_939 = arith.muli %shift_right_logical3A_937, %mul3A_938 : i32
      %shift_right_logical3A_940 = arith.constant 15 : i32
      %shift_right_logical3A_941 = arith.shrui %mul3A_939, %shift_right_logical3A_940 : i32
      %mul3A_942 = arith.constant 20480 : i32
      %mul3A_943 = arith.muli %shift_right_logical3A_941, %mul3A_942 : i32
      %sub3A_944 = arith.subi %squeeze3A_935, %mul3A_943 : i32
      %shift_right_logical3A_945 = arith.constant 10 : i32
      %shift_right_logical3A_946 = arith.shrui %sub3A_944, %shift_right_logical3A_945 : i32
      %mul3A_947 = arith.constant 6554 : i32
      %mul3A_948 = arith.muli %shift_right_logical3A_946, %mul3A_947 : i32
      %shift_right_logical3A_949 = arith.constant 15 : i32
      %shift_right_logical3A_950 = arith.shrui %mul3A_948, %shift_right_logical3A_949 : i32
      %get3A_951 = arith.index_cast %add3A_933 : i32 to index
      %get3A_952 = arith.constant 0 : index
      %get3A_953 = tpu.vector_load %arg9[%get3A_951, %get3A_952] {strides = array<i32>} : memref<128x128xf32, #tpu.memory_space<vmem>>, vector<1x16xf32>,
      %get3A_954 = vector.shape_cast %get3A_953 : vector<1x16xf32> to vector<16xf32>
      %get3A_955 = arith.index_cast %add3A_933 : i32 to index
      %get3A_956 = arith.constant 16 : index
      %get3A_957 = tpu.vector_load %arg9[%get3A_955, %get3A_956] {strides = array<i32>} : memref<128x128xf32, #tpu.memory_space<vmem>>, vector<1x16xf32>,
      %get3A_958 = vector.shape_cast %get3A_957 : vector<1x16xf32> to vector<16xf32>
      %get3A_959 = arith.index_cast %add3A_933 : i32 to index
      %get3A_960 = arith.constant 32 : index
      %get3A_961 = tpu.vector_load %arg9[%get3A_959, %get3A_960] {strides = array<i32>} : memref<128x128xf32, #tpu.memory_space<vmem>>, vector<1x16xf32>,
      %get3A_962 = vector.shape_cast %get3A_961 : vector<1x16xf32> to vector<16xf32>
      %get3A_963 = arith.index_cast %add3A_933 : i32 to index
      %get3A_964 = arith.constant 48 : index
      %get3A_965 = tpu.vector_load %arg9[%get3A_963, %get3A_964] {strides = array<i32>} : memref<128x128xf32, #tpu.memory_space<vmem>>, vector<1x16xf32>,
      %get3A_966 = vector.shape_cast %get3A_965 : vector<1x16xf32> to vector<16xf32>
      %get3A_967 = arith.index_cast %add3A_933 : i32 to index
      %get3A_968 = arith.constant 64 : index
      %get3A_969 = tpu.vector_load %arg9[%get3A_967, %get3A_968] {strides = array<i32>} : memref<128x128xf32, #tpu.memory_space<vmem>>, vector<1x16xf32>,
      %get3A_970 = vector.shape_cast %get3A_969 : vector<1x16xf32> to vector<16xf32>
      %get3A_971 = arith.index_cast %add3A_933 : i32 to index
      %get3A_972 = arith.constant 80 : index
      %get3A_973 = tpu.vector_load %arg9[%get3A_971, %get3A_972] {strides = array<i32>} : memref<128x128xf32, #tpu.memory_space<vmem>>, vector<1x16xf32>,
      %get3A_974 = vector.shape_cast %get3A_973 : vector<1x16xf32> to vector<16xf32>
      %get3A_975 = arith.index_cast %add3A_933 : i32 to index
      %get3A_976 = arith.constant 96 : index
      %get3A_977 = tpu.vector_load %arg9[%get3A_975, %get3A_976] {strides = array<i32>} : memref<128x128xf32, #tpu.memory_space<vmem>>, vector<1x16xf32>,
      %get3A_978 = vector.shape_cast %get3A_977 : vector<1x16xf32> to vector<16xf32>
      %get3A_979 = arith.index_cast %add3A_933 : i32 to index
      %get3A_980 = arith.constant 112 : index
      %get3A_981 = tpu.vector_load %arg9[%get3A_979, %get3A_980] {strides = array<i32>} : memref<128x128xf32, #tpu.memory_space<vmem>>, vector<1x16xf32>,
      %get3A_982 = vector.shape_cast %get3A_981 : vector<1x16xf32> to vector<16xf32>
      %eq3A_983 = arith.constant 0 : i32
      %eq3A_984 = arith.cmpi eq, %shift_right_logical3A_950, %eq3A_983 : i32
      %eq3A_985 = arith.constant 1 : i32
      %eq3A_986 = arith.cmpi eq, %shift_right_logical3A_950, %eq3A_985 : i32
      %eq3A_987 = arith.constant 2 : i32
      %eq3A_988 = arith.cmpi eq, %shift_right_logical3A_950, %eq3A_987 : i32
      %select_n3A_989 = arith.select %eq3A_988, %get3A_970, %get3A_978 : vector<16xf32>
      %select_n3A_990 = arith.select %eq3A_986, %get3A_962, %select_n3A_989 : vector<16xf32>
      %select_n3A_991 = arith.select %eq3A_984, %get3A_954, %select_n3A_990 : vector<16xf32>
      %eq3A_992 = arith.constant 0 : i32
      %eq3A_993 = arith.cmpi eq, %shift_right_logical3A_950, %eq3A_992 : i32
      %eq3A_994 = arith.constant 1 : i32
      %eq3A_995 = arith.cmpi eq, %shift_right_logical3A_950, %eq3A_994 : i32
      %eq3A_996 = arith.constant 2 : i32
      %eq3A_997 = arith.cmpi eq, %shift_right_logical3A_950, %eq3A_996 : i32
      %select_n3A_998 = arith.select %eq3A_997, %get3A_974, %get3A_982 : vector<16xf32>
      %select_n3A_999 = arith.select %eq3A_995, %get3A_966, %select_n3A_998 : vector<16xf32>
      %select_n3A_1000 = arith.select %eq3A_993, %get3A_958, %select_n3A_999 : vector<16xf32>
      %swap3A_1001 = arith.index_cast %add3A_933 : i32 to index
      %swap3A_1002 = arith.constant 0 : index
      %swap3A_1003 = tpu.vector_load %arg10[%swap3A_1001, %swap3A_1002] {strides = array<i32>} : memref<128x32xf32, #tpu.memory_space<vmem>>, vector<1x16xf32>,
      %swap3A_1004 = vector.shape_cast %swap3A_1003 : vector<1x16xf32> to vector<16xf32>
      %swap3A_1005 = vector.shape_cast %select_n3A_991 : vector<16xf32> to vector<1x16xf32>
      tpu.vector_store %arg10[%swap3A_1001, %swap3A_1002], %swap3A_1005 {strides = array<i32>} : memref<128x32xf32, #tpu.memory_space<vmem>>, vector<1x16xf32>,
      %swap3A_1006 = arith.index_cast %add3A_933 : i32 to index
      %swap3A_1007 = arith.constant 16 : index
      %swap3A_1008 = tpu.vector_load %arg10[%swap3A_1006, %swap3A_1007] {strides = array<i32>} : memref<128x32xf32, #tpu.memory_space<vmem>>, vector<1x16xf32>,
      %swap3A_1009 = vector.shape_cast %swap3A_1008 : vector<1x16xf32> to vector<16xf32>
      %swap3A_1010 = vector.shape_cast %select_n3A_1000 : vector<16xf32> to vector<1x16xf32>
      tpu.vector_store %arg10[%swap3A_1006, %swap3A_1007], %swap3A_1010 {strides = array<i32>} : memref<128x32xf32, #tpu.memory_space<vmem>>, vector<1x16xf32>,
      %mul3A_1011 = arith.constant 16 : i32
      %mul3A_1012 = arith.muli %scan3A_41, %mul3A_1011 : i32
      %add3A_1013 = arith.constant 12 : i32
      %add3A_1014 = arith.addi %mul3A_1012, %add3A_1013 : i32
      %slice3A_1015 = vector.extract_strided_slice %get3A_45 {offsets = [12], sizes = [1], strides = [1]} : vector<16xi32> to vector<1xi32>
      %squeeze3A_1016 = vector.extract %slice3A_1015[0] : i32 from vector<1xi32>
      %shift_right_logical3A_1017 = arith.constant 12 : i32
      %shift_right_logical3A_1018 = arith.shrui %squeeze3A_1016, %shift_right_logical3A_1017 : i32
      %mul3A_1019 = arith.constant 6554 : i32
      %mul3A_1020 = arith.muli %shift_right_logical3A_1018, %mul3A_1019 : i32
      %shift_right_logical3A_1021 = arith.constant 15 : i32
      %shift_right_logical3A_1022 = arith.shrui %mul3A_1020, %shift_right_logical3A_1021 : i32
      %mul3A_1023 = arith.constant 20480 : i32
      %mul3A_1024 = arith.muli %shift_right_logical3A_1022, %mul3A_1023 : i32
      %sub3A_1025 = arith.subi %squeeze3A_1016, %mul3A_1024 : i32
      %shift_right_logical3A_1026 = arith.constant 10 : i32
      %shift_right_logical3A_1027 = arith.shrui %sub3A_1025, %shift_right_logical3A_1026 : i32
      %mul3A_1028 = arith.constant 6554 : i32
      %mul3A_1029 = arith.muli %shift_right_logical3A_1027, %mul3A_1028 : i32
      %shift_right_logical3A_1030 = arith.constant 15 : i32
      %shift_right_logical3A_1031 = arith.shrui %mul3A_1029, %shift_right_logical3A_1030 : i32
      %get3A_1032 = arith.index_cast %add3A_1014 : i32 to index
      %get3A_1033 = arith.constant 0 : index
      %get3A_1034 = tpu.vector_load %arg9[%get3A_1032, %get3A_1033] {strides = array<i32>} : memref<128x128xf32, #tpu.memory_space<vmem>>, vector<1x16xf32>,
      %get3A_1035 = vector.shape_cast %get3A_1034 : vector<1x16xf32> to vector<16xf32>
      %get3A_1036 = arith.index_cast %add3A_1014 : i32 to index
      %get3A_1037 = arith.constant 16 : index
      %get3A_1038 = tpu.vector_load %arg9[%get3A_1036, %get3A_1037] {strides = array<i32>} : memref<128x128xf32, #tpu.memory_space<vmem>>, vector<1x16xf32>,
      %get3A_1039 = vector.shape_cast %get3A_1038 : vector<1x16xf32> to vector<16xf32>
      %get3A_1040 = arith.index_cast %add3A_1014 : i32 to index
      %get3A_1041 = arith.constant 32 : index
      %get3A_1042 = tpu.vector_load %arg9[%get3A_1040, %get3A_1041] {strides = array<i32>} : memref<128x128xf32, #tpu.memory_space<vmem>>, vector<1x16xf32>,
      %get3A_1043 = vector.shape_cast %get3A_1042 : vector<1x16xf32> to vector<16xf32>
      %get3A_1044 = arith.index_cast %add3A_1014 : i32 to index
      %get3A_1045 = arith.constant 48 : index
      %get3A_1046 = tpu.vector_load %arg9[%get3A_1044, %get3A_1045] {strides = array<i32>} : memref<128x128xf32, #tpu.memory_space<vmem>>, vector<1x16xf32>,
      %get3A_1047 = vector.shape_cast %get3A_1046 : vector<1x16xf32> to vector<16xf32>
      %get3A_1048 = arith.index_cast %add3A_1014 : i32 to index
      %get3A_1049 = arith.constant 64 : index
      %get3A_1050 = tpu.vector_load %arg9[%get3A_1048, %get3A_1049] {strides = array<i32>} : memref<128x128xf32, #tpu.memory_space<vmem>>, vector<1x16xf32>,
      %get3A_1051 = vector.shape_cast %get3A_1050 : vector<1x16xf32> to vector<16xf32>
      %get3A_1052 = arith.index_cast %add3A_1014 : i32 to index
      %get3A_1053 = arith.constant 80 : index
      %get3A_1054 = tpu.vector_load %arg9[%get3A_1052, %get3A_1053] {strides = array<i32>} : memref<128x128xf32, #tpu.memory_space<vmem>>, vector<1x16xf32>,
      %get3A_1055 = vector.shape_cast %get3A_1054 : vector<1x16xf32> to vector<16xf32>
      %get3A_1056 = arith.index_cast %add3A_1014 : i32 to index
      %get3A_1057 = arith.constant 96 : index
      %get3A_1058 = tpu.vector_load %arg9[%get3A_1056, %get3A_1057] {strides = array<i32>} : memref<128x128xf32, #tpu.memory_space<vmem>>, vector<1x16xf32>,
      %get3A_1059 = vector.shape_cast %get3A_1058 : vector<1x16xf32> to vector<16xf32>
      %get3A_1060 = arith.index_cast %add3A_1014 : i32 to index
      %get3A_1061 = arith.constant 112 : index
      %get3A_1062 = tpu.vector_load %arg9[%get3A_1060, %get3A_1061] {strides = array<i32>} : memref<128x128xf32, #tpu.memory_space<vmem>>, vector<1x16xf32>,
      %get3A_1063 = vector.shape_cast %get3A_1062 : vector<1x16xf32> to vector<16xf32>
      %eq3A_1064 = arith.constant 0 : i32
      %eq3A_1065 = arith.cmpi eq, %shift_right_logical3A_1031, %eq3A_1064 : i32
      %eq3A_1066 = arith.constant 1 : i32
      %eq3A_1067 = arith.cmpi eq, %shift_right_logical3A_1031, %eq3A_1066 : i32
      %eq3A_1068 = arith.constant 2 : i32
      %eq3A_1069 = arith.cmpi eq, %shift_right_logical3A_1031, %eq3A_1068 : i32
      %select_n3A_1070 = arith.select %eq3A_1069, %get3A_1051, %get3A_1059 : vector<16xf32>
      %select_n3A_1071 = arith.select %eq3A_1067, %get3A_1043, %select_n3A_1070 : vector<16xf32>
      %select_n3A_1072 = arith.select %eq3A_1065, %get3A_1035, %select_n3A_1071 : vector<16xf32>
      %eq3A_1073 = arith.constant 0 : i32
      %eq3A_1074 = arith.cmpi eq, %shift_right_logical3A_1031, %eq3A_1073 : i32
      %eq3A_1075 = arith.constant 1 : i32
      %eq3A_1076 = arith.cmpi eq, %shift_right_logical3A_1031, %eq3A_1075 : i32
      %eq3A_1077 = arith.constant 2 : i32
      %eq3A_1078 = arith.cmpi eq, %shift_right_logical3A_1031, %eq3A_1077 : i32
      %select_n3A_1079 = arith.select %eq3A_1078, %get3A_1055, %get3A_1063 : vector<16xf32>
      %select_n3A_1080 = arith.select %eq3A_1076, %get3A_1047, %select_n3A_1079 : vector<16xf32>
      %select_n3A_1081 = arith.select %eq3A_1074, %get3A_1039, %select_n3A_1080 : vector<16xf32>
      %swap3A_1082 = arith.index_cast %add3A_1014 : i32 to index
      %swap3A_1083 = arith.constant 0 : index
      %swap3A_1084 = tpu.vector_load %arg10[%swap3A_1082, %swap3A_1083] {strides = array<i32>} : memref<128x32xf32, #tpu.memory_space<vmem>>, vector<1x16xf32>,
      %swap3A_1085 = vector.shape_cast %swap3A_1084 : vector<1x16xf32> to vector<16xf32>
      %swap3A_1086 = vector.shape_cast %select_n3A_1072 : vector<16xf32> to vector<1x16xf32>
      tpu.vector_store %arg10[%swap3A_1082, %swap3A_1083], %swap3A_1086 {strides = array<i32>} : memref<128x32xf32, #tpu.memory_space<vmem>>, vector<1x16xf32>,
      %swap3A_1087 = arith.index_cast %add3A_1014 : i32 to index
      %swap3A_1088 = arith.constant 16 : index
      %swap3A_1089 = tpu.vector_load %arg10[%swap3A_1087, %swap3A_1088] {strides = array<i32>} : memref<128x32xf32, #tpu.memory_space<vmem>>, vector<1x16xf32>,
      %swap3A_1090 = vector.shape_cast %swap3A_1089 : vector<1x16xf32> to vector<16xf32>
      %swap3A_1091 = vector.shape_cast %select_n3A_1081 : vector<16xf32> to vector<1x16xf32>
      tpu.vector_store %arg10[%swap3A_1087, %swap3A_1088], %swap3A_1091 {strides = array<i32>} : memref<128x32xf32, #tpu.memory_space<vmem>>, vector<1x16xf32>,
      %mul3A_1092 = arith.constant 16 : i32
      %mul3A_1093 = arith.muli %scan3A_41, %mul3A_1092 : i32
      %add3A_1094 = arith.constant 13 : i32
      %add3A_1095 = arith.addi %mul3A_1093, %add3A_1094 : i32
      %slice3A_1096 = vector.extract_strided_slice %get3A_45 {offsets = [13], sizes = [1], strides = [1]} : vector<16xi32> to vector<1xi32>
      %squeeze3A_1097 = vector.extract %slice3A_1096[0] : i32 from vector<1xi32>
      %shift_right_logical3A_1098 = arith.constant 12 : i32
      %shift_right_logical3A_1099 = arith.shrui %squeeze3A_1097, %shift_right_logical3A_1098 : i32
      %mul3A_1100 = arith.constant 6554 : i32
      %mul3A_1101 = arith.muli %shift_right_logical3A_1099, %mul3A_1100 : i32
      %shift_right_logical3A_1102 = arith.constant 15 : i32
      %shift_right_logical3A_1103 = arith.shrui %mul3A_1101, %shift_right_logical3A_1102 : i32
      %mul3A_1104 = arith.constant 20480 : i32
      %mul3A_1105 = arith.muli %shift_right_logical3A_1103, %mul3A_1104 : i32
      %sub3A_1106 = arith.subi %squeeze3A_1097, %mul3A_1105 : i32
      %shift_right_logical3A_1107 = arith.constant 10 : i32
      %shift_right_logical3A_1108 = arith.shrui %sub3A_1106, %shift_right_logical3A_1107 : i32
      %mul3A_1109 = arith.constant 6554 : i32
      %mul3A_1110 = arith.muli %shift_right_logical3A_1108, %mul3A_1109 : i32
      %shift_right_logical3A_1111 = arith.constant 15 : i32
      %shift_right_logical3A_1112 = arith.shrui %mul3A_1110, %shift_right_logical3A_1111 : i32
      %get3A_1113 = arith.index_cast %add3A_1095 : i32 to index
      %get3A_1114 = arith.constant 0 : index
      %get3A_1115 = tpu.vector_load %arg9[%get3A_1113, %get3A_1114] {strides = array<i32>} : memref<128x128xf32, #tpu.memory_space<vmem>>, vector<1x16xf32>,
      %get3A_1116 = vector.shape_cast %get3A_1115 : vector<1x16xf32> to vector<16xf32>
      %get3A_1117 = arith.index_cast %add3A_1095 : i32 to index
      %get3A_1118 = arith.constant 16 : index
      %get3A_1119 = tpu.vector_load %arg9[%get3A_1117, %get3A_1118] {strides = array<i32>} : memref<128x128xf32, #tpu.memory_space<vmem>>, vector<1x16xf32>,
      %get3A_1120 = vector.shape_cast %get3A_1119 : vector<1x16xf32> to vector<16xf32>
      %get3A_1121 = arith.index_cast %add3A_1095 : i32 to index
      %get3A_1122 = arith.constant 32 : index
      %get3A_1123 = tpu.vector_load %arg9[%get3A_1121, %get3A_1122] {strides = array<i32>} : memref<128x128xf32, #tpu.memory_space<vmem>>, vector<1x16xf32>,
      %get3A_1124 = vector.shape_cast %get3A_1123 : vector<1x16xf32> to vector<16xf32>
      %get3A_1125 = arith.index_cast %add3A_1095 : i32 to index
      %get3A_1126 = arith.constant 48 : index
      %get3A_1127 = tpu.vector_load %arg9[%get3A_1125, %get3A_1126] {strides = array<i32>} : memref<128x128xf32, #tpu.memory_space<vmem>>, vector<1x16xf32>,
      %get3A_1128 = vector.shape_cast %get3A_1127 : vector<1x16xf32> to vector<16xf32>
      %get3A_1129 = arith.index_cast %add3A_1095 : i32 to index
      %get3A_1130 = arith.constant 64 : index
      %get3A_1131 = tpu.vector_load %arg9[%get3A_1129, %get3A_1130] {strides = array<i32>} : memref<128x128xf32, #tpu.memory_space<vmem>>, vector<1x16xf32>,
      %get3A_1132 = vector.shape_cast %get3A_1131 : vector<1x16xf32> to vector<16xf32>
      %get3A_1133 = arith.index_cast %add3A_1095 : i32 to index
      %get3A_1134 = arith.constant 80 : index
      %get3A_1135 = tpu.vector_load %arg9[%get3A_1133, %get3A_1134] {strides = array<i32>} : memref<128x128xf32, #tpu.memory_space<vmem>>, vector<1x16xf32>,
      %get3A_1136 = vector.shape_cast %get3A_1135 : vector<1x16xf32> to vector<16xf32>
      %get3A_1137 = arith.index_cast %add3A_1095 : i32 to index
      %get3A_1138 = arith.constant 96 : index
      %get3A_1139 = tpu.vector_load %arg9[%get3A_1137, %get3A_1138] {strides = array<i32>} : memref<128x128xf32, #tpu.memory_space<vmem>>, vector<1x16xf32>,
      %get3A_1140 = vector.shape_cast %get3A_1139 : vector<1x16xf32> to vector<16xf32>
      %get3A_1141 = arith.index_cast %add3A_1095 : i32 to index
      %get3A_1142 = arith.constant 112 : index
      %get3A_1143 = tpu.vector_load %arg9[%get3A_1141, %get3A_1142] {strides = array<i32>} : memref<128x128xf32, #tpu.memory_space<vmem>>, vector<1x16xf32>,
      %get3A_1144 = vector.shape_cast %get3A_1143 : vector<1x16xf32> to vector<16xf32>
      %eq3A_1145 = arith.constant 0 : i32
      %eq3A_1146 = arith.cmpi eq, %shift_right_logical3A_1112, %eq3A_1145 : i32
      %eq3A_1147 = arith.constant 1 : i32
      %eq3A_1148 = arith.cmpi eq, %shift_right_logical3A_1112, %eq3A_1147 : i32
      %eq3A_1149 = arith.constant 2 : i32
      %eq3A_1150 = arith.cmpi eq, %shift_right_logical3A_1112, %eq3A_1149 : i32
      %select_n3A_1151 = arith.select %eq3A_1150, %get3A_1132, %get3A_1140 : vector<16xf32>
      %select_n3A_1152 = arith.select %eq3A_1148, %get3A_1124, %select_n3A_1151 : vector<16xf32>
      %select_n3A_1153 = arith.select %eq3A_1146, %get3A_1116, %select_n3A_1152 : vector<16xf32>
      %eq3A_1154 = arith.constant 0 : i32
      %eq3A_1155 = arith.cmpi eq, %shift_right_logical3A_1112, %eq3A_1154 : i32
      %eq3A_1156 = arith.constant 1 : i32
      %eq3A_1157 = arith.cmpi eq, %shift_right_logical3A_1112, %eq3A_1156 : i32
      %eq3A_1158 = arith.constant 2 : i32
      %eq3A_1159 = arith.cmpi eq, %shift_right_logical3A_1112, %eq3A_1158 : i32
      %select_n3A_1160 = arith.select %eq3A_1159, %get3A_1136, %get3A_1144 : vector<16xf32>
      %select_n3A_1161 = arith.select %eq3A_1157, %get3A_1128, %select_n3A_1160 : vector<16xf32>
      %select_n3A_1162 = arith.select %eq3A_1155, %get3A_1120, %select_n3A_1161 : vector<16xf32>
      %swap3A_1163 = arith.index_cast %add3A_1095 : i32 to index
      %swap3A_1164 = arith.constant 0 : index
      %swap3A_1165 = tpu.vector_load %arg10[%swap3A_1163, %swap3A_1164] {strides = array<i32>} : memref<128x32xf32, #tpu.memory_space<vmem>>, vector<1x16xf32>,
      %swap3A_1166 = vector.shape_cast %swap3A_1165 : vector<1x16xf32> to vector<16xf32>
      %swap3A_1167 = vector.shape_cast %select_n3A_1153 : vector<16xf32> to vector<1x16xf32>
      tpu.vector_store %arg10[%swap3A_1163, %swap3A_1164], %swap3A_1167 {strides = array<i32>} : memref<128x32xf32, #tpu.memory_space<vmem>>, vector<1x16xf32>,
      %swap3A_1168 = arith.index_cast %add3A_1095 : i32 to index
      %swap3A_1169 = arith.constant 16 : index
      %swap3A_1170 = tpu.vector_load %arg10[%swap3A_1168, %swap3A_1169] {strides = array<i32>} : memref<128x32xf32, #tpu.memory_space<vmem>>, vector<1x16xf32>,
      %swap3A_1171 = vector.shape_cast %swap3A_1170 : vector<1x16xf32> to vector<16xf32>
      %swap3A_1172 = vector.shape_cast %select_n3A_1162 : vector<16xf32> to vector<1x16xf32>
      tpu.vector_store %arg10[%swap3A_1168, %swap3A_1169], %swap3A_1172 {strides = array<i32>} : memref<128x32xf32, #tpu.memory_space<vmem>>, vector<1x16xf32>,
      %mul3A_1173 = arith.constant 16 : i32
      %mul3A_1174 = arith.muli %scan3A_41, %mul3A_1173 : i32
      %add3A_1175 = arith.constant 14 : i32
      %add3A_1176 = arith.addi %mul3A_1174, %add3A_1175 : i32
      %slice3A_1177 = vector.extract_strided_slice %get3A_45 {offsets = [14], sizes = [1], strides = [1]} : vector<16xi32> to vector<1xi32>
      %squeeze3A_1178 = vector.extract %slice3A_1177[0] : i32 from vector<1xi32>
      %shift_right_logical3A_1179 = arith.constant 12 : i32
      %shift_right_logical3A_1180 = arith.shrui %squeeze3A_1178, %shift_right_logical3A_1179 : i32
      %mul3A_1181 = arith.constant 6554 : i32
      %mul3A_1182 = arith.muli %shift_right_logical3A_1180, %mul3A_1181 : i32
      %shift_right_logical3A_1183 = arith.constant 15 : i32
      %shift_right_logical3A_1184 = arith.shrui %mul3A_1182, %shift_right_logical3A_1183 : i32
      %mul3A_1185 = arith.constant 20480 : i32
      %mul3A_1186 = arith.muli %shift_right_logical3A_1184, %mul3A_1185 : i32
      %sub3A_1187 = arith.subi %squeeze3A_1178, %mul3A_1186 : i32
      %shift_right_logical3A_1188 = arith.constant 10 : i32
      %shift_right_logical3A_1189 = arith.shrui %sub3A_1187, %shift_right_logical3A_1188 : i32
      %mul3A_1190 = arith.constant 6554 : i32
      %mul3A_1191 = arith.muli %shift_right_logical3A_1189, %mul3A_1190 : i32
      %shift_right_logical3A_1192 = arith.constant 15 : i32
      %shift_right_logical3A_1193 = arith.shrui %mul3A_1191, %shift_right_logical3A_1192 : i32
      %get3A_1194 = arith.index_cast %add3A_1176 : i32 to index
      %get3A_1195 = arith.constant 0 : index
      %get3A_1196 = tpu.vector_load %arg9[%get3A_1194, %get3A_1195] {strides = array<i32>} : memref<128x128xf32, #tpu.memory_space<vmem>>, vector<1x16xf32>,
      %get3A_1197 = vector.shape_cast %get3A_1196 : vector<1x16xf32> to vector<16xf32>
      %get3A_1198 = arith.index_cast %add3A_1176 : i32 to index
      %get3A_1199 = arith.constant 16 : index
      %get3A_1200 = tpu.vector_load %arg9[%get3A_1198, %get3A_1199] {strides = array<i32>} : memref<128x128xf32, #tpu.memory_space<vmem>>, vector<1x16xf32>,
      %get3A_1201 = vector.shape_cast %get3A_1200 : vector<1x16xf32> to vector<16xf32>
      %get3A_1202 = arith.index_cast %add3A_1176 : i32 to index
      %get3A_1203 = arith.constant 32 : index
      %get3A_1204 = tpu.vector_load %arg9[%get3A_1202, %get3A_1203] {strides = array<i32>} : memref<128x128xf32, #tpu.memory_space<vmem>>, vector<1x16xf32>,
      %get3A_1205 = vector.shape_cast %get3A_1204 : vector<1x16xf32> to vector<16xf32>
      %get3A_1206 = arith.index_cast %add3A_1176 : i32 to index
      %get3A_1207 = arith.constant 48 : index
      %get3A_1208 = tpu.vector_load %arg9[%get3A_1206, %get3A_1207] {strides = array<i32>} : memref<128x128xf32, #tpu.memory_space<vmem>>, vector<1x16xf32>,
      %get3A_1209 = vector.shape_cast %get3A_1208 : vector<1x16xf32> to vector<16xf32>
      %get3A_1210 = arith.index_cast %add3A_1176 : i32 to index
      %get3A_1211 = arith.constant 64 : index
      %get3A_1212 = tpu.vector_load %arg9[%get3A_1210, %get3A_1211] {strides = array<i32>} : memref<128x128xf32, #tpu.memory_space<vmem>>, vector<1x16xf32>,
      %get3A_1213 = vector.shape_cast %get3A_1212 : vector<1x16xf32> to vector<16xf32>
      %get3A_1214 = arith.index_cast %add3A_1176 : i32 to index
      %get3A_1215 = arith.constant 80 : index
      %get3A_1216 = tpu.vector_load %arg9[%get3A_1214, %get3A_1215] {strides = array<i32>} : memref<128x128xf32, #tpu.memory_space<vmem>>, vector<1x16xf32>,
      %get3A_1217 = vector.shape_cast %get3A_1216 : vector<1x16xf32> to vector<16xf32>
      %get3A_1218 = arith.index_cast %add3A_1176 : i32 to index
      %get3A_1219 = arith.constant 96 : index
      %get3A_1220 = tpu.vector_load %arg9[%get3A_1218, %get3A_1219] {strides = array<i32>} : memref<128x128xf32, #tpu.memory_space<vmem>>, vector<1x16xf32>,
      %get3A_1221 = vector.shape_cast %get3A_1220 : vector<1x16xf32> to vector<16xf32>
      %get3A_1222 = arith.index_cast %add3A_1176 : i32 to index
      %get3A_1223 = arith.constant 112 : index
      %get3A_1224 = tpu.vector_load %arg9[%get3A_1222, %get3A_1223] {strides = array<i32>} : memref<128x128xf32, #tpu.memory_space<vmem>>, vector<1x16xf32>,
      %get3A_1225 = vector.shape_cast %get3A_1224 : vector<1x16xf32> to vector<16xf32>
      %eq3A_1226 = arith.constant 0 : i32
      %eq3A_1227 = arith.cmpi eq, %shift_right_logical3A_1193, %eq3A_1226 : i32
      %eq3A_1228 = arith.constant 1 : i32
      %eq3A_1229 = arith.cmpi eq, %shift_right_logical3A_1193, %eq3A_1228 : i32
      %eq3A_1230 = arith.constant 2 : i32
      %eq3A_1231 = arith.cmpi eq, %shift_right_logical3A_1193, %eq3A_1230 : i32
      %select_n3A_1232 = arith.select %eq3A_1231, %get3A_1213, %get3A_1221 : vector<16xf32>
      %select_n3A_1233 = arith.select %eq3A_1229, %get3A_1205, %select_n3A_1232 : vector<16xf32>
      %select_n3A_1234 = arith.select %eq3A_1227, %get3A_1197, %select_n3A_1233 : vector<16xf32>
      %eq3A_1235 = arith.constant 0 : i32
      %eq3A_1236 = arith.cmpi eq, %shift_right_logical3A_1193, %eq3A_1235 : i32
      %eq3A_1237 = arith.constant 1 : i32
      %eq3A_1238 = arith.cmpi eq, %shift_right_logical3A_1193, %eq3A_1237 : i32
      %eq3A_1239 = arith.constant 2 : i32
      %eq3A_1240 = arith.cmpi eq, %shift_right_logical3A_1193, %eq3A_1239 : i32
      %select_n3A_1241 = arith.select %eq3A_1240, %get3A_1217, %get3A_1225 : vector<16xf32>
      %select_n3A_1242 = arith.select %eq3A_1238, %get3A_1209, %select_n3A_1241 : vector<16xf32>
      %select_n3A_1243 = arith.select %eq3A_1236, %get3A_1201, %select_n3A_1242 : vector<16xf32>
      %swap3A_1244 = arith.index_cast %add3A_1176 : i32 to index
      %swap3A_1245 = arith.constant 0 : index
      %swap3A_1246 = tpu.vector_load %arg10[%swap3A_1244, %swap3A_1245] {strides = array<i32>} : memref<128x32xf32, #tpu.memory_space<vmem>>, vector<1x16xf32>,
      %swap3A_1247 = vector.shape_cast %swap3A_1246 : vector<1x16xf32> to vector<16xf32>
      %swap3A_1248 = vector.shape_cast %select_n3A_1234 : vector<16xf32> to vector<1x16xf32>
      tpu.vector_store %arg10[%swap3A_1244, %swap3A_1245], %swap3A_1248 {strides = array<i32>} : memref<128x32xf32, #tpu.memory_space<vmem>>, vector<1x16xf32>,
      %swap3A_1249 = arith.index_cast %add3A_1176 : i32 to index
      %swap3A_1250 = arith.constant 16 : index
      %swap3A_1251 = tpu.vector_load %arg10[%swap3A_1249, %swap3A_1250] {strides = array<i32>} : memref<128x32xf32, #tpu.memory_space<vmem>>, vector<1x16xf32>,
      %swap3A_1252 = vector.shape_cast %swap3A_1251 : vector<1x16xf32> to vector<16xf32>
      %swap3A_1253 = vector.shape_cast %select_n3A_1243 : vector<16xf32> to vector<1x16xf32>
      tpu.vector_store %arg10[%swap3A_1249, %swap3A_1250], %swap3A_1253 {strides = array<i32>} : memref<128x32xf32, #tpu.memory_space<vmem>>, vector<1x16xf32>,
      %mul3A_1254 = arith.constant 16 : i32
      %mul3A_1255 = arith.muli %scan3A_41, %mul3A_1254 : i32
      %add3A_1256 = arith.constant 15 : i32
      %add3A_1257 = arith.addi %mul3A_1255, %add3A_1256 : i32
      %slice3A_1258 = vector.extract_strided_slice %get3A_45 {offsets = [15], sizes = [1], strides = [1]} : vector<16xi32> to vector<1xi32>
      %squeeze3A_1259 = vector.extract %slice3A_1258[0] : i32 from vector<1xi32>
      %shift_right_logical3A_1260 = arith.constant 12 : i32
      %shift_right_logical3A_1261 = arith.shrui %squeeze3A_1259, %shift_right_logical3A_1260 : i32
      %mul3A_1262 = arith.constant 6554 : i32
      %mul3A_1263 = arith.muli %shift_right_logical3A_1261, %mul3A_1262 : i32
      %shift_right_logical3A_1264 = arith.constant 15 : i32
      %shift_right_logical3A_1265 = arith.shrui %mul3A_1263, %shift_right_logical3A_1264 : i32
      %mul3A_1266 = arith.constant 20480 : i32
      %mul3A_1267 = arith.muli %shift_right_logical3A_1265, %mul3A_1266 : i32
      %sub3A_1268 = arith.subi %squeeze3A_1259, %mul3A_1267 : i32
      %shift_right_logical3A_1269 = arith.constant 10 : i32
      %shift_right_logical3A_1270 = arith.shrui %sub3A_1268, %shift_right_logical3A_1269 : i32
      %mul3A_1271 = arith.constant 6554 : i32
      %mul3A_1272 = arith.muli %shift_right_logical3A_1270, %mul3A_1271 : i32
      %shift_right_logical3A_1273 = arith.constant 15 : i32
      %shift_right_logical3A_1274 = arith.shrui %mul3A_1272, %shift_right_logical3A_1273 : i32
      %get3A_1275 = arith.index_cast %add3A_1257 : i32 to index
      %get3A_1276 = arith.constant 0 : index
      %get3A_1277 = tpu.vector_load %arg9[%get3A_1275, %get3A_1276] {strides = array<i32>} : memref<128x128xf32, #tpu.memory_space<vmem>>, vector<1x16xf32>,
      %get3A_1278 = vector.shape_cast %get3A_1277 : vector<1x16xf32> to vector<16xf32>
      %get3A_1279 = arith.index_cast %add3A_1257 : i32 to index
      %get3A_1280 = arith.constant 16 : index
      %get3A_1281 = tpu.vector_load %arg9[%get3A_1279, %get3A_1280] {strides = array<i32>} : memref<128x128xf32, #tpu.memory_space<vmem>>, vector<1x16xf32>,
      %get3A_1282 = vector.shape_cast %get3A_1281 : vector<1x16xf32> to vector<16xf32>
      %get3A_1283 = arith.index_cast %add3A_1257 : i32 to index
      %get3A_1284 = arith.constant 32 : index
      %get3A_1285 = tpu.vector_load %arg9[%get3A_1283, %get3A_1284] {strides = array<i32>} : memref<128x128xf32, #tpu.memory_space<vmem>>, vector<1x16xf32>,
      %get3A_1286 = vector.shape_cast %get3A_1285 : vector<1x16xf32> to vector<16xf32>
      %get3A_1287 = arith.index_cast %add3A_1257 : i32 to index
      %get3A_1288 = arith.constant 48 : index
      %get3A_1289 = tpu.vector_load %arg9[%get3A_1287, %get3A_1288] {strides = array<i32>} : memref<128x128xf32, #tpu.memory_space<vmem>>, vector<1x16xf32>,
      %get3A_1290 = vector.shape_cast %get3A_1289 : vector<1x16xf32> to vector<16xf32>
      %get3A_1291 = arith.index_cast %add3A_1257 : i32 to index
      %get3A_1292 = arith.constant 64 : index
      %get3A_1293 = tpu.vector_load %arg9[%get3A_1291, %get3A_1292] {strides = array<i32>} : memref<128x128xf32, #tpu.memory_space<vmem>>, vector<1x16xf32>,
      %get3A_1294 = vector.shape_cast %get3A_1293 : vector<1x16xf32> to vector<16xf32>
      %get3A_1295 = arith.index_cast %add3A_1257 : i32 to index
      %get3A_1296 = arith.constant 80 : index
      %get3A_1297 = tpu.vector_load %arg9[%get3A_1295, %get3A_1296] {strides = array<i32>} : memref<128x128xf32, #tpu.memory_space<vmem>>, vector<1x16xf32>,
      %get3A_1298 = vector.shape_cast %get3A_1297 : vector<1x16xf32> to vector<16xf32>
      %get3A_1299 = arith.index_cast %add3A_1257 : i32 to index
      %get3A_1300 = arith.constant 96 : index
      %get3A_1301 = tpu.vector_load %arg9[%get3A_1299, %get3A_1300] {strides = array<i32>} : memref<128x128xf32, #tpu.memory_space<vmem>>, vector<1x16xf32>,
      %get3A_1302 = vector.shape_cast %get3A_1301 : vector<1x16xf32> to vector<16xf32>
      %get3A_1303 = arith.index_cast %add3A_1257 : i32 to index
      %get3A_1304 = arith.constant 112 : index
      %get3A_1305 = tpu.vector_load %arg9[%get3A_1303, %get3A_1304] {strides = array<i32>} : memref<128x128xf32, #tpu.memory_space<vmem>>, vector<1x16xf32>,
      %get3A_1306 = vector.shape_cast %get3A_1305 : vector<1x16xf32> to vector<16xf32>
      %eq3A_1307 = arith.constant 0 : i32
      %eq3A_1308 = arith.cmpi eq, %shift_right_logical3A_1274, %eq3A_1307 : i32
      %eq3A_1309 = arith.constant 1 : i32
      %eq3A_1310 = arith.cmpi eq, %shift_right_logical3A_1274, %eq3A_1309 : i32
      %eq3A_1311 = arith.constant 2 : i32
      %eq3A_1312 = arith.cmpi eq, %shift_right_logical3A_1274, %eq3A_1311 : i32
      %select_n3A_1313 = arith.select %eq3A_1312, %get3A_1294, %get3A_1302 : vector<16xf32>
      %select_n3A_1314 = arith.select %eq3A_1310, %get3A_1286, %select_n3A_1313 : vector<16xf32>
      %select_n3A_1315 = arith.select %eq3A_1308, %get3A_1278, %select_n3A_1314 : vector<16xf32>
      %eq3A_1316 = arith.constant 0 : i32
      %eq3A_1317 = arith.cmpi eq, %shift_right_logical3A_1274, %eq3A_1316 : i32
      %eq3A_1318 = arith.constant 1 : i32
      %eq3A_1319 = arith.cmpi eq, %shift_right_logical3A_1274, %eq3A_1318 : i32
      %eq3A_1320 = arith.constant 2 : i32
      %eq3A_1321 = arith.cmpi eq, %shift_right_logical3A_1274, %eq3A_1320 : i32
      %select_n3A_1322 = arith.select %eq3A_1321, %get3A_1298, %get3A_1306 : vector<16xf32>
      %select_n3A_1323 = arith.select %eq3A_1319, %get3A_1290, %select_n3A_1322 : vector<16xf32>
      %select_n3A_1324 = arith.select %eq3A_1317, %get3A_1282, %select_n3A_1323 : vector<16xf32>
      %swap3A_1325 = arith.index_cast %add3A_1257 : i32 to index
      %swap3A_1326 = arith.constant 0 : index
      %swap3A_1327 = tpu.vector_load %arg10[%swap3A_1325, %swap3A_1326] {strides = array<i32>} : memref<128x32xf32, #tpu.memory_space<vmem>>, vector<1x16xf32>,
      %swap3A_1328 = vector.shape_cast %swap3A_1327 : vector<1x16xf32> to vector<16xf32>
      %swap3A_1329 = vector.shape_cast %select_n3A_1315 : vector<16xf32> to vector<1x16xf32>
      tpu.vector_store %arg10[%swap3A_1325, %swap3A_1326], %swap3A_1329 {strides = array<i32>} : memref<128x32xf32, #tpu.memory_space<vmem>>, vector<1x16xf32>,
      %swap3A_1330 = arith.index_cast %add3A_1257 : i32 to index
      %swap3A_1331 = arith.constant 16 : index
      %swap3A_1332 = tpu.vector_load %arg10[%swap3A_1330, %swap3A_1331] {strides = array<i32>} : memref<128x32xf32, #tpu.memory_space<vmem>>, vector<1x16xf32>,
      %swap3A_1333 = vector.shape_cast %swap3A_1332 : vector<1x16xf32> to vector<16xf32>
      %swap3A_1334 = vector.shape_cast %select_n3A_1324 : vector<16xf32> to vector<1x16xf32>
      tpu.vector_store %arg10[%swap3A_1330, %swap3A_1331], %swap3A_1334 {strides = array<i32>} : memref<128x32xf32, #tpu.memory_space<vmem>>, vector<1x16xf32>,
    }
    %scan3A_32 = arith.constant 8 : i32
    %iota3A = tpu.iota {dimensions = array<i32: 0>} : vector<16xi32>
    %scan3A_33 = arith.constant 0 : i32
    %scan3A_34 = arith.constant 0 : i32
    %scan3A_35 = arith.constant 40 : i32
    %scan3A_36 = arith.addi %scan3A_34, %scan3A_35 : i32
    %scan3A_37 = arith.constant 1 : i32
    scf.for %scan3A_41 = %scan3A_34 to %scan3A_36 step %scan3A_37  : i32 {
      %mul3A_42 = arith.constant 16 : i32
      %mul3A_43 = arith.muli %scan3A_41, %mul3A_42 : i32
      %get3A = arith.index_cast %mul3A_43 : i32 to index
      %get3A_44 = tpu.vector_load %arg8[%get3A] {strides = array<i32>} : memref<640xi32, #tpu.memory_space<vmem>>, vector<16xi32>,
      %get3A_45 = vector.shape_cast %get3A_44 : vector<16xi32> to vector<16xi32>
      %add3A_46 = arith.constant 0 : i32
      %add3A_47 = arith.addi %mul3A_43, %add3A_46 : i32
      %mul3A_48 = arith.constant 6554 : i32
      %mul3A_49 = arith.muli %add3A_47, %mul3A_48 : i32
      %shift_right_logical3A = arith.constant 15 : i32
      %shift_right_logical3A_50 = arith.shrui %mul3A_49, %shift_right_logical3A : i32
      %get3A_51 = arith.index_cast %shift_right_logical3A_50 : i32 to index
      %get3A_52 = arith.constant 0 : index
      %get3A_53 = tpu.vector_load %arg10[%get3A_51, %get3A_52] {strides = array<i32>} : memref<128x32xf32, #tpu.memory_space<vmem>>, vector<1x16xf32>,
      %get3A_54 = vector.shape_cast %get3A_53 : vector<1x16xf32> to vector<16xf32>
      %get3A_55 = arith.index_cast %shift_right_logical3A_50 : i32 to index
      %get3A_56 = arith.constant 16 : index
      %get3A_57 = tpu.vector_load %arg10[%get3A_55, %get3A_56] {strides = array<i32>} : memref<128x32xf32, #tpu.memory_space<vmem>>, vector<1x16xf32>,
      %get3A_58 = vector.shape_cast %get3A_57 : vector<1x16xf32> to vector<16xf32>
      %slice3A = vector.extract_strided_slice %get3A_45 {offsets = [0], sizes = [1], strides = [1]} : vector<16xi32> to vector<1xi32>
      %squeeze3A = vector.extract %slice3A[0] : i32 from vector<1xi32>
      %shift_right_logical3A_59 = arith.constant 12 : i32
      %shift_right_logical3A_60 = arith.shrui %squeeze3A, %shift_right_logical3A_59 : i32
      %mul3A_61 = arith.constant 6554 : i32
      %mul3A_62 = arith.muli %shift_right_logical3A_60, %mul3A_61 : i32
      %shift_right_logical3A_63 = arith.constant 15 : i32
      %shift_right_logical3A_64 = arith.shrui %mul3A_62, %shift_right_logical3A_63 : i32
      %mul3A_65 = arith.constant 20480 : i32
      %mul3A_66 = arith.muli %shift_right_logical3A_64, %mul3A_65 : i32
      %sub3A = arith.subi %squeeze3A, %mul3A_66 : i32
      %shift_right_logical3A_67 = arith.constant 10 : i32
      %shift_right_logical3A_68 = arith.shrui %sub3A, %shift_right_logical3A_67 : i32
      %mul3A_69 = arith.constant 6554 : i32
      %mul3A_70 = arith.muli %shift_right_logical3A_68, %mul3A_69 : i32
      %shift_right_logical3A_71 = arith.constant 15 : i32
      %shift_right_logical3A_72 = arith.shrui %mul3A_70, %shift_right_logical3A_71 : i32
      %get3A_73 = arith.index_cast %add3A_47 : i32 to index
      %get3A_74 = arith.constant 0 : index
      %get3A_75 = tpu.vector_load %arg11[%get3A_73, %get3A_74] {strides = array<i32>} : memref<640x128xf32, #tpu.memory_space<vmem>>, vector<1x16xf32>,
      %get3A_76 = vector.shape_cast %get3A_75 : vector<1x16xf32> to vector<16xf32>
      %get3A_77 = arith.index_cast %add3A_47 : i32 to index
      %get3A_78 = arith.constant 16 : index
      %get3A_79 = tpu.vector_load %arg11[%get3A_77, %get3A_78] {strides = array<i32>} : memref<640x128xf32, #tpu.memory_space<vmem>>, vector<1x16xf32>,
      %get3A_80 = vector.shape_cast %get3A_79 : vector<1x16xf32> to vector<16xf32>
      %get3A_81 = arith.index_cast %add3A_47 : i32 to index
      %get3A_82 = arith.constant 32 : index
      %get3A_83 = tpu.vector_load %arg11[%get3A_81, %get3A_82] {strides = array<i32>} : memref<640x128xf32, #tpu.memory_space<vmem>>, vector<1x16xf32>,
      %get3A_84 = vector.shape_cast %get3A_83 : vector<1x16xf32> to vector<16xf32>
      %get3A_85 = arith.index_cast %add3A_47 : i32 to index
      %get3A_86 = arith.constant 48 : index
      %get3A_87 = tpu.vector_load %arg11[%get3A_85, %get3A_86] {strides = array<i32>} : memref<640x128xf32, #tpu.memory_space<vmem>>, vector<1x16xf32>,
      %get3A_88 = vector.shape_cast %get3A_87 : vector<1x16xf32> to vector<16xf32>
      %get3A_89 = arith.index_cast %add3A_47 : i32 to index
      %get3A_90 = arith.constant 64 : index
      %get3A_91 = tpu.vector_load %arg11[%get3A_89, %get3A_90] {strides = array<i32>} : memref<640x128xf32, #tpu.memory_space<vmem>>, vector<1x16xf32>,
      %get3A_92 = vector.shape_cast %get3A_91 : vector<1x16xf32> to vector<16xf32>
      %get3A_93 = arith.index_cast %add3A_47 : i32 to index
      %get3A_94 = arith.constant 80 : index
      %get3A_95 = tpu.vector_load %arg11[%get3A_93, %get3A_94] {strides = array<i32>} : memref<640x128xf32, #tpu.memory_space<vmem>>, vector<1x16xf32>,
      %get3A_96 = vector.shape_cast %get3A_95 : vector<1x16xf32> to vector<16xf32>
      %get3A_97 = arith.index_cast %add3A_47 : i32 to index
      %get3A_98 = arith.constant 96 : index
      %get3A_99 = tpu.vector_load %arg11[%get3A_97, %get3A_98] {strides = array<i32>} : memref<640x128xf32, #tpu.memory_space<vmem>>, vector<1x16xf32>,
      %get3A_100 = vector.shape_cast %get3A_99 : vector<1x16xf32> to vector<16xf32>
      %get3A_101 = arith.index_cast %add3A_47 : i32 to index
      %get3A_102 = arith.constant 112 : index
      %get3A_103 = tpu.vector_load %arg11[%get3A_101, %get3A_102] {strides = array<i32>} : memref<640x128xf32, #tpu.memory_space<vmem>>, vector<1x16xf32>,
      %get3A_104 = vector.shape_cast %get3A_103 : vector<1x16xf32> to vector<16xf32>
      %eq3A = arith.constant 0 : i32
      %eq3A_105 = arith.cmpi eq, %shift_right_logical3A_72, %eq3A : i32
      %eq3A_106 = arith.constant 1 : i32
      %eq3A_107 = arith.cmpi eq, %shift_right_logical3A_72, %eq3A_106 : i32
      %eq3A_108 = arith.constant 2 : i32
      %eq3A_109 = arith.cmpi eq, %shift_right_logical3A_72, %eq3A_108 : i32
      %select_n3A = arith.select %eq3A_109, %get3A_92, %get3A_100 : vector<16xf32>
      %select_n3A_110 = arith.select %eq3A_107, %get3A_84, %select_n3A : vector<16xf32>
      %select_n3A_111 = arith.select %eq3A_105, %get3A_76, %select_n3A_110 : vector<16xf32>
      %eq3A_112 = arith.constant 0 : i32
      %eq3A_113 = arith.cmpi eq, %shift_right_logical3A_72, %eq3A_112 : i32
      %eq3A_114 = arith.constant 1 : i32
      %eq3A_115 = arith.cmpi eq, %shift_right_logical3A_72, %eq3A_114 : i32
      %eq3A_116 = arith.constant 2 : i32
      %eq3A_117 = arith.cmpi eq, %shift_right_logical3A_72, %eq3A_116 : i32
      %select_n3A_118 = arith.select %eq3A_117, %get3A_96, %get3A_104 : vector<16xf32>
      %select_n3A_119 = arith.select %eq3A_115, %get3A_88, %select_n3A_118 : vector<16xf32>
      %select_n3A_120 = arith.select %eq3A_113, %get3A_80, %select_n3A_119 : vector<16xf32>
      %mul3A_121 = arith.mulf %get3A_54, %select_n3A_111 : vector<16xf32>
      %mul3A_122 = arith.mulf %get3A_58, %select_n3A_120 : vector<16xf32>
      %add3A_123 = arith.addf %mul3A_121, %mul3A_122 : vector<16xf32>
      %add3A_124 = arith.constant 1 : i32
      %add3A_125 = arith.addi %mul3A_43, %add3A_124 : i32
      %mul3A_126 = arith.constant 6554 : i32
      %mul3A_127 = arith.muli %add3A_125, %mul3A_126 : i32
      %shift_right_logical3A_128 = arith.constant 15 : i32
      %shift_right_logical3A_129 = arith.shrui %mul3A_127, %shift_right_logical3A_128 : i32
      %get3A_130 = arith.index_cast %shift_right_logical3A_129 : i32 to index
      %get3A_131 = arith.constant 0 : index
      %get3A_132 = tpu.vector_load %arg10[%get3A_130, %get3A_131] {strides = array<i32>} : memref<128x32xf32, #tpu.memory_space<vmem>>, vector<1x16xf32>,
      %get3A_133 = vector.shape_cast %get3A_132 : vector<1x16xf32> to vector<16xf32>
      %get3A_134 = arith.index_cast %shift_right_logical3A_129 : i32 to index
      %get3A_135 = arith.constant 16 : index
      %get3A_136 = tpu.vector_load %arg10[%get3A_134, %get3A_135] {strides = array<i32>} : memref<128x32xf32, #tpu.memory_space<vmem>>, vector<1x16xf32>,
      %get3A_137 = vector.shape_cast %get3A_136 : vector<1x16xf32> to vector<16xf32>
      %slice3A_138 = vector.extract_strided_slice %get3A_45 {offsets = [1], sizes = [1], strides = [1]} : vector<16xi32> to vector<1xi32>
      %squeeze3A_139 = vector.extract %slice3A_138[0] : i32 from vector<1xi32>
      %shift_right_logical3A_140 = arith.constant 12 : i32
      %shift_right_logical3A_141 = arith.shrui %squeeze3A_139, %shift_right_logical3A_140 : i32
      %mul3A_142 = arith.constant 6554 : i32
      %mul3A_143 = arith.muli %shift_right_logical3A_141, %mul3A_142 : i32
      %shift_right_logical3A_144 = arith.constant 15 : i32
      %shift_right_logical3A_145 = arith.shrui %mul3A_143, %shift_right_logical3A_144 : i32
      %mul3A_146 = arith.constant 20480 : i32
      %mul3A_147 = arith.muli %shift_right_logical3A_145, %mul3A_146 : i32
      %sub3A_148 = arith.subi %squeeze3A_139, %mul3A_147 : i32
      %shift_right_logical3A_149 = arith.constant 10 : i32
      %shift_right_logical3A_150 = arith.shrui %sub3A_148, %shift_right_logical3A_149 : i32
      %mul3A_151 = arith.constant 6554 : i32
      %mul3A_152 = arith.muli %shift_right_logical3A_150, %mul3A_151 : i32
      %shift_right_logical3A_153 = arith.constant 15 : i32
      %shift_right_logical3A_154 = arith.shrui %mul3A_152, %shift_right_logical3A_153 : i32
      %get3A_155 = arith.index_cast %add3A_125 : i32 to index
      %get3A_156 = arith.constant 0 : index
      %get3A_157 = tpu.vector_load %arg11[%get3A_155, %get3A_156] {strides = array<i32>} : memref<640x128xf32, #tpu.memory_space<vmem>>, vector<1x16xf32>,
      %get3A_158 = vector.shape_cast %get3A_157 : vector<1x16xf32> to vector<16xf32>
      %get3A_159 = arith.index_cast %add3A_125 : i32 to index
      %get3A_160 = arith.constant 16 : index
      %get3A_161 = tpu.vector_load %arg11[%get3A_159, %get3A_160] {strides = array<i32>} : memref<640x128xf32, #tpu.memory_space<vmem>>, vector<1x16xf32>,
      %get3A_162 = vector.shape_cast %get3A_161 : vector<1x16xf32> to vector<16xf32>
      %get3A_163 = arith.index_cast %add3A_125 : i32 to index
      %get3A_164 = arith.constant 32 : index
      %get3A_165 = tpu.vector_load %arg11[%get3A_163, %get3A_164] {strides = array<i32>} : memref<640x128xf32, #tpu.memory_space<vmem>>, vector<1x16xf32>,
      %get3A_166 = vector.shape_cast %get3A_165 : vector<1x16xf32> to vector<16xf32>
      %get3A_167 = arith.index_cast %add3A_125 : i32 to index
      %get3A_168 = arith.constant 48 : index
      %get3A_169 = tpu.vector_load %arg11[%get3A_167, %get3A_168] {strides = array<i32>} : memref<640x128xf32, #tpu.memory_space<vmem>>, vector<1x16xf32>,
      %get3A_170 = vector.shape_cast %get3A_169 : vector<1x16xf32> to vector<16xf32>
      %get3A_171 = arith.index_cast %add3A_125 : i32 to index
      %get3A_172 = arith.constant 64 : index
      %get3A_173 = tpu.vector_load %arg11[%get3A_171, %get3A_172] {strides = array<i32>} : memref<640x128xf32, #tpu.memory_space<vmem>>, vector<1x16xf32>,
      %get3A_174 = vector.shape_cast %get3A_173 : vector<1x16xf32> to vector<16xf32>
      %get3A_175 = arith.index_cast %add3A_125 : i32 to index
      %get3A_176 = arith.constant 80 : index
      %get3A_177 = tpu.vector_load %arg11[%get3A_175, %get3A_176] {strides = array<i32>} : memref<640x128xf32, #tpu.memory_space<vmem>>, vector<1x16xf32>,
      %get3A_178 = vector.shape_cast %get3A_177 : vector<1x16xf32> to vector<16xf32>
      %get3A_179 = arith.index_cast %add3A_125 : i32 to index
      %get3A_180 = arith.constant 96 : index
      %get3A_181 = tpu.vector_load %arg11[%get3A_179, %get3A_180] {strides = array<i32>} : memref<640x128xf32, #tpu.memory_space<vmem>>, vector<1x16xf32>,
      %get3A_182 = vector.shape_cast %get3A_181 : vector<1x16xf32> to vector<16xf32>
      %get3A_183 = arith.index_cast %add3A_125 : i32 to index
      %get3A_184 = arith.constant 112 : index
      %get3A_185 = tpu.vector_load %arg11[%get3A_183, %get3A_184] {strides = array<i32>} : memref<640x128xf32, #tpu.memory_space<vmem>>, vector<1x16xf32>,
      %get3A_186 = vector.shape_cast %get3A_185 : vector<1x16xf32> to vector<16xf32>
      %eq3A_187 = arith.constant 0 : i32
      %eq3A_188 = arith.cmpi eq, %shift_right_logical3A_154, %eq3A_187 : i32
      %eq3A_189 = arith.constant 1 : i32
      %eq3A_190 = arith.cmpi eq, %shift_right_logical3A_154, %eq3A_189 : i32
      %eq3A_191 = arith.constant 2 : i32
      %eq3A_192 = arith.cmpi eq, %shift_right_logical3A_154, %eq3A_191 : i32
      %select_n3A_193 = arith.select %eq3A_192, %get3A_174, %get3A_182 : vector<16xf32>
      %select_n3A_194 = arith.select %eq3A_190, %get3A_166, %select_n3A_193 : vector<16xf32>
      %select_n3A_195 = arith.select %eq3A_188, %get3A_158, %select_n3A_194 : vector<16xf32>
      %eq3A_196 = arith.constant 0 : i32
      %eq3A_197 = arith.cmpi eq, %shift_right_logical3A_154, %eq3A_196 : i32
      %eq3A_198 = arith.constant 1 : i32
      %eq3A_199 = arith.cmpi eq, %shift_right_logical3A_154, %eq3A_198 : i32
      %eq3A_200 = arith.constant 2 : i32
      %eq3A_201 = arith.cmpi eq, %shift_right_logical3A_154, %eq3A_200 : i32
      %select_n3A_202 = arith.select %eq3A_201, %get3A_178, %get3A_186 : vector<16xf32>
      %select_n3A_203 = arith.select %eq3A_199, %get3A_170, %select_n3A_202 : vector<16xf32>
      %select_n3A_204 = arith.select %eq3A_197, %get3A_162, %select_n3A_203 : vector<16xf32>
      %mul3A_205 = arith.mulf %get3A_133, %select_n3A_195 : vector<16xf32>
      %mul3A_206 = arith.mulf %get3A_137, %select_n3A_204 : vector<16xf32>
      %add3A_207 = arith.addf %mul3A_205, %mul3A_206 : vector<16xf32>
      %add3A_208 = arith.constant 2 : i32
      %add3A_209 = arith.addi %mul3A_43, %add3A_208 : i32
      %mul3A_210 = arith.constant 6554 : i32
      %mul3A_211 = arith.muli %add3A_209, %mul3A_210 : i32
      %shift_right_logical3A_212 = arith.constant 15 : i32
      %shift_right_logical3A_213 = arith.shrui %mul3A_211, %shift_right_logical3A_212 : i32
      %get3A_214 = arith.index_cast %shift_right_logical3A_213 : i32 to index
      %get3A_215 = arith.constant 0 : index
      %get3A_216 = tpu.vector_load %arg10[%get3A_214, %get3A_215] {strides = array<i32>} : memref<128x32xf32, #tpu.memory_space<vmem>>, vector<1x16xf32>,
      %get3A_217 = vector.shape_cast %get3A_216 : vector<1x16xf32> to vector<16xf32>
      %get3A_218 = arith.index_cast %shift_right_logical3A_213 : i32 to index
      %get3A_219 = arith.constant 16 : index
      %get3A_220 = tpu.vector_load %arg10[%get3A_218, %get3A_219] {strides = array<i32>} : memref<128x32xf32, #tpu.memory_space<vmem>>, vector<1x16xf32>,
      %get3A_221 = vector.shape_cast %get3A_220 : vector<1x16xf32> to vector<16xf32>
      %slice3A_222 = vector.extract_strided_slice %get3A_45 {offsets = [2], sizes = [1], strides = [1]} : vector<16xi32> to vector<1xi32>
      %squeeze3A_223 = vector.extract %slice3A_222[0] : i32 from vector<1xi32>
      %shift_right_logical3A_224 = arith.constant 12 : i32
      %shift_right_logical3A_225 = arith.shrui %squeeze3A_223, %shift_right_logical3A_224 : i32
      %mul3A_226 = arith.constant 6554 : i32
      %mul3A_227 = arith.muli %shift_right_logical3A_225, %mul3A_226 : i32
      %shift_right_logical3A_228 = arith.constant 15 : i32
      %shift_right_logical3A_229 = arith.shrui %mul3A_227, %shift_right_logical3A_228 : i32
      %mul3A_230 = arith.constant 20480 : i32
      %mul3A_231 = arith.muli %shift_right_logical3A_229, %mul3A_230 : i32
      %sub3A_232 = arith.subi %squeeze3A_223, %mul3A_231 : i32
      %shift_right_logical3A_233 = arith.constant 10 : i32
      %shift_right_logical3A_234 = arith.shrui %sub3A_232, %shift_right_logical3A_233 : i32
      %mul3A_235 = arith.constant 6554 : i32
      %mul3A_236 = arith.muli %shift_right_logical3A_234, %mul3A_235 : i32
      %shift_right_logical3A_237 = arith.constant 15 : i32
      %shift_right_logical3A_238 = arith.shrui %mul3A_236, %shift_right_logical3A_237 : i32
      %get3A_239 = arith.index_cast %add3A_209 : i32 to index
      %get3A_240 = arith.constant 0 : index
      %get3A_241 = tpu.vector_load %arg11[%get3A_239, %get3A_240] {strides = array<i32>} : memref<640x128xf32, #tpu.memory_space<vmem>>, vector<1x16xf32>,
      %get3A_242 = vector.shape_cast %get3A_241 : vector<1x16xf32> to vector<16xf32>
      %get3A_243 = arith.index_cast %add3A_209 : i32 to index
      %get3A_244 = arith.constant 16 : index
      %get3A_245 = tpu.vector_load %arg11[%get3A_243, %get3A_244] {strides = array<i32>} : memref<640x128xf32, #tpu.memory_space<vmem>>, vector<1x16xf32>,
      %get3A_246 = vector.shape_cast %get3A_245 : vector<1x16xf32> to vector<16xf32>
      %get3A_247 = arith.index_cast %add3A_209 : i32 to index
      %get3A_248 = arith.constant 32 : index
      %get3A_249 = tpu.vector_load %arg11[%get3A_247, %get3A_248] {strides = array<i32>} : memref<640x128xf32, #tpu.memory_space<vmem>>, vector<1x16xf32>,
      %get3A_250 = vector.shape_cast %get3A_249 : vector<1x16xf32> to vector<16xf32>
      %get3A_251 = arith.index_cast %add3A_209 : i32 to index
      %get3A_252 = arith.constant 48 : index
      %get3A_253 = tpu.vector_load %arg11[%get3A_251, %get3A_252] {strides = array<i32>} : memref<640x128xf32, #tpu.memory_space<vmem>>, vector<1x16xf32>,
      %get3A_254 = vector.shape_cast %get3A_253 : vector<1x16xf32> to vector<16xf32>
      %get3A_255 = arith.index_cast %add3A_209 : i32 to index
      %get3A_256 = arith.constant 64 : index
      %get3A_257 = tpu.vector_load %arg11[%get3A_255, %get3A_256] {strides = array<i32>} : memref<640x128xf32, #tpu.memory_space<vmem>>, vector<1x16xf32>,
      %get3A_258 = vector.shape_cast %get3A_257 : vector<1x16xf32> to vector<16xf32>
      %get3A_259 = arith.index_cast %add3A_209 : i32 to index
      %get3A_260 = arith.constant 80 : index
      %get3A_261 = tpu.vector_load %arg11[%get3A_259, %get3A_260] {strides = array<i32>} : memref<640x128xf32, #tpu.memory_space<vmem>>, vector<1x16xf32>,
      %get3A_262 = vector.shape_cast %get3A_261 : vector<1x16xf32> to vector<16xf32>
      %get3A_263 = arith.index_cast %add3A_209 : i32 to index
      %get3A_264 = arith.constant 96 : index
      %get3A_265 = tpu.vector_load %arg11[%get3A_263, %get3A_264] {strides = array<i32>} : memref<640x128xf32, #tpu.memory_space<vmem>>, vector<1x16xf32>,
      %get3A_266 = vector.shape_cast %get3A_265 : vector<1x16xf32> to vector<16xf32>
      %get3A_267 = arith.index_cast %add3A_209 : i32 to index
      %get3A_268 = arith.constant 112 : index
      %get3A_269 = tpu.vector_load %arg11[%get3A_267, %get3A_268] {strides = array<i32>} : memref<640x128xf32, #tpu.memory_space<vmem>>, vector<1x16xf32>,
      %get3A_270 = vector.shape_cast %get3A_269 : vector<1x16xf32> to vector<16xf32>
      %eq3A_271 = arith.constant 0 : i32
      %eq3A_272 = arith.cmpi eq, %shift_right_logical3A_238, %eq3A_271 : i32
      %eq3A_273 = arith.constant 1 : i32
      %eq3A_274 = arith.cmpi eq, %shift_right_logical3A_238, %eq3A_273 : i32
      %eq3A_275 = arith.constant 2 : i32
      %eq3A_276 = arith.cmpi eq, %shift_right_logical3A_238, %eq3A_275 : i32
      %select_n3A_277 = arith.select %eq3A_276, %get3A_258, %get3A_266 : vector<16xf32>
      %select_n3A_278 = arith.select %eq3A_274, %get3A_250, %select_n3A_277 : vector<16xf32>
      %select_n3A_279 = arith.select %eq3A_272, %get3A_242, %select_n3A_278 : vector<16xf32>
      %eq3A_280 = arith.constant 0 : i32
      %eq3A_281 = arith.cmpi eq, %shift_right_logical3A_238, %eq3A_280 : i32
      %eq3A_282 = arith.constant 1 : i32
      %eq3A_283 = arith.cmpi eq, %shift_right_logical3A_238, %eq3A_282 : i32
      %eq3A_284 = arith.constant 2 : i32
      %eq3A_285 = arith.cmpi eq, %shift_right_logical3A_238, %eq3A_284 : i32
      %select_n3A_286 = arith.select %eq3A_285, %get3A_262, %get3A_270 : vector<16xf32>
      %select_n3A_287 = arith.select %eq3A_283, %get3A_254, %select_n3A_286 : vector<16xf32>
      %select_n3A_288 = arith.select %eq3A_281, %get3A_246, %select_n3A_287 : vector<16xf32>
      %mul3A_289 = arith.mulf %get3A_217, %select_n3A_279 : vector<16xf32>
      %mul3A_290 = arith.mulf %get3A_221, %select_n3A_288 : vector<16xf32>
      %add3A_291 = arith.addf %mul3A_289, %mul3A_290 : vector<16xf32>
      %add3A_292 = arith.constant 3 : i32
      %add3A_293 = arith.addi %mul3A_43, %add3A_292 : i32
      %mul3A_294 = arith.constant 6554 : i32
      %mul3A_295 = arith.muli %add3A_293, %mul3A_294 : i32
      %shift_right_logical3A_296 = arith.constant 15 : i32
      %shift_right_logical3A_297 = arith.shrui %mul3A_295, %shift_right_logical3A_296 : i32
      %get3A_298 = arith.index_cast %shift_right_logical3A_297 : i32 to index
      %get3A_299 = arith.constant 0 : index
      %get3A_300 = tpu.vector_load %arg10[%get3A_298, %get3A_299] {strides = array<i32>} : memref<128x32xf32, #tpu.memory_space<vmem>>, vector<1x16xf32>,
      %get3A_301 = vector.shape_cast %get3A_300 : vector<1x16xf32> to vector<16xf32>
      %get3A_302 = arith.index_cast %shift_right_logical3A_297 : i32 to index
      %get3A_303 = arith.constant 16 : index
      %get3A_304 = tpu.vector_load %arg10[%get3A_302, %get3A_303] {strides = array<i32>} : memref<128x32xf32, #tpu.memory_space<vmem>>, vector<1x16xf32>,
      %get3A_305 = vector.shape_cast %get3A_304 : vector<1x16xf32> to vector<16xf32>
      %slice3A_306 = vector.extract_strided_slice %get3A_45 {offsets = [3], sizes = [1], strides = [1]} : vector<16xi32> to vector<1xi32>
      %squeeze3A_307 = vector.extract %slice3A_306[0] : i32 from vector<1xi32>
      %shift_right_logical3A_308 = arith.constant 12 : i32
      %shift_right_logical3A_309 = arith.shrui %squeeze3A_307, %shift_right_logical3A_308 : i32
      %mul3A_310 = arith.constant 6554 : i32
      %mul3A_311 = arith.muli %shift_right_logical3A_309, %mul3A_310 : i32
      %shift_right_logical3A_312 = arith.constant 15 : i32
      %shift_right_logical3A_313 = arith.shrui %mul3A_311, %shift_right_logical3A_312 : i32
      %mul3A_314 = arith.constant 20480 : i32
      %mul3A_315 = arith.muli %shift_right_logical3A_313, %mul3A_314 : i32
      %sub3A_316 = arith.subi %squeeze3A_307, %mul3A_315 : i32
      %shift_right_logical3A_317 = arith.constant 10 : i32
      %shift_right_logical3A_318 = arith.shrui %sub3A_316, %shift_right_logical3A_317 : i32
      %mul3A_319 = arith.constant 6554 : i32
      %mul3A_320 = arith.muli %shift_right_logical3A_318, %mul3A_319 : i32
      %shift_right_logical3A_321 = arith.constant 15 : i32
      %shift_right_logical3A_322 = arith.shrui %mul3A_320, %shift_right_logical3A_321 : i32
      %get3A_323 = arith.index_cast %add3A_293 : i32 to index
      %get3A_324 = arith.constant 0 : index
      %get3A_325 = tpu.vector_load %arg11[%get3A_323, %get3A_324] {strides = array<i32>} : memref<640x128xf32, #tpu.memory_space<vmem>>, vector<1x16xf32>,
      %get3A_326 = vector.shape_cast %get3A_325 : vector<1x16xf32> to vector<16xf32>
      %get3A_327 = arith.index_cast %add3A_293 : i32 to index
      %get3A_328 = arith.constant 16 : index
      %get3A_329 = tpu.vector_load %arg11[%get3A_327, %get3A_328] {strides = array<i32>} : memref<640x128xf32, #tpu.memory_space<vmem>>, vector<1x16xf32>,
      %get3A_330 = vector.shape_cast %get3A_329 : vector<1x16xf32> to vector<16xf32>
      %get3A_331 = arith.index_cast %add3A_293 : i32 to index
      %get3A_332 = arith.constant 32 : index
      %get3A_333 = tpu.vector_load %arg11[%get3A_331, %get3A_332] {strides = array<i32>} : memref<640x128xf32, #tpu.memory_space<vmem>>, vector<1x16xf32>,
      %get3A_334 = vector.shape_cast %get3A_333 : vector<1x16xf32> to vector<16xf32>
      %get3A_335 = arith.index_cast %add3A_293 : i32 to index
      %get3A_336 = arith.constant 48 : index
      %get3A_337 = tpu.vector_load %arg11[%get3A_335, %get3A_336] {strides = array<i32>} : memref<640x128xf32, #tpu.memory_space<vmem>>, vector<1x16xf32>,
      %get3A_338 = vector.shape_cast %get3A_337 : vector<1x16xf32> to vector<16xf32>
      %get3A_339 = arith.index_cast %add3A_293 : i32 to index
      %get3A_340 = arith.constant 64 : index
      %get3A_341 = tpu.vector_load %arg11[%get3A_339, %get3A_340] {strides = array<i32>} : memref<640x128xf32, #tpu.memory_space<vmem>>, vector<1x16xf32>,
      %get3A_342 = vector.shape_cast %get3A_341 : vector<1x16xf32> to vector<16xf32>
      %get3A_343 = arith.index_cast %add3A_293 : i32 to index
      %get3A_344 = arith.constant 80 : index
      %get3A_345 = tpu.vector_load %arg11[%get3A_343, %get3A_344] {strides = array<i32>} : memref<640x128xf32, #tpu.memory_space<vmem>>, vector<1x16xf32>,
      %get3A_346 = vector.shape_cast %get3A_345 : vector<1x16xf32> to vector<16xf32>
      %get3A_347 = arith.index_cast %add3A_293 : i32 to index
      %get3A_348 = arith.constant 96 : index
      %get3A_349 = tpu.vector_load %arg11[%get3A_347, %get3A_348] {strides = array<i32>} : memref<640x128xf32, #tpu.memory_space<vmem>>, vector<1x16xf32>,
      %get3A_350 = vector.shape_cast %get3A_349 : vector<1x16xf32> to vector<16xf32>
      %get3A_351 = arith.index_cast %add3A_293 : i32 to index
      %get3A_352 = arith.constant 112 : index
      %get3A_353 = tpu.vector_load %arg11[%get3A_351, %get3A_352] {strides = array<i32>} : memref<640x128xf32, #tpu.memory_space<vmem>>, vector<1x16xf32>,
      %get3A_354 = vector.shape_cast %get3A_353 : vector<1x16xf32> to vector<16xf32>
      %eq3A_355 = arith.constant 0 : i32
      %eq3A_356 = arith.cmpi eq, %shift_right_logical3A_322, %eq3A_355 : i32
      %eq3A_357 = arith.constant 1 : i32
      %eq3A_358 = arith.cmpi eq, %shift_right_logical3A_322, %eq3A_357 : i32
      %eq3A_359 = arith.constant 2 : i32
      %eq3A_360 = arith.cmpi eq, %shift_right_logical3A_322, %eq3A_359 : i32
      %select_n3A_361 = arith.select %eq3A_360, %get3A_342, %get3A_350 : vector<16xf32>
      %select_n3A_362 = arith.select %eq3A_358, %get3A_334, %select_n3A_361 : vector<16xf32>
      %select_n3A_363 = arith.select %eq3A_356, %get3A_326, %select_n3A_362 : vector<16xf32>
      %eq3A_364 = arith.constant 0 : i32
      %eq3A_365 = arith.cmpi eq, %shift_right_logical3A_322, %eq3A_364 : i32
      %eq3A_366 = arith.constant 1 : i32
      %eq3A_367 = arith.cmpi eq, %shift_right_logical3A_322, %eq3A_366 : i32
      %eq3A_368 = arith.constant 2 : i32
      %eq3A_369 = arith.cmpi eq, %shift_right_logical3A_322, %eq3A_368 : i32
      %select_n3A_370 = arith.select %eq3A_369, %get3A_346, %get3A_354 : vector<16xf32>
      %select_n3A_371 = arith.select %eq3A_367, %get3A_338, %select_n3A_370 : vector<16xf32>
      %select_n3A_372 = arith.select %eq3A_365, %get3A_330, %select_n3A_371 : vector<16xf32>
      %mul3A_373 = arith.mulf %get3A_301, %select_n3A_363 : vector<16xf32>
      %mul3A_374 = arith.mulf %get3A_305, %select_n3A_372 : vector<16xf32>
      %add3A_375 = arith.addf %mul3A_373, %mul3A_374 : vector<16xf32>
      %add3A_376 = arith.constant 4 : i32
      %add3A_377 = arith.addi %mul3A_43, %add3A_376 : i32
      %mul3A_378 = arith.constant 6554 : i32
      %mul3A_379 = arith.muli %add3A_377, %mul3A_378 : i32
      %shift_right_logical3A_380 = arith.constant 15 : i32
      %shift_right_logical3A_381 = arith.shrui %mul3A_379, %shift_right_logical3A_380 : i32
      %get3A_382 = arith.index_cast %shift_right_logical3A_381 : i32 to index
      %get3A_383 = arith.constant 0 : index
      %get3A_384 = tpu.vector_load %arg10[%get3A_382, %get3A_383] {strides = array<i32>} : memref<128x32xf32, #tpu.memory_space<vmem>>, vector<1x16xf32>,
      %get3A_385 = vector.shape_cast %get3A_384 : vector<1x16xf32> to vector<16xf32>
      %get3A_386 = arith.index_cast %shift_right_logical3A_381 : i32 to index
      %get3A_387 = arith.constant 16 : index
      %get3A_388 = tpu.vector_load %arg10[%get3A_386, %get3A_387] {strides = array<i32>} : memref<128x32xf32, #tpu.memory_space<vmem>>, vector<1x16xf32>,
      %get3A_389 = vector.shape_cast %get3A_388 : vector<1x16xf32> to vector<16xf32>
      %slice3A_390 = vector.extract_strided_slice %get3A_45 {offsets = [4], sizes = [1], strides = [1]} : vector<16xi32> to vector<1xi32>
      %squeeze3A_391 = vector.extract %slice3A_390[0] : i32 from vector<1xi32>
      %shift_right_logical3A_392 = arith.constant 12 : i32
      %shift_right_logical3A_393 = arith.shrui %squeeze3A_391, %shift_right_logical3A_392 : i32
      %mul3A_394 = arith.constant 6554 : i32
      %mul3A_395 = arith.muli %shift_right_logical3A_393, %mul3A_394 : i32
      %shift_right_logical3A_396 = arith.constant 15 : i32
      %shift_right_logical3A_397 = arith.shrui %mul3A_395, %shift_right_logical3A_396 : i32
      %mul3A_398 = arith.constant 20480 : i32
      %mul3A_399 = arith.muli %shift_right_logical3A_397, %mul3A_398 : i32
      %sub3A_400 = arith.subi %squeeze3A_391, %mul3A_399 : i32
      %shift_right_logical3A_401 = arith.constant 10 : i32
      %shift_right_logical3A_402 = arith.shrui %sub3A_400, %shift_right_logical3A_401 : i32
      %mul3A_403 = arith.constant 6554 : i32
      %mul3A_404 = arith.muli %shift_right_logical3A_402, %mul3A_403 : i32
      %shift_right_logical3A_405 = arith.constant 15 : i32
      %shift_right_logical3A_406 = arith.shrui %mul3A_404, %shift_right_logical3A_405 : i32
      %get3A_407 = arith.index_cast %add3A_377 : i32 to index
      %get3A_408 = arith.constant 0 : index
      %get3A_409 = tpu.vector_load %arg11[%get3A_407, %get3A_408] {strides = array<i32>} : memref<640x128xf32, #tpu.memory_space<vmem>>, vector<1x16xf32>,
      %get3A_410 = vector.shape_cast %get3A_409 : vector<1x16xf32> to vector<16xf32>
      %get3A_411 = arith.index_cast %add3A_377 : i32 to index
      %get3A_412 = arith.constant 16 : index
      %get3A_413 = tpu.vector_load %arg11[%get3A_411, %get3A_412] {strides = array<i32>} : memref<640x128xf32, #tpu.memory_space<vmem>>, vector<1x16xf32>,
      %get3A_414 = vector.shape_cast %get3A_413 : vector<1x16xf32> to vector<16xf32>
      %get3A_415 = arith.index_cast %add3A_377 : i32 to index
      %get3A_416 = arith.constant 32 : index
      %get3A_417 = tpu.vector_load %arg11[%get3A_415, %get3A_416] {strides = array<i32>} : memref<640x128xf32, #tpu.memory_space<vmem>>, vector<1x16xf32>,
      %get3A_418 = vector.shape_cast %get3A_417 : vector<1x16xf32> to vector<16xf32>
      %get3A_419 = arith.index_cast %add3A_377 : i32 to index
      %get3A_420 = arith.constant 48 : index
      %get3A_421 = tpu.vector_load %arg11[%get3A_419, %get3A_420] {strides = array<i32>} : memref<640x128xf32, #tpu.memory_space<vmem>>, vector<1x16xf32>,
      %get3A_422 = vector.shape_cast %get3A_421 : vector<1x16xf32> to vector<16xf32>
      %get3A_423 = arith.index_cast %add3A_377 : i32 to index
      %get3A_424 = arith.constant 64 : index
      %get3A_425 = tpu.vector_load %arg11[%get3A_423, %get3A_424] {strides = array<i32>} : memref<640x128xf32, #tpu.memory_space<vmem>>, vector<1x16xf32>,
      %get3A_426 = vector.shape_cast %get3A_425 : vector<1x16xf32> to vector<16xf32>
      %get3A_427 = arith.index_cast %add3A_377 : i32 to index
      %get3A_428 = arith.constant 80 : index
      %get3A_429 = tpu.vector_load %arg11[%get3A_427, %get3A_428] {strides = array<i32>} : memref<640x128xf32, #tpu.memory_space<vmem>>, vector<1x16xf32>,
      %get3A_430 = vector.shape_cast %get3A_429 : vector<1x16xf32> to vector<16xf32>
      %get3A_431 = arith.index_cast %add3A_377 : i32 to index
      %get3A_432 = arith.constant 96 : index
      %get3A_433 = tpu.vector_load %arg11[%get3A_431, %get3A_432] {strides = array<i32>} : memref<640x128xf32, #tpu.memory_space<vmem>>, vector<1x16xf32>,
      %get3A_434 = vector.shape_cast %get3A_433 : vector<1x16xf32> to vector<16xf32>
      %get3A_435 = arith.index_cast %add3A_377 : i32 to index
      %get3A_436 = arith.constant 112 : index
      %get3A_437 = tpu.vector_load %arg11[%get3A_435, %get3A_436] {strides = array<i32>} : memref<640x128xf32, #tpu.memory_space<vmem>>, vector<1x16xf32>,
      %get3A_438 = vector.shape_cast %get3A_437 : vector<1x16xf32> to vector<16xf32>
      %eq3A_439 = arith.constant 0 : i32
      %eq3A_440 = arith.cmpi eq, %shift_right_logical3A_406, %eq3A_439 : i32
      %eq3A_441 = arith.constant 1 : i32
      %eq3A_442 = arith.cmpi eq, %shift_right_logical3A_406, %eq3A_441 : i32
      %eq3A_443 = arith.constant 2 : i32
      %eq3A_444 = arith.cmpi eq, %shift_right_logical3A_406, %eq3A_443 : i32
      %select_n3A_445 = arith.select %eq3A_444, %get3A_426, %get3A_434 : vector<16xf32>
      %select_n3A_446 = arith.select %eq3A_442, %get3A_418, %select_n3A_445 : vector<16xf32>
      %select_n3A_447 = arith.select %eq3A_440, %get3A_410, %select_n3A_446 : vector<16xf32>
      %eq3A_448 = arith.constant 0 : i32
      %eq3A_449 = arith.cmpi eq, %shift_right_logical3A_406, %eq3A_448 : i32
      %eq3A_450 = arith.constant 1 : i32
      %eq3A_451 = arith.cmpi eq, %shift_right_logical3A_406, %eq3A_450 : i32
      %eq3A_452 = arith.constant 2 : i32
      %eq3A_453 = arith.cmpi eq, %shift_right_logical3A_406, %eq3A_452 : i32
      %select_n3A_454 = arith.select %eq3A_453, %get3A_430, %get3A_438 : vector<16xf32>
      %select_n3A_455 = arith.select %eq3A_451, %get3A_422, %select_n3A_454 : vector<16xf32>
      %select_n3A_456 = arith.select %eq3A_449, %get3A_414, %select_n3A_455 : vector<16xf32>
      %mul3A_457 = arith.mulf %get3A_385, %select_n3A_447 : vector<16xf32>
      %mul3A_458 = arith.mulf %get3A_389, %select_n3A_456 : vector<16xf32>
      %add3A_459 = arith.addf %mul3A_457, %mul3A_458 : vector<16xf32>
      %add3A_460 = arith.constant 5 : i32
      %add3A_461 = arith.addi %mul3A_43, %add3A_460 : i32
      %mul3A_462 = arith.constant 6554 : i32
      %mul3A_463 = arith.muli %add3A_461, %mul3A_462 : i32
      %shift_right_logical3A_464 = arith.constant 15 : i32
      %shift_right_logical3A_465 = arith.shrui %mul3A_463, %shift_right_logical3A_464 : i32
      %get3A_466 = arith.index_cast %shift_right_logical3A_465 : i32 to index
      %get3A_467 = arith.constant 0 : index
      %get3A_468 = tpu.vector_load %arg10[%get3A_466, %get3A_467] {strides = array<i32>} : memref<128x32xf32, #tpu.memory_space<vmem>>, vector<1x16xf32>,
      %get3A_469 = vector.shape_cast %get3A_468 : vector<1x16xf32> to vector<16xf32>
      %get3A_470 = arith.index_cast %shift_right_logical3A_465 : i32 to index
      %get3A_471 = arith.constant 16 : index
      %get3A_472 = tpu.vector_load %arg10[%get3A_470, %get3A_471] {strides = array<i32>} : memref<128x32xf32, #tpu.memory_space<vmem>>, vector<1x16xf32>,
      %get3A_473 = vector.shape_cast %get3A_472 : vector<1x16xf32> to vector<16xf32>
      %slice3A_474 = vector.extract_strided_slice %get3A_45 {offsets = [5], sizes = [1], strides = [1]} : vector<16xi32> to vector<1xi32>
      %squeeze3A_475 = vector.extract %slice3A_474[0] : i32 from vector<1xi32>
      %shift_right_logical3A_476 = arith.constant 12 : i32
      %shift_right_logical3A_477 = arith.shrui %squeeze3A_475, %shift_right_logical3A_476 : i32
      %mul3A_478 = arith.constant 6554 : i32
      %mul3A_479 = arith.muli %shift_right_logical3A_477, %mul3A_478 : i32
      %shift_right_logical3A_480 = arith.constant 15 : i32
      %shift_right_logical3A_481 = arith.shrui %mul3A_479, %shift_right_logical3A_480 : i32
      %mul3A_482 = arith.constant 20480 : i32
      %mul3A_483 = arith.muli %shift_right_logical3A_481, %mul3A_482 : i32
      %sub3A_484 = arith.subi %squeeze3A_475, %mul3A_483 : i32
      %shift_right_logical3A_485 = arith.constant 10 : i32
      %shift_right_logical3A_486 = arith.shrui %sub3A_484, %shift_right_logical3A_485 : i32
      %mul3A_487 = arith.constant 6554 : i32
      %mul3A_488 = arith.muli %shift_right_logical3A_486, %mul3A_487 : i32
      %shift_right_logical3A_489 = arith.constant 15 : i32
      %shift_right_logical3A_490 = arith.shrui %mul3A_488, %shift_right_logical3A_489 : i32
      %get3A_491 = arith.index_cast %add3A_461 : i32 to index
      %get3A_492 = arith.constant 0 : index
      %get3A_493 = tpu.vector_load %arg11[%get3A_491, %get3A_492] {strides = array<i32>} : memref<640x128xf32, #tpu.memory_space<vmem>>, vector<1x16xf32>,
      %get3A_494 = vector.shape_cast %get3A_493 : vector<1x16xf32> to vector<16xf32>
      %get3A_495 = arith.index_cast %add3A_461 : i32 to index
      %get3A_496 = arith.constant 16 : index
      %get3A_497 = tpu.vector_load %arg11[%get3A_495, %get3A_496] {strides = array<i32>} : memref<640x128xf32, #tpu.memory_space<vmem>>, vector<1x16xf32>,
      %get3A_498 = vector.shape_cast %get3A_497 : vector<1x16xf32> to vector<16xf32>
      %get3A_499 = arith.index_cast %add3A_461 : i32 to index
      %get3A_500 = arith.constant 32 : index
      %get3A_501 = tpu.vector_load %arg11[%get3A_499, %get3A_500] {strides = array<i32>} : memref<640x128xf32, #tpu.memory_space<vmem>>, vector<1x16xf32>,
      %get3A_502 = vector.shape_cast %get3A_501 : vector<1x16xf32> to vector<16xf32>
      %get3A_503 = arith.index_cast %add3A_461 : i32 to index
      %get3A_504 = arith.constant 48 : index
      %get3A_505 = tpu.vector_load %arg11[%get3A_503, %get3A_504] {strides = array<i32>} : memref<640x128xf32, #tpu.memory_space<vmem>>, vector<1x16xf32>,
      %get3A_506 = vector.shape_cast %get3A_505 : vector<1x16xf32> to vector<16xf32>
      %get3A_507 = arith.index_cast %add3A_461 : i32 to index
      %get3A_508 = arith.constant 64 : index
      %get3A_509 = tpu.vector_load %arg11[%get3A_507, %get3A_508] {strides = array<i32>} : memref<640x128xf32, #tpu.memory_space<vmem>>, vector<1x16xf32>,
      %get3A_510 = vector.shape_cast %get3A_509 : vector<1x16xf32> to vector<16xf32>
      %get3A_511 = arith.index_cast %add3A_461 : i32 to index
      %get3A_512 = arith.constant 80 : index
      %get3A_513 = tpu.vector_load %arg11[%get3A_511, %get3A_512] {strides = array<i32>} : memref<640x128xf32, #tpu.memory_space<vmem>>, vector<1x16xf32>,
      %get3A_514 = vector.shape_cast %get3A_513 : vector<1x16xf32> to vector<16xf32>
      %get3A_515 = arith.index_cast %add3A_461 : i32 to index
      %get3A_516 = arith.constant 96 : index
      %get3A_517 = tpu.vector_load %arg11[%get3A_515, %get3A_516] {strides = array<i32>} : memref<640x128xf32, #tpu.memory_space<vmem>>, vector<1x16xf32>,
      %get3A_518 = vector.shape_cast %get3A_517 : vector<1x16xf32> to vector<16xf32>
      %get3A_519 = arith.index_cast %add3A_461 : i32 to index
      %get3A_520 = arith.constant 112 : index
      %get3A_521 = tpu.vector_load %arg11[%get3A_519, %get3A_520] {strides = array<i32>} : memref<640x128xf32, #tpu.memory_space<vmem>>, vector<1x16xf32>,
      %get3A_522 = vector.shape_cast %get3A_521 : vector<1x16xf32> to vector<16xf32>
      %eq3A_523 = arith.constant 0 : i32
      %eq3A_524 = arith.cmpi eq, %shift_right_logical3A_490, %eq3A_523 : i32
      %eq3A_525 = arith.constant 1 : i32
      %eq3A_526 = arith.cmpi eq, %shift_right_logical3A_490, %eq3A_525 : i32
      %eq3A_527 = arith.constant 2 : i32
      %eq3A_528 = arith.cmpi eq, %shift_right_logical3A_490, %eq3A_527 : i32
      %select_n3A_529 = arith.select %eq3A_528, %get3A_510, %get3A_518 : vector<16xf32>
      %select_n3A_530 = arith.select %eq3A_526, %get3A_502, %select_n3A_529 : vector<16xf32>
      %select_n3A_531 = arith.select %eq3A_524, %get3A_494, %select_n3A_530 : vector<16xf32>
      %eq3A_532 = arith.constant 0 : i32
      %eq3A_533 = arith.cmpi eq, %shift_right_logical3A_490, %eq3A_532 : i32
      %eq3A_534 = arith.constant 1 : i32
      %eq3A_535 = arith.cmpi eq, %shift_right_logical3A_490, %eq3A_534 : i32
      %eq3A_536 = arith.constant 2 : i32
      %eq3A_537 = arith.cmpi eq, %shift_right_logical3A_490, %eq3A_536 : i32
      %select_n3A_538 = arith.select %eq3A_537, %get3A_514, %get3A_522 : vector<16xf32>
      %select_n3A_539 = arith.select %eq3A_535, %get3A_506, %select_n3A_538 : vector<16xf32>
      %select_n3A_540 = arith.select %eq3A_533, %get3A_498, %select_n3A_539 : vector<16xf32>
      %mul3A_541 = arith.mulf %get3A_469, %select_n3A_531 : vector<16xf32>
      %mul3A_542 = arith.mulf %get3A_473, %select_n3A_540 : vector<16xf32>
      %add3A_543 = arith.addf %mul3A_541, %mul3A_542 : vector<16xf32>
      %add3A_544 = arith.constant 6 : i32
      %add3A_545 = arith.addi %mul3A_43, %add3A_544 : i32
      %mul3A_546 = arith.constant 6554 : i32
      %mul3A_547 = arith.muli %add3A_545, %mul3A_546 : i32
      %shift_right_logical3A_548 = arith.constant 15 : i32
      %shift_right_logical3A_549 = arith.shrui %mul3A_547, %shift_right_logical3A_548 : i32
      %get3A_550 = arith.index_cast %shift_right_logical3A_549 : i32 to index
      %get3A_551 = arith.constant 0 : index
      %get3A_552 = tpu.vector_load %arg10[%get3A_550, %get3A_551] {strides = array<i32>} : memref<128x32xf32, #tpu.memory_space<vmem>>, vector<1x16xf32>,
      %get3A_553 = vector.shape_cast %get3A_552 : vector<1x16xf32> to vector<16xf32>
      %get3A_554 = arith.index_cast %shift_right_logical3A_549 : i32 to index
      %get3A_555 = arith.constant 16 : index
      %get3A_556 = tpu.vector_load %arg10[%get3A_554, %get3A_555] {strides = array<i32>} : memref<128x32xf32, #tpu.memory_space<vmem>>, vector<1x16xf32>,
      %get3A_557 = vector.shape_cast %get3A_556 : vector<1x16xf32> to vector<16xf32>
      %slice3A_558 = vector.extract_strided_slice %get3A_45 {offsets = [6], sizes = [1], strides = [1]} : vector<16xi32> to vector<1xi32>
      %squeeze3A_559 = vector.extract %slice3A_558[0] : i32 from vector<1xi32>
      %shift_right_logical3A_560 = arith.constant 12 : i32
      %shift_right_logical3A_561 = arith.shrui %squeeze3A_559, %shift_right_logical3A_560 : i32
      %mul3A_562 = arith.constant 6554 : i32
      %mul3A_563 = arith.muli %shift_right_logical3A_561, %mul3A_562 : i32
      %shift_right_logical3A_564 = arith.constant 15 : i32
      %shift_right_logical3A_565 = arith.shrui %mul3A_563, %shift_right_logical3A_564 : i32
      %mul3A_566 = arith.constant 20480 : i32
      %mul3A_567 = arith.muli %shift_right_logical3A_565, %mul3A_566 : i32
      %sub3A_568 = arith.subi %squeeze3A_559, %mul3A_567 : i32
      %shift_right_logical3A_569 = arith.constant 10 : i32
      %shift_right_logical3A_570 = arith.shrui %sub3A_568, %shift_right_logical3A_569 : i32
      %mul3A_571 = arith.constant 6554 : i32
      %mul3A_572 = arith.muli %shift_right_logical3A_570, %mul3A_571 : i32
      %shift_right_logical3A_573 = arith.constant 15 : i32
      %shift_right_logical3A_574 = arith.shrui %mul3A_572, %shift_right_logical3A_573 : i32
      %get3A_575 = arith.index_cast %add3A_545 : i32 to index
      %get3A_576 = arith.constant 0 : index
      %get3A_577 = tpu.vector_load %arg11[%get3A_575, %get3A_576] {strides = array<i32>} : memref<640x128xf32, #tpu.memory_space<vmem>>, vector<1x16xf32>,
      %get3A_578 = vector.shape_cast %get3A_577 : vector<1x16xf32> to vector<16xf32>
      %get3A_579 = arith.index_cast %add3A_545 : i32 to index
      %get3A_580 = arith.constant 16 : index
      %get3A_581 = tpu.vector_load %arg11[%get3A_579, %get3A_580] {strides = array<i32>} : memref<640x128xf32, #tpu.memory_space<vmem>>, vector<1x16xf32>,
      %get3A_582 = vector.shape_cast %get3A_581 : vector<1x16xf32> to vector<16xf32>
      %get3A_583 = arith.index_cast %add3A_545 : i32 to index
      %get3A_584 = arith.constant 32 : index
      %get3A_585 = tpu.vector_load %arg11[%get3A_583, %get3A_584] {strides = array<i32>} : memref<640x128xf32, #tpu.memory_space<vmem>>, vector<1x16xf32>,
      %get3A_586 = vector.shape_cast %get3A_585 : vector<1x16xf32> to vector<16xf32>
      %get3A_587 = arith.index_cast %add3A_545 : i32 to index
      %get3A_588 = arith.constant 48 : index
      %get3A_589 = tpu.vector_load %arg11[%get3A_587, %get3A_588] {strides = array<i32>} : memref<640x128xf32, #tpu.memory_space<vmem>>, vector<1x16xf32>,
      %get3A_590 = vector.shape_cast %get3A_589 : vector<1x16xf32> to vector<16xf32>
      %get3A_591 = arith.index_cast %add3A_545 : i32 to index
      %get3A_592 = arith.constant 64 : index
      %get3A_593 = tpu.vector_load %arg11[%get3A_591, %get3A_592] {strides = array<i32>} : memref<640x128xf32, #tpu.memory_space<vmem>>, vector<1x16xf32>,
      %get3A_594 = vector.shape_cast %get3A_593 : vector<1x16xf32> to vector<16xf32>
      %get3A_595 = arith.index_cast %add3A_545 : i32 to index
      %get3A_596 = arith.constant 80 : index
      %get3A_597 = tpu.vector_load %arg11[%get3A_595, %get3A_596] {strides = array<i32>} : memref<640x128xf32, #tpu.memory_space<vmem>>, vector<1x16xf32>,
      %get3A_598 = vector.shape_cast %get3A_597 : vector<1x16xf32> to vector<16xf32>
      %get3A_599 = arith.index_cast %add3A_545 : i32 to index
      %get3A_600 = arith.constant 96 : index
      %get3A_601 = tpu.vector_load %arg11[%get3A_599, %get3A_600] {strides = array<i32>} : memref<640x128xf32, #tpu.memory_space<vmem>>, vector<1x16xf32>,
      %get3A_602 = vector.shape_cast %get3A_601 : vector<1x16xf32> to vector<16xf32>
      %get3A_603 = arith.index_cast %add3A_545 : i32 to index
      %get3A_604 = arith.constant 112 : index
      %get3A_605 = tpu.vector_load %arg11[%get3A_603, %get3A_604] {strides = array<i32>} : memref<640x128xf32, #tpu.memory_space<vmem>>, vector<1x16xf32>,
      %get3A_606 = vector.shape_cast %get3A_605 : vector<1x16xf32> to vector<16xf32>
      %eq3A_607 = arith.constant 0 : i32
      %eq3A_608 = arith.cmpi eq, %shift_right_logical3A_574, %eq3A_607 : i32
      %eq3A_609 = arith.constant 1 : i32
      %eq3A_610 = arith.cmpi eq, %shift_right_logical3A_574, %eq3A_609 : i32
      %eq3A_611 = arith.constant 2 : i32
      %eq3A_612 = arith.cmpi eq, %shift_right_logical3A_574, %eq3A_611 : i32
      %select_n3A_613 = arith.select %eq3A_612, %get3A_594, %get3A_602 : vector<16xf32>
      %select_n3A_614 = arith.select %eq3A_610, %get3A_586, %select_n3A_613 : vector<16xf32>
      %select_n3A_615 = arith.select %eq3A_608, %get3A_578, %select_n3A_614 : vector<16xf32>
      %eq3A_616 = arith.constant 0 : i32
      %eq3A_617 = arith.cmpi eq, %shift_right_logical3A_574, %eq3A_616 : i32
      %eq3A_618 = arith.constant 1 : i32
      %eq3A_619 = arith.cmpi eq, %shift_right_logical3A_574, %eq3A_618 : i32
      %eq3A_620 = arith.constant 2 : i32
      %eq3A_621 = arith.cmpi eq, %shift_right_logical3A_574, %eq3A_620 : i32
      %select_n3A_622 = arith.select %eq3A_621, %get3A_598, %get3A_606 : vector<16xf32>
      %select_n3A_623 = arith.select %eq3A_619, %get3A_590, %select_n3A_622 : vector<16xf32>
      %select_n3A_624 = arith.select %eq3A_617, %get3A_582, %select_n3A_623 : vector<16xf32>
      %mul3A_625 = arith.mulf %get3A_553, %select_n3A_615 : vector<16xf32>
      %mul3A_626 = arith.mulf %get3A_557, %select_n3A_624 : vector<16xf32>
      %add3A_627 = arith.addf %mul3A_625, %mul3A_626 : vector<16xf32>
      %add3A_628 = arith.constant 7 : i32
      %add3A_629 = arith.addi %mul3A_43, %add3A_628 : i32
      %mul3A_630 = arith.constant 6554 : i32
      %mul3A_631 = arith.muli %add3A_629, %mul3A_630 : i32
      %shift_right_logical3A_632 = arith.constant 15 : i32
      %shift_right_logical3A_633 = arith.shrui %mul3A_631, %shift_right_logical3A_632 : i32
      %get3A_634 = arith.index_cast %shift_right_logical3A_633 : i32 to index
      %get3A_635 = arith.constant 0 : index
      %get3A_636 = tpu.vector_load %arg10[%get3A_634, %get3A_635] {strides = array<i32>} : memref<128x32xf32, #tpu.memory_space<vmem>>, vector<1x16xf32>,
      %get3A_637 = vector.shape_cast %get3A_636 : vector<1x16xf32> to vector<16xf32>
      %get3A_638 = arith.index_cast %shift_right_logical3A_633 : i32 to index
      %get3A_639 = arith.constant 16 : index
      %get3A_640 = tpu.vector_load %arg10[%get3A_638, %get3A_639] {strides = array<i32>} : memref<128x32xf32, #tpu.memory_space<vmem>>, vector<1x16xf32>,
      %get3A_641 = vector.shape_cast %get3A_640 : vector<1x16xf32> to vector<16xf32>
      %slice3A_642 = vector.extract_strided_slice %get3A_45 {offsets = [7], sizes = [1], strides = [1]} : vector<16xi32> to vector<1xi32>
      %squeeze3A_643 = vector.extract %slice3A_642[0] : i32 from vector<1xi32>
      %shift_right_logical3A_644 = arith.constant 12 : i32
      %shift_right_logical3A_645 = arith.shrui %squeeze3A_643, %shift_right_logical3A_644 : i32
      %mul3A_646 = arith.constant 6554 : i32
      %mul3A_647 = arith.muli %shift_right_logical3A_645, %mul3A_646 : i32
      %shift_right_logical3A_648 = arith.constant 15 : i32
      %shift_right_logical3A_649 = arith.shrui %mul3A_647, %shift_right_logical3A_648 : i32
      %mul3A_650 = arith.constant 20480 : i32
      %mul3A_651 = arith.muli %shift_right_logical3A_649, %mul3A_650 : i32
      %sub3A_652 = arith.subi %squeeze3A_643, %mul3A_651 : i32
      %shift_right_logical3A_653 = arith.constant 10 : i32
      %shift_right_logical3A_654 = arith.shrui %sub3A_652, %shift_right_logical3A_653 : i32
      %mul3A_655 = arith.constant 6554 : i32
      %mul3A_656 = arith.muli %shift_right_logical3A_654, %mul3A_655 : i32
      %shift_right_logical3A_657 = arith.constant 15 : i32
      %shift_right_logical3A_658 = arith.shrui %mul3A_656, %shift_right_logical3A_657 : i32
      %get3A_659 = arith.index_cast %add3A_629 : i32 to index
      %get3A_660 = arith.constant 0 : index
      %get3A_661 = tpu.vector_load %arg11[%get3A_659, %get3A_660] {strides = array<i32>} : memref<640x128xf32, #tpu.memory_space<vmem>>, vector<1x16xf32>,
      %get3A_662 = vector.shape_cast %get3A_661 : vector<1x16xf32> to vector<16xf32>
      %get3A_663 = arith.index_cast %add3A_629 : i32 to index
      %get3A_664 = arith.constant 16 : index
      %get3A_665 = tpu.vector_load %arg11[%get3A_663, %get3A_664] {strides = array<i32>} : memref<640x128xf32, #tpu.memory_space<vmem>>, vector<1x16xf32>,
      %get3A_666 = vector.shape_cast %get3A_665 : vector<1x16xf32> to vector<16xf32>
      %get3A_667 = arith.index_cast %add3A_629 : i32 to index
      %get3A_668 = arith.constant 32 : index
      %get3A_669 = tpu.vector_load %arg11[%get3A_667, %get3A_668] {strides = array<i32>} : memref<640x128xf32, #tpu.memory_space<vmem>>, vector<1x16xf32>,
      %get3A_670 = vector.shape_cast %get3A_669 : vector<1x16xf32> to vector<16xf32>
      %get3A_671 = arith.index_cast %add3A_629 : i32 to index
      %get3A_672 = arith.constant 48 : index
      %get3A_673 = tpu.vector_load %arg11[%get3A_671, %get3A_672] {strides = array<i32>} : memref<640x128xf32, #tpu.memory_space<vmem>>, vector<1x16xf32>,
      %get3A_674 = vector.shape_cast %get3A_673 : vector<1x16xf32> to vector<16xf32>
      %get3A_675 = arith.index_cast %add3A_629 : i32 to index
      %get3A_676 = arith.constant 64 : index
      %get3A_677 = tpu.vector_load %arg11[%get3A_675, %get3A_676] {strides = array<i32>} : memref<640x128xf32, #tpu.memory_space<vmem>>, vector<1x16xf32>,
      %get3A_678 = vector.shape_cast %get3A_677 : vector<1x16xf32> to vector<16xf32>
      %get3A_679 = arith.index_cast %add3A_629 : i32 to index
      %get3A_680 = arith.constant 80 : index
      %get3A_681 = tpu.vector_load %arg11[%get3A_679, %get3A_680] {strides = array<i32>} : memref<640x128xf32, #tpu.memory_space<vmem>>, vector<1x16xf32>,
      %get3A_682 = vector.shape_cast %get3A_681 : vector<1x16xf32> to vector<16xf32>
      %get3A_683 = arith.index_cast %add3A_629 : i32 to index
      %get3A_684 = arith.constant 96 : index
      %get3A_685 = tpu.vector_load %arg11[%get3A_683, %get3A_684] {strides = array<i32>} : memref<640x128xf32, #tpu.memory_space<vmem>>, vector<1x16xf32>,
      %get3A_686 = vector.shape_cast %get3A_685 : vector<1x16xf32> to vector<16xf32>
      %get3A_687 = arith.index_cast %add3A_629 : i32 to index
      %get3A_688 = arith.constant 112 : index
      %get3A_689 = tpu.vector_load %arg11[%get3A_687, %get3A_688] {strides = array<i32>} : memref<640x128xf32, #tpu.memory_space<vmem>>, vector<1x16xf32>,
      %get3A_690 = vector.shape_cast %get3A_689 : vector<1x16xf32> to vector<16xf32>
      %eq3A_691 = arith.constant 0 : i32
      %eq3A_692 = arith.cmpi eq, %shift_right_logical3A_658, %eq3A_691 : i32
      %eq3A_693 = arith.constant 1 : i32
      %eq3A_694 = arith.cmpi eq, %shift_right_logical3A_658, %eq3A_693 : i32
      %eq3A_695 = arith.constant 2 : i32
      %eq3A_696 = arith.cmpi eq, %shift_right_logical3A_658, %eq3A_695 : i32
      %select_n3A_697 = arith.select %eq3A_696, %get3A_678, %get3A_686 : vector<16xf32>
      %select_n3A_698 = arith.select %eq3A_694, %get3A_670, %select_n3A_697 : vector<16xf32>
      %select_n3A_699 = arith.select %eq3A_692, %get3A_662, %select_n3A_698 : vector<16xf32>
      %eq3A_700 = arith.constant 0 : i32
      %eq3A_701 = arith.cmpi eq, %shift_right_logical3A_658, %eq3A_700 : i32
      %eq3A_702 = arith.constant 1 : i32
      %eq3A_703 = arith.cmpi eq, %shift_right_logical3A_658, %eq3A_702 : i32
      %eq3A_704 = arith.constant 2 : i32
      %eq3A_705 = arith.cmpi eq, %shift_right_logical3A_658, %eq3A_704 : i32
      %select_n3A_706 = arith.select %eq3A_705, %get3A_682, %get3A_690 : vector<16xf32>
      %select_n3A_707 = arith.select %eq3A_703, %get3A_674, %select_n3A_706 : vector<16xf32>
      %select_n3A_708 = arith.select %eq3A_701, %get3A_666, %select_n3A_707 : vector<16xf32>
      %mul3A_709 = arith.mulf %get3A_637, %select_n3A_699 : vector<16xf32>
      %mul3A_710 = arith.mulf %get3A_641, %select_n3A_708 : vector<16xf32>
      %add3A_711 = arith.addf %mul3A_709, %mul3A_710 : vector<16xf32>
      %add3A_712 = arith.constant 8 : i32
      %add3A_713 = arith.addi %mul3A_43, %add3A_712 : i32
      %mul3A_714 = arith.constant 6554 : i32
      %mul3A_715 = arith.muli %add3A_713, %mul3A_714 : i32
      %shift_right_logical3A_716 = arith.constant 15 : i32
      %shift_right_logical3A_717 = arith.shrui %mul3A_715, %shift_right_logical3A_716 : i32
      %get3A_718 = arith.index_cast %shift_right_logical3A_717 : i32 to index
      %get3A_719 = arith.constant 0 : index
      %get3A_720 = tpu.vector_load %arg10[%get3A_718, %get3A_719] {strides = array<i32>} : memref<128x32xf32, #tpu.memory_space<vmem>>, vector<1x16xf32>,
      %get3A_721 = vector.shape_cast %get3A_720 : vector<1x16xf32> to vector<16xf32>
      %get3A_722 = arith.index_cast %shift_right_logical3A_717 : i32 to index
      %get3A_723 = arith.constant 16 : index
      %get3A_724 = tpu.vector_load %arg10[%get3A_722, %get3A_723] {strides = array<i32>} : memref<128x32xf32, #tpu.memory_space<vmem>>, vector<1x16xf32>,
      %get3A_725 = vector.shape_cast %get3A_724 : vector<1x16xf32> to vector<16xf32>
      %slice3A_726 = vector.extract_strided_slice %get3A_45 {offsets = [8], sizes = [1], strides = [1]} : vector<16xi32> to vector<1xi32>
      %squeeze3A_727 = vector.extract %slice3A_726[0] : i32 from vector<1xi32>
      %shift_right_logical3A_728 = arith.constant 12 : i32
      %shift_right_logical3A_729 = arith.shrui %squeeze3A_727, %shift_right_logical3A_728 : i32
      %mul3A_730 = arith.constant 6554 : i32
      %mul3A_731 = arith.muli %shift_right_logical3A_729, %mul3A_730 : i32
      %shift_right_logical3A_732 = arith.constant 15 : i32
      %shift_right_logical3A_733 = arith.shrui %mul3A_731, %shift_right_logical3A_732 : i32
      %mul3A_734 = arith.constant 20480 : i32
      %mul3A_735 = arith.muli %shift_right_logical3A_733, %mul3A_734 : i32
      %sub3A_736 = arith.subi %squeeze3A_727, %mul3A_735 : i32
      %shift_right_logical3A_737 = arith.constant 10 : i32
      %shift_right_logical3A_738 = arith.shrui %sub3A_736, %shift_right_logical3A_737 : i32
      %mul3A_739 = arith.constant 6554 : i32
      %mul3A_740 = arith.muli %shift_right_logical3A_738, %mul3A_739 : i32
      %shift_right_logical3A_741 = arith.constant 15 : i32
      %shift_right_logical3A_742 = arith.shrui %mul3A_740, %shift_right_logical3A_741 : i32
      %get3A_743 = arith.index_cast %add3A_713 : i32 to index
      %get3A_744 = arith.constant 0 : index
      %get3A_745 = tpu.vector_load %arg11[%get3A_743, %get3A_744] {strides = array<i32>} : memref<640x128xf32, #tpu.memory_space<vmem>>, vector<1x16xf32>,
      %get3A_746 = vector.shape_cast %get3A_745 : vector<1x16xf32> to vector<16xf32>
      %get3A_747 = arith.index_cast %add3A_713 : i32 to index
      %get3A_748 = arith.constant 16 : index
      %get3A_749 = tpu.vector_load %arg11[%get3A_747, %get3A_748] {strides = array<i32>} : memref<640x128xf32, #tpu.memory_space<vmem>>, vector<1x16xf32>,
      %get3A_750 = vector.shape_cast %get3A_749 : vector<1x16xf32> to vector<16xf32>
      %get3A_751 = arith.index_cast %add3A_713 : i32 to index
      %get3A_752 = arith.constant 32 : index
      %get3A_753 = tpu.vector_load %arg11[%get3A_751, %get3A_752] {strides = array<i32>} : memref<640x128xf32, #tpu.memory_space<vmem>>, vector<1x16xf32>,
      %get3A_754 = vector.shape_cast %get3A_753 : vector<1x16xf32> to vector<16xf32>
      %get3A_755 = arith.index_cast %add3A_713 : i32 to index
      %get3A_756 = arith.constant 48 : index
      %get3A_757 = tpu.vector_load %arg11[%get3A_755, %get3A_756] {strides = array<i32>} : memref<640x128xf32, #tpu.memory_space<vmem>>, vector<1x16xf32>,
      %get3A_758 = vector.shape_cast %get3A_757 : vector<1x16xf32> to vector<16xf32>
      %get3A_759 = arith.index_cast %add3A_713 : i32 to index
      %get3A_760 = arith.constant 64 : index
      %get3A_761 = tpu.vector_load %arg11[%get3A_759, %get3A_760] {strides = array<i32>} : memref<640x128xf32, #tpu.memory_space<vmem>>, vector<1x16xf32>,
      %get3A_762 = vector.shape_cast %get3A_761 : vector<1x16xf32> to vector<16xf32>
      %get3A_763 = arith.index_cast %add3A_713 : i32 to index
      %get3A_764 = arith.constant 80 : index
      %get3A_765 = tpu.vector_load %arg11[%get3A_763, %get3A_764] {strides = array<i32>} : memref<640x128xf32, #tpu.memory_space<vmem>>, vector<1x16xf32>,
      %get3A_766 = vector.shape_cast %get3A_765 : vector<1x16xf32> to vector<16xf32>
      %get3A_767 = arith.index_cast %add3A_713 : i32 to index
      %get3A_768 = arith.constant 96 : index
      %get3A_769 = tpu.vector_load %arg11[%get3A_767, %get3A_768] {strides = array<i32>} : memref<640x128xf32, #tpu.memory_space<vmem>>, vector<1x16xf32>,
      %get3A_770 = vector.shape_cast %get3A_769 : vector<1x16xf32> to vector<16xf32>
      %get3A_771 = arith.index_cast %add3A_713 : i32 to index
      %get3A_772 = arith.constant 112 : index
      %get3A_773 = tpu.vector_load %arg11[%get3A_771, %get3A_772] {strides = array<i32>} : memref<640x128xf32, #tpu.memory_space<vmem>>, vector<1x16xf32>,
      %get3A_774 = vector.shape_cast %get3A_773 : vector<1x16xf32> to vector<16xf32>
      %eq3A_775 = arith.constant 0 : i32
      %eq3A_776 = arith.cmpi eq, %shift_right_logical3A_742, %eq3A_775 : i32
      %eq3A_777 = arith.constant 1 : i32
      %eq3A_778 = arith.cmpi eq, %shift_right_logical3A_742, %eq3A_777 : i32
      %eq3A_779 = arith.constant 2 : i32
      %eq3A_780 = arith.cmpi eq, %shift_right_logical3A_742, %eq3A_779 : i32
      %select_n3A_781 = arith.select %eq3A_780, %get3A_762, %get3A_770 : vector<16xf32>
      %select_n3A_782 = arith.select %eq3A_778, %get3A_754, %select_n3A_781 : vector<16xf32>
      %select_n3A_783 = arith.select %eq3A_776, %get3A_746, %select_n3A_782 : vector<16xf32>
      %eq3A_784 = arith.constant 0 : i32
      %eq3A_785 = arith.cmpi eq, %shift_right_logical3A_742, %eq3A_784 : i32
      %eq3A_786 = arith.constant 1 : i32
      %eq3A_787 = arith.cmpi eq, %shift_right_logical3A_742, %eq3A_786 : i32
      %eq3A_788 = arith.constant 2 : i32
      %eq3A_789 = arith.cmpi eq, %shift_right_logical3A_742, %eq3A_788 : i32
      %select_n3A_790 = arith.select %eq3A_789, %get3A_766, %get3A_774 : vector<16xf32>
      %select_n3A_791 = arith.select %eq3A_787, %get3A_758, %select_n3A_790 : vector<16xf32>
      %select_n3A_792 = arith.select %eq3A_785, %get3A_750, %select_n3A_791 : vector<16xf32>
      %mul3A_793 = arith.mulf %get3A_721, %select_n3A_783 : vector<16xf32>
      %mul3A_794 = arith.mulf %get3A_725, %select_n3A_792 : vector<16xf32>
      %add3A_795 = arith.addf %mul3A_793, %mul3A_794 : vector<16xf32>
      %add3A_796 = arith.constant 9 : i32
      %add3A_797 = arith.addi %mul3A_43, %add3A_796 : i32
      %mul3A_798 = arith.constant 6554 : i32
      %mul3A_799 = arith.muli %add3A_797, %mul3A_798 : i32
      %shift_right_logical3A_800 = arith.constant 15 : i32
      %shift_right_logical3A_801 = arith.shrui %mul3A_799, %shift_right_logical3A_800 : i32
      %get3A_802 = arith.index_cast %shift_right_logical3A_801 : i32 to index
      %get3A_803 = arith.constant 0 : index
      %get3A_804 = tpu.vector_load %arg10[%get3A_802, %get3A_803] {strides = array<i32>} : memref<128x32xf32, #tpu.memory_space<vmem>>, vector<1x16xf32>,
      %get3A_805 = vector.shape_cast %get3A_804 : vector<1x16xf32> to vector<16xf32>
      %get3A_806 = arith.index_cast %shift_right_logical3A_801 : i32 to index
      %get3A_807 = arith.constant 16 : index
      %get3A_808 = tpu.vector_load %arg10[%get3A_806, %get3A_807] {strides = array<i32>} : memref<128x32xf32, #tpu.memory_space<vmem>>, vector<1x16xf32>,
      %get3A_809 = vector.shape_cast %get3A_808 : vector<1x16xf32> to vector<16xf32>
      %slice3A_810 = vector.extract_strided_slice %get3A_45 {offsets = [9], sizes = [1], strides = [1]} : vector<16xi32> to vector<1xi32>
      %squeeze3A_811 = vector.extract %slice3A_810[0] : i32 from vector<1xi32>
      %shift_right_logical3A_812 = arith.constant 12 : i32
      %shift_right_logical3A_813 = arith.shrui %squeeze3A_811, %shift_right_logical3A_812 : i32
      %mul3A_814 = arith.constant 6554 : i32
      %mul3A_815 = arith.muli %shift_right_logical3A_813, %mul3A_814 : i32
      %shift_right_logical3A_816 = arith.constant 15 : i32
      %shift_right_logical3A_817 = arith.shrui %mul3A_815, %shift_right_logical3A_816 : i32
      %mul3A_818 = arith.constant 20480 : i32
      %mul3A_819 = arith.muli %shift_right_logical3A_817, %mul3A_818 : i32
      %sub3A_820 = arith.subi %squeeze3A_811, %mul3A_819 : i32
      %shift_right_logical3A_821 = arith.constant 10 : i32
      %shift_right_logical3A_822 = arith.shrui %sub3A_820, %shift_right_logical3A_821 : i32
      %mul3A_823 = arith.constant 6554 : i32
      %mul3A_824 = arith.muli %shift_right_logical3A_822, %mul3A_823 : i32
      %shift_right_logical3A_825 = arith.constant 15 : i32
      %shift_right_logical3A_826 = arith.shrui %mul3A_824, %shift_right_logical3A_825 : i32
      %get3A_827 = arith.index_cast %add3A_797 : i32 to index
      %get3A_828 = arith.constant 0 : index
      %get3A_829 = tpu.vector_load %arg11[%get3A_827, %get3A_828] {strides = array<i32>} : memref<640x128xf32, #tpu.memory_space<vmem>>, vector<1x16xf32>,
      %get3A_830 = vector.shape_cast %get3A_829 : vector<1x16xf32> to vector<16xf32>
      %get3A_831 = arith.index_cast %add3A_797 : i32 to index
      %get3A_832 = arith.constant 16 : index
      %get3A_833 = tpu.vector_load %arg11[%get3A_831, %get3A_832] {strides = array<i32>} : memref<640x128xf32, #tpu.memory_space<vmem>>, vector<1x16xf32>,
      %get3A_834 = vector.shape_cast %get3A_833 : vector<1x16xf32> to vector<16xf32>
      %get3A_835 = arith.index_cast %add3A_797 : i32 to index
      %get3A_836 = arith.constant 32 : index
      %get3A_837 = tpu.vector_load %arg11[%get3A_835, %get3A_836] {strides = array<i32>} : memref<640x128xf32, #tpu.memory_space<vmem>>, vector<1x16xf32>,
      %get3A_838 = vector.shape_cast %get3A_837 : vector<1x16xf32> to vector<16xf32>
      %get3A_839 = arith.index_cast %add3A_797 : i32 to index
      %get3A_840 = arith.constant 48 : index
      %get3A_841 = tpu.vector_load %arg11[%get3A_839, %get3A_840] {strides = array<i32>} : memref<640x128xf32, #tpu.memory_space<vmem>>, vector<1x16xf32>,
      %get3A_842 = vector.shape_cast %get3A_841 : vector<1x16xf32> to vector<16xf32>
      %get3A_843 = arith.index_cast %add3A_797 : i32 to index
      %get3A_844 = arith.constant 64 : index
      %get3A_845 = tpu.vector_load %arg11[%get3A_843, %get3A_844] {strides = array<i32>} : memref<640x128xf32, #tpu.memory_space<vmem>>, vector<1x16xf32>,
      %get3A_846 = vector.shape_cast %get3A_845 : vector<1x16xf32> to vector<16xf32>
      %get3A_847 = arith.index_cast %add3A_797 : i32 to index
      %get3A_848 = arith.constant 80 : index
      %get3A_849 = tpu.vector_load %arg11[%get3A_847, %get3A_848] {strides = array<i32>} : memref<640x128xf32, #tpu.memory_space<vmem>>, vector<1x16xf32>,
      %get3A_850 = vector.shape_cast %get3A_849 : vector<1x16xf32> to vector<16xf32>
      %get3A_851 = arith.index_cast %add3A_797 : i32 to index
      %get3A_852 = arith.constant 96 : index
      %get3A_853 = tpu.vector_load %arg11[%get3A_851, %get3A_852] {strides = array<i32>} : memref<640x128xf32, #tpu.memory_space<vmem>>, vector<1x16xf32>,
      %get3A_854 = vector.shape_cast %get3A_853 : vector<1x16xf32> to vector<16xf32>
      %get3A_855 = arith.index_cast %add3A_797 : i32 to index
      %get3A_856 = arith.constant 112 : index
      %get3A_857 = tpu.vector_load %arg11[%get3A_855, %get3A_856] {strides = array<i32>} : memref<640x128xf32, #tpu.memory_space<vmem>>, vector<1x16xf32>,
      %get3A_858 = vector.shape_cast %get3A_857 : vector<1x16xf32> to vector<16xf32>
      %eq3A_859 = arith.constant 0 : i32
      %eq3A_860 = arith.cmpi eq, %shift_right_logical3A_826, %eq3A_859 : i32
      %eq3A_861 = arith.constant 1 : i32
      %eq3A_862 = arith.cmpi eq, %shift_right_logical3A_826, %eq3A_861 : i32
      %eq3A_863 = arith.constant 2 : i32
      %eq3A_864 = arith.cmpi eq, %shift_right_logical3A_826, %eq3A_863 : i32
      %select_n3A_865 = arith.select %eq3A_864, %get3A_846, %get3A_854 : vector<16xf32>
      %select_n3A_866 = arith.select %eq3A_862, %get3A_838, %select_n3A_865 : vector<16xf32>
      %select_n3A_867 = arith.select %eq3A_860, %get3A_830, %select_n3A_866 : vector<16xf32>
      %eq3A_868 = arith.constant 0 : i32
      %eq3A_869 = arith.cmpi eq, %shift_right_logical3A_826, %eq3A_868 : i32
      %eq3A_870 = arith.constant 1 : i32
      %eq3A_871 = arith.cmpi eq, %shift_right_logical3A_826, %eq3A_870 : i32
      %eq3A_872 = arith.constant 2 : i32
      %eq3A_873 = arith.cmpi eq, %shift_right_logical3A_826, %eq3A_872 : i32
      %select_n3A_874 = arith.select %eq3A_873, %get3A_850, %get3A_858 : vector<16xf32>
      %select_n3A_875 = arith.select %eq3A_871, %get3A_842, %select_n3A_874 : vector<16xf32>
      %select_n3A_876 = arith.select %eq3A_869, %get3A_834, %select_n3A_875 : vector<16xf32>
      %mul3A_877 = arith.mulf %get3A_805, %select_n3A_867 : vector<16xf32>
      %mul3A_878 = arith.mulf %get3A_809, %select_n3A_876 : vector<16xf32>
      %add3A_879 = arith.addf %mul3A_877, %mul3A_878 : vector<16xf32>
      %add3A_880 = arith.constant 10 : i32
      %add3A_881 = arith.addi %mul3A_43, %add3A_880 : i32
      %mul3A_882 = arith.constant 6554 : i32
      %mul3A_883 = arith.muli %add3A_881, %mul3A_882 : i32
      %shift_right_logical3A_884 = arith.constant 15 : i32
      %shift_right_logical3A_885 = arith.shrui %mul3A_883, %shift_right_logical3A_884 : i32
      %get3A_886 = arith.index_cast %shift_right_logical3A_885 : i32 to index
      %get3A_887 = arith.constant 0 : index
      %get3A_888 = tpu.vector_load %arg10[%get3A_886, %get3A_887] {strides = array<i32>} : memref<128x32xf32, #tpu.memory_space<vmem>>, vector<1x16xf32>,
      %get3A_889 = vector.shape_cast %get3A_888 : vector<1x16xf32> to vector<16xf32>
      %get3A_890 = arith.index_cast %shift_right_logical3A_885 : i32 to index
      %get3A_891 = arith.constant 16 : index
      %get3A_892 = tpu.vector_load %arg10[%get3A_890, %get3A_891] {strides = array<i32>} : memref<128x32xf32, #tpu.memory_space<vmem>>, vector<1x16xf32>,
      %get3A_893 = vector.shape_cast %get3A_892 : vector<1x16xf32> to vector<16xf32>
      %slice3A_894 = vector.extract_strided_slice %get3A_45 {offsets = [10], sizes = [1], strides = [1]} : vector<16xi32> to vector<1xi32>
      %squeeze3A_895 = vector.extract %slice3A_894[0] : i32 from vector<1xi32>
      %shift_right_logical3A_896 = arith.constant 12 : i32
      %shift_right_logical3A_897 = arith.shrui %squeeze3A_895, %shift_right_logical3A_896 : i32
      %mul3A_898 = arith.constant 6554 : i32
      %mul3A_899 = arith.muli %shift_right_logical3A_897, %mul3A_898 : i32
      %shift_right_logical3A_900 = arith.constant 15 : i32
      %shift_right_logical3A_901 = arith.shrui %mul3A_899, %shift_right_logical3A_900 : i32
      %mul3A_902 = arith.constant 20480 : i32
      %mul3A_903 = arith.muli %shift_right_logical3A_901, %mul3A_902 : i32
      %sub3A_904 = arith.subi %squeeze3A_895, %mul3A_903 : i32
      %shift_right_logical3A_905 = arith.constant 10 : i32
      %shift_right_logical3A_906 = arith.shrui %sub3A_904, %shift_right_logical3A_905 : i32
      %mul3A_907 = arith.constant 6554 : i32
      %mul3A_908 = arith.muli %shift_right_logical3A_906, %mul3A_907 : i32
      %shift_right_logical3A_909 = arith.constant 15 : i32
      %shift_right_logical3A_910 = arith.shrui %mul3A_908, %shift_right_logical3A_909 : i32
      %get3A_911 = arith.index_cast %add3A_881 : i32 to index
      %get3A_912 = arith.constant 0 : index
      %get3A_913 = tpu.vector_load %arg11[%get3A_911, %get3A_912] {strides = array<i32>} : memref<640x128xf32, #tpu.memory_space<vmem>>, vector<1x16xf32>,
      %get3A_914 = vector.shape_cast %get3A_913 : vector<1x16xf32> to vector<16xf32>
      %get3A_915 = arith.index_cast %add3A_881 : i32 to index
      %get3A_916 = arith.constant 16 : index
      %get3A_917 = tpu.vector_load %arg11[%get3A_915, %get3A_916] {strides = array<i32>} : memref<640x128xf32, #tpu.memory_space<vmem>>, vector<1x16xf32>,
      %get3A_918 = vector.shape_cast %get3A_917 : vector<1x16xf32> to vector<16xf32>
      %get3A_919 = arith.index_cast %add3A_881 : i32 to index
      %get3A_920 = arith.constant 32 : index
      %get3A_921 = tpu.vector_load %arg11[%get3A_919, %get3A_920] {strides = array<i32>} : memref<640x128xf32, #tpu.memory_space<vmem>>, vector<1x16xf32>,
      %get3A_922 = vector.shape_cast %get3A_921 : vector<1x16xf32> to vector<16xf32>
      %get3A_923 = arith.index_cast %add3A_881 : i32 to index
      %get3A_924 = arith.constant 48 : index
      %get3A_925 = tpu.vector_load %arg11[%get3A_923, %get3A_924] {strides = array<i32>} : memref<640x128xf32, #tpu.memory_space<vmem>>, vector<1x16xf32>,
      %get3A_926 = vector.shape_cast %get3A_925 : vector<1x16xf32> to vector<16xf32>
      %get3A_927 = arith.index_cast %add3A_881 : i32 to index
      %get3A_928 = arith.constant 64 : index
      %get3A_929 = tpu.vector_load %arg11[%get3A_927, %get3A_928] {strides = array<i32>} : memref<640x128xf32, #tpu.memory_space<vmem>>, vector<1x16xf32>,
      %get3A_930 = vector.shape_cast %get3A_929 : vector<1x16xf32> to vector<16xf32>
      %get3A_931 = arith.index_cast %add3A_881 : i32 to index
      %get3A_932 = arith.constant 80 : index
      %get3A_933 = tpu.vector_load %arg11[%get3A_931, %get3A_932] {strides = array<i32>} : memref<640x128xf32, #tpu.memory_space<vmem>>, vector<1x16xf32>,
      %get3A_934 = vector.shape_cast %get3A_933 : vector<1x16xf32> to vector<16xf32>
      %get3A_935 = arith.index_cast %add3A_881 : i32 to index
      %get3A_936 = arith.constant 96 : index
      %get3A_937 = tpu.vector_load %arg11[%get3A_935, %get3A_936] {strides = array<i32>} : memref<640x128xf32, #tpu.memory_space<vmem>>, vector<1x16xf32>,
      %get3A_938 = vector.shape_cast %get3A_937 : vector<1x16xf32> to vector<16xf32>
      %get3A_939 = arith.index_cast %add3A_881 : i32 to index
      %get3A_940 = arith.constant 112 : index
      %get3A_941 = tpu.vector_load %arg11[%get3A_939, %get3A_940] {strides = array<i32>} : memref<640x128xf32, #tpu.memory_space<vmem>>, vector<1x16xf32>,
      %get3A_942 = vector.shape_cast %get3A_941 : vector<1x16xf32> to vector<16xf32>
      %eq3A_943 = arith.constant 0 : i32
      %eq3A_944 = arith.cmpi eq, %shift_right_logical3A_910, %eq3A_943 : i32
      %eq3A_945 = arith.constant 1 : i32
      %eq3A_946 = arith.cmpi eq, %shift_right_logical3A_910, %eq3A_945 : i32
      %eq3A_947 = arith.constant 2 : i32
      %eq3A_948 = arith.cmpi eq, %shift_right_logical3A_910, %eq3A_947 : i32
      %select_n3A_949 = arith.select %eq3A_948, %get3A_930, %get3A_938 : vector<16xf32>
      %select_n3A_950 = arith.select %eq3A_946, %get3A_922, %select_n3A_949 : vector<16xf32>
      %select_n3A_951 = arith.select %eq3A_944, %get3A_914, %select_n3A_950 : vector<16xf32>
      %eq3A_952 = arith.constant 0 : i32
      %eq3A_953 = arith.cmpi eq, %shift_right_logical3A_910, %eq3A_952 : i32
      %eq3A_954 = arith.constant 1 : i32
      %eq3A_955 = arith.cmpi eq, %shift_right_logical3A_910, %eq3A_954 : i32
      %eq3A_956 = arith.constant 2 : i32
      %eq3A_957 = arith.cmpi eq, %shift_right_logical3A_910, %eq3A_956 : i32
      %select_n3A_958 = arith.select %eq3A_957, %get3A_934, %get3A_942 : vector<16xf32>
      %select_n3A_959 = arith.select %eq3A_955, %get3A_926, %select_n3A_958 : vector<16xf32>
      %select_n3A_960 = arith.select %eq3A_953, %get3A_918, %select_n3A_959 : vector<16xf32>
      %mul3A_961 = arith.mulf %get3A_889, %select_n3A_951 : vector<16xf32>
      %mul3A_962 = arith.mulf %get3A_893, %select_n3A_960 : vector<16xf32>
      %add3A_963 = arith.addf %mul3A_961, %mul3A_962 : vector<16xf32>
      %add3A_964 = arith.constant 11 : i32
      %add3A_965 = arith.addi %mul3A_43, %add3A_964 : i32
      %mul3A_966 = arith.constant 6554 : i32
      %mul3A_967 = arith.muli %add3A_965, %mul3A_966 : i32
      %shift_right_logical3A_968 = arith.constant 15 : i32
      %shift_right_logical3A_969 = arith.shrui %mul3A_967, %shift_right_logical3A_968 : i32
      %get3A_970 = arith.index_cast %shift_right_logical3A_969 : i32 to index
      %get3A_971 = arith.constant 0 : index
      %get3A_972 = tpu.vector_load %arg10[%get3A_970, %get3A_971] {strides = array<i32>} : memref<128x32xf32, #tpu.memory_space<vmem>>, vector<1x16xf32>,
      %get3A_973 = vector.shape_cast %get3A_972 : vector<1x16xf32> to vector<16xf32>
      %get3A_974 = arith.index_cast %shift_right_logical3A_969 : i32 to index
      %get3A_975 = arith.constant 16 : index
      %get3A_976 = tpu.vector_load %arg10[%get3A_974, %get3A_975] {strides = array<i32>} : memref<128x32xf32, #tpu.memory_space<vmem>>, vector<1x16xf32>,
      %get3A_977 = vector.shape_cast %get3A_976 : vector<1x16xf32> to vector<16xf32>
      %slice3A_978 = vector.extract_strided_slice %get3A_45 {offsets = [11], sizes = [1], strides = [1]} : vector<16xi32> to vector<1xi32>
      %squeeze3A_979 = vector.extract %slice3A_978[0] : i32 from vector<1xi32>
      %shift_right_logical3A_980 = arith.constant 12 : i32
      %shift_right_logical3A_981 = arith.shrui %squeeze3A_979, %shift_right_logical3A_980 : i32
      %mul3A_982 = arith.constant 6554 : i32
      %mul3A_983 = arith.muli %shift_right_logical3A_981, %mul3A_982 : i32
      %shift_right_logical3A_984 = arith.constant 15 : i32
      %shift_right_logical3A_985 = arith.shrui %mul3A_983, %shift_right_logical3A_984 : i32
      %mul3A_986 = arith.constant 20480 : i32
      %mul3A_987 = arith.muli %shift_right_logical3A_985, %mul3A_986 : i32
      %sub3A_988 = arith.subi %squeeze3A_979, %mul3A_987 : i32
      %shift_right_logical3A_989 = arith.constant 10 : i32
      %shift_right_logical3A_990 = arith.shrui %sub3A_988, %shift_right_logical3A_989 : i32
      %mul3A_991 = arith.constant 6554 : i32
      %mul3A_992 = arith.muli %shift_right_logical3A_990, %mul3A_991 : i32
      %shift_right_logical3A_993 = arith.constant 15 : i32
      %shift_right_logical3A_994 = arith.shrui %mul3A_992, %shift_right_logical3A_993 : i32
      %get3A_995 = arith.index_cast %add3A_965 : i32 to index
      %get3A_996 = arith.constant 0 : index
      %get3A_997 = tpu.vector_load %arg11[%get3A_995, %get3A_996] {strides = array<i32>} : memref<640x128xf32, #tpu.memory_space<vmem>>, vector<1x16xf32>,
      %get3A_998 = vector.shape_cast %get3A_997 : vector<1x16xf32> to vector<16xf32>
      %get3A_999 = arith.index_cast %add3A_965 : i32 to index
      %get3A_1000 = arith.constant 16 : index
      %get3A_1001 = tpu.vector_load %arg11[%get3A_999, %get3A_1000] {strides = array<i32>} : memref<640x128xf32, #tpu.memory_space<vmem>>, vector<1x16xf32>,
      %get3A_1002 = vector.shape_cast %get3A_1001 : vector<1x16xf32> to vector<16xf32>
      %get3A_1003 = arith.index_cast %add3A_965 : i32 to index
      %get3A_1004 = arith.constant 32 : index
      %get3A_1005 = tpu.vector_load %arg11[%get3A_1003, %get3A_1004] {strides = array<i32>} : memref<640x128xf32, #tpu.memory_space<vmem>>, vector<1x16xf32>,
      %get3A_1006 = vector.shape_cast %get3A_1005 : vector<1x16xf32> to vector<16xf32>
      %get3A_1007 = arith.index_cast %add3A_965 : i32 to index
      %get3A_1008 = arith.constant 48 : index
      %get3A_1009 = tpu.vector_load %arg11[%get3A_1007, %get3A_1008] {strides = array<i32>} : memref<640x128xf32, #tpu.memory_space<vmem>>, vector<1x16xf32>,
      %get3A_1010 = vector.shape_cast %get3A_1009 : vector<1x16xf32> to vector<16xf32>
      %get3A_1011 = arith.index_cast %add3A_965 : i32 to index
      %get3A_1012 = arith.constant 64 : index
      %get3A_1013 = tpu.vector_load %arg11[%get3A_1011, %get3A_1012] {strides = array<i32>} : memref<640x128xf32, #tpu.memory_space<vmem>>, vector<1x16xf32>,
      %get3A_1014 = vector.shape_cast %get3A_1013 : vector<1x16xf32> to vector<16xf32>
      %get3A_1015 = arith.index_cast %add3A_965 : i32 to index
      %get3A_1016 = arith.constant 80 : index
      %get3A_1017 = tpu.vector_load %arg11[%get3A_1015, %get3A_1016] {strides = array<i32>} : memref<640x128xf32, #tpu.memory_space<vmem>>, vector<1x16xf32>,
      %get3A_1018 = vector.shape_cast %get3A_1017 : vector<1x16xf32> to vector<16xf32>
      %get3A_1019 = arith.index_cast %add3A_965 : i32 to index
      %get3A_1020 = arith.constant 96 : index
      %get3A_1021 = tpu.vector_load %arg11[%get3A_1019, %get3A_1020] {strides = array<i32>} : memref<640x128xf32, #tpu.memory_space<vmem>>, vector<1x16xf32>,
      %get3A_1022 = vector.shape_cast %get3A_1021 : vector<1x16xf32> to vector<16xf32>
      %get3A_1023 = arith.index_cast %add3A_965 : i32 to index
      %get3A_1024 = arith.constant 112 : index
      %get3A_1025 = tpu.vector_load %arg11[%get3A_1023, %get3A_1024] {strides = array<i32>} : memref<640x128xf32, #tpu.memory_space<vmem>>, vector<1x16xf32>,
      %get3A_1026 = vector.shape_cast %get3A_1025 : vector<1x16xf32> to vector<16xf32>
      %eq3A_1027 = arith.constant 0 : i32
      %eq3A_1028 = arith.cmpi eq, %shift_right_logical3A_994, %eq3A_1027 : i32
      %eq3A_1029 = arith.constant 1 : i32
      %eq3A_1030 = arith.cmpi eq, %shift_right_logical3A_994, %eq3A_1029 : i32
      %eq3A_1031 = arith.constant 2 : i32
      %eq3A_1032 = arith.cmpi eq, %shift_right_logical3A_994, %eq3A_1031 : i32
      %select_n3A_1033 = arith.select %eq3A_1032, %get3A_1014, %get3A_1022 : vector<16xf32>
      %select_n3A_1034 = arith.select %eq3A_1030, %get3A_1006, %select_n3A_1033 : vector<16xf32>
      %select_n3A_1035 = arith.select %eq3A_1028, %get3A_998, %select_n3A_1034 : vector<16xf32>
      %eq3A_1036 = arith.constant 0 : i32
      %eq3A_1037 = arith.cmpi eq, %shift_right_logical3A_994, %eq3A_1036 : i32
      %eq3A_1038 = arith.constant 1 : i32
      %eq3A_1039 = arith.cmpi eq, %shift_right_logical3A_994, %eq3A_1038 : i32
      %eq3A_1040 = arith.constant 2 : i32
      %eq3A_1041 = arith.cmpi eq, %shift_right_logical3A_994, %eq3A_1040 : i32
      %select_n3A_1042 = arith.select %eq3A_1041, %get3A_1018, %get3A_1026 : vector<16xf32>
      %select_n3A_1043 = arith.select %eq3A_1039, %get3A_1010, %select_n3A_1042 : vector<16xf32>
      %select_n3A_1044 = arith.select %eq3A_1037, %get3A_1002, %select_n3A_1043 : vector<16xf32>
      %mul3A_1045 = arith.mulf %get3A_973, %select_n3A_1035 : vector<16xf32>
      %mul3A_1046 = arith.mulf %get3A_977, %select_n3A_1044 : vector<16xf32>
      %add3A_1047 = arith.addf %mul3A_1045, %mul3A_1046 : vector<16xf32>
      %add3A_1048 = arith.constant 12 : i32
      %add3A_1049 = arith.addi %mul3A_43, %add3A_1048 : i32
      %mul3A_1050 = arith.constant 6554 : i32
      %mul3A_1051 = arith.muli %add3A_1049, %mul3A_1050 : i32
      %shift_right_logical3A_1052 = arith.constant 15 : i32
      %shift_right_logical3A_1053 = arith.shrui %mul3A_1051, %shift_right_logical3A_1052 : i32
      %get3A_1054 = arith.index_cast %shift_right_logical3A_1053 : i32 to index
      %get3A_1055 = arith.constant 0 : index
      %get3A_1056 = tpu.vector_load %arg10[%get3A_1054, %get3A_1055] {strides = array<i32>} : memref<128x32xf32, #tpu.memory_space<vmem>>, vector<1x16xf32>,
      %get3A_1057 = vector.shape_cast %get3A_1056 : vector<1x16xf32> to vector<16xf32>
      %get3A_1058 = arith.index_cast %shift_right_logical3A_1053 : i32 to index
      %get3A_1059 = arith.constant 16 : index
      %get3A_1060 = tpu.vector_load %arg10[%get3A_1058, %get3A_1059] {strides = array<i32>} : memref<128x32xf32, #tpu.memory_space<vmem>>, vector<1x16xf32>,
      %get3A_1061 = vector.shape_cast %get3A_1060 : vector<1x16xf32> to vector<16xf32>
      %slice3A_1062 = vector.extract_strided_slice %get3A_45 {offsets = [12], sizes = [1], strides = [1]} : vector<16xi32> to vector<1xi32>
      %squeeze3A_1063 = vector.extract %slice3A_1062[0] : i32 from vector<1xi32>
      %shift_right_logical3A_1064 = arith.constant 12 : i32
      %shift_right_logical3A_1065 = arith.shrui %squeeze3A_1063, %shift_right_logical3A_1064 : i32
      %mul3A_1066 = arith.constant 6554 : i32
      %mul3A_1067 = arith.muli %shift_right_logical3A_1065, %mul3A_1066 : i32
      %shift_right_logical3A_1068 = arith.constant 15 : i32
      %shift_right_logical3A_1069 = arith.shrui %mul3A_1067, %shift_right_logical3A_1068 : i32
      %mul3A_1070 = arith.constant 20480 : i32
      %mul3A_1071 = arith.muli %shift_right_logical3A_1069, %mul3A_1070 : i32
      %sub3A_1072 = arith.subi %squeeze3A_1063, %mul3A_1071 : i32
      %shift_right_logical3A_1073 = arith.constant 10 : i32
      %shift_right_logical3A_1074 = arith.shrui %sub3A_1072, %shift_right_logical3A_1073 : i32
      %mul3A_1075 = arith.constant 6554 : i32
      %mul3A_1076 = arith.muli %shift_right_logical3A_1074, %mul3A_1075 : i32
      %shift_right_logical3A_1077 = arith.constant 15 : i32
      %shift_right_logical3A_1078 = arith.shrui %mul3A_1076, %shift_right_logical3A_1077 : i32
      %get3A_1079 = arith.index_cast %add3A_1049 : i32 to index
      %get3A_1080 = arith.constant 0 : index
      %get3A_1081 = tpu.vector_load %arg11[%get3A_1079, %get3A_1080] {strides = array<i32>} : memref<640x128xf32, #tpu.memory_space<vmem>>, vector<1x16xf32>,
      %get3A_1082 = vector.shape_cast %get3A_1081 : vector<1x16xf32> to vector<16xf32>
      %get3A_1083 = arith.index_cast %add3A_1049 : i32 to index
      %get3A_1084 = arith.constant 16 : index
      %get3A_1085 = tpu.vector_load %arg11[%get3A_1083, %get3A_1084] {strides = array<i32>} : memref<640x128xf32, #tpu.memory_space<vmem>>, vector<1x16xf32>,
      %get3A_1086 = vector.shape_cast %get3A_1085 : vector<1x16xf32> to vector<16xf32>
      %get3A_1087 = arith.index_cast %add3A_1049 : i32 to index
      %get3A_1088 = arith.constant 32 : index
      %get3A_1089 = tpu.vector_load %arg11[%get3A_1087, %get3A_1088] {strides = array<i32>} : memref<640x128xf32, #tpu.memory_space<vmem>>, vector<1x16xf32>,
      %get3A_1090 = vector.shape_cast %get3A_1089 : vector<1x16xf32> to vector<16xf32>
      %get3A_1091 = arith.index_cast %add3A_1049 : i32 to index
      %get3A_1092 = arith.constant 48 : index
      %get3A_1093 = tpu.vector_load %arg11[%get3A_1091, %get3A_1092] {strides = array<i32>} : memref<640x128xf32, #tpu.memory_space<vmem>>, vector<1x16xf32>,
      %get3A_1094 = vector.shape_cast %get3A_1093 : vector<1x16xf32> to vector<16xf32>
      %get3A_1095 = arith.index_cast %add3A_1049 : i32 to index
      %get3A_1096 = arith.constant 64 : index
      %get3A_1097 = tpu.vector_load %arg11[%get3A_1095, %get3A_1096] {strides = array<i32>} : memref<640x128xf32, #tpu.memory_space<vmem>>, vector<1x16xf32>,
      %get3A_1098 = vector.shape_cast %get3A_1097 : vector<1x16xf32> to vector<16xf32>
      %get3A_1099 = arith.index_cast %add3A_1049 : i32 to index
      %get3A_1100 = arith.constant 80 : index
      %get3A_1101 = tpu.vector_load %arg11[%get3A_1099, %get3A_1100] {strides = array<i32>} : memref<640x128xf32, #tpu.memory_space<vmem>>, vector<1x16xf32>,
      %get3A_1102 = vector.shape_cast %get3A_1101 : vector<1x16xf32> to vector<16xf32>
      %get3A_1103 = arith.index_cast %add3A_1049 : i32 to index
      %get3A_1104 = arith.constant 96 : index
      %get3A_1105 = tpu.vector_load %arg11[%get3A_1103, %get3A_1104] {strides = array<i32>} : memref<640x128xf32, #tpu.memory_space<vmem>>, vector<1x16xf32>,
      %get3A_1106 = vector.shape_cast %get3A_1105 : vector<1x16xf32> to vector<16xf32>
      %get3A_1107 = arith.index_cast %add3A_1049 : i32 to index
      %get3A_1108 = arith.constant 112 : index
      %get3A_1109 = tpu.vector_load %arg11[%get3A_1107, %get3A_1108] {strides = array<i32>} : memref<640x128xf32, #tpu.memory_space<vmem>>, vector<1x16xf32>,
      %get3A_1110 = vector.shape_cast %get3A_1109 : vector<1x16xf32> to vector<16xf32>
      %eq3A_1111 = arith.constant 0 : i32
      %eq3A_1112 = arith.cmpi eq, %shift_right_logical3A_1078, %eq3A_1111 : i32
      %eq3A_1113 = arith.constant 1 : i32
      %eq3A_1114 = arith.cmpi eq, %shift_right_logical3A_1078, %eq3A_1113 : i32
      %eq3A_1115 = arith.constant 2 : i32
      %eq3A_1116 = arith.cmpi eq, %shift_right_logical3A_1078, %eq3A_1115 : i32
      %select_n3A_1117 = arith.select %eq3A_1116, %get3A_1098, %get3A_1106 : vector<16xf32>
      %select_n3A_1118 = arith.select %eq3A_1114, %get3A_1090, %select_n3A_1117 : vector<16xf32>
      %select_n3A_1119 = arith.select %eq3A_1112, %get3A_1082, %select_n3A_1118 : vector<16xf32>
      %eq3A_1120 = arith.constant 0 : i32
      %eq3A_1121 = arith.cmpi eq, %shift_right_logical3A_1078, %eq3A_1120 : i32
      %eq3A_1122 = arith.constant 1 : i32
      %eq3A_1123 = arith.cmpi eq, %shift_right_logical3A_1078, %eq3A_1122 : i32
      %eq3A_1124 = arith.constant 2 : i32
      %eq3A_1125 = arith.cmpi eq, %shift_right_logical3A_1078, %eq3A_1124 : i32
      %select_n3A_1126 = arith.select %eq3A_1125, %get3A_1102, %get3A_1110 : vector<16xf32>
      %select_n3A_1127 = arith.select %eq3A_1123, %get3A_1094, %select_n3A_1126 : vector<16xf32>
      %select_n3A_1128 = arith.select %eq3A_1121, %get3A_1086, %select_n3A_1127 : vector<16xf32>
      %mul3A_1129 = arith.mulf %get3A_1057, %select_n3A_1119 : vector<16xf32>
      %mul3A_1130 = arith.mulf %get3A_1061, %select_n3A_1128 : vector<16xf32>
      %add3A_1131 = arith.addf %mul3A_1129, %mul3A_1130 : vector<16xf32>
      %add3A_1132 = arith.constant 13 : i32
      %add3A_1133 = arith.addi %mul3A_43, %add3A_1132 : i32
      %mul3A_1134 = arith.constant 6554 : i32
      %mul3A_1135 = arith.muli %add3A_1133, %mul3A_1134 : i32
      %shift_right_logical3A_1136 = arith.constant 15 : i32
      %shift_right_logical3A_1137 = arith.shrui %mul3A_1135, %shift_right_logical3A_1136 : i32
      %get3A_1138 = arith.index_cast %shift_right_logical3A_1137 : i32 to index
      %get3A_1139 = arith.constant 0 : index
      %get3A_1140 = tpu.vector_load %arg10[%get3A_1138, %get3A_1139] {strides = array<i32>} : memref<128x32xf32, #tpu.memory_space<vmem>>, vector<1x16xf32>,
      %get3A_1141 = vector.shape_cast %get3A_1140 : vector<1x16xf32> to vector<16xf32>
      %get3A_1142 = arith.index_cast %shift_right_logical3A_1137 : i32 to index
      %get3A_1143 = arith.constant 16 : index
      %get3A_1144 = tpu.vector_load %arg10[%get3A_1142, %get3A_1143] {strides = array<i32>} : memref<128x32xf32, #tpu.memory_space<vmem>>, vector<1x16xf32>,
      %get3A_1145 = vector.shape_cast %get3A_1144 : vector<1x16xf32> to vector<16xf32>
      %slice3A_1146 = vector.extract_strided_slice %get3A_45 {offsets = [13], sizes = [1], strides = [1]} : vector<16xi32> to vector<1xi32>
      %squeeze3A_1147 = vector.extract %slice3A_1146[0] : i32 from vector<1xi32>
      %shift_right_logical3A_1148 = arith.constant 12 : i32
      %shift_right_logical3A_1149 = arith.shrui %squeeze3A_1147, %shift_right_logical3A_1148 : i32
      %mul3A_1150 = arith.constant 6554 : i32
      %mul3A_1151 = arith.muli %shift_right_logical3A_1149, %mul3A_1150 : i32
      %shift_right_logical3A_1152 = arith.constant 15 : i32
      %shift_right_logical3A_1153 = arith.shrui %mul3A_1151, %shift_right_logical3A_1152 : i32
      %mul3A_1154 = arith.constant 20480 : i32
      %mul3A_1155 = arith.muli %shift_right_logical3A_1153, %mul3A_1154 : i32
      %sub3A_1156 = arith.subi %squeeze3A_1147, %mul3A_1155 : i32
      %shift_right_logical3A_1157 = arith.constant 10 : i32
      %shift_right_logical3A_1158 = arith.shrui %sub3A_1156, %shift_right_logical3A_1157 : i32
      %mul3A_1159 = arith.constant 6554 : i32
      %mul3A_1160 = arith.muli %shift_right_logical3A_1158, %mul3A_1159 : i32
      %shift_right_logical3A_1161 = arith.constant 15 : i32
      %shift_right_logical3A_1162 = arith.shrui %mul3A_1160, %shift_right_logical3A_1161 : i32
      %get3A_1163 = arith.index_cast %add3A_1133 : i32 to index
      %get3A_1164 = arith.constant 0 : index
      %get3A_1165 = tpu.vector_load %arg11[%get3A_1163, %get3A_1164] {strides = array<i32>} : memref<640x128xf32, #tpu.memory_space<vmem>>, vector<1x16xf32>,
      %get3A_1166 = vector.shape_cast %get3A_1165 : vector<1x16xf32> to vector<16xf32>
      %get3A_1167 = arith.index_cast %add3A_1133 : i32 to index
      %get3A_1168 = arith.constant 16 : index
      %get3A_1169 = tpu.vector_load %arg11[%get3A_1167, %get3A_1168] {strides = array<i32>} : memref<640x128xf32, #tpu.memory_space<vmem>>, vector<1x16xf32>,
      %get3A_1170 = vector.shape_cast %get3A_1169 : vector<1x16xf32> to vector<16xf32>
      %get3A_1171 = arith.index_cast %add3A_1133 : i32 to index
      %get3A_1172 = arith.constant 32 : index
      %get3A_1173 = tpu.vector_load %arg11[%get3A_1171, %get3A_1172] {strides = array<i32>} : memref<640x128xf32, #tpu.memory_space<vmem>>, vector<1x16xf32>,
      %get3A_1174 = vector.shape_cast %get3A_1173 : vector<1x16xf32> to vector<16xf32>
      %get3A_1175 = arith.index_cast %add3A_1133 : i32 to index
      %get3A_1176 = arith.constant 48 : index
      %get3A_1177 = tpu.vector_load %arg11[%get3A_1175, %get3A_1176] {strides = array<i32>} : memref<640x128xf32, #tpu.memory_space<vmem>>, vector<1x16xf32>,
      %get3A_1178 = vector.shape_cast %get3A_1177 : vector<1x16xf32> to vector<16xf32>
      %get3A_1179 = arith.index_cast %add3A_1133 : i32 to index
      %get3A_1180 = arith.constant 64 : index
      %get3A_1181 = tpu.vector_load %arg11[%get3A_1179, %get3A_1180] {strides = array<i32>} : memref<640x128xf32, #tpu.memory_space<vmem>>, vector<1x16xf32>,
      %get3A_1182 = vector.shape_cast %get3A_1181 : vector<1x16xf32> to vector<16xf32>
      %get3A_1183 = arith.index_cast %add3A_1133 : i32 to index
      %get3A_1184 = arith.constant 80 : index
      %get3A_1185 = tpu.vector_load %arg11[%get3A_1183, %get3A_1184] {strides = array<i32>} : memref<640x128xf32, #tpu.memory_space<vmem>>, vector<1x16xf32>,
      %get3A_1186 = vector.shape_cast %get3A_1185 : vector<1x16xf32> to vector<16xf32>
      %get3A_1187 = arith.index_cast %add3A_1133 : i32 to index
      %get3A_1188 = arith.constant 96 : index
      %get3A_1189 = tpu.vector_load %arg11[%get3A_1187, %get3A_1188] {strides = array<i32>} : memref<640x128xf32, #tpu.memory_space<vmem>>, vector<1x16xf32>,
      %get3A_1190 = vector.shape_cast %get3A_1189 : vector<1x16xf32> to vector<16xf32>
      %get3A_1191 = arith.index_cast %add3A_1133 : i32 to index
      %get3A_1192 = arith.constant 112 : index
      %get3A_1193 = tpu.vector_load %arg11[%get3A_1191, %get3A_1192] {strides = array<i32>} : memref<640x128xf32, #tpu.memory_space<vmem>>, vector<1x16xf32>,
      %get3A_1194 = vector.shape_cast %get3A_1193 : vector<1x16xf32> to vector<16xf32>
      %eq3A_1195 = arith.constant 0 : i32
      %eq3A_1196 = arith.cmpi eq, %shift_right_logical3A_1162, %eq3A_1195 : i32
      %eq3A_1197 = arith.constant 1 : i32
      %eq3A_1198 = arith.cmpi eq, %shift_right_logical3A_1162, %eq3A_1197 : i32
      %eq3A_1199 = arith.constant 2 : i32
      %eq3A_1200 = arith.cmpi eq, %shift_right_logical3A_1162, %eq3A_1199 : i32
      %select_n3A_1201 = arith.select %eq3A_1200, %get3A_1182, %get3A_1190 : vector<16xf32>
      %select_n3A_1202 = arith.select %eq3A_1198, %get3A_1174, %select_n3A_1201 : vector<16xf32>
      %select_n3A_1203 = arith.select %eq3A_1196, %get3A_1166, %select_n3A_1202 : vector<16xf32>
      %eq3A_1204 = arith.constant 0 : i32
      %eq3A_1205 = arith.cmpi eq, %shift_right_logical3A_1162, %eq3A_1204 : i32
      %eq3A_1206 = arith.constant 1 : i32
      %eq3A_1207 = arith.cmpi eq, %shift_right_logical3A_1162, %eq3A_1206 : i32
      %eq3A_1208 = arith.constant 2 : i32
      %eq3A_1209 = arith.cmpi eq, %shift_right_logical3A_1162, %eq3A_1208 : i32
      %select_n3A_1210 = arith.select %eq3A_1209, %get3A_1186, %get3A_1194 : vector<16xf32>
      %select_n3A_1211 = arith.select %eq3A_1207, %get3A_1178, %select_n3A_1210 : vector<16xf32>
      %select_n3A_1212 = arith.select %eq3A_1205, %get3A_1170, %select_n3A_1211 : vector<16xf32>
      %mul3A_1213 = arith.mulf %get3A_1141, %select_n3A_1203 : vector<16xf32>
      %mul3A_1214 = arith.mulf %get3A_1145, %select_n3A_1212 : vector<16xf32>
      %add3A_1215 = arith.addf %mul3A_1213, %mul3A_1214 : vector<16xf32>
      %add3A_1216 = arith.constant 14 : i32
      %add3A_1217 = arith.addi %mul3A_43, %add3A_1216 : i32
      %mul3A_1218 = arith.constant 6554 : i32
      %mul3A_1219 = arith.muli %add3A_1217, %mul3A_1218 : i32
      %shift_right_logical3A_1220 = arith.constant 15 : i32
      %shift_right_logical3A_1221 = arith.shrui %mul3A_1219, %shift_right_logical3A_1220 : i32
      %get3A_1222 = arith.index_cast %shift_right_logical3A_1221 : i32 to index
      %get3A_1223 = arith.constant 0 : index
      %get3A_1224 = tpu.vector_load %arg10[%get3A_1222, %get3A_1223] {strides = array<i32>} : memref<128x32xf32, #tpu.memory_space<vmem>>, vector<1x16xf32>,
      %get3A_1225 = vector.shape_cast %get3A_1224 : vector<1x16xf32> to vector<16xf32>
      %get3A_1226 = arith.index_cast %shift_right_logical3A_1221 : i32 to index
      %get3A_1227 = arith.constant 16 : index
      %get3A_1228 = tpu.vector_load %arg10[%get3A_1226, %get3A_1227] {strides = array<i32>} : memref<128x32xf32, #tpu.memory_space<vmem>>, vector<1x16xf32>,
      %get3A_1229 = vector.shape_cast %get3A_1228 : vector<1x16xf32> to vector<16xf32>
      %slice3A_1230 = vector.extract_strided_slice %get3A_45 {offsets = [14], sizes = [1], strides = [1]} : vector<16xi32> to vector<1xi32>
      %squeeze3A_1231 = vector.extract %slice3A_1230[0] : i32 from vector<1xi32>
      %shift_right_logical3A_1232 = arith.constant 12 : i32
      %shift_right_logical3A_1233 = arith.shrui %squeeze3A_1231, %shift_right_logical3A_1232 : i32
      %mul3A_1234 = arith.constant 6554 : i32
      %mul3A_1235 = arith.muli %shift_right_logical3A_1233, %mul3A_1234 : i32
      %shift_right_logical3A_1236 = arith.constant 15 : i32
      %shift_right_logical3A_1237 = arith.shrui %mul3A_1235, %shift_right_logical3A_1236 : i32
      %mul3A_1238 = arith.constant 20480 : i32
      %mul3A_1239 = arith.muli %shift_right_logical3A_1237, %mul3A_1238 : i32
      %sub3A_1240 = arith.subi %squeeze3A_1231, %mul3A_1239 : i32
      %shift_right_logical3A_1241 = arith.constant 10 : i32
      %shift_right_logical3A_1242 = arith.shrui %sub3A_1240, %shift_right_logical3A_1241 : i32
      %mul3A_1243 = arith.constant 6554 : i32
      %mul3A_1244 = arith.muli %shift_right_logical3A_1242, %mul3A_1243 : i32
      %shift_right_logical3A_1245 = arith.constant 15 : i32
      %shift_right_logical3A_1246 = arith.shrui %mul3A_1244, %shift_right_logical3A_1245 : i32
      %get3A_1247 = arith.index_cast %add3A_1217 : i32 to index
      %get3A_1248 = arith.constant 0 : index
      %get3A_1249 = tpu.vector_load %arg11[%get3A_1247, %get3A_1248] {strides = array<i32>} : memref<640x128xf32, #tpu.memory_space<vmem>>, vector<1x16xf32>,
      %get3A_1250 = vector.shape_cast %get3A_1249 : vector<1x16xf32> to vector<16xf32>
      %get3A_1251 = arith.index_cast %add3A_1217 : i32 to index
      %get3A_1252 = arith.constant 16 : index
      %get3A_1253 = tpu.vector_load %arg11[%get3A_1251, %get3A_1252] {strides = array<i32>} : memref<640x128xf32, #tpu.memory_space<vmem>>, vector<1x16xf32>,
      %get3A_1254 = vector.shape_cast %get3A_1253 : vector<1x16xf32> to vector<16xf32>
      %get3A_1255 = arith.index_cast %add3A_1217 : i32 to index
      %get3A_1256 = arith.constant 32 : index
      %get3A_1257 = tpu.vector_load %arg11[%get3A_1255, %get3A_1256] {strides = array<i32>} : memref<640x128xf32, #tpu.memory_space<vmem>>, vector<1x16xf32>,
      %get3A_1258 = vector.shape_cast %get3A_1257 : vector<1x16xf32> to vector<16xf32>
      %get3A_1259 = arith.index_cast %add3A_1217 : i32 to index
      %get3A_1260 = arith.constant 48 : index
      %get3A_1261 = tpu.vector_load %arg11[%get3A_1259, %get3A_1260] {strides = array<i32>} : memref<640x128xf32, #tpu.memory_space<vmem>>, vector<1x16xf32>,
      %get3A_1262 = vector.shape_cast %get3A_1261 : vector<1x16xf32> to vector<16xf32>
      %get3A_1263 = arith.index_cast %add3A_1217 : i32 to index
      %get3A_1264 = arith.constant 64 : index
      %get3A_1265 = tpu.vector_load %arg11[%get3A_1263, %get3A_1264] {strides = array<i32>} : memref<640x128xf32, #tpu.memory_space<vmem>>, vector<1x16xf32>,
      %get3A_1266 = vector.shape_cast %get3A_1265 : vector<1x16xf32> to vector<16xf32>
      %get3A_1267 = arith.index_cast %add3A_1217 : i32 to index
      %get3A_1268 = arith.constant 80 : index
      %get3A_1269 = tpu.vector_load %arg11[%get3A_1267, %get3A_1268] {strides = array<i32>} : memref<640x128xf32, #tpu.memory_space<vmem>>, vector<1x16xf32>,
      %get3A_1270 = vector.shape_cast %get3A_1269 : vector<1x16xf32> to vector<16xf32>
      %get3A_1271 = arith.index_cast %add3A_1217 : i32 to index
      %get3A_1272 = arith.constant 96 : index
      %get3A_1273 = tpu.vector_load %arg11[%get3A_1271, %get3A_1272] {strides = array<i32>} : memref<640x128xf32, #tpu.memory_space<vmem>>, vector<1x16xf32>,
      %get3A_1274 = vector.shape_cast %get3A_1273 : vector<1x16xf32> to vector<16xf32>
      %get3A_1275 = arith.index_cast %add3A_1217 : i32 to index
      %get3A_1276 = arith.constant 112 : index
      %get3A_1277 = tpu.vector_load %arg11[%get3A_1275, %get3A_1276] {strides = array<i32>} : memref<640x128xf32, #tpu.memory_space<vmem>>, vector<1x16xf32>,
      %get3A_1278 = vector.shape_cast %get3A_1277 : vector<1x16xf32> to vector<16xf32>
      %eq3A_1279 = arith.constant 0 : i32
      %eq3A_1280 = arith.cmpi eq, %shift_right_logical3A_1246, %eq3A_1279 : i32
      %eq3A_1281 = arith.constant 1 : i32
      %eq3A_1282 = arith.cmpi eq, %shift_right_logical3A_1246, %eq3A_1281 : i32
      %eq3A_1283 = arith.constant 2 : i32
      %eq3A_1284 = arith.cmpi eq, %shift_right_logical3A_1246, %eq3A_1283 : i32
      %select_n3A_1285 = arith.select %eq3A_1284, %get3A_1266, %get3A_1274 : vector<16xf32>
      %select_n3A_1286 = arith.select %eq3A_1282, %get3A_1258, %select_n3A_1285 : vector<16xf32>
      %select_n3A_1287 = arith.select %eq3A_1280, %get3A_1250, %select_n3A_1286 : vector<16xf32>
      %eq3A_1288 = arith.constant 0 : i32
      %eq3A_1289 = arith.cmpi eq, %shift_right_logical3A_1246, %eq3A_1288 : i32
      %eq3A_1290 = arith.constant 1 : i32
      %eq3A_1291 = arith.cmpi eq, %shift_right_logical3A_1246, %eq3A_1290 : i32
      %eq3A_1292 = arith.constant 2 : i32
      %eq3A_1293 = arith.cmpi eq, %shift_right_logical3A_1246, %eq3A_1292 : i32
      %select_n3A_1294 = arith.select %eq3A_1293, %get3A_1270, %get3A_1278 : vector<16xf32>
      %select_n3A_1295 = arith.select %eq3A_1291, %get3A_1262, %select_n3A_1294 : vector<16xf32>
      %select_n3A_1296 = arith.select %eq3A_1289, %get3A_1254, %select_n3A_1295 : vector<16xf32>
      %mul3A_1297 = arith.mulf %get3A_1225, %select_n3A_1287 : vector<16xf32>
      %mul3A_1298 = arith.mulf %get3A_1229, %select_n3A_1296 : vector<16xf32>
      %add3A_1299 = arith.addf %mul3A_1297, %mul3A_1298 : vector<16xf32>
      %add3A_1300 = arith.constant 15 : i32
      %add3A_1301 = arith.addi %mul3A_43, %add3A_1300 : i32
      %mul3A_1302 = arith.constant 6554 : i32
      %mul3A_1303 = arith.muli %add3A_1301, %mul3A_1302 : i32
      %shift_right_logical3A_1304 = arith.constant 15 : i32
      %shift_right_logical3A_1305 = arith.shrui %mul3A_1303, %shift_right_logical3A_1304 : i32
      %get3A_1306 = arith.index_cast %shift_right_logical3A_1305 : i32 to index
      %get3A_1307 = arith.constant 0 : index
      %get3A_1308 = tpu.vector_load %arg10[%get3A_1306, %get3A_1307] {strides = array<i32>} : memref<128x32xf32, #tpu.memory_space<vmem>>, vector<1x16xf32>,
      %get3A_1309 = vector.shape_cast %get3A_1308 : vector<1x16xf32> to vector<16xf32>
      %get3A_1310 = arith.index_cast %shift_right_logical3A_1305 : i32 to index
      %get3A_1311 = arith.constant 16 : index
      %get3A_1312 = tpu.vector_load %arg10[%get3A_1310, %get3A_1311] {strides = array<i32>} : memref<128x32xf32, #tpu.memory_space<vmem>>, vector<1x16xf32>,
      %get3A_1313 = vector.shape_cast %get3A_1312 : vector<1x16xf32> to vector<16xf32>
      %slice3A_1314 = vector.extract_strided_slice %get3A_45 {offsets = [15], sizes = [1], strides = [1]} : vector<16xi32> to vector<1xi32>
      %squeeze3A_1315 = vector.extract %slice3A_1314[0] : i32 from vector<1xi32>
      %shift_right_logical3A_1316 = arith.constant 12 : i32
      %shift_right_logical3A_1317 = arith.shrui %squeeze3A_1315, %shift_right_logical3A_1316 : i32
      %mul3A_1318 = arith.constant 6554 : i32
      %mul3A_1319 = arith.muli %shift_right_logical3A_1317, %mul3A_1318 : i32
      %shift_right_logical3A_1320 = arith.constant 15 : i32
      %shift_right_logical3A_1321 = arith.shrui %mul3A_1319, %shift_right_logical3A_1320 : i32
      %mul3A_1322 = arith.constant 20480 : i32
      %mul3A_1323 = arith.muli %shift_right_logical3A_1321, %mul3A_1322 : i32
      %sub3A_1324 = arith.subi %squeeze3A_1315, %mul3A_1323 : i32
      %shift_right_logical3A_1325 = arith.constant 10 : i32
      %shift_right_logical3A_1326 = arith.shrui %sub3A_1324, %shift_right_logical3A_1325 : i32
      %mul3A_1327 = arith.constant 6554 : i32
      %mul3A_1328 = arith.muli %shift_right_logical3A_1326, %mul3A_1327 : i32
      %shift_right_logical3A_1329 = arith.constant 15 : i32
      %shift_right_logical3A_1330 = arith.shrui %mul3A_1328, %shift_right_logical3A_1329 : i32
      %get3A_1331 = arith.index_cast %add3A_1301 : i32 to index
      %get3A_1332 = arith.constant 0 : index
      %get3A_1333 = tpu.vector_load %arg11[%get3A_1331, %get3A_1332] {strides = array<i32>} : memref<640x128xf32, #tpu.memory_space<vmem>>, vector<1x16xf32>,
      %get3A_1334 = vector.shape_cast %get3A_1333 : vector<1x16xf32> to vector<16xf32>
      %get3A_1335 = arith.index_cast %add3A_1301 : i32 to index
      %get3A_1336 = arith.constant 16 : index
      %get3A_1337 = tpu.vector_load %arg11[%get3A_1335, %get3A_1336] {strides = array<i32>} : memref<640x128xf32, #tpu.memory_space<vmem>>, vector<1x16xf32>,
      %get3A_1338 = vector.shape_cast %get3A_1337 : vector<1x16xf32> to vector<16xf32>
      %get3A_1339 = arith.index_cast %add3A_1301 : i32 to index
      %get3A_1340 = arith.constant 32 : index
      %get3A_1341 = tpu.vector_load %arg11[%get3A_1339, %get3A_1340] {strides = array<i32>} : memref<640x128xf32, #tpu.memory_space<vmem>>, vector<1x16xf32>,
      %get3A_1342 = vector.shape_cast %get3A_1341 : vector<1x16xf32> to vector<16xf32>
      %get3A_1343 = arith.index_cast %add3A_1301 : i32 to index
      %get3A_1344 = arith.constant 48 : index
      %get3A_1345 = tpu.vector_load %arg11[%get3A_1343, %get3A_1344] {strides = array<i32>} : memref<640x128xf32, #tpu.memory_space<vmem>>, vector<1x16xf32>,
      %get3A_1346 = vector.shape_cast %get3A_1345 : vector<1x16xf32> to vector<16xf32>
      %get3A_1347 = arith.index_cast %add3A_1301 : i32 to index
      %get3A_1348 = arith.constant 64 : index
      %get3A_1349 = tpu.vector_load %arg11[%get3A_1347, %get3A_1348] {strides = array<i32>} : memref<640x128xf32, #tpu.memory_space<vmem>>, vector<1x16xf32>,
      %get3A_1350 = vector.shape_cast %get3A_1349 : vector<1x16xf32> to vector<16xf32>
      %get3A_1351 = arith.index_cast %add3A_1301 : i32 to index
      %get3A_1352 = arith.constant 80 : index
      %get3A_1353 = tpu.vector_load %arg11[%get3A_1351, %get3A_1352] {strides = array<i32>} : memref<640x128xf32, #tpu.memory_space<vmem>>, vector<1x16xf32>,
      %get3A_1354 = vector.shape_cast %get3A_1353 : vector<1x16xf32> to vector<16xf32>
      %get3A_1355 = arith.index_cast %add3A_1301 : i32 to index
      %get3A_1356 = arith.constant 96 : index
      %get3A_1357 = tpu.vector_load %arg11[%get3A_1355, %get3A_1356] {strides = array<i32>} : memref<640x128xf32, #tpu.memory_space<vmem>>, vector<1x16xf32>,
      %get3A_1358 = vector.shape_cast %get3A_1357 : vector<1x16xf32> to vector<16xf32>
      %get3A_1359 = arith.index_cast %add3A_1301 : i32 to index
      %get3A_1360 = arith.constant 112 : index
      %get3A_1361 = tpu.vector_load %arg11[%get3A_1359, %get3A_1360] {strides = array<i32>} : memref<640x128xf32, #tpu.memory_space<vmem>>, vector<1x16xf32>,
      %get3A_1362 = vector.shape_cast %get3A_1361 : vector<1x16xf32> to vector<16xf32>
      %eq3A_1363 = arith.constant 0 : i32
      %eq3A_1364 = arith.cmpi eq, %shift_right_logical3A_1330, %eq3A_1363 : i32
      %eq3A_1365 = arith.constant 1 : i32
      %eq3A_1366 = arith.cmpi eq, %shift_right_logical3A_1330, %eq3A_1365 : i32
      %eq3A_1367 = arith.constant 2 : i32
      %eq3A_1368 = arith.cmpi eq, %shift_right_logical3A_1330, %eq3A_1367 : i32
      %select_n3A_1369 = arith.select %eq3A_1368, %get3A_1350, %get3A_1358 : vector<16xf32>
      %select_n3A_1370 = arith.select %eq3A_1366, %get3A_1342, %select_n3A_1369 : vector<16xf32>
      %select_n3A_1371 = arith.select %eq3A_1364, %get3A_1334, %select_n3A_1370 : vector<16xf32>
      %eq3A_1372 = arith.constant 0 : i32
      %eq3A_1373 = arith.cmpi eq, %shift_right_logical3A_1330, %eq3A_1372 : i32
      %eq3A_1374 = arith.constant 1 : i32
      %eq3A_1375 = arith.cmpi eq, %shift_right_logical3A_1330, %eq3A_1374 : i32
      %eq3A_1376 = arith.constant 2 : i32
      %eq3A_1377 = arith.cmpi eq, %shift_right_logical3A_1330, %eq3A_1376 : i32
      %select_n3A_1378 = arith.select %eq3A_1377, %get3A_1354, %get3A_1362 : vector<16xf32>
      %select_n3A_1379 = arith.select %eq3A_1375, %get3A_1346, %select_n3A_1378 : vector<16xf32>
      %select_n3A_1380 = arith.select %eq3A_1373, %get3A_1338, %select_n3A_1379 : vector<16xf32>
      %mul3A_1381 = arith.mulf %get3A_1309, %select_n3A_1371 : vector<16xf32>
      %mul3A_1382 = arith.mulf %get3A_1313, %select_n3A_1380 : vector<16xf32>
      %add3A_1383 = arith.addf %mul3A_1381, %mul3A_1382 : vector<16xf32>
      %xor3A = arith.constant 8 : i32
      %xor3A_1384 = vector.broadcast %xor3A : i32 to vector<16xi32>
      %xor3A_1385 = arith.xori %iota3A, %xor3A_1384 : vector<16xi32>
      %lt3A = arith.constant 0 : i32
      %lt3A_1386 = vector.broadcast %lt3A : i32 to vector<16xi32>
      %lt3A_1387 = arith.cmpi slt, %xor3A_1385, %lt3A_1386 : vector<16xi32>
      %add3A_1388 = arith.constant 16 : i32
      %add3A_1389 = vector.broadcast %add3A_1388 : i32 to vector<16xi32>
      %add3A_1390 = arith.addi %xor3A_1385, %add3A_1389 : vector<16xi32>
      %select_n3A_1391 = arith.select %lt3A_1387, %add3A_1390, %xor3A_1385 : vector<16xi1>, vector<16xi32>
      %broadcast_in_dim3A = vector.shape_cast %select_n3A_1391 : vector<16xi32> to vector<16x1xi32>
      %gather3A = vector.shape_cast %broadcast_in_dim3A : vector<16x1xi32> to vector<16xi32>
      %gather3A_1392 = tpu.dynamic_gather %add3A_123[%gather3A] in [0] : vector<16xf32>, vector<16xi32> -> vector<16xf32>
      %add3A_1393 = arith.addf %add3A_123, %gather3A_1392 : vector<16xf32>
      %xor3A_1394 = arith.constant 8 : i32
      %xor3A_1395 = vector.broadcast %xor3A_1394 : i32 to vector<16xi32>
      %xor3A_1396 = arith.xori %iota3A, %xor3A_1395 : vector<16xi32>
      %lt3A_1397 = arith.constant 0 : i32
      %lt3A_1398 = vector.broadcast %lt3A_1397 : i32 to vector<16xi32>
      %lt3A_1399 = arith.cmpi slt, %xor3A_1396, %lt3A_1398 : vector<16xi32>
      %add3A_1400 = arith.constant 16 : i32
      %add3A_1401 = vector.broadcast %add3A_1400 : i32 to vector<16xi32>
      %add3A_1402 = arith.addi %xor3A_1396, %add3A_1401 : vector<16xi32>
      %select_n3A_1403 = arith.select %lt3A_1399, %add3A_1402, %xor3A_1396 : vector<16xi1>, vector<16xi32>
      %broadcast_in_dim3A_1404 = vector.shape_cast %select_n3A_1403 : vector<16xi32> to vector<16x1xi32>
      %gather3A_1405 = vector.shape_cast %broadcast_in_dim3A_1404 : vector<16x1xi32> to vector<16xi32>
      %gather3A_1406 = tpu.dynamic_gather %add3A_795[%gather3A_1405] in [0] : vector<16xf32>, vector<16xi32> -> vector<16xf32>
      %add3A_1407 = arith.addf %add3A_795, %gather3A_1406 : vector<16xf32>
      %and3A = arith.constant 8 : i32
      %and3A_1408 = vector.broadcast %and3A : i32 to vector<16xi32>
      %and3A_1409 = arith.andi %iota3A, %and3A_1408 : vector<16xi32>
      %eq3A_1410 = arith.constant 0 : i32
      %eq3A_1411 = vector.broadcast %eq3A_1410 : i32 to vector<16xi32>
      %eq3A_1412 = arith.cmpi eq, %and3A_1409, %eq3A_1411 : vector<16xi32>
      %select_n3A_1413 = arith.select %eq3A_1412, %add3A_1393, %add3A_1407 : vector<16xi1>, vector<16xf32>
      %xor3A_1414 = arith.constant 8 : i32
      %xor3A_1415 = vector.broadcast %xor3A_1414 : i32 to vector<16xi32>
      %xor3A_1416 = arith.xori %iota3A, %xor3A_1415 : vector<16xi32>
      %lt3A_1417 = arith.constant 0 : i32
      %lt3A_1418 = vector.broadcast %lt3A_1417 : i32 to vector<16xi32>
      %lt3A_1419 = arith.cmpi slt, %xor3A_1416, %lt3A_1418 : vector<16xi32>
      %add3A_1420 = arith.constant 16 : i32
      %add3A_1421 = vector.broadcast %add3A_1420 : i32 to vector<16xi32>
      %add3A_1422 = arith.addi %xor3A_1416, %add3A_1421 : vector<16xi32>
      %select_n3A_1423 = arith.select %lt3A_1419, %add3A_1422, %xor3A_1416 : vector<16xi1>, vector<16xi32>
      %broadcast_in_dim3A_1424 = vector.shape_cast %select_n3A_1423 : vector<16xi32> to vector<16x1xi32>
      %gather3A_1425 = vector.shape_cast %broadcast_in_dim3A_1424 : vector<16x1xi32> to vector<16xi32>
      %gather3A_1426 = tpu.dynamic_gather %add3A_207[%gather3A_1425] in [0] : vector<16xf32>, vector<16xi32> -> vector<16xf32>
      %add3A_1427 = arith.addf %add3A_207, %gather3A_1426 : vector<16xf32>
      %xor3A_1428 = arith.constant 8 : i32
      %xor3A_1429 = vector.broadcast %xor3A_1428 : i32 to vector<16xi32>
      %xor3A_1430 = arith.xori %iota3A, %xor3A_1429 : vector<16xi32>
      %lt3A_1431 = arith.constant 0 : i32
      %lt3A_1432 = vector.broadcast %lt3A_1431 : i32 to vector<16xi32>
      %lt3A_1433 = arith.cmpi slt, %xor3A_1430, %lt3A_1432 : vector<16xi32>
      %add3A_1434 = arith.constant 16 : i32
      %add3A_1435 = vector.broadcast %add3A_1434 : i32 to vector<16xi32>
      %add3A_1436 = arith.addi %xor3A_1430, %add3A_1435 : vector<16xi32>
      %select_n3A_1437 = arith.select %lt3A_1433, %add3A_1436, %xor3A_1430 : vector<16xi1>, vector<16xi32>
      %broadcast_in_dim3A_1438 = vector.shape_cast %select_n3A_1437 : vector<16xi32> to vector<16x1xi32>
      %gather3A_1439 = vector.shape_cast %broadcast_in_dim3A_1438 : vector<16x1xi32> to vector<16xi32>
      %gather3A_1440 = tpu.dynamic_gather %add3A_879[%gather3A_1439] in [0] : vector<16xf32>, vector<16xi32> -> vector<16xf32>
      %add3A_1441 = arith.addf %add3A_879, %gather3A_1440 : vector<16xf32>
      %and3A_1442 = arith.constant 8 : i32
      %and3A_1443 = vector.broadcast %and3A_1442 : i32 to vector<16xi32>
      %and3A_1444 = arith.andi %iota3A, %and3A_1443 : vector<16xi32>
      %eq3A_1445 = arith.constant 0 : i32
      %eq3A_1446 = vector.broadcast %eq3A_1445 : i32 to vector<16xi32>
      %eq3A_1447 = arith.cmpi eq, %and3A_1444, %eq3A_1446 : vector<16xi32>
      %select_n3A_1448 = arith.select %eq3A_1447, %add3A_1427, %add3A_1441 : vector<16xi1>, vector<16xf32>
      %xor3A_1449 = arith.constant 8 : i32
      %xor3A_1450 = vector.broadcast %xor3A_1449 : i32 to vector<16xi32>
      %xor3A_1451 = arith.xori %iota3A, %xor3A_1450 : vector<16xi32>
      %lt3A_1452 = arith.constant 0 : i32
      %lt3A_1453 = vector.broadcast %lt3A_1452 : i32 to vector<16xi32>
      %lt3A_1454 = arith.cmpi slt, %xor3A_1451, %lt3A_1453 : vector<16xi32>
      %add3A_1455 = arith.constant 16 : i32
      %add3A_1456 = vector.broadcast %add3A_1455 : i32 to vector<16xi32>
      %add3A_1457 = arith.addi %xor3A_1451, %add3A_1456 : vector<16xi32>
      %select_n3A_1458 = arith.select %lt3A_1454, %add3A_1457, %xor3A_1451 : vector<16xi1>, vector<16xi32>
      %broadcast_in_dim3A_1459 = vector.shape_cast %select_n3A_1458 : vector<16xi32> to vector<16x1xi32>
      %gather3A_1460 = vector.shape_cast %broadcast_in_dim3A_1459 : vector<16x1xi32> to vector<16xi32>
      %gather3A_1461 = tpu.dynamic_gather %add3A_291[%gather3A_1460] in [0] : vector<16xf32>, vector<16xi32> -> vector<16xf32>
      %add3A_1462 = arith.addf %add3A_291, %gather3A_1461 : vector<16xf32>
      %xor3A_1463 = arith.constant 8 : i32
      %xor3A_1464 = vector.broadcast %xor3A_1463 : i32 to vector<16xi32>
      %xor3A_1465 = arith.xori %iota3A, %xor3A_1464 : vector<16xi32>
      %lt3A_1466 = arith.constant 0 : i32
      %lt3A_1467 = vector.broadcast %lt3A_1466 : i32 to vector<16xi32>
      %lt3A_1468 = arith.cmpi slt, %xor3A_1465, %lt3A_1467 : vector<16xi32>
      %add3A_1469 = arith.constant 16 : i32
      %add3A_1470 = vector.broadcast %add3A_1469 : i32 to vector<16xi32>
      %add3A_1471 = arith.addi %xor3A_1465, %add3A_1470 : vector<16xi32>
      %select_n3A_1472 = arith.select %lt3A_1468, %add3A_1471, %xor3A_1465 : vector<16xi1>, vector<16xi32>
      %broadcast_in_dim3A_1473 = vector.shape_cast %select_n3A_1472 : vector<16xi32> to vector<16x1xi32>
      %gather3A_1474 = vector.shape_cast %broadcast_in_dim3A_1473 : vector<16x1xi32> to vector<16xi32>
      %gather3A_1475 = tpu.dynamic_gather %add3A_963[%gather3A_1474] in [0] : vector<16xf32>, vector<16xi32> -> vector<16xf32>
      %add3A_1476 = arith.addf %add3A_963, %gather3A_1475 : vector<16xf32>
      %and3A_1477 = arith.constant 8 : i32
      %and3A_1478 = vector.broadcast %and3A_1477 : i32 to vector<16xi32>
      %and3A_1479 = arith.andi %iota3A, %and3A_1478 : vector<16xi32>
      %eq3A_1480 = arith.constant 0 : i32
      %eq3A_1481 = vector.broadcast %eq3A_1480 : i32 to vector<16xi32>
      %eq3A_1482 = arith.cmpi eq, %and3A_1479, %eq3A_1481 : vector<16xi32>
      %select_n3A_1483 = arith.select %eq3A_1482, %add3A_1462, %add3A_1476 : vector<16xi1>, vector<16xf32>
      %xor3A_1484 = arith.constant 8 : i32
      %xor3A_1485 = vector.broadcast %xor3A_1484 : i32 to vector<16xi32>
      %xor3A_1486 = arith.xori %iota3A, %xor3A_1485 : vector<16xi32>
      %lt3A_1487 = arith.constant 0 : i32
      %lt3A_1488 = vector.broadcast %lt3A_1487 : i32 to vector<16xi32>
      %lt3A_1489 = arith.cmpi slt, %xor3A_1486, %lt3A_1488 : vector<16xi32>
      %add3A_1490 = arith.constant 16 : i32
      %add3A_1491 = vector.broadcast %add3A_1490 : i32 to vector<16xi32>
      %add3A_1492 = arith.addi %xor3A_1486, %add3A_1491 : vector<16xi32>
      %select_n3A_1493 = arith.select %lt3A_1489, %add3A_1492, %xor3A_1486 : vector<16xi1>, vector<16xi32>
      %broadcast_in_dim3A_1494 = vector.shape_cast %select_n3A_1493 : vector<16xi32> to vector<16x1xi32>
      %gather3A_1495 = vector.shape_cast %broadcast_in_dim3A_1494 : vector<16x1xi32> to vector<16xi32>
      %gather3A_1496 = tpu.dynamic_gather %add3A_375[%gather3A_1495] in [0] : vector<16xf32>, vector<16xi32> -> vector<16xf32>
      %add3A_1497 = arith.addf %add3A_375, %gather3A_1496 : vector<16xf32>
      %xor3A_1498 = arith.constant 8 : i32
      %xor3A_1499 = vector.broadcast %xor3A_1498 : i32 to vector<16xi32>
      %xor3A_1500 = arith.xori %iota3A, %xor3A_1499 : vector<16xi32>
      %lt3A_1501 = arith.constant 0 : i32
      %lt3A_1502 = vector.broadcast %lt3A_1501 : i32 to vector<16xi32>
      %lt3A_1503 = arith.cmpi slt, %xor3A_1500, %lt3A_1502 : vector<16xi32>
      %add3A_1504 = arith.constant 16 : i32
      %add3A_1505 = vector.broadcast %add3A_1504 : i32 to vector<16xi32>
      %add3A_1506 = arith.addi %xor3A_1500, %add3A_1505 : vector<16xi32>
      %select_n3A_1507 = arith.select %lt3A_1503, %add3A_1506, %xor3A_1500 : vector<16xi1>, vector<16xi32>
      %broadcast_in_dim3A_1508 = vector.shape_cast %select_n3A_1507 : vector<16xi32> to vector<16x1xi32>
      %gather3A_1509 = vector.shape_cast %broadcast_in_dim3A_1508 : vector<16x1xi32> to vector<16xi32>
      %gather3A_1510 = tpu.dynamic_gather %add3A_1047[%gather3A_1509] in [0] : vector<16xf32>, vector<16xi32> -> vector<16xf32>
      %add3A_1511 = arith.addf %add3A_1047, %gather3A_1510 : vector<16xf32>
      %and3A_1512 = arith.constant 8 : i32
      %and3A_1513 = vector.broadcast %and3A_1512 : i32 to vector<16xi32>
      %and3A_1514 = arith.andi %iota3A, %and3A_1513 : vector<16xi32>
      %eq3A_1515 = arith.constant 0 : i32
      %eq3A_1516 = vector.broadcast %eq3A_1515 : i32 to vector<16xi32>
      %eq3A_1517 = arith.cmpi eq, %and3A_1514, %eq3A_1516 : vector<16xi32>
      %select_n3A_1518 = arith.select %eq3A_1517, %add3A_1497, %add3A_1511 : vector<16xi1>, vector<16xf32>
      %xor3A_1519 = arith.constant 8 : i32
      %xor3A_1520 = vector.broadcast %xor3A_1519 : i32 to vector<16xi32>
      %xor3A_1521 = arith.xori %iota3A, %xor3A_1520 : vector<16xi32>
      %lt3A_1522 = arith.constant 0 : i32
      %lt3A_1523 = vector.broadcast %lt3A_1522 : i32 to vector<16xi32>
      %lt3A_1524 = arith.cmpi slt, %xor3A_1521, %lt3A_1523 : vector<16xi32>
      %add3A_1525 = arith.constant 16 : i32
      %add3A_1526 = vector.broadcast %add3A_1525 : i32 to vector<16xi32>
      %add3A_1527 = arith.addi %xor3A_1521, %add3A_1526 : vector<16xi32>
      %select_n3A_1528 = arith.select %lt3A_1524, %add3A_1527, %xor3A_1521 : vector<16xi1>, vector<16xi32>
      %broadcast_in_dim3A_1529 = vector.shape_cast %select_n3A_1528 : vector<16xi32> to vector<16x1xi32>
      %gather3A_1530 = vector.shape_cast %broadcast_in_dim3A_1529 : vector<16x1xi32> to vector<16xi32>
      %gather3A_1531 = tpu.dynamic_gather %add3A_459[%gather3A_1530] in [0] : vector<16xf32>, vector<16xi32> -> vector<16xf32>
      %add3A_1532 = arith.addf %add3A_459, %gather3A_1531 : vector<16xf32>
      %xor3A_1533 = arith.constant 8 : i32
      %xor3A_1534 = vector.broadcast %xor3A_1533 : i32 to vector<16xi32>
      %xor3A_1535 = arith.xori %iota3A, %xor3A_1534 : vector<16xi32>
      %lt3A_1536 = arith.constant 0 : i32
      %lt3A_1537 = vector.broadcast %lt3A_1536 : i32 to vector<16xi32>
      %lt3A_1538 = arith.cmpi slt, %xor3A_1535, %lt3A_1537 : vector<16xi32>
      %add3A_1539 = arith.constant 16 : i32
      %add3A_1540 = vector.broadcast %add3A_1539 : i32 to vector<16xi32>
      %add3A_1541 = arith.addi %xor3A_1535, %add3A_1540 : vector<16xi32>
      %select_n3A_1542 = arith.select %lt3A_1538, %add3A_1541, %xor3A_1535 : vector<16xi1>, vector<16xi32>
      %broadcast_in_dim3A_1543 = vector.shape_cast %select_n3A_1542 : vector<16xi32> to vector<16x1xi32>
      %gather3A_1544 = vector.shape_cast %broadcast_in_dim3A_1543 : vector<16x1xi32> to vector<16xi32>
      %gather3A_1545 = tpu.dynamic_gather %add3A_1131[%gather3A_1544] in [0] : vector<16xf32>, vector<16xi32> -> vector<16xf32>
      %add3A_1546 = arith.addf %add3A_1131, %gather3A_1545 : vector<16xf32>
      %and3A_1547 = arith.constant 8 : i32
      %and3A_1548 = vector.broadcast %and3A_1547 : i32 to vector<16xi32>
      %and3A_1549 = arith.andi %iota3A, %and3A_1548 : vector<16xi32>
      %eq3A_1550 = arith.constant 0 : i32
      %eq3A_1551 = vector.broadcast %eq3A_1550 : i32 to vector<16xi32>
      %eq3A_1552 = arith.cmpi eq, %and3A_1549, %eq3A_1551 : vector<16xi32>
      %select_n3A_1553 = arith.select %eq3A_1552, %add3A_1532, %add3A_1546 : vector<16xi1>, vector<16xf32>
      %xor3A_1554 = arith.constant 8 : i32
      %xor3A_1555 = vector.broadcast %xor3A_1554 : i32 to vector<16xi32>
      %xor3A_1556 = arith.xori %iota3A, %xor3A_1555 : vector<16xi32>
      %lt3A_1557 = arith.constant 0 : i32
      %lt3A_1558 = vector.broadcast %lt3A_1557 : i32 to vector<16xi32>
      %lt3A_1559 = arith.cmpi slt, %xor3A_1556, %lt3A_1558 : vector<16xi32>
      %add3A_1560 = arith.constant 16 : i32
      %add3A_1561 = vector.broadcast %add3A_1560 : i32 to vector<16xi32>
      %add3A_1562 = arith.addi %xor3A_1556, %add3A_1561 : vector<16xi32>
      %select_n3A_1563 = arith.select %lt3A_1559, %add3A_1562, %xor3A_1556 : vector<16xi1>, vector<16xi32>
      %broadcast_in_dim3A_1564 = vector.shape_cast %select_n3A_1563 : vector<16xi32> to vector<16x1xi32>
      %gather3A_1565 = vector.shape_cast %broadcast_in_dim3A_1564 : vector<16x1xi32> to vector<16xi32>
      %gather3A_1566 = tpu.dynamic_gather %add3A_543[%gather3A_1565] in [0] : vector<16xf32>, vector<16xi32> -> vector<16xf32>
      %add3A_1567 = arith.addf %add3A_543, %gather3A_1566 : vector<16xf32>
      %xor3A_1568 = arith.constant 8 : i32
      %xor3A_1569 = vector.broadcast %xor3A_1568 : i32 to vector<16xi32>
      %xor3A_1570 = arith.xori %iota3A, %xor3A_1569 : vector<16xi32>
      %lt3A_1571 = arith.constant 0 : i32
      %lt3A_1572 = vector.broadcast %lt3A_1571 : i32 to vector<16xi32>
      %lt3A_1573 = arith.cmpi slt, %xor3A_1570, %lt3A_1572 : vector<16xi32>
      %add3A_1574 = arith.constant 16 : i32
      %add3A_1575 = vector.broadcast %add3A_1574 : i32 to vector<16xi32>
      %add3A_1576 = arith.addi %xor3A_1570, %add3A_1575 : vector<16xi32>
      %select_n3A_1577 = arith.select %lt3A_1573, %add3A_1576, %xor3A_1570 : vector<16xi1>, vector<16xi32>
      %broadcast_in_dim3A_1578 = vector.shape_cast %select_n3A_1577 : vector<16xi32> to vector<16x1xi32>
      %gather3A_1579 = vector.shape_cast %broadcast_in_dim3A_1578 : vector<16x1xi32> to vector<16xi32>
      %gather3A_1580 = tpu.dynamic_gather %add3A_1215[%gather3A_1579] in [0] : vector<16xf32>, vector<16xi32> -> vector<16xf32>
      %add3A_1581 = arith.addf %add3A_1215, %gather3A_1580 : vector<16xf32>
      %and3A_1582 = arith.constant 8 : i32
      %and3A_1583 = vector.broadcast %and3A_1582 : i32 to vector<16xi32>
      %and3A_1584 = arith.andi %iota3A, %and3A_1583 : vector<16xi32>
      %eq3A_1585 = arith.constant 0 : i32
      %eq3A_1586 = vector.broadcast %eq3A_1585 : i32 to vector<16xi32>
      %eq3A_1587 = arith.cmpi eq, %and3A_1584, %eq3A_1586 : vector<16xi32>
      %select_n3A_1588 = arith.select %eq3A_1587, %add3A_1567, %add3A_1581 : vector<16xi1>, vector<16xf32>
      %xor3A_1589 = arith.constant 8 : i32
      %xor3A_1590 = vector.broadcast %xor3A_1589 : i32 to vector<16xi32>
      %xor3A_1591 = arith.xori %iota3A, %xor3A_1590 : vector<16xi32>
      %lt3A_1592 = arith.constant 0 : i32
      %lt3A_1593 = vector.broadcast %lt3A_1592 : i32 to vector<16xi32>
      %lt3A_1594 = arith.cmpi slt, %xor3A_1591, %lt3A_1593 : vector<16xi32>
      %add3A_1595 = arith.constant 16 : i32
      %add3A_1596 = vector.broadcast %add3A_1595 : i32 to vector<16xi32>
      %add3A_1597 = arith.addi %xor3A_1591, %add3A_1596 : vector<16xi32>
      %select_n3A_1598 = arith.select %lt3A_1594, %add3A_1597, %xor3A_1591 : vector<16xi1>, vector<16xi32>
      %broadcast_in_dim3A_1599 = vector.shape_cast %select_n3A_1598 : vector<16xi32> to vector<16x1xi32>
      %gather3A_1600 = vector.shape_cast %broadcast_in_dim3A_1599 : vector<16x1xi32> to vector<16xi32>
      %gather3A_1601 = tpu.dynamic_gather %add3A_627[%gather3A_1600] in [0] : vector<16xf32>, vector<16xi32> -> vector<16xf32>
      %add3A_1602 = arith.addf %add3A_627, %gather3A_1601 : vector<16xf32>
      %xor3A_1603 = arith.constant 8 : i32
      %xor3A_1604 = vector.broadcast %xor3A_1603 : i32 to vector<16xi32>
      %xor3A_1605 = arith.xori %iota3A, %xor3A_1604 : vector<16xi32>
      %lt3A_1606 = arith.constant 0 : i32
      %lt3A_1607 = vector.broadcast %lt3A_1606 : i32 to vector<16xi32>
      %lt3A_1608 = arith.cmpi slt, %xor3A_1605, %lt3A_1607 : vector<16xi32>
      %add3A_1609 = arith.constant 16 : i32
      %add3A_1610 = vector.broadcast %add3A_1609 : i32 to vector<16xi32>
      %add3A_1611 = arith.addi %xor3A_1605, %add3A_1610 : vector<16xi32>
      %select_n3A_1612 = arith.select %lt3A_1608, %add3A_1611, %xor3A_1605 : vector<16xi1>, vector<16xi32>
      %broadcast_in_dim3A_1613 = vector.shape_cast %select_n3A_1612 : vector<16xi32> to vector<16x1xi32>
      %gather3A_1614 = vector.shape_cast %broadcast_in_dim3A_1613 : vector<16x1xi32> to vector<16xi32>
      %gather3A_1615 = tpu.dynamic_gather %add3A_1299[%gather3A_1614] in [0] : vector<16xf32>, vector<16xi32> -> vector<16xf32>
      %add3A_1616 = arith.addf %add3A_1299, %gather3A_1615 : vector<16xf32>
      %and3A_1617 = arith.constant 8 : i32
      %and3A_1618 = vector.broadcast %and3A_1617 : i32 to vector<16xi32>
      %and3A_1619 = arith.andi %iota3A, %and3A_1618 : vector<16xi32>
      %eq3A_1620 = arith.constant 0 : i32
      %eq3A_1621 = vector.broadcast %eq3A_1620 : i32 to vector<16xi32>
      %eq3A_1622 = arith.cmpi eq, %and3A_1619, %eq3A_1621 : vector<16xi32>
      %select_n3A_1623 = arith.select %eq3A_1622, %add3A_1602, %add3A_1616 : vector<16xi1>, vector<16xf32>
      %xor3A_1624 = arith.constant 8 : i32
      %xor3A_1625 = vector.broadcast %xor3A_1624 : i32 to vector<16xi32>
      %xor3A_1626 = arith.xori %iota3A, %xor3A_1625 : vector<16xi32>
      %lt3A_1627 = arith.constant 0 : i32
      %lt3A_1628 = vector.broadcast %lt3A_1627 : i32 to vector<16xi32>
      %lt3A_1629 = arith.cmpi slt, %xor3A_1626, %lt3A_1628 : vector<16xi32>
      %add3A_1630 = arith.constant 16 : i32
      %add3A_1631 = vector.broadcast %add3A_1630 : i32 to vector<16xi32>
      %add3A_1632 = arith.addi %xor3A_1626, %add3A_1631 : vector<16xi32>
      %select_n3A_1633 = arith.select %lt3A_1629, %add3A_1632, %xor3A_1626 : vector<16xi1>, vector<16xi32>
      %broadcast_in_dim3A_1634 = vector.shape_cast %select_n3A_1633 : vector<16xi32> to vector<16x1xi32>
      %gather3A_1635 = vector.shape_cast %broadcast_in_dim3A_1634 : vector<16x1xi32> to vector<16xi32>
      %gather3A_1636 = tpu.dynamic_gather %add3A_711[%gather3A_1635] in [0] : vector<16xf32>, vector<16xi32> -> vector<16xf32>
      %add3A_1637 = arith.addf %add3A_711, %gather3A_1636 : vector<16xf32>
      %xor3A_1638 = arith.constant 8 : i32
      %xor3A_1639 = vector.broadcast %xor3A_1638 : i32 to vector<16xi32>
      %xor3A_1640 = arith.xori %iota3A, %xor3A_1639 : vector<16xi32>
      %lt3A_1641 = arith.constant 0 : i32
      %lt3A_1642 = vector.broadcast %lt3A_1641 : i32 to vector<16xi32>
      %lt3A_1643 = arith.cmpi slt, %xor3A_1640, %lt3A_1642 : vector<16xi32>
      %add3A_1644 = arith.constant 16 : i32
      %add3A_1645 = vector.broadcast %add3A_1644 : i32 to vector<16xi32>
      %add3A_1646 = arith.addi %xor3A_1640, %add3A_1645 : vector<16xi32>
      %select_n3A_1647 = arith.select %lt3A_1643, %add3A_1646, %xor3A_1640 : vector<16xi1>, vector<16xi32>
      %broadcast_in_dim3A_1648 = vector.shape_cast %select_n3A_1647 : vector<16xi32> to vector<16x1xi32>
      %gather3A_1649 = vector.shape_cast %broadcast_in_dim3A_1648 : vector<16x1xi32> to vector<16xi32>
      %gather3A_1650 = tpu.dynamic_gather %add3A_1383[%gather3A_1649] in [0] : vector<16xf32>, vector<16xi32> -> vector<16xf32>
      %add3A_1651 = arith.addf %add3A_1383, %gather3A_1650 : vector<16xf32>
      %and3A_1652 = arith.constant 8 : i32
      %and3A_1653 = vector.broadcast %and3A_1652 : i32 to vector<16xi32>
      %and3A_1654 = arith.andi %iota3A, %and3A_1653 : vector<16xi32>
      %eq3A_1655 = arith.constant 0 : i32
      %eq3A_1656 = vector.broadcast %eq3A_1655 : i32 to vector<16xi32>
      %eq3A_1657 = arith.cmpi eq, %and3A_1654, %eq3A_1656 : vector<16xi32>
      %select_n3A_1658 = arith.select %eq3A_1657, %add3A_1637, %add3A_1651 : vector<16xi1>, vector<16xf32>
      %xor3A_1659 = arith.constant 4 : i32
      %xor3A_1660 = vector.broadcast %xor3A_1659 : i32 to vector<16xi32>
      %xor3A_1661 = arith.xori %iota3A, %xor3A_1660 : vector<16xi32>
      %lt3A_1662 = arith.constant 0 : i32
      %lt3A_1663 = vector.broadcast %lt3A_1662 : i32 to vector<16xi32>
      %lt3A_1664 = arith.cmpi slt, %xor3A_1661, %lt3A_1663 : vector<16xi32>
      %add3A_1665 = arith.constant 16 : i32
      %add3A_1666 = vector.broadcast %add3A_1665 : i32 to vector<16xi32>
      %add3A_1667 = arith.addi %xor3A_1661, %add3A_1666 : vector<16xi32>
      %select_n3A_1668 = arith.select %lt3A_1664, %add3A_1667, %xor3A_1661 : vector<16xi1>, vector<16xi32>
      %broadcast_in_dim3A_1669 = vector.shape_cast %select_n3A_1668 : vector<16xi32> to vector<16x1xi32>
      %gather3A_1670 = vector.shape_cast %broadcast_in_dim3A_1669 : vector<16x1xi32> to vector<16xi32>
      %gather3A_1671 = tpu.dynamic_gather %select_n3A_1413[%gather3A_1670] in [0] : vector<16xf32>, vector<16xi32> -> vector<16xf32>
      %add3A_1672 = arith.addf %select_n3A_1413, %gather3A_1671 : vector<16xf32>
      %xor3A_1673 = arith.constant 4 : i32
      %xor3A_1674 = vector.broadcast %xor3A_1673 : i32 to vector<16xi32>
      %xor3A_1675 = arith.xori %iota3A, %xor3A_1674 : vector<16xi32>
      %lt3A_1676 = arith.constant 0 : i32
      %lt3A_1677 = vector.broadcast %lt3A_1676 : i32 to vector<16xi32>
      %lt3A_1678 = arith.cmpi slt, %xor3A_1675, %lt3A_1677 : vector<16xi32>
      %add3A_1679 = arith.constant 16 : i32
      %add3A_1680 = vector.broadcast %add3A_1679 : i32 to vector<16xi32>
      %add3A_1681 = arith.addi %xor3A_1675, %add3A_1680 : vector<16xi32>
      %select_n3A_1682 = arith.select %lt3A_1678, %add3A_1681, %xor3A_1675 : vector<16xi1>, vector<16xi32>
      %broadcast_in_dim3A_1683 = vector.shape_cast %select_n3A_1682 : vector<16xi32> to vector<16x1xi32>
      %gather3A_1684 = vector.shape_cast %broadcast_in_dim3A_1683 : vector<16x1xi32> to vector<16xi32>
      %gather3A_1685 = tpu.dynamic_gather %select_n3A_1553[%gather3A_1684] in [0] : vector<16xf32>, vector<16xi32> -> vector<16xf32>
      %add3A_1686 = arith.addf %select_n3A_1553, %gather3A_1685 : vector<16xf32>
      %and3A_1687 = arith.constant 4 : i32
      %and3A_1688 = vector.broadcast %and3A_1687 : i32 to vector<16xi32>
      %and3A_1689 = arith.andi %iota3A, %and3A_1688 : vector<16xi32>
      %eq3A_1690 = arith.constant 0 : i32
      %eq3A_1691 = vector.broadcast %eq3A_1690 : i32 to vector<16xi32>
      %eq3A_1692 = arith.cmpi eq, %and3A_1689, %eq3A_1691 : vector<16xi32>
      %select_n3A_1693 = arith.select %eq3A_1692, %add3A_1672, %add3A_1686 : vector<16xi1>, vector<16xf32>
      %xor3A_1694 = arith.constant 4 : i32
      %xor3A_1695 = vector.broadcast %xor3A_1694 : i32 to vector<16xi32>
      %xor3A_1696 = arith.xori %iota3A, %xor3A_1695 : vector<16xi32>
      %lt3A_1697 = arith.constant 0 : i32
      %lt3A_1698 = vector.broadcast %lt3A_1697 : i32 to vector<16xi32>
      %lt3A_1699 = arith.cmpi slt, %xor3A_1696, %lt3A_1698 : vector<16xi32>
      %add3A_1700 = arith.constant 16 : i32
      %add3A_1701 = vector.broadcast %add3A_1700 : i32 to vector<16xi32>
      %add3A_1702 = arith.addi %xor3A_1696, %add3A_1701 : vector<16xi32>
      %select_n3A_1703 = arith.select %lt3A_1699, %add3A_1702, %xor3A_1696 : vector<16xi1>, vector<16xi32>
      %broadcast_in_dim3A_1704 = vector.shape_cast %select_n3A_1703 : vector<16xi32> to vector<16x1xi32>
      %gather3A_1705 = vector.shape_cast %broadcast_in_dim3A_1704 : vector<16x1xi32> to vector<16xi32>
      %gather3A_1706 = tpu.dynamic_gather %select_n3A_1448[%gather3A_1705] in [0] : vector<16xf32>, vector<16xi32> -> vector<16xf32>
      %add3A_1707 = arith.addf %select_n3A_1448, %gather3A_1706 : vector<16xf32>
      %xor3A_1708 = arith.constant 4 : i32
      %xor3A_1709 = vector.broadcast %xor3A_1708 : i32 to vector<16xi32>
      %xor3A_1710 = arith.xori %iota3A, %xor3A_1709 : vector<16xi32>
      %lt3A_1711 = arith.constant 0 : i32
      %lt3A_1712 = vector.broadcast %lt3A_1711 : i32 to vector<16xi32>
      %lt3A_1713 = arith.cmpi slt, %xor3A_1710, %lt3A_1712 : vector<16xi32>
      %add3A_1714 = arith.constant 16 : i32
      %add3A_1715 = vector.broadcast %add3A_1714 : i32 to vector<16xi32>
      %add3A_1716 = arith.addi %xor3A_1710, %add3A_1715 : vector<16xi32>
      %select_n3A_1717 = arith.select %lt3A_1713, %add3A_1716, %xor3A_1710 : vector<16xi1>, vector<16xi32>
      %broadcast_in_dim3A_1718 = vector.shape_cast %select_n3A_1717 : vector<16xi32> to vector<16x1xi32>
      %gather3A_1719 = vector.shape_cast %broadcast_in_dim3A_1718 : vector<16x1xi32> to vector<16xi32>
      %gather3A_1720 = tpu.dynamic_gather %select_n3A_1588[%gather3A_1719] in [0] : vector<16xf32>, vector<16xi32> -> vector<16xf32>
      %add3A_1721 = arith.addf %select_n3A_1588, %gather3A_1720 : vector<16xf32>
      %and3A_1722 = arith.constant 4 : i32
      %and3A_1723 = vector.broadcast %and3A_1722 : i32 to vector<16xi32>
      %and3A_1724 = arith.andi %iota3A, %and3A_1723 : vector<16xi32>
      %eq3A_1725 = arith.constant 0 : i32
      %eq3A_1726 = vector.broadcast %eq3A_1725 : i32 to vector<16xi32>
      %eq3A_1727 = arith.cmpi eq, %and3A_1724, %eq3A_1726 : vector<16xi32>
      %select_n3A_1728 = arith.select %eq3A_1727, %add3A_1707, %add3A_1721 : vector<16xi1>, vector<16xf32>
      %xor3A_1729 = arith.constant 4 : i32
      %xor3A_1730 = vector.broadcast %xor3A_1729 : i32 to vector<16xi32>
      %xor3A_1731 = arith.xori %iota3A, %xor3A_1730 : vector<16xi32>
      %lt3A_1732 = arith.constant 0 : i32
      %lt3A_1733 = vector.broadcast %lt3A_1732 : i32 to vector<16xi32>
      %lt3A_1734 = arith.cmpi slt, %xor3A_1731, %lt3A_1733 : vector<16xi32>
      %add3A_1735 = arith.constant 16 : i32
      %add3A_1736 = vector.broadcast %add3A_1735 : i32 to vector<16xi32>
      %add3A_1737 = arith.addi %xor3A_1731, %add3A_1736 : vector<16xi32>
      %select_n3A_1738 = arith.select %lt3A_1734, %add3A_1737, %xor3A_1731 : vector<16xi1>, vector<16xi32>
      %broadcast_in_dim3A_1739 = vector.shape_cast %select_n3A_1738 : vector<16xi32> to vector<16x1xi32>
      %gather3A_1740 = vector.shape_cast %broadcast_in_dim3A_1739 : vector<16x1xi32> to vector<16xi32>
      %gather3A_1741 = tpu.dynamic_gather %select_n3A_1483[%gather3A_1740] in [0] : vector<16xf32>, vector<16xi32> -> vector<16xf32>
      %add3A_1742 = arith.addf %select_n3A_1483, %gather3A_1741 : vector<16xf32>
      %xor3A_1743 = arith.constant 4 : i32
      %xor3A_1744 = vector.broadcast %xor3A_1743 : i32 to vector<16xi32>
      %xor3A_1745 = arith.xori %iota3A, %xor3A_1744 : vector<16xi32>
      %lt3A_1746 = arith.constant 0 : i32
      %lt3A_1747 = vector.broadcast %lt3A_1746 : i32 to vector<16xi32>
      %lt3A_1748 = arith.cmpi slt, %xor3A_1745, %lt3A_1747 : vector<16xi32>
      %add3A_1749 = arith.constant 16 : i32
      %add3A_1750 = vector.broadcast %add3A_1749 : i32 to vector<16xi32>
      %add3A_1751 = arith.addi %xor3A_1745, %add3A_1750 : vector<16xi32>
      %select_n3A_1752 = arith.select %lt3A_1748, %add3A_1751, %xor3A_1745 : vector<16xi1>, vector<16xi32>
      %broadcast_in_dim3A_1753 = vector.shape_cast %select_n3A_1752 : vector<16xi32> to vector<16x1xi32>
      %gather3A_1754 = vector.shape_cast %broadcast_in_dim3A_1753 : vector<16x1xi32> to vector<16xi32>
      %gather3A_1755 = tpu.dynamic_gather %select_n3A_1623[%gather3A_1754] in [0] : vector<16xf32>, vector<16xi32> -> vector<16xf32>
      %add3A_1756 = arith.addf %select_n3A_1623, %gather3A_1755 : vector<16xf32>
      %and3A_1757 = arith.constant 4 : i32
      %and3A_1758 = vector.broadcast %and3A_1757 : i32 to vector<16xi32>
      %and3A_1759 = arith.andi %iota3A, %and3A_1758 : vector<16xi32>
      %eq3A_1760 = arith.constant 0 : i32
      %eq3A_1761 = vector.broadcast %eq3A_1760 : i32 to vector<16xi32>
      %eq3A_1762 = arith.cmpi eq, %and3A_1759, %eq3A_1761 : vector<16xi32>
      %select_n3A_1763 = arith.select %eq3A_1762, %add3A_1742, %add3A_1756 : vector<16xi1>, vector<16xf32>
      %xor3A_1764 = arith.constant 4 : i32
      %xor3A_1765 = vector.broadcast %xor3A_1764 : i32 to vector<16xi32>
      %xor3A_1766 = arith.xori %iota3A, %xor3A_1765 : vector<16xi32>
      %lt3A_1767 = arith.constant 0 : i32
      %lt3A_1768 = vector.broadcast %lt3A_1767 : i32 to vector<16xi32>
      %lt3A_1769 = arith.cmpi slt, %xor3A_1766, %lt3A_1768 : vector<16xi32>
      %add3A_1770 = arith.constant 16 : i32
      %add3A_1771 = vector.broadcast %add3A_1770 : i32 to vector<16xi32>
      %add3A_1772 = arith.addi %xor3A_1766, %add3A_1771 : vector<16xi32>
      %select_n3A_1773 = arith.select %lt3A_1769, %add3A_1772, %xor3A_1766 : vector<16xi1>, vector<16xi32>
      %broadcast_in_dim3A_1774 = vector.shape_cast %select_n3A_1773 : vector<16xi32> to vector<16x1xi32>
      %gather3A_1775 = vector.shape_cast %broadcast_in_dim3A_1774 : vector<16x1xi32> to vector<16xi32>
      %gather3A_1776 = tpu.dynamic_gather %select_n3A_1518[%gather3A_1775] in [0] : vector<16xf32>, vector<16xi32> -> vector<16xf32>
      %add3A_1777 = arith.addf %select_n3A_1518, %gather3A_1776 : vector<16xf32>
      %xor3A_1778 = arith.constant 4 : i32
      %xor3A_1779 = vector.broadcast %xor3A_1778 : i32 to vector<16xi32>
      %xor3A_1780 = arith.xori %iota3A, %xor3A_1779 : vector<16xi32>
      %lt3A_1781 = arith.constant 0 : i32
      %lt3A_1782 = vector.broadcast %lt3A_1781 : i32 to vector<16xi32>
      %lt3A_1783 = arith.cmpi slt, %xor3A_1780, %lt3A_1782 : vector<16xi32>
      %add3A_1784 = arith.constant 16 : i32
      %add3A_1785 = vector.broadcast %add3A_1784 : i32 to vector<16xi32>
      %add3A_1786 = arith.addi %xor3A_1780, %add3A_1785 : vector<16xi32>
      %select_n3A_1787 = arith.select %lt3A_1783, %add3A_1786, %xor3A_1780 : vector<16xi1>, vector<16xi32>
      %broadcast_in_dim3A_1788 = vector.shape_cast %select_n3A_1787 : vector<16xi32> to vector<16x1xi32>
      %gather3A_1789 = vector.shape_cast %broadcast_in_dim3A_1788 : vector<16x1xi32> to vector<16xi32>
      %gather3A_1790 = tpu.dynamic_gather %select_n3A_1658[%gather3A_1789] in [0] : vector<16xf32>, vector<16xi32> -> vector<16xf32>
      %add3A_1791 = arith.addf %select_n3A_1658, %gather3A_1790 : vector<16xf32>
      %and3A_1792 = arith.constant 4 : i32
      %and3A_1793 = vector.broadcast %and3A_1792 : i32 to vector<16xi32>
      %and3A_1794 = arith.andi %iota3A, %and3A_1793 : vector<16xi32>
      %eq3A_1795 = arith.constant 0 : i32
      %eq3A_1796 = vector.broadcast %eq3A_1795 : i32 to vector<16xi32>
      %eq3A_1797 = arith.cmpi eq, %and3A_1794, %eq3A_1796 : vector<16xi32>
      %select_n3A_1798 = arith.select %eq3A_1797, %add3A_1777, %add3A_1791 : vector<16xi1>, vector<16xf32>
      %xor3A_1799 = arith.constant 2 : i32
      %xor3A_1800 = vector.broadcast %xor3A_1799 : i32 to vector<16xi32>
      %xor3A_1801 = arith.xori %iota3A, %xor3A_1800 : vector<16xi32>
      %lt3A_1802 = arith.constant 0 : i32
      %lt3A_1803 = vector.broadcast %lt3A_1802 : i32 to vector<16xi32>
      %lt3A_1804 = arith.cmpi slt, %xor3A_1801, %lt3A_1803 : vector<16xi32>
      %add3A_1805 = arith.constant 16 : i32
      %add3A_1806 = vector.broadcast %add3A_1805 : i32 to vector<16xi32>
      %add3A_1807 = arith.addi %xor3A_1801, %add3A_1806 : vector<16xi32>
      %select_n3A_1808 = arith.select %lt3A_1804, %add3A_1807, %xor3A_1801 : vector<16xi1>, vector<16xi32>
      %broadcast_in_dim3A_1809 = vector.shape_cast %select_n3A_1808 : vector<16xi32> to vector<16x1xi32>
      %gather3A_1810 = vector.shape_cast %broadcast_in_dim3A_1809 : vector<16x1xi32> to vector<16xi32>
      %gather3A_1811 = tpu.dynamic_gather %select_n3A_1693[%gather3A_1810] in [0] : vector<16xf32>, vector<16xi32> -> vector<16xf32>
      %add3A_1812 = arith.addf %select_n3A_1693, %gather3A_1811 : vector<16xf32>
      %xor3A_1813 = arith.constant 2 : i32
      %xor3A_1814 = vector.broadcast %xor3A_1813 : i32 to vector<16xi32>
      %xor3A_1815 = arith.xori %iota3A, %xor3A_1814 : vector<16xi32>
      %lt3A_1816 = arith.constant 0 : i32
      %lt3A_1817 = vector.broadcast %lt3A_1816 : i32 to vector<16xi32>
      %lt3A_1818 = arith.cmpi slt, %xor3A_1815, %lt3A_1817 : vector<16xi32>
      %add3A_1819 = arith.constant 16 : i32
      %add3A_1820 = vector.broadcast %add3A_1819 : i32 to vector<16xi32>
      %add3A_1821 = arith.addi %xor3A_1815, %add3A_1820 : vector<16xi32>
      %select_n3A_1822 = arith.select %lt3A_1818, %add3A_1821, %xor3A_1815 : vector<16xi1>, vector<16xi32>
      %broadcast_in_dim3A_1823 = vector.shape_cast %select_n3A_1822 : vector<16xi32> to vector<16x1xi32>
      %gather3A_1824 = vector.shape_cast %broadcast_in_dim3A_1823 : vector<16x1xi32> to vector<16xi32>
      %gather3A_1825 = tpu.dynamic_gather %select_n3A_1763[%gather3A_1824] in [0] : vector<16xf32>, vector<16xi32> -> vector<16xf32>
      %add3A_1826 = arith.addf %select_n3A_1763, %gather3A_1825 : vector<16xf32>
      %and3A_1827 = arith.constant 2 : i32
      %and3A_1828 = vector.broadcast %and3A_1827 : i32 to vector<16xi32>
      %and3A_1829 = arith.andi %iota3A, %and3A_1828 : vector<16xi32>
      %eq3A_1830 = arith.constant 0 : i32
      %eq3A_1831 = vector.broadcast %eq3A_1830 : i32 to vector<16xi32>
      %eq3A_1832 = arith.cmpi eq, %and3A_1829, %eq3A_1831 : vector<16xi32>
      %select_n3A_1833 = arith.select %eq3A_1832, %add3A_1812, %add3A_1826 : vector<16xi1>, vector<16xf32>
      %xor3A_1834 = arith.constant 2 : i32
      %xor3A_1835 = vector.broadcast %xor3A_1834 : i32 to vector<16xi32>
      %xor3A_1836 = arith.xori %iota3A, %xor3A_1835 : vector<16xi32>
      %lt3A_1837 = arith.constant 0 : i32
      %lt3A_1838 = vector.broadcast %lt3A_1837 : i32 to vector<16xi32>
      %lt3A_1839 = arith.cmpi slt, %xor3A_1836, %lt3A_1838 : vector<16xi32>
      %add3A_1840 = arith.constant 16 : i32
      %add3A_1841 = vector.broadcast %add3A_1840 : i32 to vector<16xi32>
      %add3A_1842 = arith.addi %xor3A_1836, %add3A_1841 : vector<16xi32>
      %select_n3A_1843 = arith.select %lt3A_1839, %add3A_1842, %xor3A_1836 : vector<16xi1>, vector<16xi32>
      %broadcast_in_dim3A_1844 = vector.shape_cast %select_n3A_1843 : vector<16xi32> to vector<16x1xi32>
      %gather3A_1845 = vector.shape_cast %broadcast_in_dim3A_1844 : vector<16x1xi32> to vector<16xi32>
      %gather3A_1846 = tpu.dynamic_gather %select_n3A_1728[%gather3A_1845] in [0] : vector<16xf32>, vector<16xi32> -> vector<16xf32>
      %add3A_1847 = arith.addf %select_n3A_1728, %gather3A_1846 : vector<16xf32>
      %xor3A_1848 = arith.constant 2 : i32
      %xor3A_1849 = vector.broadcast %xor3A_1848 : i32 to vector<16xi32>
      %xor3A_1850 = arith.xori %iota3A, %xor3A_1849 : vector<16xi32>
      %lt3A_1851 = arith.constant 0 : i32
      %lt3A_1852 = vector.broadcast %lt3A_1851 : i32 to vector<16xi32>
      %lt3A_1853 = arith.cmpi slt, %xor3A_1850, %lt3A_1852 : vector<16xi32>
      %add3A_1854 = arith.constant 16 : i32
      %add3A_1855 = vector.broadcast %add3A_1854 : i32 to vector<16xi32>
      %add3A_1856 = arith.addi %xor3A_1850, %add3A_1855 : vector<16xi32>
      %select_n3A_1857 = arith.select %lt3A_1853, %add3A_1856, %xor3A_1850 : vector<16xi1>, vector<16xi32>
      %broadcast_in_dim3A_1858 = vector.shape_cast %select_n3A_1857 : vector<16xi32> to vector<16x1xi32>
      %gather3A_1859 = vector.shape_cast %broadcast_in_dim3A_1858 : vector<16x1xi32> to vector<16xi32>
      %gather3A_1860 = tpu.dynamic_gather %select_n3A_1798[%gather3A_1859] in [0] : vector<16xf32>, vector<16xi32> -> vector<16xf32>
      %add3A_1861 = arith.addf %select_n3A_1798, %gather3A_1860 : vector<16xf32>
      %and3A_1862 = arith.constant 2 : i32
      %and3A_1863 = vector.broadcast %and3A_1862 : i32 to vector<16xi32>
      %and3A_1864 = arith.andi %iota3A, %and3A_1863 : vector<16xi32>
      %eq3A_1865 = arith.constant 0 : i32
      %eq3A_1866 = vector.broadcast %eq3A_1865 : i32 to vector<16xi32>
      %eq3A_1867 = arith.cmpi eq, %and3A_1864, %eq3A_1866 : vector<16xi32>
      %select_n3A_1868 = arith.select %eq3A_1867, %add3A_1847, %add3A_1861 : vector<16xi1>, vector<16xf32>
      %xor3A_1869 = arith.constant 1 : i32
      %xor3A_1870 = vector.broadcast %xor3A_1869 : i32 to vector<16xi32>
      %xor3A_1871 = arith.xori %iota3A, %xor3A_1870 : vector<16xi32>
      %lt3A_1872 = arith.constant 0 : i32
      %lt3A_1873 = vector.broadcast %lt3A_1872 : i32 to vector<16xi32>
      %lt3A_1874 = arith.cmpi slt, %xor3A_1871, %lt3A_1873 : vector<16xi32>
      %add3A_1875 = arith.constant 16 : i32
      %add3A_1876 = vector.broadcast %add3A_1875 : i32 to vector<16xi32>
      %add3A_1877 = arith.addi %xor3A_1871, %add3A_1876 : vector<16xi32>
      %select_n3A_1878 = arith.select %lt3A_1874, %add3A_1877, %xor3A_1871 : vector<16xi1>, vector<16xi32>
      %broadcast_in_dim3A_1879 = vector.shape_cast %select_n3A_1878 : vector<16xi32> to vector<16x1xi32>
      %gather3A_1880 = vector.shape_cast %broadcast_in_dim3A_1879 : vector<16x1xi32> to vector<16xi32>
      %gather3A_1881 = tpu.dynamic_gather %select_n3A_1833[%gather3A_1880] in [0] : vector<16xf32>, vector<16xi32> -> vector<16xf32>
      %add3A_1882 = arith.addf %select_n3A_1833, %gather3A_1881 : vector<16xf32>
      %xor3A_1883 = arith.constant 1 : i32
      %xor3A_1884 = vector.broadcast %xor3A_1883 : i32 to vector<16xi32>
      %xor3A_1885 = arith.xori %iota3A, %xor3A_1884 : vector<16xi32>
      %lt3A_1886 = arith.constant 0 : i32
      %lt3A_1887 = vector.broadcast %lt3A_1886 : i32 to vector<16xi32>
      %lt3A_1888 = arith.cmpi slt, %xor3A_1885, %lt3A_1887 : vector<16xi32>
      %add3A_1889 = arith.constant 16 : i32
      %add3A_1890 = vector.broadcast %add3A_1889 : i32 to vector<16xi32>
      %add3A_1891 = arith.addi %xor3A_1885, %add3A_1890 : vector<16xi32>
      %select_n3A_1892 = arith.select %lt3A_1888, %add3A_1891, %xor3A_1885 : vector<16xi1>, vector<16xi32>
      %broadcast_in_dim3A_1893 = vector.shape_cast %select_n3A_1892 : vector<16xi32> to vector<16x1xi32>
      %gather3A_1894 = vector.shape_cast %broadcast_in_dim3A_1893 : vector<16x1xi32> to vector<16xi32>
      %gather3A_1895 = tpu.dynamic_gather %select_n3A_1868[%gather3A_1894] in [0] : vector<16xf32>, vector<16xi32> -> vector<16xf32>
      %add3A_1896 = arith.addf %select_n3A_1868, %gather3A_1895 : vector<16xf32>
      %and3A_1897 = arith.constant 1 : i32
      %and3A_1898 = vector.broadcast %and3A_1897 : i32 to vector<16xi32>
      %and3A_1899 = arith.andi %iota3A, %and3A_1898 : vector<16xi32>
      %eq3A_1900 = arith.constant 0 : i32
      %eq3A_1901 = vector.broadcast %eq3A_1900 : i32 to vector<16xi32>
      %eq3A_1902 = arith.cmpi eq, %and3A_1899, %eq3A_1901 : vector<16xi32>
      %select_n3A_1903 = arith.select %eq3A_1902, %add3A_1882, %add3A_1896 : vector<16xi1>, vector<16xf32>
      %swap3A = arith.index_cast %mul3A_43 : i32 to index
      %swap3A_1904 = tpu.vector_load %arg12[%swap3A] {strides = array<i32>} : memref<640xf32, #tpu.memory_space<vmem>>, vector<16xf32>,
      %swap3A_1905 = vector.shape_cast %swap3A_1904 : vector<16xf32> to vector<16xf32>
      %swap3A_1906 = vector.shape_cast %select_n3A_1903 : vector<16xf32> to vector<16xf32>
      tpu.vector_store %arg12[%swap3A], %swap3A_1906 {strides = array<i32>} : memref<640xf32, #tpu.memory_space<vmem>>, vector<16xf32>,
    }
    %scan3A_38 = arith.constant 40 : i32
    %mul3A_39 = arith.constant 640 : i32
    %mul3A_40 = arith.muli %add3A, %mul3A_39 : i32
    "tpu.region"() ({
      %run_scoped3A = tpu.sem_alloc : memref<!tpu.dma_semaphore, #tpu.memory_space<semaphore_mem>>
      %dma_start3A = tpu.memref_slice %arg6[%mul3A_40] : memref<20480xf32, #tpu.memory_space<hbm>> -> memref<640xf32, #tpu.memory_space<hbm>>
      %dma_start3A_41 = tpu.memref_slice %arg6[%mul3A_40] : memref<20480xf32, #tpu.memory_space<hbm>> -> memref<640xf32, #tpu.memory_space<hbm>>
      tpu.enqueue_dma source(%arg12 : memref<640xf32, #tpu.memory_space<vmem>>) target(%dma_start3A_41 : memref<640xf32, #tpu.memory_space<hbm>>) target_semaphore(%run_scoped3A : memref<!tpu.dma_semaphore, #tpu.memory_space<semaphore_mem>>)
      %dma_wait3A_42 = tpu.memref_slice %arg6[%mul3A_40] : memref<20480xf32, #tpu.memory_space<hbm>> -> memref<640xf32, #tpu.memory_space<hbm>>
      %dma_wait3A_43 = tpu.memref_slice %arg6[%mul3A_40] : memref<20480xf32, #tpu.memory_space<hbm>> -> memref<640xf32, #tpu.memory_space<hbm>>
      tpu.wait_dma2 semaphore(%run_scoped3A : memref<!tpu.dma_semaphore, #tpu.memory_space<semaphore_mem>>) src(%arg12 : memref<640xf32, #tpu.memory_space<vmem>>) dst(%dma_wait3A_43 : memref<640xf32, #tpu.memory_space<hbm>>)
      tpu.yield
    }) : () -> ()
    return
  }
}

module attributes {stable_mosaic.version = 14 : i64} {
  func.func @body(%arg0: i32, %arg1: memref<32x20480xf32, #tpu.memory_space<vmem>>, %arg2: memref<5120x128xf32, #tpu.memory_space<vmem>>) attributes {dimension_semantics = [#tpu.dimension_semantics<arbitrary>], iteration_bounds = array<i64: 5>, scalar_prefetch = 0 : i64, scratch_operands = 0 : i64, tpu.core_type = #tpu.core_type<tc>, window_params = [{transform_indices = @transform_0, window_bounds = array<i64: 32, 20480>}, {transform_indices = @transform_1, window_bounds = array<i64: 5120, 128>}]} {
    %get3A = arith.constant 0 : index
    %get3A_0 = arith.constant 0 : index
    %get3A_1 = vector.load %arg1[%get3A, %get3A_0] : memref<32x20480xf32, #tpu.memory_space<vmem>>, vector<32x20480xf32>
    %transpose3A = tpu.transpose %get3A_1, [1, 0] : vector<32x20480xf32> -> vector<20480x32xf32>
    %slice3A = vector.extract_strided_slice %transpose3A {offsets = [0, 0], sizes = [5120, 32], strides = [1, 1]} : vector<20480x32xf32> to vector<5120x32xf32>
    %slice3A_2 = vector.extract_strided_slice %transpose3A {offsets = [5120, 0], sizes = [5120, 32], strides = [1, 1]} : vector<20480x32xf32> to vector<5120x32xf32>
    %slice3A_3 = vector.extract_strided_slice %transpose3A {offsets = [10240, 0], sizes = [5120, 32], strides = [1, 1]} : vector<20480x32xf32> to vector<5120x32xf32>
    %slice3A_4 = vector.extract_strided_slice %transpose3A {offsets = [15360, 0], sizes = [5120, 32], strides = [1, 1]} : vector<20480x32xf32> to vector<5120x32xf32>
    %concatenate3A = tpu.concatenate %slice3A, %slice3A_2, %slice3A_3, %slice3A_4 in 1 : vector<5120x32xf32>, vector<5120x32xf32>, vector<5120x32xf32>, vector<5120x32xf32> -> vector<5120x128xf32>
    %swap3A = arith.constant 0 : index
    %swap3A_5 = arith.constant 0 : index
    %swap3A_6 = vector.load %arg2[%swap3A, %swap3A_5] : memref<5120x128xf32, #tpu.memory_space<vmem>>, vector<5120x128xf32>
    tpu.vector_store %arg2[%swap3A, %swap3A_5], %concatenate3A {strides = array<i32>} : memref<5120x128xf32, #tpu.memory_space<vmem>>, vector<5120x128xf32>,
    return
  }
  func.func @transform_0(%arg0: i32) -> (i32, i32) {
    %c0_i32 = arith.constant 0 : i32
    %c0_i32_0 = arith.constant 0 : i32
    return %c0_i32, %arg0 : i32, i32
  }
  func.func @transform_1(%arg0: i32) -> (i32, i32) {
    %c0_i32 = arith.constant 0 : i32
    %c0_i32_0 = arith.constant 0 : i32
    return %arg0, %c0_i32 : i32, i32
  }
}

module attributes {stable_mosaic.version = 14 : i64} {
  func.func @body(%arg0: i32, %arg1: memref<32x20480xf32, #tpu.memory_space<vmem>>, %arg2: memref<5120x128xf32, #tpu.memory_space<vmem>>) attributes {dimension_semantics = [#tpu.dimension_semantics<arbitrary>], iteration_bounds = array<i64: 49>, scalar_prefetch = 0 : i64, scratch_operands = 0 : i64, tpu.core_type = #tpu.core_type<tc>, window_params = [{transform_indices = @transform_0, window_bounds = array<i64: 32, 20480>}, {transform_indices = @transform_1, window_bounds = array<i64: 5120, 128>}]} {
    %get3A = arith.constant 0 : index
    %get3A_0 = arith.constant 0 : index
    %get3A_1 = vector.load %arg1[%get3A, %get3A_0] : memref<32x20480xf32, #tpu.memory_space<vmem>>, vector<32x20480xf32>
    %transpose3A = tpu.transpose %get3A_1, [1, 0] : vector<32x20480xf32> -> vector<20480x32xf32>
    %slice3A = vector.extract_strided_slice %transpose3A {offsets = [0, 0], sizes = [5120, 32], strides = [1, 1]} : vector<20480x32xf32> to vector<5120x32xf32>
    %slice3A_2 = vector.extract_strided_slice %transpose3A {offsets = [5120, 0], sizes = [5120, 32], strides = [1, 1]} : vector<20480x32xf32> to vector<5120x32xf32>
    %slice3A_3 = vector.extract_strided_slice %transpose3A {offsets = [10240, 0], sizes = [5120, 32], strides = [1, 1]} : vector<20480x32xf32> to vector<5120x32xf32>
    %slice3A_4 = vector.extract_strided_slice %transpose3A {offsets = [15360, 0], sizes = [5120, 32], strides = [1, 1]} : vector<20480x32xf32> to vector<5120x32xf32>
    %concatenate3A = tpu.concatenate %slice3A, %slice3A_2, %slice3A_3, %slice3A_4 in 1 : vector<5120x32xf32>, vector<5120x32xf32>, vector<5120x32xf32>, vector<5120x32xf32> -> vector<5120x128xf32>
    %swap3A = arith.constant 0 : index
    %swap3A_5 = arith.constant 0 : index
    %swap3A_6 = vector.load %arg2[%swap3A, %swap3A_5] : memref<5120x128xf32, #tpu.memory_space<vmem>>, vector<5120x128xf32>
    tpu.vector_store %arg2[%swap3A, %swap3A_5], %concatenate3A {strides = array<i32>} : memref<5120x128xf32, #tpu.memory_space<vmem>>, vector<5120x128xf32>,
    return
  }
  func.func @transform_0(%arg0: i32) -> (i32, i32) {
    %c0_i32 = arith.constant 0 : i32
    %c0_i32_0 = arith.constant 0 : i32
    return %c0_i32, %arg0 : i32, i32
  }
  func.func @transform_1(%arg0: i32) -> (i32, i32) {
    %c0_i32 = arith.constant 0 : i32
    %c0_i32_0 = arith.constant 0 : i32
    return %arg0, %c0_i32 : i32, i32
  }
}

module attributes {stable_mosaic.version = 14 : i64} {
  func.func @body(%arg0: memref<4096x32xf32, #tpu.memory_space<vmem>>, %arg1: memref<4096x32xf32, #tpu.memory_space<vmem>>, %arg2: memref<160x128xf32, #tpu.memory_space<vmem>>, %arg3: memref<1x1xf32, #tpu.memory_space<vmem>>) attributes {dimension_semantics = [], scalar_prefetch = 0 : i64, scratch_operands = 0 : i64, tpu.core_type = #tpu.core_type<tc>} {
    %get3A = arith.constant 0 : index
    %get3A_0 = arith.constant 0 : index
    %get3A_1 = vector.load %arg0[%get3A, %get3A_0] : memref<4096x32xf32, #tpu.memory_space<vmem>>, vector<4096x32xf32>
    %get3A_2 = arith.constant 0 : index
    %get3A_3 = arith.constant 0 : index
    %get3A_4 = vector.load %arg1[%get3A_2, %get3A_3] : memref<4096x32xf32, #tpu.memory_space<vmem>>, vector<4096x32xf32>
    %mul3A = arith.mulf %get3A_1, %get3A_4 : vector<4096x32xf32>
    %reduce_sum3A = arith.constant dense<0.000000e+00> : vector<4096xf32>
    %reduce_sum3A_5 = vector.multi_reduction <add>, %mul3A, %reduce_sum3A [1] : vector<4096x32xf32> to vector<4096xf32>
    %neg3A = arith.constant 0.000000e+00 : f32
    %neg3A_6 = vector.broadcast %neg3A : f32 to vector<4096xf32>
    %neg3A_7 = arith.subf %neg3A_6, %reduce_sum3A_5 : vector<4096xf32>
    %exp3A = math.exp %neg3A_7 : vector<4096xf32>
    %add3A = arith.constant 1.000000e+00 : f32
    %add3A_8 = vector.broadcast %add3A : f32 to vector<4096xf32>
    %add3A_9 = arith.addf %add3A_8, %exp3A : vector<4096xf32>
    %div3A = arith.constant 1.000000e+00 : f32
    %div3A_10 = vector.broadcast %div3A : f32 to vector<4096xf32>
    %div3A_11 = arith.divf %div3A_10, %add3A_9 : vector<4096xf32>
    %add3A_12 = arith.constant 9.99999993E-9 : f32
    %add3A_13 = vector.broadcast %add3A_12 : f32 to vector<4096xf32>
    %add3A_14 = arith.addf %div3A_11, %add3A_13 : vector<4096xf32>
    %log3A = math.log %add3A_14 : vector<4096xf32>
    %neg3A_15 = arith.constant 0.000000e+00 : f32
    %neg3A_16 = vector.broadcast %neg3A_15 : f32 to vector<4096xf32>
    %neg3A_17 = arith.subf %neg3A_16, %log3A : vector<4096xf32>
    %get3A_18 = arith.constant 0 : index
    %get3A_19 = arith.constant 0 : index
    %get3A_20 = vector.load %arg2[%get3A_18, %get3A_19] : memref<160x128xf32, #tpu.memory_space<vmem>>, vector<160x128xf32>
    %exp3A_21 = math.exp %get3A_20 : vector<160x128xf32>
    %add3A_22 = arith.constant 1.000000e+00 : f32
    %add3A_23 = vector.broadcast %add3A_22 : f32 to vector<160x128xf32>
    %add3A_24 = arith.addf %add3A_23, %exp3A_21 : vector<160x128xf32>
    %div3A_25 = arith.constant 1.000000e+00 : f32
    %div3A_26 = vector.broadcast %div3A_25 : f32 to vector<160x128xf32>
    %div3A_27 = arith.divf %div3A_26, %add3A_24 : vector<160x128xf32>
    %add3A_28 = arith.constant 9.99999993E-9 : f32
    %add3A_29 = vector.broadcast %add3A_28 : f32 to vector<160x128xf32>
    %add3A_30 = arith.addf %div3A_27, %add3A_29 : vector<160x128xf32>
    %log3A_31 = math.log %add3A_30 : vector<160x128xf32>
    %reduce_sum3A_32 = vector.shape_cast %neg3A_17 : vector<4096xf32> to vector<1x4096xf32>
    %reduce_sum3A_33 = arith.constant dense<0.000000e+00> : vector<1xf32>
    %reduce_sum3A_34 = vector.multi_reduction <add>, %reduce_sum3A_32, %reduce_sum3A_33 [1] : vector<1x4096xf32> to vector<1xf32>
    %reduce_sum3A_35 = vector.shape_cast %reduce_sum3A_34 : vector<1xf32> to vector<1x1xf32>
    %reduce_sum3A_36 = vector.extract %reduce_sum3A_35[0, 0] : f32 from vector<1x1xf32>
    %div3A_37 = arith.constant 4.096000e+03 : f32
    %div3A_38 = arith.divf %reduce_sum3A_36, %div3A_37 : f32
    %reduce_sum3A_39 = vector.shape_cast %log3A_31 : vector<160x128xf32> to vector<1x160x128xf32>
    %reduce_sum3A_40 = arith.constant dense<0.000000e+00> : vector<1xf32>
    %reduce_sum3A_41 = vector.multi_reduction <add>, %reduce_sum3A_39, %reduce_sum3A_40 [1, 2] : vector<1x160x128xf32> to vector<1xf32>
    %reduce_sum3A_42 = vector.shape_cast %reduce_sum3A_41 : vector<1xf32> to vector<1x1x1xf32>
    %reduce_sum3A_43 = vector.extract %reduce_sum3A_42[0, 0, 0] : f32 from vector<1x1x1xf32>
    %div3A_44 = arith.constant 2.048000e+04 : f32
    %div3A_45 = arith.divf %reduce_sum3A_43, %div3A_44 : f32
    %add3A_46 = arith.addf %div3A_38, %div3A_45 : f32
    %reshape3A = vector.broadcast %add3A_46 : f32 to vector<1x1xf32>
    %swap3A = arith.constant 0 : index
    %swap3A_47 = arith.constant 0 : index
    %swap3A_48 = vector.load %arg3[%swap3A, %swap3A_47] : memref<1x1xf32, #tpu.memory_space<vmem>>, vector<1x1xf32>
    tpu.vector_store %arg3[%swap3A, %swap3A_47], %reshape3A {strides = array<i32>} : memref<1x1xf32, #tpu.memory_space<vmem>>, vector<1x1xf32>,
    return
  }
}

</mosaic_0001>

<sc_bundles>
// kernel: kernel.6.cloned.1.call-start
scs
__scs_entry_jumppad:
0x0: {  	(pc) =	sbr.rel $0x88, $3  }
0x1: {  	(tag) =	ssettag $0x0;
	lr =	simm.s32 $0x1  }
0x2: {  	[smem:$0x3F9B] =	sst lr;
	_ =	strace $0xD0000000  }
0x3: {  	_ = 	snop  }
0x4: {  	_ = 	snop  }
0x5: {  	_ = 	snop  }
0x6: {  	_ = 	snop  }
0x7: {  	_ = 	snop  }
__scs_overlays_trampoline_lowered:
0x8: {  	[smem:$0x3FAA] =	sst s0  }
0x9: {  	[smem:$0x3FAB] =	sst s1  }
0xa: {  	[smem:$0x3FAC] =	sst s2  }
0xb: {  	[smem:$0x3FAD] =	sst s3  }
0xc: {  	[smem:$0x3FAE] =	sst s4  }
0xd: {  	[smem:$0x3FAF] =	sst s5  }
0xe: {  	[smem:$0x3FB0] =	sst s6  }
0xf: {  	[smem:$0x3FB1] =	sst s7  }
0x10: {  	[smem:$0x3FB2] =	sst s8  }
0x11: {  	[smem:$0x3FB3] =	sst s9;
	s0 =	simm.s32 @!p0 $0x0  }
0x12: {  	s1 =	sld [smem:$0x3F99];
	s0 =	simm.s32 @p0 $0x1  }
0x13: {  	[smem:$0x3FB4] =	sst s0;
	s0 =	simm.s32 @!p1 $0x0  }
0x14: {  	s2 =	sld [smem:$0x3F98];
	s0 =	simm.s32 @p1 $0x1  }
0x15: {  	[smem:$0x3FB5] =	sst s0;
	s0 =	simm.s32 @!p2 $0x0  }
0x16: {  	s3 =	sld [smem:$0x3FDB];
	s0 =	simm.s32 @p2 $0x1  }
0x17: {  	s4 =	simm.s32 $0x1BF5;
	[smem:$0x3FB7] =	sst s0  }
0x18: {  	s0 =	sld [smem:$0x3F9A];
	_ =	swait.ge [sflag:s4], $0x0  }
0x19: {  	s7 =	sld [smem:$0x3F9B]  }
0x1a: {  	s8 =	sadd.s32 $0xFFFFE003, lr  }
0x1b: {  	s9 =	sadd.s32 $0xFFFFFEF7, lr;
	s5 =	simm.s32 $0xFFFFFFFF;
	p2 =	slt.u32 s8, $0xFFFFF086  }
0x1c: {  	p1 =	slt.u32 s9, $0xF7A;
	s5 =	simm.s32 @!p2 $0x0  }
0x1d: {  	s5 =	simm.s32 @p1 $0x1;
	p0 =	seq.s32 s7, s2  }
0x1e: {  	s7 =	smul.u32 @!p0 $0xF7A, s2;
	p2 =	seq.s32 @!p0 s5, $0x0  }
0x1f: {  	s9 =	smul.u32 $0xF7A, s1;
	s8 =	simm.s32 @!p0 $0x1BF5;
	p2 =	por !p2, p0  }
0x20: {  	[sflag:s8] =	ssyncset.s32 @!p0 $0xFFFFF086;
	s6 =	sadd.s32 @!p0 s3, s7;
	s7 =	simm.s32 @!p0 $0x108  }
0x21: {  	s3 =	sadd.s32 s3, s9;
	s6 =	sadd.s32 @!p0 $0x88, s6;
	s7 =	simm.s32 @p2 $0x1082  }
0x22: {  	[simem:s7], [sflag:s8] =	dma.local @!p0 [hbm:s6], $0xF7A  }
0x23: {  	s9 =	sor.u32 $0xD0000000, s2;
	s6 =	simm.s32 $0x108;
	_ =	swait.ge @!p0 [sflag:s8], $0x0  }
0x24: {  	s3 =	sadd.s32 $0x88, s3;
	s6 =	simm.s32 @!p1 $0x1082;
	[sflag:s4] =	ssyncset.s32 $0xFFFFF086  }
0x25: {  	[simem:s6], [sflag:s4] =	dma.local [hbm:s3], $0xF7A  }
0x26: {  	[smem:$0x3F9B] =	sst s1;
	(tag) =	ssettag s2;
	_ =	strace s9  }
0x27: {  	s1 =	sld [smem:$0x3FAB]  }
0x28: {  	s2 =	sld [smem:$0x3FAC]  }
0x29: {  	s4 =	sld [smem:$0x3FAE]  }
0x2a: {  	p0 =	seq.s32 s5, $0x0;
	s5 =	sld [smem:$0x3FAF]  }
0x2b: {  	s6 =	sld [smem:$0x3FB0]  }
0x2c: {  	s7 =	sld [smem:$0x3FB1]  }
0x2d: {  	s3 =	simm.s32 $0x108;
	s8 =	sld [smem:$0x3FB2]  }
0x2e: {  	s3 =	simm.s32 @!p0 $0x1082;
	s9 =	sld [smem:$0x3FB3]  }
0x2f: {  	lr =	sadd.s32 s0, s3;
	s0 =	sld [smem:$0x3FAA]  }
0x30: {  	s3 =	sld [smem:$0x3FAD]  }
0x31: {  	[smem:$0x3FB6] =	sst s10  }
0x32: {  	s10 =	sld [smem:$0x3FB4];
	_ =	sdelay $0x3  }
0x33: {  	p0 =	seq.s32 s10, $0x1;
	s10 =	sld [smem:$0x3FB6];
	_ =	sdelay $0x3  }
0x34: {  	[smem:$0x3FB6] =	sst s10  }
0x35: {  	s10 =	sld [smem:$0x3FB5];
	_ =	sdelay $0x3  }
0x36: {  	p1 =	seq.s32 s10, $0x1;
	s10 =	sld [smem:$0x3FB6];
	_ =	sdelay $0x3  }
0x37: {  	[smem:$0x3FB6] =	sst s10  }
0x38: {  	s10 =	sld [smem:$0x3FB7]  }
0x39: {  	_ = 	snop;
	(pc) =	sbr.ind lr, $3  }
0x3a: {  	_ = 	snop  }
0x3b: {  	_ = 	snop  }
0x3c: {  	p2 =	seq.s32 s10, $0x1;
	s10 =	sld [smem:$0x3FB6]  }
0x3d: {  	_ =	shalt  }
0x3e: {  	_ =	shalt  }
0x3f: {  	_ =	shalt  }
0x40: {  	_ =	shalt  }
0x41: {  	_ =	shalt  }
0x42: {  	_ =	shalt  }
0x43: {  	_ =	shalt  }
0x44: {  	_ =	shalt  }
0x45: {  	_ =	shalt  }
0x46: {  	_ =	shalt  }
0x47: {  	_ =	shalt  }
0x48: {  	_ =	shalt  }
0x49: {  	_ =	shalt  }
0x4a: {  	_ =	shalt  }
0x4b: {  	_ =	shalt  }
0x4c: {  	_ =	shalt  }
0x4d: {  	_ =	shalt  }
0x4e: {  	_ =	shalt  }
0x4f: {  	_ =	shalt  }
0x50: {  	_ =	shalt  }
0x51: {  	_ =	shalt  }
0x52: {  	_ =	shalt  }
0x53: {  	_ =	shalt  }
0x54: {  	_ =	shalt  }
0x55: {  	_ =	shalt  }
0x56: {  	_ =	shalt  }
0x57: {  	_ =	shalt  }
0x58: {  	_ =	shalt  }
0x59: {  	_ =	shalt  }
0x5a: {  	_ =	shalt  }
0x5b: {  	_ =	shalt  }
0x5c: {  	_ =	shalt  }
0x5d: {  	_ =	shalt  }
0x5e: {  	_ =	shalt  }
0x5f: {  	_ =	shalt  }
0x60: {  	_ =	shalt  }
0x61: {  	_ =	shalt  }
0x62: {  	_ =	shalt  }
0x63: {  	_ =	shalt  }
0x64: {  	_ =	shalt  }
0x65: {  	_ =	shalt  }
0x66: {  	_ =	shalt  }
0x67: {  	_ =	shalt  }
0x68: {  	_ =	shalt  }
0x69: {  	_ =	shalt  }
0x6a: {  	_ =	shalt  }
0x6b: {  	_ =	shalt  }
0x6c: {  	_ =	shalt  }
0x6d: {  	_ =	shalt  }
0x6e: {  	_ =	shalt  }
0x6f: {  	_ =	shalt  }
0x70: {  	_ =	shalt  }
0x71: {  	_ =	shalt  }
0x72: {  	_ =	shalt  }
0x73: {  	_ =	shalt  }
0x74: {  	_ =	shalt  }
0x75: {  	_ =	shalt  }
0x76: {  	_ =	shalt  }
0x77: {  	_ =	shalt  }
0x78: {  	_ =	shalt  }
0x79: {  	_ =	shalt  }
0x7a: {  	_ =	shalt  }
0x7b: {  	_ =	shalt  }
0x7c: {  	_ =	shalt  }
0x7d: {  	_ =	shalt  }
0x7e: {  	_ =	shalt  }
0x7f: {  	_ =	shalt  }
0x80: {  	_ =	shalt  }
0x81: {  	_ =	shalt  }
0x82: {  	_ =	shalt  }
0x83: {  	_ =	shalt  }
0x84: {  	_ =	shalt  }
0x85: {  	_ =	shalt  }
0x86: {  	_ =	shalt  }
0x87: {  	_ =	shalt  }
.Lfunc_end0:
.L_simem_size_0:
called_computation_lowered:
.L_overlay_start_0:
0x88: {  	s2 =	sld [smem:$0x3FD9]  }
0x89: {  	s3 =	sld [smem:$0x3FFE];
	_ =	sdelay $0x1  }
0x8a: {  	s1 =	srdreg.scid  }
0x8b: {  	s0 =	sand.u32 $0x1, s1  }
0x8c: {  	s17 =	sshll.u32 s0, $0xA;
	s2 =	sadd.s32 s3, s2  }
0x8d: {  	s2 =	sadd.s32 s2, s17  }
0x8e: {  	[smem:$0x3FC2] =	sst s2  }
0x8f: {  	_ = 	snop  }
0x90: {  	s2 =	sld [smem:$0x3FC7];
	(tm) =	ssettm $0x1  }
0x91: {  	s18 =	sld [smem:$0x3FFB];
	_ =	sdelay $0x3  }
0x92: {  	_ =	strace s18  }
0x93: {  	s3 =	sld [smem:$0x3FFC];
	_ =	sdelay $0x3  }
0x94: {  	_ =	strace s3  }
0x95: {  	s3 =	sld [smem:$0x3FFD];
	_ =	sdelay $0x3  }
0x96: {  	_ =	strace s3  }
0x97: {  	_ =	strace $0x8FFFFFFF  }
0x98: {  	s19 =	sld [smem:$0x3FDB];
	_ =	sdelay $0x1  }
0x99: {  	s4 =	simm.s32 $_scs_section_size  }
0x9a: {  	s5 =	simm.s32 $_size__tile_overlayer_lowered;
	s6 =	simm.s32 $_tile_overlayer_lowered  }
0x9b: {  	s22 =	simm.s32 $0x1BFF;
	s21 =	sshll.u32 s6, $0x1;
	s3 =	sadd.s32 s4, s19  }
0x9c: {  	s7 =	simm.s32 $0x0;
	s20 =	sshll.u32 s5, $0x1;
	s5 =	sadd.s32 s21, s3  }
0x9d: {  	[timem:s7], [sflag:s22] =	dma.local [hbm:s5], s20  }
0x9e: {  	_ =	swait.ge [sflag:s22], s20  }
0x9f: {  	s4 =	ssub.s32 $0x0, s20;
	[sflag:s22] =	ssyncset.done $0x0  }
0xa0: {  	[sflag:s22] =	ssyncadd.s32 s4;
	_ =	sdelay $0x1  }
0xa1: {  	s23 =	simm.s32 $0x1B8B  }
0xa2: {  	_ =	swait.ge [sflag:s23], $0x1  }
0xa3: {  	[sflag:s23] =	ssyncset.done $0x0  }
0xa4: {  	s25 =	simm.s32 $0x1B8E;
	s24 =	sld [smem:$0x3FFE];
	[sflag:s23] =	ssyncadd.s32 $0xFFFFFFFF  }
0xa5: {  	s26 =	simm.s32 $execute0_lowered;
	[smem:$0x3FD2] =	sst s25  }
0xa6: {  	s5 =	sshll.u32 s26, $0x1;
	_ =	strace $0x80000046;
	[dreg:$0x1] =	wrdreg $0xFFFFFFFF  }
0xa7: {  	s28 =	simm.s32 $_size_execute0_lowered;
	s3 =	sadd.s32 s3, s5;
	[dreg:$0x0] =	wrdreg $0x0  }
0xa8: {  	s5 =	sshll.u32 s28, $0x1;
	[dreg:$0x2] =	wrdreg s3  }
0xa9: {  	[dreg:$0x3] =	wrdreg s5  }
0xaa: {  	[dreg:$0x4] =	wrdreg $0xC0  }
0xab: {  	_ =	task [dreg:s7], $0x5FFFF  }
0xac: {  	[dreg:$0x1] =	wrdreg $0xFFFFFFFF  }
0xad: {  	[dreg:$0x0] =	wrdreg $0x60  }
0xae: {  	[dreg:$0x2] =	wrdreg s2  }
0xaf: {  	[dreg:$0x3] =	wrdreg s24  }
0xb0: {  	[dreg:$0x4] =	wrdreg $0x9  }
0xb1: {  	_ =	task.clear_ibuf [dreg:s7], $0x5FFFF;
	_ =	strace $0x90000046  }
0xb2: {  	s29 =	simm.s32 $0x9;
	_ =	strace $0x80000048  }
0xb3: {  	_ =	swait.ge [sflag:s29], $0x1  }
0xb4: {  	[sflag:s29] =	ssyncadd.s32 $0xFFFFFFFF  }
0xb5: {  	_ =	strace $0x90000048  }
0xb6: {  	_ =	sfence  }
0xb7: {  	s30 =	sld [smem:$0x0];
	_ =	sdelay $0x2  }
0xb8: {  	s31 =	sshll.u32 s1, $0xD;
	s1 =	sshrl.u32 s1, $0x2  }
0xb9: {  	s3 =	sand.u32 $0x4000, s31;
	s1 =	sadd.s32 s1, s30  }
0xba: {  	s0 =	sor.u32 s3, s0;
	s1 =	sshll.u32 s1, $0x11  }
0xbb: {  	s0 =	sor.u32 s1, s0  }
0xbc: {  	s0 =	sadd.s32 $0x8F2B, s0  }
0xbd: {  	[sflag:s0] =	ssyncadd.remote.s32 $0x1  }
0xbe: {  	_ =	sfence.sel $0xFFFF  }
0xbf: {  	[dreg:$0x0] =	wrdreg $0xFFFFFFFF;
	(pc) =	sbr.abs _section_cstart, $3  }
0xc0: {  	[dreg:$0x1] =	wrdreg $0xFFFFFFFF  }
0xc1: {  	_ =	task.clear_ibuf [dreg:s7], $0x2FFFF;
	_ =	strace $0x9FFFFFFF  }
0xc2: {  	(tm) =	ssettm $0x7FFFFFFF  }
0xc3: {  	_ =	shalt  }
tec
execute0_lowered:
.L_overlay_start_1:
0x0: {  	(tag) =	ssettag $0x1  }
0x1: {  	v0 =	vimm.s32 $0x76543210;
	v1 =	vimm.s32 $0xFEDCBA98;
	v2 =	vimm.s32 $0xBA98FEDC  }
0x2: {  	v3 =	vimm.s32 $0x32107654;
	v4 =	vimm.s32 $0xDCFE98BA;
	v5 =	vimm.s32 $0x54761032  }
0x3: {  	vm0 =	vcmask $0x2F20;
	vm1 =	vcmask $0xF00;
	vm2 =	vcmask $0x1710  }
0x4: {  	vm3 =	vcmask $0x700;
	vm4 =	vcmask $0x300;
	v1 =	vunpack.c.l.s4.s8 v1  }
0x5: {  	v0 =	vunpack.c.l.s4.s8 v0;
	v2 =	vunpack.c.l.s4.s8 v2;
	v3 =	vunpack.c.l.s4.s8 v3  }
0x6: {  	v4 =	vunpack.c.l.s4.s8 v4;
	vm0 =	vmor vm1, vm0;
	v1 =	vunpack.c.0.s8.s32 v1  }
0x7: {  	v0 =	vunpack.c.0.s8.s32 v0;
	v2 =	vunpack.c.0.s8.s32 v2;
	v3 =	vunpack.c.0.s8.s32 v3  }
0x8: {  	vm1 =	vmor vm3, vm2;
	vm3 =	vcmask $0xB08;
	v1 =	vand.u32 $0xF, v1  }
0x9: {  	v0 =	vcombine.low v1, v0;
	v1 =	vcombine.low v3, v2;
	v2 =	vunpack.c.l.s4.s8 v5  }
0xa: {  	s1 =	rddreg [dreg:$0x1];
	s3 =	srdreg.scid;
	vm2 =	vcmask $0x2720;
	vm3 =	vmor vm4, vm3  }
0xb: {  	s2 =	stileid.u32;
	s9 =	simm.s32 $0x0;
	s3 =	sand.u32 $0x1, s3;
	vm4 =	vcmask $0x1310;
	v3 =	vunpack.c.0.s8.s32 v4;
	v2 =	vunpack.c.0.s8.s32 v2  }
0xc: {  	s4 =	sshll.u32 s2, $0x1;
	[smem:$0x7FF] =	sst s9;
	s2 =	sadd.s32 $0x3D4E00, s1;
	vm1 =	vmor vm1, vm2;
	vm2 =	vcmask $0x3730;
	vm3 =	vmor vm3, vm4  }
0xd: {  	s0 =	rddreg [dreg:$0x0];
	s5 =	sor.u32 s3, s4;
	_ =	strace $0x80000047;
	v4 =	vimm.s32 $0x67452301;
	v2 =	vcombine.low v2, v3;
	v3 =	vimm.s32 $0xEFCDAB89  }
0xe: {  	s7 =	ssub.s32 $0x2, s3;
	s3 =	sadd.s32 $0xE00, s1;
	[dreg:$0x3] =	wrdreg s2;
	vm4 =	vcmask $0x1B18;
	v4 =	vunpack.c.l.s4.s8 v4;
	v3 =	vunpack.c.l.s4.s8 v3  }
0xf: {  	s6 =	smul.u32 $0x50, s5;
	vm1 =	vmor vm1, vm2;
	s8 =	sshrl.u32 s7, $0x1;
	s5 =	sshll.u32 s5, $0x4;
	vm2 =	vmor vm3, vm4  }
0x10: {  	[dreg:$0x4] =	wrdreg s3;
	vm3 =	vcmask $0x2320;
	s28 =	ssub.s32 s7, s8;
	s0 =	sadd.s32 s0, s5;
	v4 =	vunpack.c.0.s8.s32 v4;
	v3 =	vunpack.c.0.s8.s32 v3  }
0x11: {  	vm4 =	vcmask $0x2B28;
	s1 =	sadd.s32 s6, s1;
	vm3 =	vmor vm2, vm3;
	[dreg:$0x5] =	wrdreg s0;
	vm2 =	vmmov $0xff;
	s31 =	smax.u32 s28, $0x1  }
0x12: {  	s29 =	sadd.s32 $0x438E00, s1;
	vm3 =	vmor vm3, vm4;
	vm4 =	vcmask $0x3330;
	[dreg:$0x8] =	wrdreg s31;
	v3 =	vcombine.low v4, v3  }
0x13: {  	s30 =	sadd.s32 $0x439800, s1;
	[dreg:$0x6] =	wrdreg s29;
	vm3 =	vmor vm3, vm4;
	vm4 =	vcmask $0x3B38;
	v1 =	vand.u32 $0xF, v1  }
0x14: {  	s4 =	simm.s32 $0x0;
	s1 =	simm.s32 $0x2;
	[dreg:$0x7] =	wrdreg s30;
	vm3 =	vmor vm3, vm4;
	v2 =	vand.u32 $0xF, v2;
	v3 =	vand.u32 $0xF, v3  }
.LBB2_1:
0x15: {  	[dreg:$0x9] =	wrdreg s4  }
0x16: {  	s0 =	rddreg [dreg:$0x5]  }
0x17: {  	[tilespmem:s9], [sflag:$0x2] =	stream.linear.gather [hbm4b:s0+s9], $0x80, $0x38;
	[tilespmem:$0x1C580] =	vst v63  }
0x18: {  	_ =	swait.ge [sflag:s1], $0x80  }
0x19: {  	[sflag:s1] =	ssyncset.done $0x0  }
0x1a: {  	s31 =	simm.s32 $0x80;
	s30 =	rddreg [dreg:$0x6];
	[sflag:s1] =	ssyncadd.s32 $0xFFFFFF80  }
0x1b: {  	[tilespmem:s31], [sflag:$0x2] =	stream.linear.gather [hbm4b:s30+s9], $0x280, $0x38;
	[tilespmem:$0x1C580] =	vst v63  }
0x1c: {  	_ =	swait.ge [sflag:s1], $0x280  }
0x1d: {  	[sflag:s1] =	ssyncset.done $0x0  }
0x1e: {  	s15 =	simm.s32 $0x0;
	s16 =	simm.s32 $0x0;
	[sflag:s1] =	ssyncadd.s32 $0xFFFFFD80  }
.LBB2_2:
0x1f: {  	v4 =	vld [tilespmem:s15+$0x0];
	_ =	sdelay $0x4  }
0x20: {  	(v2sf) =	vpush v4, $0x0;
	_ =	sdelay $0x5  }
0x21: {  	(v2sf) =	vpush v4, $0x1;
	_ =	sdelay $0x8  }
0x22: {  	s0 =	spop (v2sf);
	(v2sf) =	vpush v4, $0x2  }
0x23: {  	s1 =	sshrl.u32 s0, $0xC  }
0x24: {  	s1 =	smul.u32 $0x199A, s1;
	_ =	sdelay $0x1  }
0x25: {  	s1 =	sshrl.u32 s1, $0xF  }
0x26: {  	s5 =	smul.u32 $0xFFFFB000, s1  }
0x27: {  	s7 =	spop (v2sf);
	(v2sf) =	vpush v4, $0x3  }
0x28: {  	s8 =	sshrl.u32 s7, $0xC;
	s5 =	sadd.s32 s0, s5  }
0x29: {  	s8 =	smul.u32 $0x199A, s8;
	s6 =	sshrl.u32 s5, $0xA  }
0x2a: {  	s6 =	smul.u32 $0x199A, s6  }
0x2b: {  	s1 =	smul.u32 $0x1400, s1;
	s28 =	sshrl.u32 s8, $0xF  }
0x2c: {  	s29 =	smul.u32 $0xFFFFB000, s28;
	s6 =	sshrl.u32 s6, $0xF  }
0x2d: {  	s17 =	sshra.s32 s16, $0x2;
	s6 =	smul.u32 $0x1FFEC00, s6  }
0x2e: {  	s14 =	simm.s32 $0x0;
	s1 =	sadd.s32 s1, s5;
	s30 =	sadd.s32 s7, s29  }
0x2f: {  	s0 =	sshll.u32 s0, $0x7;
	s4 =	sshrl.u32 s30, $0xA;
	s1 =	sadd.s32 s6, s1  }
0x30: {  	s8 =	smul.u32 $0x199A, s4;
	s1 =	sshll.u32 s1, $0x7;
	s11 =	spop (v2sf)  }
0x31: {  	s0 =	sand.u32 $0x380, s0;
	s1 =	sand.u32 $0xFFFFFC00, s1;
	s12 =	sshrl.u32 s11, $0xC  }
0x32: {  	s10 =	sshrl.u32 s8, $0xF;
	(v2sf) =	vpush v4, $0x4;
	s0 =	sor.u32 s0, s1;
	s8 =	smul.u32 $0x199A, s12  }
0x33: {  	s31 =	sadd.s32 $0x300, s17;
	s5 =	smul.u32 $0x1FFEC00, s10;
	s0 =	sshrl.u32 s0, $0x3  }
0x34: {  	s6 =	smul.u32 $0x1400, s28;
	s0 =	sadd.s32 s2, s0;
	s13 =	sshrl.u32 s8, $0xF  }
0x35: {  	[tilespmem:s31], [sflag:$0x1] =	stream.linear.gather [hbm4b:s0+s14], $0x80, $0x38;
	[tilespmem:$0x1C580] =	vst v63  }
0x36: {  	s24 =	spop (v2sf);
	s0 =	sadd.s32 s6, s30;
	s19 =	smul.u32 $0xFFFFB000, s13  }
0x37: {  	s18 =	sshll.u32 s7, $0x7;
	s25 =	sshrl.u32 s24, $0xC;
	s0 =	sadd.s32 s5, s0  }
0x38: {  	s8 =	smul.u32 $0x199A, s25;
	s0 =	sshll.u32 s0, $0x7;
	s20 =	sadd.s32 s11, s19  }
0x39: {  	(v2sf) =	vpush v4, $0x5;
	s5 =	sand.u32 $0x380, s18;
	s0 =	sand.u32 $0xFFFFFC00, s0;
	s7 =	sshrl.u32 s20, $0xA  }
0x3a: {  	s21 =	sadd.s32 $0x380, s17;
	s0 =	sor.u32 s5, s0;
	s7 =	smul.u32 $0x199A, s7  }
0x3b: {  	s22 =	smul.u32 $0x1400, s13;
	s26 =	sshrl.u32 s8, $0xF;
	s0 =	sshrl.u32 s0, $0x3  }
0x3c: {  	s29 =	smul.u32 $0xFFFFB000, s26;
	s0 =	sadd.s32 s2, s0;
	s23 =	sshrl.u32 s7, $0xF  }
0x3d: {  	[tilespmem:s21], [sflag:$0x1] =	stream.linear.gather [hbm4b:s0+s14], $0x80, $0x38;
	[tilespmem:$0x1C580] =	vst v63  }
0x3e: {  	s1 =	smul.u32 $0x1FFEC00, s23  }
0x3f: {  	s28 =	sshll.u32 s11, $0x7;
	s0 =	sadd.s32 s22, s20  }
0x40: {  	s5 =	sand.u32 $0x380, s28;
	s30 =	sadd.s32 s24, s29;
	s0 =	sadd.s32 s1, s0  }
0x41: {  	s6 =	sshrl.u32 s30, $0xA;
	s0 =	sshll.u32 s0, $0x7;
	s11 =	spop (v2sf)  }
0x42: {  	s6 =	smul.u32 $0x199A, s6;
	s0 =	sand.u32 $0xFFFFFC00, s0;
	s12 =	sshrl.u32 s11, $0xC  }
0x43: {  	s31 =	sadd.s32 $0x400, s17;
	(v2sf) =	vpush v4, $0x6;
	s0 =	sor.u32 s5, s0;
	s8 =	smul.u32 $0x199A, s12  }
0x44: {  	s4 =	smul.u32 $0x1400, s26;
	s10 =	sshrl.u32 s6, $0xF;
	s0 =	sshrl.u32 s0, $0x3  }
0x45: {  	s1 =	smul.u32 $0x1FFEC00, s10;
	s0 =	sadd.s32 s2, s0;
	s13 =	sshrl.u32 s8, $0xF  }
0x46: {  	[tilespmem:s31], [sflag:$0x1] =	stream.linear.gather [hbm4b:s0+s14], $0x80, $0x38;
	[tilespmem:$0x1C580] =	vst v63  }
0x47: {  	s18 =	sshll.u32 s24, $0x7;
	s0 =	sadd.s32 s4, s30;
	s19 =	smul.u32 $0xFFFFB000, s13  }
0x48: {  	s24 =	spop (v2sf);
	s5 =	sand.u32 $0x380, s18;
	s0 =	sadd.s32 s1, s0  }
0x49: {  	(v2sf) =	vpush v4, $0x7;
	s25 =	sshrl.u32 s24, $0xC;
	s0 =	sshll.u32 s0, $0x7;
	s20 =	sadd.s32 s11, s19  }
0x4a: {  	s8 =	smul.u32 $0x199A, s25;
	s0 =	sand.u32 $0xFFFFFC00, s0;
	s7 =	sshrl.u32 s20, $0xA  }
0x4b: {  	s21 =	sadd.s32 $0x480, s17;
	s0 =	sor.u32 s5, s0;
	s7 =	smul.u32 $0x199A, s7  }
0x4c: {  	s22 =	smul.u32 $0x1400, s13;
	s26 =	sshrl.u32 s8, $0xF;
	s0 =	sshrl.u32 s0, $0x3  }
0x4d: {  	s29 =	smul.u32 $0xFFFFB000, s26;
	s0 =	sadd.s32 s2, s0;
	s23 =	sshrl.u32 s7, $0xF  }
0x4e: {  	[tilespmem:s21], [sflag:$0x1] =	stream.linear.gather [hbm4b:s0+s14], $0x80, $0x38;
	[tilespmem:$0x1C580] =	vst v63  }
0x4f: {  	s1 =	smul.u32 $0x1FFEC00, s23  }
0x50: {  	s28 =	sshll.u32 s11, $0x7;
	s18 =	sshll.u32 s24, $0x7;
	s0 =	sadd.s32 s22, s20  }
0x51: {  	s5 =	sand.u32 $0x380, s28;
	s30 =	sadd.s32 s24, s29;
	s0 =	sadd.s32 s1, s0  }
0x52: {  	s6 =	sshrl.u32 s30, $0xA;
	s0 =	sshll.u32 s0, $0x7;
	s11 =	spop (v2sf)  }
0x53: {  	s6 =	smul.u32 $0x199A, s6;
	s0 =	sand.u32 $0xFFFFFC00, s0;
	s12 =	sshrl.u32 s11, $0xC  }
0x54: {  	s31 =	sadd.s32 $0x500, s17;
	(v2sf) =	vpush v4, $0x8;
	s0 =	sor.u32 s5, s0;
	s8 =	smul.u32 $0x199A, s12  }
0x55: {  	s4 =	smul.u32 $0x1400, s26;
	s10 =	sshrl.u32 s6, $0xF;
	s0 =	sshrl.u32 s0, $0x3  }
0x56: {  	s1 =	smul.u32 $0x1FFEC00, s10;
	s0 =	sadd.s32 s2, s0;
	s13 =	sshrl.u32 s8, $0xF  }
0x57: {  	[tilespmem:s31], [sflag:$0x1] =	stream.linear.gather [hbm4b:s0+s14], $0x80, $0x38;
	[tilespmem:$0x1C580] =	vst v63  }
0x58: {  	s24 =	spop (v2sf);
	(v2sf) =	vpush v4, $0x9;
	s0 =	sadd.s32 s4, s30;
	s19 =	smul.u32 $0xFFFFB000, s13  }
0x59: {  	s5 =	sand.u32 $0x380, s18;
	s0 =	sadd.s32 s1, s0  }
0x5a: {  	s25 =	sshrl.u32 s24, $0xC;
	s0 =	sshll.u32 s0, $0x7;
	s20 =	sadd.s32 s11, s19  }
0x5b: {  	s8 =	smul.u32 $0x199A, s25;
	s0 =	sand.u32 $0xFFFFFC00, s0;
	s7 =	sshrl.u32 s20, $0xA  }
0x5c: {  	s21 =	sadd.s32 $0x580, s17;
	s0 =	sor.u32 s5, s0;
	s7 =	smul.u32 $0x199A, s7  }
0x5d: {  	s22 =	smul.u32 $0x1400, s13;
	s26 =	sshrl.u32 s8, $0xF;
	s0 =	sshrl.u32 s0, $0x3  }
0x5e: {  	s29 =	smul.u32 $0xFFFFB000, s26;
	s0 =	sadd.s32 s2, s0;
	s23 =	sshrl.u32 s7, $0xF  }
0x5f: {  	[tilespmem:s21], [sflag:$0x1] =	stream.linear.gather [hbm4b:s0+s14], $0x80, $0x38;
	[tilespmem:$0x1C580] =	vst v63  }
0x60: {  	s28 =	sshll.u32 s11, $0x7;
	s1 =	smul.u32 $0x1FFEC00, s23  }
0x61: {  	s18 =	sshll.u32 s24, $0x7;
	s30 =	sadd.s32 s24, s29;
	s0 =	sadd.s32 s22, s20  }
0x62: {  	s4 =	smul.u32 $0x1400, s26;
	s6 =	sshrl.u32 s30, $0xA;
	s0 =	sadd.s32 s1, s0  }
0x63: {  	s6 =	smul.u32 $0x199A, s6;
	s0 =	sshll.u32 s0, $0x7;
	s11 =	spop (v2sf)  }
0x64: {  	s5 =	sand.u32 $0x380, s28;
	s0 =	sand.u32 $0xFFFFFC00, s0;
	s12 =	sshrl.u32 s11, $0xC  }
0x65: {  	s10 =	sshrl.u32 s6, $0xF;
	(v2sf) =	vpush v4, $0xA;
	s0 =	sor.u32 s5, s0;
	s8 =	smul.u32 $0x199A, s12  }
0x66: {  	s31 =	sadd.s32 $0x600, s17;
	s1 =	smul.u32 $0x1FFEC00, s10;
	s0 =	sshrl.u32 s0, $0x3  }
0x67: {  	s24 =	spop (v2sf);
	(v2sf) =	vpush v4, $0xB;
	s0 =	sadd.s32 s2, s0;
	s13 =	sshrl.u32 s8, $0xF  }
0x68: {  	[tilespmem:s31], [sflag:$0x1] =	stream.linear.gather [hbm4b:s0+s14], $0x80, $0x38;
	[tilespmem:$0x1C580] =	vst v63  }
0x69: {  	s0 =	sadd.s32 s4, s30;
	s19 =	smul.u32 $0xFFFFB000, s13  }
0x6a: {  	s21 =	sadd.s32 $0x680, s17;
	s5 =	sand.u32 $0x380, s18;
	s0 =	sadd.s32 s1, s0  }
0x6b: {  	s25 =	sshrl.u32 s24, $0xC;
	s0 =	sshll.u32 s0, $0x7;
	s20 =	sadd.s32 s11, s19  }
0x6c: {  	s8 =	smul.u32 $0x199A, s25;
	s0 =	sand.u32 $0xFFFFFC00, s0;
	s7 =	sshrl.u32 s20, $0xA  }
0x6d: {  	s28 =	sshll.u32 s11, $0x7;
	s0 =	sor.u32 s5, s0;
	s7 =	smul.u32 $0x199A, s7  }
0x6e: {  	s22 =	smul.u32 $0x1400, s13;
	s26 =	sshrl.u32 s8, $0xF;
	s0 =	sshrl.u32 s0, $0x3  }
0x6f: {  	s29 =	smul.u32 $0xFFFFB000, s26;
	s0 =	sadd.s32 s2, s0;
	s23 =	sshrl.u32 s7, $0xF  }
0x70: {  	[tilespmem:s21], [sflag:$0x1] =	stream.linear.gather [hbm4b:s0+s14], $0x80, $0x38;
	[tilespmem:$0x1C580] =	vst v63  }
0x71: {  	s18 =	sshll.u32 s24, $0x7;
	s30 =	sadd.s32 s24, s29;
	s1 =	smul.u32 $0x1FFEC00, s23  }
0x72: {  	s4 =	smul.u32 $0x1400, s26;
	s6 =	sshrl.u32 s30, $0xA;
	s0 =	sadd.s32 s22, s20  }
0x73: {  	s31 =	sadd.s32 $0x700, s17;
	s6 =	smul.u32 $0x199A, s6;
	s0 =	sadd.s32 s1, s0  }
0x74: {  	s5 =	sand.u32 $0x380, s28;
	s0 =	sshll.u32 s0, $0x7;
	s11 =	spop (v2sf)  }
0x75: {  	s10 =	sshrl.u32 s6, $0xF;
	s0 =	sand.u32 $0xFFFFFC00, s0;
	s12 =	sshrl.u32 s11, $0xC  }
0x76: {  	(v2sf) =	vpush v4, $0xC;
	s24 =	spop (v2sf);
	s0 =	sor.u32 s5, s0;
	s8 =	smul.u32 $0x199A, s12  }
0x77: {  	s1 =	smul.u32 $0x1FFEC00, s10;
	s25 =	sshrl.u32 s24, $0xC;
	s0 =	sshrl.u32 s0, $0x3  }
0x78: {  	(v2sf) =	vpush v4, $0xD;
	s0 =	sadd.s32 s2, s0;
	s13 =	sshrl.u32 s8, $0xF;
	s8 =	smul.u32 $0x199A, s25  }
0x79: {  	[tilespmem:s31], [sflag:$0x1] =	stream.linear.gather [hbm4b:s0+s14], $0x80, $0x38;
	[tilespmem:$0x1C580] =	vst v63  }
0x7a: {  	s0 =	sadd.s32 s4, s30;
	s19 =	smul.u32 $0xFFFFB000, s13  }
0x7b: {  	s5 =	sand.u32 $0x380, s18;
	s0 =	sadd.s32 s1, s0  }
0x7c: {  	s26 =	sshrl.u32 s8, $0xF;
	s0 =	sshll.u32 s0, $0x7;
	s20 =	sadd.s32 s11, s19  }
0x7d: {  	s29 =	smul.u32 $0xFFFFB000, s26;
	s0 =	sand.u32 $0xFFFFFC00, s0;
	s7 =	sshrl.u32 s20, $0xA  }
0x7e: {  	s0 =	sor.u32 s5, s0;
	s7 =	smul.u32 $0x199A, s7  }
0x7f: {  	s21 =	sadd.s32 $0x780, s17;
	s22 =	smul.u32 $0x1400, s13;
	s0 =	sshrl.u32 s0, $0x3  }
0x80: {  	s30 =	sadd.s32 s24, s29;
	s0 =	sadd.s32 s2, s0;
	s23 =	sshrl.u32 s7, $0xF  }
0x81: {  	[tilespmem:s21], [sflag:$0x1] =	stream.linear.gather [hbm4b:s0+s14], $0x80, $0x38;
	[tilespmem:$0x1C580] =	vst v63  }
0x82: {  	s28 =	sshll.u32 s11, $0x7;
	s6 =	sshrl.u32 s30, $0xA;
	s1 =	smul.u32 $0x1FFEC00, s23  }
0x83: {  	s31 =	sadd.s32 $0x800, s17;
	s6 =	smul.u32 $0x199A, s6;
	s0 =	sadd.s32 s22, s20  }
0x84: {  	s13 =	sshll.u32 s24, $0x7;
	s5 =	sand.u32 $0x380, s28;
	s0 =	sadd.s32 s1, s0  }
0x85: {  	s8 =	sshrl.u32 s6, $0xF;
	s0 =	sshll.u32 s0, $0x7;
	s10 =	spop (v2sf)  }
0x86: {  	s1 =	smul.u32 $0x1FFEC00, s8;
	s0 =	sand.u32 $0xFFFFFC00, s0;
	s11 =	sshrl.u32 s10, $0xC  }
0x87: {  	(v2sf) =	vpush v4, $0xE;
	s23 =	spop (v2sf);
	s0 =	sor.u32 s5, s0;
	s8 =	smul.u32 $0x199A, s11  }
0x88: {  	s4 =	smul.u32 $0x1400, s26;
	s24 =	sshrl.u32 s23, $0xC;
	s0 =	sshrl.u32 s0, $0x3  }
0x89: {  	(v2sf) =	vpush v4, $0xF;
	s0 =	sadd.s32 s2, s0;
	s12 =	sshrl.u32 s8, $0xF;
	s8 =	smul.u32 $0x199A, s24  }
0x8a: {  	[tilespmem:s31], [sflag:$0x1] =	stream.linear.gather [hbm4b:s0+s14], $0x80, $0x38;
	[tilespmem:$0x1C580] =	vst v63  }
0x8b: {  	s20 =	sadd.s32 $0x880, s17;
	s0 =	sadd.s32 s4, s30;
	s18 =	smul.u32 $0xFFFFB000, s12  }
0x8c: {  	s26 =	sshll.u32 s10, $0x7;
	s0 =	sadd.s32 s1, s0;
	s25 =	sshrl.u32 s8, $0xF  }
0x8d: {  	s0 =	sshll.u32 s0, $0x7;
	s19 =	sadd.s32 s10, s18;
	s28 =	smul.u32 $0xFFFFB000, s25  }
0x8e: {  	s5 =	sand.u32 $0x380, s13;
	s0 =	sand.u32 $0xFFFFFC00, s0;
	s7 =	sshrl.u32 s19, $0xA  }
0x8f: {  	s0 =	sor.u32 s5, s0;
	s7 =	smul.u32 $0x199A, s7;
	s29 =	sadd.s32 s23, s28  }
0x90: {  	s21 =	smul.u32 $0x1400, s12;
	s0 =	sshrl.u32 s0, $0x3;
	s6 =	sshrl.u32 s29, $0xA  }
0x91: {  	s0 =	sadd.s32 s2, s0;
	s22 =	sshrl.u32 s7, $0xF;
	s6 =	smul.u32 $0x199A, s6  }
0x92: {  	[tilespmem:s20], [sflag:$0x1] =	stream.linear.gather [hbm4b:s0+s14], $0x80, $0x38;
	[tilespmem:$0x1C580] =	vst v63  }
0x93: {  	s11 =	sshll.u32 s23, $0x7;
	s30 =	sadd.s32 $0x900, s17;
	s1 =	smul.u32 $0x1FFEC00, s22  }
0x94: {  	s18 =	sadd.s32 $0x980, s17;
	s5 =	sand.u32 $0x380, s26;
	s0 =	sadd.s32 s21, s19  }
0x95: {  	s6 =	sshrl.u32 s6, $0xF;
	s0 =	sadd.s32 s1, s0;
	s1 =	smul.u32 $0x1400, s25  }
0x96: {  	s6 =	smul.u32 $0x1FFEC00, s6;
	s0 =	sshll.u32 s0, $0x7;
	s31 =	spop (v2sf)  }
0x97: {  	s0 =	sand.u32 $0xFFFFFC00, s0;
	s4 =	sshrl.u32 s31, $0xC;
	s1 =	sadd.s32 s1, s29  }
0x98: {  	s21 =	spop (v2sf);
	s0 =	sor.u32 s5, s0;
	s8 =	smul.u32 $0x199A, s4  }
0x99: {  	s1 =	sadd.s32 s6, s1;
	s6 =	sand.u32 $0x380, s11;
	s22 =	sshrl.u32 s21, $0xC  }
0x9a: {  	s0 =	sshrl.u32 s0, $0x3;
	s1 =	sshll.u32 s1, $0x7;
	s10 =	sshrl.u32 s8, $0xF  }
0x9b: {  	s0 =	sadd.s32 s2, s0;
	s1 =	sand.u32 $0xFFFFFC00, s1;
	s12 =	smul.u32 $0xFFFFB000, s10  }
0x9c: {  	[tilespmem:s30], [sflag:$0x1] =	stream.linear.gather [hbm4b:s0+s14], $0x80, $0x38;
	[tilespmem:$0x1C580] =	vst v63  }
0x9d: {  	s8 =	smul.u32 $0x199A, s22;
	s1 =	sor.u32 s6, s1;
	s13 =	sadd.s32 s31, s12  }
0x9e: {  	s19 =	smul.u32 $0x1400, s10;
	s1 =	sshrl.u32 s1, $0x3;
	s7 =	sshrl.u32 s13, $0xA  }
0x9f: {  	s23 =	sshrl.u32 s8, $0xF;
	s1 =	sadd.s32 s2, s1;
	s7 =	smul.u32 $0x199A, s7  }
0xa0: {  	[tilespmem:s18], [sflag:$0x1] =	stream.linear.gather [hbm4b:s1+s14], $0x80, $0x38;
	[tilespmem:$0x1C580] =	vst v63  }
0xa1: {  	s24 =	smul.u32 $0xFFFFB000, s23;
	s20 =	sshrl.u32 s7, $0xF  }
0xa2: {  	s5 =	smul.u32 $0x1FFEC00, s20  }
0xa3: {  	s1 =	sadd.s32 s19, s13  }
0xa4: {  	s25 =	sadd.s32 s21, s24;
	s1 =	sadd.s32 s5, s1  }
0xa5: {  	s0 =	sshll.u32 s31, $0x7;
	s6 =	sshrl.u32 s25, $0xA;
	s1 =	sshll.u32 s1, $0x7  }
0xa6: {  	s0 =	sand.u32 $0x380, s0;
	s6 =	smul.u32 $0x199A, s6;
	s1 =	sand.u32 $0xFFFFFC00, s1  }
0xa7: {  	s0 =	sor.u32 s0, s1  }
0xa8: {  	s28 =	smul.u32 $0x1400, s23;
	s29 =	sshrl.u32 s6, $0xF;
	s0 =	sshrl.u32 s0, $0x3  }
0xa9: {  	s26 =	sadd.s32 $0xA00, s17;
	s5 =	smul.u32 $0x1FFEC00, s29;
	s0 =	sadd.s32 s2, s0  }
0xaa: {  	[tilespmem:s26], [sflag:$0x1] =	stream.linear.gather [hbm4b:s0+s14], $0x80, $0x38;
	[tilespmem:$0x1C580] =	vst v63  }
0xab: {  	s0 =	sadd.s32 s28, s25  }
0xac: {  	s0 =	sadd.s32 s5, s0  }
0xad: {  	p0 =	sne.s32 s16, $0xE000;
	s30 =	sshll.u32 s21, $0x7;
	s0 =	sshll.u32 s0, $0x7  }
.Ltmp0:
0xae: {  	s1 =	sand.u32 $0x380, s30;
	s0 =	sand.u32 $0xFFFFFC00, s0;
	(pc) =	sbr.rel @p0 .LBB2_2-.Ltmp0, $4  }
0xaf: {  	s0 =	sor.u32 s1, s0  }
0xb0: {  	s15 =	sadd.s32 $0x10, s15;
	s0 =	sshrl.u32 s0, $0x3  }
0xb1: {  	s16 =	sadd.s32 $0x2000, s16;
	s31 =	sadd.s32 $0xA80, s17;
	s0 =	sadd.s32 s2, s0  }
0xb2: {  	[tilespmem:s31], [sflag:$0x1] =	stream.linear.gather [hbm4b:s0+s14], $0x80, $0x38;
	[tilespmem:$0x1C580] =	vst v63  }
0xb3: {  	s15 =	simm.s32 $0x80  }
.LBB2_4:
0xb4: {  	v4 =	vld [tilespmem:s15+$0x0];
	_ =	sdelay $0x4  }
0xb5: {  	(v2sf) =	vpush v4, $0x0;
	_ =	sdelay $0x5  }
0xb6: {  	(v2sf) =	vpush v4, $0x1;
	_ =	sdelay $0x8  }
0xb7: {  	s0 =	spop (v2sf);
	(v2sf) =	vpush v4, $0x2  }
0xb8: {  	s1 =	sshrl.u32 s0, $0xC  }
0xb9: {  	s1 =	smul.u32 $0x199A, s1;
	_ =	sdelay $0x1  }
0xba: {  	s1 =	sshrl.u32 s1, $0xF  }
0xbb: {  	s5 =	smul.u32 $0xFFFFB000, s1  }
0xbc: {  	s7 =	spop (v2sf);
	(v2sf) =	vpush v4, $0x3  }
0xbd: {  	s8 =	sshrl.u32 s7, $0xC;
	s5 =	sadd.s32 s0, s5  }
0xbe: {  	s8 =	smul.u32 $0x199A, s8;
	s6 =	sshrl.u32 s5, $0xA  }
0xbf: {  	s6 =	smul.u32 $0x199A, s6  }
0xc0: {  	s1 =	smul.u32 $0x1400, s1;
	s21 =	sshrl.u32 s8, $0xF  }
0xc1: {  	s22 =	smul.u32 $0xFFFFB000, s21;
	s6 =	sshrl.u32 s6, $0xF  }
0xc2: {  	s6 =	smul.u32 $0x1FFEC00, s6  }
0xc3: {  	s16 =	sshra.s32 s14, $0x2;
	s0 =	sshll.u32 s0, $0x7;
	s1 =	sadd.s32 s1, s5  }
0xc4: {  	s0 =	sand.u32 $0x380, s0;
	s23 =	sadd.s32 s7, s22;
	s1 =	sadd.s32 s6, s1  }
0xc5: {  	s6 =	sshrl.u32 s23, $0xA;
	s1 =	sshll.u32 s1, $0x7;
	s28 =	spop (v2sf)  }
0xc6: {  	s6 =	smul.u32 $0x199A, s6;
	s1 =	sand.u32 $0xFFFFFC00, s1;
	s29 =	sshrl.u32 s28, $0xC  }
0xc7: {  	s24 =	sadd.s32 $0x8300, s16;
	(v2sf) =	vpush v4, $0x4;
	s0 =	sor.u32 s0, s1;
	s8 =	smul.u32 $0x199A, s29  }
0xc8: {  	s25 =	smul.u32 $0x1400, s21;
	s26 =	sshrl.u32 s6, $0xF;
	s0 =	sshrl.u32 s0, $0x3  }
0xc9: {  	s5 =	smul.u32 $0x1FFEC00, s26;
	s0 =	sadd.s32 s3, s0;
	s30 =	sshrl.u32 s8, $0xF  }
0xca: {  	[tilespmem:s24], [sflag:$0x1] =	stream.linear.gather [hbm4b:s0+s9], $0x80, $0x38;
	[tilespmem:$0x1C580] =	vst v63  }
0xcb: {  	s13 =	spop (v2sf);
	s0 =	sadd.s32 s25, s23;
	s2 =	smul.u32 $0xFFFFB000, s30  }
0xcc: {  	s31 =	sshll.u32 s7, $0x7;
	s17 =	sshrl.u32 s13, $0xC;
	s0 =	sadd.s32 s5, s0  }
0xcd: {  	s8 =	smul.u32 $0x199A, s17;
	s0 =	sshll.u32 s0, $0x7;
	s4 =	sadd.s32 s28, s2  }
0xce: {  	(v2sf) =	vpush v4, $0x5;
	s5 =	sand.u32 $0x380, s31;
	s0 =	sand.u32 $0xFFFFFC00, s0;
	s7 =	sshrl.u32 s4, $0xA  }
0xcf: {  	s10 =	sadd.s32 $0x8380, s16;
	s0 =	sor.u32 s5, s0;
	s7 =	smul.u32 $0x199A, s7  }
0xd0: {  	s11 =	smul.u32 $0x1400, s30;
	s18 =	sshrl.u32 s8, $0xF;
	s0 =	sshrl.u32 s0, $0x3  }
0xd1: {  	s20 =	smul.u32 $0xFFFFB000, s18;
	s0 =	sadd.s32 s3, s0;
	s12 =	sshrl.u32 s7, $0xF  }
0xd2: {  	[tilespmem:s10], [sflag:$0x1] =	stream.linear.gather [hbm4b:s0+s9], $0x80, $0x38;
	[tilespmem:$0x1C580] =	vst v63  }
0xd3: {  	s1 =	smul.u32 $0x1FFEC00, s12  }
0xd4: {  	s19 =	sshll.u32 s28, $0x7;
	s0 =	sadd.s32 s11, s4  }
0xd5: {  	s5 =	sand.u32 $0x380, s19;
	s21 =	sadd.s32 s13, s20;
	s0 =	sadd.s32 s1, s0  }
0xd6: {  	s6 =	sshrl.u32 s21, $0xA;
	s0 =	sshll.u32 s0, $0x7;
	s25 =	spop (v2sf)  }
0xd7: {  	s6 =	smul.u32 $0x199A, s6;
	s0 =	sand.u32 $0xFFFFFC00, s0;
	s26 =	sshrl.u32 s25, $0xC  }
0xd8: {  	s22 =	sadd.s32 $0x8400, s16;
	(v2sf) =	vpush v4, $0x6;
	s0 =	sor.u32 s5, s0;
	s8 =	smul.u32 $0x199A, s26  }
0xd9: {  	s23 =	smul.u32 $0x1400, s18;
	s24 =	sshrl.u32 s6, $0xF;
	s0 =	sshrl.u32 s0, $0x3  }
0xda: {  	s1 =	smul.u32 $0x1FFEC00, s24;
	s0 =	sadd.s32 s3, s0;
	s28 =	sshrl.u32 s8, $0xF  }
0xdb: {  	[tilespmem:s22], [sflag:$0x1] =	stream.linear.gather [hbm4b:s0+s9], $0x80, $0x38;
	[tilespmem:$0x1C580] =	vst v63  }
0xdc: {  	s29 =	sshll.u32 s13, $0x7;
	s0 =	sadd.s32 s23, s21;
	s30 =	smul.u32 $0xFFFFB000, s28  }
0xdd: {  	s11 =	spop (v2sf);
	s5 =	sand.u32 $0x380, s29;
	s0 =	sadd.s32 s1, s0  }
0xde: {  	s12 =	sshrl.u32 s11, $0xC;
	s0 =	sshll.u32 s0, $0x7;
	s31 =	sadd.s32 s25, s30  }
0xdf: {  	(v2sf) =	vpush v4, $0x7;
	s8 =	smul.u32 $0x199A, s12;
	s0 =	sand.u32 $0xFFFFFC00, s0;
	s7 =	sshrl.u32 s31, $0xA  }
0xe0: {  	s2 =	sadd.s32 $0x8480, s16;
	s0 =	sor.u32 s5, s0;
	s7 =	smul.u32 $0x199A, s7  }
0xe1: {  	s4 =	smul.u32 $0x1400, s28;
	s13 =	sshrl.u32 s8, $0xF;
	s0 =	sshrl.u32 s0, $0x3  }
0xe2: {  	s18 =	smul.u32 $0xFFFFB000, s13;
	s0 =	sadd.s32 s3, s0;
	s10 =	sshrl.u32 s7, $0xF  }
0xe3: {  	[tilespmem:s2], [sflag:$0x1] =	stream.linear.gather [hbm4b:s0+s9], $0x80, $0x38;
	[tilespmem:$0x1C580] =	vst v63  }
0xe4: {  	s1 =	smul.u32 $0x1FFEC00, s10  }
0xe5: {  	s17 =	sshll.u32 s25, $0x7;
	s0 =	sadd.s32 s4, s31  }
0xe6: {  	s5 =	sand.u32 $0x380, s17;
	s19 =	sadd.s32 s11, s18;
	s0 =	sadd.s32 s1, s0  }
0xe7: {  	s6 =	sshrl.u32 s19, $0xA;
	s0 =	sshll.u32 s0, $0x7;
	s23 =	spop (v2sf)  }
0xe8: {  	s6 =	smul.u32 $0x199A, s6;
	s0 =	sand.u32 $0xFFFFFC00, s0;
	s24 =	sshrl.u32 s23, $0xC  }
0xe9: {  	s20 =	sadd.s32 $0x8500, s16;
	(v2sf) =	vpush v4, $0x8;
	s0 =	sor.u32 s5, s0;
	s8 =	smul.u32 $0x199A, s24  }
0xea: {  	s21 =	smul.u32 $0x1400, s13;
	s22 =	sshrl.u32 s6, $0xF;
	s0 =	sshrl.u32 s0, $0x3  }
0xeb: {  	s1 =	smul.u32 $0x1FFEC00, s22;
	s0 =	sadd.s32 s3, s0;
	s25 =	sshrl.u32 s8, $0xF  }
0xec: {  	[tilespmem:s20], [sflag:$0x1] =	stream.linear.gather [hbm4b:s0+s9], $0x80, $0x38;
	[tilespmem:$0x1C580] =	vst v63  }
0xed: {  	s26 =	sshll.u32 s11, $0x7;
	s0 =	sadd.s32 s21, s19;
	s28 =	smul.u32 $0xFFFFB000, s25  }
0xee: {  	s4 =	spop (v2sf);
	s5 =	sand.u32 $0x380, s26;
	s0 =	sadd.s32 s1, s0  }
0xef: {  	(v2sf) =	vpush v4, $0x9;
	s10 =	sshrl.u32 s4, $0xC;
	s0 =	sshll.u32 s0, $0x7;
	s29 =	sadd.s32 s23, s28  }
0xf0: {  	s8 =	smul.u32 $0x199A, s10;
	s0 =	sand.u32 $0xFFFFFC00, s0;
	s7 =	sshrl.u32 s29, $0xA  }
0xf1: {  	s30 =	sadd.s32 $0x8580, s16;
	s0 =	sor.u32 s5, s0;
	s7 =	smul.u32 $0x199A, s7  }
0xf2: {  	s31 =	smul.u32 $0x1400, s25;
	s11 =	sshrl.u32 s8, $0xF;
	s0 =	sshrl.u32 s0, $0x3  }
0xf3: {  	s13 =	smul.u32 $0xFFFFB000, s11;
	s0 =	sadd.s32 s3, s0;
	s2 =	sshrl.u32 s7, $0xF  }
0xf4: {  	[tilespmem:s30], [sflag:$0x1] =	stream.linear.gather [hbm4b:s0+s9], $0x80, $0x38;
	[tilespmem:$0x1C580] =	vst v63  }
0xf5: {  	s1 =	smul.u32 $0x1FFEC00, s2  }
0xf6: {  	s18 =	sadd.s32 $0x8600, s16;
	s12 =	sshll.u32 s23, $0x7;
	s0 =	sadd.s32 s31, s29  }
0xf7: {  	s5 =	sand.u32 $0x380, s12;
	s17 =	sadd.s32 s4, s13;
	s0 =	sadd.s32 s1, s0  }
0xf8: {  	s6 =	sshrl.u32 s17, $0xA;
	s0 =	sshll.u32 s0, $0x7;
	s21 =	spop (v2sf)  }
0xf9: {  	s6 =	smul.u32 $0x199A, s6;
	s0 =	sand.u32 $0xFFFFFC00, s0;
	s22 =	sshrl.u32 s21, $0xC  }
0xfa: {  	s24 =	sshll.u32 s4, $0x7;
	(v2sf) =	vpush v4, $0xA;
	s0 =	sor.u32 s5, s0;
	s8 =	smul.u32 $0x199A, s22  }
0xfb: {  	s19 =	smul.u32 $0x1400, s11;
	s20 =	sshrl.u32 s6, $0xF;
	s0 =	sshrl.u32 s0, $0x3  }
0xfc: {  	s1 =	smul.u32 $0x1FFEC00, s20;
	s0 =	sadd.s32 s3, s0;
	s23 =	sshrl.u32 s8, $0xF  }
0xfd: {  	[tilespmem:s18], [sflag:$0x1] =	stream.linear.gather [hbm4b:s0+s9], $0x80, $0x38;
	[tilespmem:$0x1C580] =	vst v63  }
0xfe: {  	s31 =	spop (v2sf);
	(v2sf) =	vpush v4, $0xB;
	s0 =	sadd.s32 s19, s17;
	s25 =	smul.u32 $0xFFFFB000, s23  }
0xff: {  	s5 =	sand.u32 $0x380, s24;
	s0 =	sadd.s32 s1, s0  }
0x100: {  	s2 =	sshrl.u32 s31, $0xC;
	s0 =	sshll.u32 s0, $0x7;
	s26 =	sadd.s32 s21, s25  }
0x101: {  	s8 =	smul.u32 $0x199A, s2;
	s0 =	sand.u32 $0xFFFFFC00, s0;
	s7 =	sshrl.u32 s26, $0xA  }
0x102: {  	s28 =	sadd.s32 $0x8680, s16;
	s0 =	sor.u32 s5, s0;
	s7 =	smul.u32 $0x199A, s7  }
0x103: {  	s29 =	smul.u32 $0x1400, s23;
	s4 =	sshrl.u32 s8, $0xF;
	s0 =	sshrl.u32 s0, $0x3  }
0x104: {  	s10 =	smul.u32 $0xFFFFB000, s4;
	s0 =	sadd.s32 s3, s0;
	s30 =	sshrl.u32 s7, $0xF  }
0x105: {  	[tilespmem:s28], [sflag:$0x1] =	stream.linear.gather [hbm4b:s0+s9], $0x80, $0x38;
	[tilespmem:$0x1C580] =	vst v63  }
0x106: {  	s1 =	smul.u32 $0x1FFEC00, s30  }
0x107: {  	s8 =	sshll.u32 s21, $0x7;
	s11 =	sadd.s32 s31, s10;
	s0 =	sadd.s32 s29, s26  }
0x108: {  	s13 =	smul.u32 $0x1400, s4;
	s6 =	sshrl.u32 s11, $0xA;
	s0 =	sadd.s32 s1, s0  }
0x109: {  	s6 =	smul.u32 $0x199A, s6;
	s0 =	sshll.u32 s0, $0x7;
	s18 =	spop (v2sf)  }
0x10a: {  	s5 =	sand.u32 $0x380, s8;
	s0 =	sand.u32 $0xFFFFFC00, s0;
	s19 =	sshrl.u32 s18, $0xC  }
0x10b: {  	s17 =	sshrl.u32 s6, $0xF;
	(v2sf) =	vpush v4, $0xC;
	s0 =	sor.u32 s5, s0;
	s8 =	smul.u32 $0x199A, s19  }
0x10c: {  	s12 =	sadd.s32 $0x8700, s16;
	s1 =	smul.u32 $0x1FFEC00, s17;
	s0 =	sshrl.u32 s0, $0x3  }
0x10d: {  	s28 =	spop (v2sf);
	(v2sf) =	vpush v4, $0xD;
	s0 =	sadd.s32 s3, s0;
	s20 =	sshrl.u32 s8, $0xF  }
0x10e: {  	[tilespmem:s12], [sflag:$0x1] =	stream.linear.gather [hbm4b:s0+s9], $0x80, $0x38;
	[tilespmem:$0x1C580] =	vst v63  }
0x10f: {  	s21 =	sshll.u32 s31, $0x7;
	s0 =	sadd.s32 s13, s11;
	s22 =	smul.u32 $0xFFFFB000, s20  }
0x110: {  	s24 =	sadd.s32 $0x8780, s16;
	s5 =	sand.u32 $0x380, s21;
	s0 =	sadd.s32 s1, s0  }
0x111: {  	s29 =	sshrl.u32 s28, $0xC;
	s0 =	sshll.u32 s0, $0x7;
	s23 =	sadd.s32 s18, s22  }
0x112: {  	s8 =	smul.u32 $0x199A, s29;
	s0 =	sand.u32 $0xFFFFFC00, s0;
	s7 =	sshrl.u32 s23, $0xA  }
0x113: {  	s10 =	sadd.s32 $0x8800, s16;
	s0 =	sor.u32 s5, s0;
	s7 =	smul.u32 $0x199A, s7  }
0x114: {  	s25 =	smul.u32 $0x1400, s20;
	s30 =	sshrl.u32 s8, $0xF;
	s0 =	sshrl.u32 s0, $0x3  }
0x115: {  	s2 =	smul.u32 $0xFFFFB000, s30;
	s0 =	sadd.s32 s3, s0;
	s26 =	sshrl.u32 s7, $0xF  }
0x116: {  	[tilespmem:s24], [sflag:$0x1] =	stream.linear.gather [hbm4b:s0+s9], $0x80, $0x38;
	[tilespmem:$0x1C580] =	vst v63  }
0x117: {  	s31 =	sshll.u32 s18, $0x7;
	s4 =	sadd.s32 s28, s2;
	s1 =	smul.u32 $0x1FFEC00, s26  }
0x118: {  	s11 =	smul.u32 $0x1400, s30;
	s6 =	sshrl.u32 s4, $0xA;
	s0 =	sadd.s32 s25, s23  }
0x119: {  	s19 =	sshll.u32 s28, $0x7;
	s6 =	smul.u32 $0x199A, s6;
	s0 =	sadd.s32 s1, s0  }
0x11a: {  	s5 =	sand.u32 $0x380, s31;
	s0 =	sshll.u32 s0, $0x7;
	s13 =	spop (v2sf)  }
0x11b: {  	s12 =	sshrl.u32 s6, $0xF;
	s0 =	sand.u32 $0xFFFFFC00, s0;
	s17 =	sshrl.u32 s13, $0xC  }
0x11c: {  	(v2sf) =	vpush v4, $0xE;
	s25 =	spop (v2sf);
	s0 =	sor.u32 s5, s0;
	s8 =	smul.u32 $0x199A, s17  }
0x11d: {  	s1 =	smul.u32 $0x1FFEC00, s12;
	s26 =	sshrl.u32 s25, $0xC;
	s0 =	sshrl.u32 s0, $0x3  }
0x11e: {  	(v2sf) =	vpush v4, $0xF;
	s0 =	sadd.s32 s3, s0;
	s18 =	sshrl.u32 s8, $0xF;
	s8 =	smul.u32 $0x199A, s26  }
0x11f: {  	[tilespmem:s10], [sflag:$0x1] =	stream.linear.gather [hbm4b:s0+s9], $0x80, $0x38;
	[tilespmem:$0x1C580] =	vst v63  }
0x120: {  	s22 =	sadd.s32 $0x8880, s16;
	s0 =	sadd.s32 s11, s4;
	s20 =	smul.u32 $0xFFFFB000, s18  }
0x121: {  	s2 =	sadd.s32 $0x8900, s16;
	s0 =	sadd.s32 s1, s0;
	s28 =	sshrl.u32 s8, $0xF  }
0x122: {  	s0 =	sshll.u32 s0, $0x7;
	s21 =	sadd.s32 s13, s20;
	s30 =	smul.u32 $0xFFFFB000, s28  }
0x123: {  	s5 =	sand.u32 $0x380, s19;
	s0 =	sand.u32 $0xFFFFFC00, s0;
	s7 =	sshrl.u32 s21, $0xA  }
0x124: {  	s0 =	sor.u32 s5, s0;
	s7 =	smul.u32 $0x199A, s7;
	s31 =	sadd.s32 s25, s30  }
0x125: {  	s23 =	smul.u32 $0x1400, s18;
	s0 =	sshrl.u32 s0, $0x3;
	s6 =	sshrl.u32 s31, $0xA  }
0x126: {  	s0 =	sadd.s32 s3, s0;
	s24 =	sshrl.u32 s7, $0xF;
	s6 =	smul.u32 $0x199A, s6  }
0x127: {  	[tilespmem:s22], [sflag:$0x1] =	stream.linear.gather [hbm4b:s0+s9], $0x80, $0x38;
	[tilespmem:$0x1C580] =	vst v63  }
0x128: {  	s29 =	sshll.u32 s13, $0x7;
	s12 =	sshll.u32 s25, $0x7;
	s1 =	smul.u32 $0x1FFEC00, s24  }
0x129: {  	s18 =	sadd.s32 $0x8980, s16;
	s5 =	sand.u32 $0x380, s29;
	s0 =	sadd.s32 s23, s21  }
0x12a: {  	s6 =	sshrl.u32 s6, $0xF;
	s0 =	sadd.s32 s1, s0;
	s1 =	smul.u32 $0x1400, s28  }
0x12b: {  	s6 =	smul.u32 $0x1FFEC00, s6;
	s0 =	sshll.u32 s0, $0x7;
	s4 =	spop (v2sf)  }
0x12c: {  	s0 =	sand.u32 $0xFFFFFC00, s0;
	s10 =	sshrl.u32 s4, $0xC;
	s1 =	sadd.s32 s1, s31  }
0x12d: {  	s21 =	spop (v2sf);
	s0 =	sor.u32 s5, s0;
	s8 =	smul.u32 $0x199A, s10  }
0x12e: {  	s1 =	sadd.s32 s6, s1;
	s6 =	sand.u32 $0x380, s12;
	s22 =	sshrl.u32 s21, $0xC  }
0x12f: {  	s0 =	sshrl.u32 s0, $0x3;
	s1 =	sshll.u32 s1, $0x7;
	s11 =	sshrl.u32 s8, $0xF  }
0x130: {  	s0 =	sadd.s32 s3, s0;
	s1 =	sand.u32 $0xFFFFFC00, s1;
	s13 =	smul.u32 $0xFFFFB000, s11  }
0x131: {  	[tilespmem:s2], [sflag:$0x1] =	stream.linear.gather [hbm4b:s0+s9], $0x80, $0x38;
	[tilespmem:$0x1C580] =	vst v63  }
0x132: {  	s8 =	smul.u32 $0x199A, s22;
	s1 =	sor.u32 s6, s1;
	s17 =	sadd.s32 s4, s13  }
0x133: {  	s19 =	smul.u32 $0x1400, s11;
	s1 =	sshrl.u32 s1, $0x3;
	s7 =	sshrl.u32 s17, $0xA  }
0x134: {  	s23 =	sshrl.u32 s8, $0xF;
	s1 =	sadd.s32 s3, s1;
	s7 =	smul.u32 $0x199A, s7  }
0x135: {  	[tilespmem:s18], [sflag:$0x1] =	stream.linear.gather [hbm4b:s1+s9], $0x80, $0x38;
	[tilespmem:$0x1C580] =	vst v63  }
0x136: {  	s24 =	smul.u32 $0xFFFFB000, s23;
	s20 =	sshrl.u32 s7, $0xF  }
0x137: {  	s5 =	smul.u32 $0x1FFEC00, s20  }
0x138: {  	s1 =	sadd.s32 s19, s17  }
0x139: {  	s25 =	sadd.s32 s21, s24;
	s1 =	sadd.s32 s5, s1  }
0x13a: {  	s0 =	sshll.u32 s4, $0x7;
	s6 =	sshrl.u32 s25, $0xA;
	s1 =	sshll.u32 s1, $0x7  }
0x13b: {  	s0 =	sand.u32 $0x380, s0;
	s6 =	smul.u32 $0x199A, s6;
	s1 =	sand.u32 $0xFFFFFC00, s1  }
0x13c: {  	s0 =	sor.u32 s0, s1  }
0x13d: {  	s28 =	smul.u32 $0x1400, s23;
	s29 =	sshrl.u32 s6, $0xF;
	s0 =	sshrl.u32 s0, $0x3  }
0x13e: {  	s26 =	sadd.s32 $0x8A00, s16;
	s5 =	smul.u32 $0x1FFEC00, s29;
	s0 =	sadd.s32 s3, s0  }
0x13f: {  	[tilespmem:s26], [sflag:$0x1] =	stream.linear.gather [hbm4b:s0+s9], $0x80, $0x38;
	[tilespmem:$0x1C580] =	vst v63  }
0x140: {  	s0 =	sadd.s32 s28, s25  }
0x141: {  	s0 =	sadd.s32 s5, s0  }
0x142: {  	p0 =	sne.s32 s14, $0x4E000;
	s30 =	sshll.u32 s21, $0x7;
	s0 =	sshll.u32 s0, $0x7  }
.Ltmp1:
0x143: {  	s1 =	sand.u32 $0x380, s30;
	s0 =	sand.u32 $0xFFFFFC00, s0;
	(pc) =	sbr.rel @p0 .LBB2_4-.Ltmp1, $4  }
0x144: {  	s0 =	sor.u32 s1, s0  }
0x145: {  	s15 =	sadd.s32 $0x10, s15;
	s0 =	sshrl.u32 s0, $0x3  }
0x146: {  	s14 =	sadd.s32 $0x2000, s14;
	s31 =	sadd.s32 $0x8A80, s16;
	s0 =	sadd.s32 s3, s0  }
0x147: {  	[tilespmem:s31], [sflag:$0x1] =	stream.linear.gather [hbm4b:s0+s9], $0x80, $0x38;
	[tilespmem:$0x1C580] =	vst v63  }
0x148: {  	s0 =	simm.s32 $0x1  }
0x149: {  	_ =	swait.ge [sflag:s0], $0x4000  }
0x14a: {  	[sflag:s0] =	ssyncset.done $0x0  }
0x14b: {  	[sflag:s0] =	ssyncadd.s32 $0xFFFFC000  }
0x14c: {  	_ =	swait.ge [sflag:s0], $0x14000  }
0x14d: {  	s14 =	simm.s32 $0x0;
	[sflag:s0] =	ssyncset.done $0x0  }
0x14e: {  	s15 =	simm.s32 $0x0;
	s16 =	simm.s32 $0x0;
	[sflag:s0] =	ssyncadd.s32 $0xFFFEC000  }
.LBB2_6:
0x14f: {  	v4 =	vld [tilespmem:s15+$0x0];
	_ =	sdelay $0x4  }
0x150: {  	(v2sf) =	vpush v4, $0x0;
	_ =	sdelay $0x1  }
0x151: {  	(v2sf) =	vpush v4, $0x1;
	_ =	sdelay $0x4  }
0x152: {  	(v2sf) =	vpush v4, $0x2  }
0x153: {  	(v2sf) =	vpush v4, $0x3;
	_ =	sdelay $0x6  }
0x154: {  	s0 =	spop (v2sf)  }
0x155: {  	s1 =	sshrl.u32 s0, $0xC  }
0x156: {  	s17 =	sshra.s32 s16, $0x2;
	s5 =	spop (v2sf);
	s1 =	smul.u32 $0x199A, s1  }
0x157: {  	s9 =	sadd.s32 $0x300, s17;
	s28 =	sshrl.u32 s5, $0xC  }
0x158: {  	s11 =	sadd.s32 $0x310, s17;
	s6 =	smul.u32 $0x199A, s28;
	s1 =	sshrl.u32 s1, $0xF  }
0x159: {  	s12 =	sadd.s32 $0x320, s17;
	s13 =	sadd.s32 $0x330, s17;
	(v2sf) =	vpush v4, $0x4;
	s1 =	smul.u32 $0xFFFFB000, s1  }
0x15a: {  	s18 =	sadd.s32 $0x350, s17;
	s10 =	sadd.s32 $0x360, s17;
	(v2sf) =	vpush v4, $0x5;
	s30 =	sshrl.u32 s6, $0xF  }
0x15b: {  	s7 =	spop (v2sf);
	s19 =	smul.u32 $0xFFFFB000, s30;
	s0 =	sadd.s32 s0, s1  }
0x15c: {  	s21 =	sadd.s32 $0x430, s17;
	s29 =	spop (v2sf);
	s0 =	sshrl.u32 s0, $0xA  }
0x15d: {  	s31 =	sshrl.u32 s7, $0xC;
	s5 =	sadd.s32 s5, s19;
	s26 =	smul.u32 $0x199A, s0  }
0x15e: {  	s22 =	sshrl.u32 s29, $0xC;
	s6 =	sadd.s32 $0x340, s17;
	s5 =	sshrl.u32 s5, $0xA  }
0x15f: {  	s1 =	sadd.s32 $0x370, s17;
	s5 =	smul.u32 $0x199A, s5;
	s8 =	sshrl.u32 s26, $0xF  }
0x160: {  	s19 =	sadd.s32 $0x420, s17;
	p0 =	seq.s32 s8, $0x2;
	p1 =	seq.s32 s8, $0x1  }
0x161: {  	s2 =	sshrl.u32 s5, $0xF;
	s5 =	sadd.s32 $0x3E0, s17;
	s10 =	smov.u32 @p0 s6  }
0x162: {  	s1 =	smov.u32 @p0 s18;
	p0 =	seq.s32 s8, $0x0;
	s6 =	smul.u32 $0x199A, s31  }
0x163: {  	s18 =	sadd.s32 $0x3D0, s17;
	p2 =	seq.s32 s2, $0x0;
	s8 =	smul.u32 $0x199A, s22  }
0x164: {  	s22 =	sadd.s32 $0x450, s17;
	s10 =	smov.u32 @p1 s12;
	s1 =	smov.u32 @p1 s13  }
0x165: {  	s13 =	sadd.s32 $0x3B0, s17;
	s12 =	sadd.s32 $0x3C0, s17;
	p1 =	seq.s32 s2, $0x1  }
0x166: {  	s10 =	smov.u32 @p0 s9;
	s1 =	smov.u32 @p0 s11;
	s9 =	sadd.s32 $0x380, s17  }
0x167: {  	s11 =	sadd.s32 $0x3A0, s17;
	s6 =	sshrl.u32 s6, $0xF;
	p0 =	seq.s32 s2, $0x2  }
0x168: {  	s20 =	spop (v2sf);
	(v2sf) =	vpush v4, $0x6;
	s8 =	sshrl.u32 s8, $0xF;
	s3 =	smul.u32 $0xFFFFB000, s6  }
0x169: {  	s6 =	sadd.s32 $0x3F0, s17;
	s5 =	smov.u32 @p0 s12;
	s4 =	spop (v2sf)  }
0x16a: {  	s8 =	smul.u32 $0xFFFFB000, s8;
	s24 =	sshrl.u32 s20, $0xC;
	v5 =	vld [tilespmem:s10+$0x0];
	s10 =	sadd.s32 $0x4F0, s17  }
0x16b: {  	v6 =	vld [tilespmem:s1+$0x0];
	s1 =	sadd.s32 $0x4B0, s17;
	s12 =	sadd.s32 $0x5B0, s17;
	s5 =	smov.u32 @p1 s11  }
0x16c: {  	s6 =	smov.u32 @p0 s18;
	s18 =	sadd.s32 $0x410, s17;
	s11 =	sadd.s32 $0x440, s17  }
0x16d: {  	s25 =	smul.u32 $0x199A, s24;
	s7 =	sadd.s32 s7, s3;
	s5 =	smov.u32 @p2 s9  }
0x16e: {  	s9 =	sadd.s32 $0x390, s17;
	s0 =	sadd.s32 s29, s8;
	s7 =	sshrl.u32 s7, $0xA  }
0x16f: {  	(v2sf) =	vpush v4, $0x7;
	s6 =	smov.u32 @p1 s13;
	s0 =	sshrl.u32 s0, $0xA;
	s7 =	smul.u32 $0x199A, s7  }
0x170: {  	s13 =	sadd.s32 $0x400, s17;
	s8 =	sadd.s32 $0x4E0, s17;
	s0 =	smul.u32 $0x199A, s0;
	[tilespmem:s17+$0x4300] =	vst v5  }
0x171: {  	s29 =	sshrl.u32 s4, $0xC;
	s6 =	smov.u32 @p2 s9;
	s9 =	sadd.s32 $0x5F0, s17;
	[tilespmem:s17+$0x4310] =	vst v6  }
0x172: {  	s23 =	sshrl.u32 s7, $0xF;
	s7 =	sadd.s32 $0x460, s17;
	s0 =	sshrl.u32 s0, $0xF;
	v5 =	vld [tilespmem:s5+$0x0]  }
0x173: {  	s5 =	sadd.s32 $0x530, s17;
	v6 =	vld [tilespmem:s6+$0x0];
	p0 =	seq.s32 s23, $0x2;
	p1 =	seq.s32 s23, $0x1  }
0x174: {  	p2 =	seq.s32 s23, $0x0;
	s7 =	smov.u32 @p0 s11;
	s11 =	sadd.s32 $0x470, s17  }
0x175: {  	s7 =	smov.u32 @p1 s19;
	s11 =	smov.u32 @p0 s22;
	s19 =	sadd.s32 $0x490, s17  }
0x176: {  	p0 =	seq.s32 s0, $0x0;
	s7 =	smov.u32 @p2 s13;
	s11 =	smov.u32 @p1 s21  }
0x177: {  	s21 =	sadd.s32 $0x4C0, s17;
	s13 =	sshrl.u32 s25, $0xF;
	[tilespmem:s17+$0x4380] =	vst v5;
	s26 =	spop (v2sf);
	(v2sf) =	vpush v4, $0x8  }
0x178: {  	p1 =	seq.s32 s0, $0x1;
	s11 =	smov.u32 @p2 s18;
	p2 =	seq.s32 s0, $0x2;
	[tilespmem:s17+$0x4390] =	vst v6  }
0x179: {  	s18 =	sadd.s32 $0x480, s17;
	s13 =	smul.u32 $0xFFFFB000, s13;
	s8 =	smov.u32 @p2 s21;
	v5 =	vld [tilespmem:s7+$0x0]  }
0x17a: {  	s21 =	sadd.s32 $0x4A0, s17;
	s7 =	sadd.s32 $0x5C0, s17;
	v6 =	vld [tilespmem:s11+$0x0];
	s11 =	sadd.s32 $0x5E0, s17  }
0x17b: {  	s13 =	sadd.s32 s20, s13;
	s20 =	sadd.s32 $0x4D0, s17;
	s8 =	smov.u32 @p1 s21  }
0x17c: {  	s21 =	sadd.s32 $0x520, s17;
	s13 =	sshrl.u32 s13, $0xA;
	s10 =	smov.u32 @p2 s20  }
0x17d: {  	s8 =	smov.u32 @p0 s18;
	s20 =	sadd.s32 $0x500, s17;
	s18 =	sadd.s32 $0x560, s17  }
0x17e: {  	s28 =	spop (v2sf);
	s13 =	smul.u32 $0x199A, s13;
	s10 =	smov.u32 @p1 s1  }
0x17f: {  	s1 =	smul.u32 $0x199A, s29;
	s30 =	sshrl.u32 s26, $0xC;
	s10 =	smov.u32 @p0 s19  }
0x180: {  	s19 =	sadd.s32 $0x540, s17;
	s2 =	smul.u32 $0x199A, s30;
	s13 =	sshrl.u32 s13, $0xF;
	[tilespmem:s17+$0x4400] =	vst v5  }
0x181: {  	s22 =	sshrl.u32 s28, $0xC;
	s1 =	sshrl.u32 s1, $0xF;
	[tilespmem:s17+$0x4410] =	vst v6;
	p0 =	seq.s32 s13, $0x0  }
0x182: {  	(v2sf) =	vpush v4, $0x9;
	p1 =	seq.s32 s13, $0x1;
	p2 =	seq.s32 s13, $0x2;
	s1 =	smul.u32 $0xFFFFB000, s1;
	v5 =	vld [tilespmem:s8+$0x0]  }
0x183: {  	s13 =	sadd.s32 $0x550, s17;
	v6 =	vld [tilespmem:s10+$0x0];
	s18 =	smov.u32 @p2 s19;
	s19 =	sadd.s32 $0x570, s17  }
0x184: {  	s8 =	sadd.s32 $0x640, s17;
	s1 =	sadd.s32 s4, s1;
	s19 =	smov.u32 @p2 s13  }
0x185: {  	s10 =	sadd.s32 $0x650, s17;
	s1 =	sshrl.u32 s1, $0xA;
	s19 =	smov.u32 @p1 s5  }
0x186: {  	s5 =	sshrl.u32 s2, $0xF;
	s1 =	smul.u32 $0x199A, s1;
	s31 =	spop (v2sf);
	(v2sf) =	vpush v4, $0xA  }
0x187: {  	s18 =	smov.u32 @p1 s21;
	s13 =	sadd.s32 $0x510, s17;
	s5 =	smul.u32 $0xFFFFB000, s5;
	[tilespmem:s17+$0x4480] =	vst v5  }
0x188: {  	s18 =	smov.u32 @p0 s20;
	s20 =	sadd.s32 $0x5A0, s17;
	s19 =	smov.u32 @p0 s13;
	[tilespmem:s17+$0x4490] =	vst v6  }
0x189: {  	s13 =	sadd.s32 $0x580, s17;
	s3 =	sshrl.u32 s1, $0xF;
	s5 =	sadd.s32 s26, s5;
	v5 =	vld [tilespmem:s18+$0x0]  }
0x18a: {  	v6 =	vld [tilespmem:s19+$0x0];
	s19 =	sadd.s32 $0x6C0, s17;
	s18 =	sadd.s32 $0x6A0, s17;
	p0 =	seq.s32 s3, $0x0  }
0x18b: {  	p1 =	seq.s32 s3, $0x1;
	p2 =	seq.s32 s3, $0x2;
	s5 =	sshrl.u32 s5, $0xA  }
0x18c: {  	s11 =	smov.u32 @p2 s7;
	s7 =	sadd.s32 $0x5D0, s17;
	s5 =	smul.u32 $0x199A, s5  }
0x18d: {  	s11 =	smov.u32 @p1 s20;
	s9 =	smov.u32 @p2 s7;
	s7 =	sadd.s32 $0x590, s17  }
0x18e: {  	s11 =	smov.u32 @p0 s13;
	s9 =	smov.u32 @p1 s12;
	s21 =	sshrl.u32 s5, $0xF  }
0x18f: {  	s13 =	sadd.s32 $0x620, s17;
	s5 =	smul.u32 $0x199A, s22;
	s9 =	smov.u32 @p0 s7  }
0x190: {  	s7 =	sadd.s32 $0x660, s17;
	p0 =	seq.s32 s21, $0x2;
	p1 =	seq.s32 s21, $0x1;
	[tilespmem:s17+$0x4500] =	vst v5  }
0x191: {  	[tilespmem:s17+$0x4510] =	vst v6;
	s4 =	spop (v2sf);
	s7 =	smov.u32 @p0 s8;
	s5 =	sshrl.u32 s5, $0xF  }
0x192: {  	s8 =	sadd.s32 $0x670, s17;
	v5 =	vld [tilespmem:s11+$0x0];
	s11 =	sadd.s32 $0x6D0, s17;
	s23 =	smul.u32 $0xFFFFB000, s5  }
0x193: {  	(v2sf) =	vpush v4, $0xB;
	v6 =	vld [tilespmem:s9+$0x0];
	s7 =	smov.u32 @p1 s13;
	s8 =	smov.u32 @p0 s10;
	s10 =	sadd.s32 $0x600, s17  }
0x194: {  	s13 =	sadd.s32 $0x630, s17;
	p0 =	seq.s32 s21, $0x0;
	s0 =	sadd.s32 s28, s23  }
0x195: {  	s8 =	smov.u32 @p1 s13;
	s0 =	sshrl.u32 s0, $0xA;
	s24 =	spop (v2sf);
	(v2sf) =	vpush v4, $0xC  }
0x196: {  	s13 =	sadd.s32 $0x610, s17;
	s28 =	sshrl.u32 s31, $0xC;
	s25 =	smul.u32 $0x199A, s0  }
0x197: {  	s7 =	smov.u32 @p0 s10;
	s10 =	sadd.s32 $0x6E0, s17;
	s29 =	smul.u32 $0x199A, s28;
	[tilespmem:s17+$0x4580] =	vst v5  }
0x198: {  	s8 =	smov.u32 @p0 s13;
	s13 =	sadd.s32 $0x680, s17;
	[tilespmem:s17+$0x4590] =	vst v6;
	s12 =	sshrl.u32 s25, $0xF  }
0x199: {  	s30 =	sshrl.u32 s29, $0xF;
	v5 =	vld [tilespmem:s7+$0x0];
	s7 =	sadd.s32 $0x750, s17;
	p0 =	seq.s32 s12, $0x0  }
0x19a: {  	v6 =	vld [tilespmem:s8+$0x0];
	p1 =	seq.s32 s12, $0x1;
	p2 =	seq.s32 s12, $0x2;
	s12 =	smul.u32 $0xFFFFB000, s30  }
0x19b: {  	s8 =	sadd.s32 $0x710, s17;
	s10 =	smov.u32 @p2 s19;
	s19 =	sadd.s32 $0x690, s17  }
0x19c: {  	s10 =	smov.u32 @p1 s18;
	s18 =	sadd.s32 $0x6B0, s17;
	s6 =	sadd.s32 s31, s12  }
0x19d: {  	s12 =	sadd.s32 $0x6F0, s17;
	s31 =	sshrl.u32 s4, $0xC;
	s10 =	smov.u32 @p0 s13  }
0x19e: {  	s12 =	smov.u32 @p2 s11;
	s6 =	sshrl.u32 s6, $0xA;
	s9 =	smul.u32 $0x199A, s31;
	[tilespmem:s17+$0x4600] =	vst v5  }
0x19f: {  	s11 =	sadd.s32 $0x700, s17;
	s13 =	sadd.s32 $0x720, s17;
	[tilespmem:s17+$0x4610] =	vst v6;
	s6 =	smul.u32 $0x199A, s6  }
0x1a0: {  	s12 =	smov.u32 @p1 s18;
	s18 =	sadd.s32 $0x740, s17;
	v5 =	vld [tilespmem:s10+$0x0];
	s10 =	sadd.s32 $0x7A0, s17  }
0x1a1: {  	s12 =	smov.u32 @p0 s19;
	s9 =	sshrl.u32 s9, $0xF;
	s6 =	sshrl.u32 s6, $0xF  }
0x1a2: {  	s9 =	smul.u32 $0xFFFFB000, s9;
	s26 =	spop (v2sf);
	p0 =	seq.s32 s6, $0x0  }
0x1a3: {  	p1 =	seq.s32 s6, $0x1;
	p2 =	seq.s32 s6, $0x2;
	s6 =	sadd.s32 $0x760, s17  }
0x1a4: {  	v6 =	vld [tilespmem:s12+$0x0];
	s6 =	smov.u32 @p2 s18;
	s18 =	sadd.s32 $0x770, s17;
	s3 =	spop (v2sf);
	(v2sf) =	vpush v4, $0xD  }
0x1a5: {  	s2 =	sadd.s32 s4, s9;
	s9 =	sadd.s32 $0x730, s17;
	s18 =	smov.u32 @p2 s7  }
0x1a6: {  	s6 =	smov.u32 @p1 s13;
	s4 =	sshrl.u32 s2, $0xA;
	s18 =	smov.u32 @p1 s9  }
0x1a7: {  	s7 =	smul.u32 $0x199A, s4;
	s6 =	smov.u32 @p0 s11;
	s11 =	sshrl.u32 s24, $0xC  }
0x1a8: {  	s12 =	sshrl.u32 s26, $0xC;
	[tilespmem:s17+$0x4680] =	vst v5;
	s18 =	smov.u32 @p0 s8;
	s8 =	smul.u32 $0x199A, s11  }
0x1a9: {  	s9 =	sadd.s32 $0x780, s17;
	s11 =	sadd.s32 $0x7C0, s17;
	[tilespmem:s17+$0x4690] =	vst v6;
	s7 =	sshrl.u32 s7, $0xF  }
0x1aa: {  	v5 =	vld [tilespmem:s6+$0x0];
	p0 =	seq.s32 s7, $0x0;
	p1 =	seq.s32 s7, $0x1;
	s8 =	sshrl.u32 s8, $0xF  }
0x1ab: {  	v6 =	vld [tilespmem:s18+$0x0];
	p2 =	seq.s32 s7, $0x2;
	s7 =	sadd.s32 $0x7E0, s17;
	s8 =	smul.u32 $0xFFFFB000, s8  }
0x1ac: {  	s6 =	sadd.s32 $0x820, s17;
	s7 =	smov.u32 @p2 s11;
	s11 =	sadd.s32 $0x790, s17  }
0x1ad: {  	s7 =	smov.u32 @p1 s10;
	s10 =	sadd.s32 $0x7D0, s17;
	s5 =	sadd.s32 s24, s8  }
0x1ae: {  	s7 =	smov.u32 @p0 s9;
	s9 =	sadd.s32 $0x7F0, s17;
	s5 =	sshrl.u32 s5, $0xA  }
0x1af: {  	s8 =	sadd.s32 $0x7B0, s17;
	s9 =	smov.u32 @p2 s10;
	[tilespmem:s17+$0x4700] =	vst v5;
	s5 =	smul.u32 $0x199A, s5  }
0x1b0: {  	s10 =	sadd.s32 $0x800, s17;
	[tilespmem:s17+$0x4710] =	vst v6;
	s9 =	smov.u32 @p1 s8;
	s8 =	smul.u32 $0x199A, s12  }
0x1b1: {  	s12 =	sadd.s32 $0x860, s17;
	v5 =	vld [tilespmem:s7+$0x0];
	s7 =	sadd.s32 $0x810, s17;
	s9 =	smov.u32 @p0 s11  }
0x1b2: {  	s11 =	sadd.s32 $0x840, s17;
	s13 =	sshrl.u32 s5, $0xF;
	s19 =	sshrl.u32 s8, $0xF  }
0x1b3: {  	v6 =	vld [tilespmem:s9+$0x0];
	s9 =	sadd.s32 $0x8C0, s17;
	s8 =	smul.u32 $0xFFFFB000, s19;
	s20 =	spop (v2sf);
	(v2sf) =	vpush v4, $0xE  }
0x1b4: {  	p0 =	seq.s32 s13, $0x0;
	p2 =	seq.s32 s13, $0x2;
	p1 =	seq.s32 s13, $0x1  }
0x1b5: {  	s12 =	smov.u32 @p2 s11;
	s11 =	sadd.s32 $0x830, s17;
	s0 =	sadd.s32 s26, s8  }
0x1b6: {  	s8 =	sadd.s32 $0x850, s17;
	s12 =	smov.u32 @p1 s6;
	s6 =	sadd.s32 $0x870, s17  }
0x1b7: {  	s21 =	sshrl.u32 s3, $0xC;
	s0 =	sshrl.u32 s0, $0xA;
	s6 =	smov.u32 @p2 s8  }
0x1b8: {  	s8 =	smul.u32 $0x199A, s21;
	s12 =	smov.u32 @p0 s10;
	s10 =	sadd.s32 $0x8E0, s17  }
0x1b9: {  	[tilespmem:s17+$0x4780] =	vst v5;
	s0 =	smul.u32 $0x199A, s0;
	s6 =	smov.u32 @p1 s11;
	s11 =	sadd.s32 $0x8A0, s17  }
0x1ba: {  	[tilespmem:s17+$0x4790] =	vst v6;
	s6 =	smov.u32 @p0 s7;
	s7 =	sadd.s32 $0x880, s17;
	s8 =	sshrl.u32 s8, $0xF  }
0x1bb: {  	v5 =	vld [tilespmem:s12+$0x0];
	s12 =	sadd.s32 $0x940, s17;
	s0 =	sshrl.u32 s0, $0xF;
	s8 =	smul.u32 $0xFFFFB000, s8  }
0x1bc: {  	v6 =	vld [tilespmem:s6+$0x0];
	s6 =	sadd.s32 $0x900, s17;
	p0 =	seq.s32 s0, $0x2;
	p1 =	seq.s32 s0, $0x1  }
0x1bd: {  	p2 =	seq.s32 s0, $0x0;
	s10 =	smov.u32 @p0 s9;
	s1 =	sadd.s32 s3, s8  }
0x1be: {  	s8 =	sadd.s32 $0x8D0, s17;
	s10 =	smov.u32 @p1 s11;
	s11 =	sadd.s32 $0x8F0, s17  }
0x1bf: {  	s9 =	sadd.s32 $0x8B0, s17;
	s1 =	sshrl.u32 s1, $0xA;
	s11 =	smov.u32 @p0 s8  }
0x1c0: {  	s22 =	smul.u32 $0x199A, s1;
	s1 =	sadd.s32 $0x890, s17;
	s10 =	smov.u32 @p2 s7  }
0x1c1: {  	s8 =	sadd.s32 $0x910, s17;
	s11 =	smov.u32 @p1 s9;
	s23 =	sshrl.u32 s20, $0xC  }
0x1c2: {  	s11 =	smov.u32 @p2 s1;
	s1 =	smul.u32 $0x199A, s23;
	s24 =	spop (v2sf);
	(v2sf) =	vpush v4, $0xF  }
0x1c3: {  	[tilespmem:s17+$0x4800] =	vst v5;
	s7 =	sadd.s32 $0xA20, s17;
	s9 =	sadd.s32 $0x920, s17;
	s0 =	sshrl.u32 s22, $0xF  }
0x1c4: {  	[tilespmem:s17+$0x4810] =	vst v6;
	p0 =	seq.s32 s0, $0x0;
	p1 =	seq.s32 s0, $0x1;
	s1 =	sshrl.u32 s1, $0xF  }
0x1c5: {  	p2 =	seq.s32 s0, $0x2;
	s0 =	sadd.s32 $0x960, s17;
	v5 =	vld [tilespmem:s11+$0x0];
	s1 =	smul.u32 $0xFFFFB000, s1  }
0x1c6: {  	s11 =	sadd.s32 $0x970, s17;
	s0 =	smov.u32 @p2 s12;
	s12 =	sadd.s32 $0x950, s17;
	v4 =	vld [tilespmem:s10+$0x0]  }
0x1c7: {  	s0 =	smov.u32 @p1 s9;
	s11 =	smov.u32 @p2 s12;
	s1 =	sadd.s32 s20, s1  }
0x1c8: {  	s9 =	sadd.s32 $0x9A0, s17;
	s12 =	sadd.s32 $0x9D0, s17;
	s1 =	sshrl.u32 s1, $0xA  }
0x1c9: {  	s0 =	smov.u32 @p0 s6;
	s1 =	smul.u32 $0x199A, s1;
	s25 =	sshrl.u32 s24, $0xC  }
0x1ca: {  	s6 =	sadd.s32 $0x980, s17;
	s10 =	sadd.s32 $0x930, s17;
	[tilespmem:s17+$0x4890] =	vst v5;
	s5 =	smul.u32 $0x199A, s25  }
0x1cb: {  	s1 =	sshrl.u32 s1, $0xF;
	s11 =	smov.u32 @p1 s10;
	s10 =	sadd.s32 $0x9C0, s17;
	[tilespmem:s17+$0x4880] =	vst v4  }
0x1cc: {  	p1 =	seq.s32 s1, $0x1;
	s11 =	smov.u32 @p0 s8;
	s5 =	sshrl.u32 s5, $0xF;
	v4 =	vld [tilespmem:s0+$0x0]  }
0x1cd: {  	p0 =	seq.s32 s1, $0x2;
	s5 =	smul.u32 $0xFFFFB000, s5;
	s0 =	sadd.s32 $0x9E0, s17;
	v5 =	vld [tilespmem:s11+$0x0]  }
0x1ce: {  	s8 =	sadd.s32 $0x990, s17;
	s11 =	sadd.s32 $0x9B0, s17;
	s0 =	smov.u32 @p0 s10  }
0x1cf: {  	s10 =	sadd.s32 $0x9F0, s17;
	s5 =	sadd.s32 s24, s5;
	s0 =	smov.u32 @p1 s9  }
0x1d0: {  	s10 =	smov.u32 @p0 s12;
	s5 =	sshrl.u32 s5, $0xA;
	p0 =	seq.s32 s1, $0x0  }
0x1d1: {  	s9 =	sadd.s32 $0xA40, s17;
	s26 =	smul.u32 $0x199A, s5;
	[tilespmem:s17+$0x4900] =	vst v4;
	s28 =	spop (v2sf)  }
0x1d2: {  	s0 =	smov.u32 @p0 s6;
	s10 =	smov.u32 @p1 s11;
	[tilespmem:s17+$0x4910] =	vst v5;
	s29 =	sshrl.u32 s28, $0xC  }
0x1d3: {  	s12 =	sadd.s32 $0xA70, s17;
	s10 =	smov.u32 @p0 s8;
	v4 =	vld [tilespmem:s0+$0x0];
	s6 =	smul.u32 $0x199A, s29  }
0x1d4: {  	s11 =	sadd.s32 $0xA60, s17;
	s8 =	sadd.s32 $0xA30, s17;
	s1 =	sshrl.u32 s26, $0xF;
	v5 =	vld [tilespmem:s10+$0x0]  }
0x1d5: {  	s0 =	sadd.s32 $0xA00, s17;
	s10 =	sadd.s32 $0xA50, s17;
	s6 =	sshrl.u32 s6, $0xF  }
0x1d6: {  	p0 =	seq.s32 s1, $0x2;
	p1 =	seq.s32 s1, $0x1;
	s6 =	smul.u32 $0xFFFFB000, s6  }
0x1d7: {  	p2 =	seq.s32 s1, $0x0;
	s1 =	sadd.s32 $0xA10, s17;
	s11 =	smov.u32 @p0 s9  }
0x1d8: {  	s12 =	smov.u32 @p0 s10;
	s11 =	smov.u32 @p1 s7;
	[tilespmem:s17+$0x4980] =	vst v4;
	s30 =	sadd.s32 s28, s6  }
0x1d9: {  	s12 =	smov.u32 @p1 s8;
	s11 =	smov.u32 @p2 s0;
	[tilespmem:s17+$0x4990] =	vst v5;
	s31 =	sshrl.u32 s30, $0xA  }
0x1da: {  	s12 =	smov.u32 @p2 s1;
	v4 =	vld [tilespmem:s11+$0x0];
	s0 =	smul.u32 $0x199A, s31  }
0x1db: {  	s5 =	sadd.s32 $0xAA0, s17;
	s9 =	sadd.s32 $0xAE0, s17;
	v5 =	vld [tilespmem:s12+$0x0]  }
0x1dc: {  	s10 =	sadd.s32 $0xAF0, s17;
	s7 =	sadd.s32 $0xAC0, s17;
	s0 =	sshrl.u32 s0, $0xF  }
0x1dd: {  	s8 =	sadd.s32 $0xAD0, s17;
	s1 =	sadd.s32 $0xA80, s17;
	p0 =	seq.s32 s0, $0x2  }
0x1de: {  	s6 =	sadd.s32 $0xAB0, s17;
	p1 =	seq.s32 s0, $0x1;
	s9 =	smov.u32 @p0 s7  }
0x1df: {  	[tilespmem:s17+$0x4A00] =	vst v4;
	p2 =	seq.s32 s0, $0x0;
	s10 =	smov.u32 @p0 s8;
	s9 =	smov.u32 @p1 s5  }
0x1e0: {  	[tilespmem:s17+$0x4A10] =	vst v5;
	s0 =	sadd.s32 $0xA90, s17;
	s10 =	smov.u32 @p1 s6;
	s9 =	smov.u32 @p2 s1  }
0x1e1: {  	s10 =	smov.u32 @p2 s0;
	v4 =	vld [tilespmem:s9+$0x0]  }
0x1e2: {  	p0 =	sne.s32 s16, $0xE000;
	v5 =	vld [tilespmem:s10+$0x0]  }
.Ltmp2:
0x1e3: {  	_ = 	snop;
	(pc) =	sbr.rel @p0 .LBB2_6-.Ltmp2, $3  }
0x1e4: {  	_ =	sdelay $0x1  }
0x1e5: {  	[tilespmem:s17+$0x4A80] =	vst v4  }
0x1e6: {  	s15 =	sadd.s32 $0x10, s15;
	s16 =	sadd.s32 $0x2000, s16;
	[tilespmem:s17+$0x4A90] =	vst v5  }
0x1e7: {  	s0 =	simm.s32 $0x1C300;
	s16 =	simm.s32 $0x80;
	s17 =	simm.s32 $0x8700  }
.LBB2_8:
0x1e8: {  	v4 =	vld [tilespmem:s16+$0x0];
	_ =	sdelay $0x4  }
0x1e9: {  	(v2sf) =	vpush v4, $0x0;
	_ =	sdelay $0x1  }
0x1ea: {  	(v2sf) =	vpush v4, $0x1;
	_ =	sdelay $0x5  }
0x1eb: {  	(v2sf) =	vpush v4, $0x2;
	_ =	sdelay $0x6  }
0x1ec: {  	s3 =	spop (v2sf)  }
0x1ed: {  	[dreg:$0xa] =	wrdreg s0;
	s1 =	sshrl.u32 s3, $0xC  }
0x1ee: {  	s5 =	sshrl.u32 s14, $0x8;
	s4 =	spop (v2sf);
	s1 =	smul.u32 $0x199A, s1  }
0x1ef: {  	s7 =	sadd.s32 $0xFFFFFC10, s17;
	s8 =	sadd.s32 $0xFFFFFC20, s17;
	s6 =	sshrl.u32 s4, $0xC  }
0x1f0: {  	s9 =	sadd.s32 $0xFFFFFC30, s17;
	(v2sf) =	vpush v4, $0x3;
	s11 =	smul.u32 $0x199A, s6;
	s1 =	sshrl.u32 s1, $0xF  }
0x1f1: {  	s10 =	sadd.s32 $0xFFFFFC40, s17;
	s20 =	sadd.s32 $0xFFFFFC60, s17;
	s1 =	smul.u32 $0xFFFFB000, s1  }
0x1f2: {  	s19 =	sadd.s32 $0xFFFFFC70, s17;
	s18 =	sand.u32 $0x7F80, s5;
	s5 =	sshrl.u32 s11, $0xF  }
0x1f3: {  	s15 =	sadd.s32 $0x199A, s14;
	s5 =	smul.u32 $0xFFFFB000, s5;
	s0 =	sadd.s32 s3, s1  }
0x1f4: {  	s22 =	sadd.s32 $0xFFFFFCE0, s17;
	s12 =	spop (v2sf);
	(v2sf) =	vpush v4, $0x4;
	s0 =	sshrl.u32 s0, $0xA  }
0x1f5: {  	s21 =	sadd.s32 $0xFFFFFCF0, s17;
	v5 =	vld [tilespmem:s18+$0x4300];
	s1 =	sadd.s32 s4, s5;
	s0 =	smul.u32 $0x199A, s0  }
0x1f6: {  	v6 =	vld [tilespmem:s18+$0x4310];
	s18 =	sadd.s32 $0x160, s17;
	s6 =	sadd.s32 $0xFFFFFC00, s17;
	s1 =	sshrl.u32 s1, $0xA  }
0x1f7: {  	s13 =	sshrl.u32 s12, $0xC;
	s1 =	smul.u32 $0x199A, s1;
	s0 =	sshrl.u32 s0, $0xF  }
0x1f8: {  	s11 =	sadd.s32 $0xFFFFFC50, s17;
	s5 =	sadd.s32 $0xFFFFFD30, s17;
	p1 =	seq.s32 s0, $0x2  }
0x1f9: {  	p0 =	seq.s32 s0, $0x1;
	s1 =	sshrl.u32 s1, $0xF;
	s20 =	smov.u32 @p1 s10  }
0x1fa: {  	s19 =	smov.u32 @p1 s11;
	s10 =	sadd.s32 $0xFFFFFCC0, s17;
	s11 =	sadd.s32 $0xFFFFFCD0, s17  }
0x1fb: {  	p1 =	seq.s32 s1, $0x1;
	p2 =	seq.s32 s1, $0x0;
	s20 =	smov.u32 @p0 s8  }
0x1fc: {  	s19 =	smov.u32 @p0 s9;
	p0 =	seq.s32 s0, $0x0;
	s8 =	sadd.s32 $0xFFFFFCA0, s17  }
0x1fd: {  	s9 =	sadd.s32 $0xFFFFFCB0, s17;
	s20 =	smov.u32 @p0 s6;
	s19 =	smov.u32 @p0 s7  }
0x1fe: {  	s6 =	smul.u32 $0x199A, s13;
	s7 =	sadd.s32 $0xFFFFFC80, s17;
	p0 =	seq.s32 s1, $0x2  }
0x1ff: {  	s22 =	smov.u32 @p0 s10;
	s24 =	spop (v2sf);
	s21 =	smov.u32 @p0 s11  }
0x200: {  	s10 =	sadd.s32 $0xFFFFFD50, s17;
	s11 =	sadd.s32 $0xFFFFFDC0, s17;
	v7 =	vld [tilespmem:s20+$0x0];
	s20 =	sadd.s32 $0x150, s17  }
0x201: {  	v8 =	vld [tilespmem:s19+$0x0];
	s19 =	sadd.s32 $0x170, s17;
	s6 =	sshrl.u32 s6, $0xF;
	s22 =	smov.u32 @p1 s8  }
0x202: {  	s25 =	sshrl.u32 s24, $0xC;
	s21 =	smov.u32 @p1 s9;
	s6 =	smul.u32 $0xFFFFB000, s6  }
0x203: {  	s8 =	sadd.s32 $0xFFFFFD20, s17;
	s9 =	sadd.s32 $0xFFFFFD40, s17;
	s28 =	spop (v2sf)  }
0x204: {  	s22 =	smov.u32 @p2 s7;
	s7 =	sadd.s32 $0xFFFFFC90, s17;
	s23 =	sadd.s32 s12, s6  }
0x205: {  	(v2sf) =	vpush v4, $0x5;
	s29 =	sshrl.u32 s28, $0xC;
	s6 =	smul.u32 $0x199A, s25;
	s1 =	sshrl.u32 s23, $0xA  }
0x206: {  	s21 =	smov.u32 @p2 s7;
	s7 =	sadd.s32 $0xFFFFFD00, s17;
	s1 =	smul.u32 $0x199A, s1  }
0x207: {  	(v2sf) =	vpush v4, $0x6;
	v11 =	vld [tilespmem:s22+$0x0];
	s22 =	sadd.s32 $0xB336, s14;
	s25 =	sadd.s32 $0xFFFFFDE0, s17;
	s6 =	sshrl.u32 s6, $0xF  }
0x208: {  	s12 =	sadd.s32 $0xFFFFFE50, s17;
	s6 =	smul.u32 $0xFFFFB000, s6;
	s1 =	sshrl.u32 s1, $0xF  }
0x209: {  	s23 =	sadd.s32 $0xFFFFFD60, s17;
	p0 =	seq.s32 s1, $0x2;
	p1 =	seq.s32 s1, $0x1  }
0x20a: {  	p2 =	seq.s32 s1, $0x0;
	s26 =	sadd.s32 s24, s6;
	s24 =	sadd.s32 $0xFFFFFD70, s17  }
0x20b: {  	s6 =	sadd.s32 $0xFFFFFD10, s17;
	s23 =	smov.u32 @p0 s9;
	s1 =	sshrl.u32 s26, $0xA  }
0x20c: {  	s24 =	smov.u32 @p0 s10;
	s9 =	sadd.s32 $0xFFFFFDA0, s17;
	s10 =	sadd.s32 $0xFFFFFDB0, s17  }
0x20d: {  	s26 =	sadd.s32 $0xFFFFFDF0, s17;
	s23 =	smov.u32 @p1 s8;
	s1 =	smul.u32 $0x199A, s1  }
0x20e: {  	s24 =	smov.u32 @p1 s5;
	s8 =	sadd.s32 $0xFFFFFD90, s17;
	s23 =	smov.u32 @p2 s7  }
0x20f: {  	s24 =	smov.u32 @p2 s6;
	s7 =	sadd.s32 $0xFFFFFD80, s17;
	s6 =	smul.u32 $0x199A, s29  }
0x210: {  	s29 =	sadd.s32 $0xFFFFFE60, s17;
	s1 =	sshrl.u32 s1, $0xF;
	v15 =	vld [tilespmem:s23+$0x0];
	s23 =	sadd.s32 $0xE66A, s14  }
0x211: {  	p0 =	seq.s32 s1, $0x2;
	s6 =	sshrl.u32 s6, $0xF;
	p1 =	seq.s32 s1, $0x1  }
0x212: {  	v17 =	vld [tilespmem:s24+$0x0];
	p2 =	seq.s32 s1, $0x0;
	s24 =	sshrl.u32 s23, $0x8;
	s23 =	sadd.s32 $0x1C0, s17  }
0x213: {  	s25 =	smov.u32 @p0 s11;
	s6 =	smul.u32 $0xFFFFB000, s6;
	s11 =	sadd.s32 $0xFFFFFDD0, s17  }
0x214: {  	s31 =	spop (v2sf);
	s25 =	smov.u32 @p1 s9;
	s26 =	smov.u32 @p0 s11  }
0x215: {  	s2 =	sshrl.u32 s31, $0xC;
	s11 =	sshrl.u32 s15, $0x8;
	s9 =	sadd.s32 $0xFFFFFE30, s17  }
0x216: {  	s4 =	spop (v2sf);
	s25 =	smov.u32 @p2 s7;
	s30 =	sadd.s32 s28, s6  }
0x217: {  	s26 =	smov.u32 @p1 s10;
	s3 =	smul.u32 $0x199A, s2;
	s1 =	sshrl.u32 s30, $0xA  }
0x218: {  	s6 =	sadd.s32 $0xFFFFFE00, s17;
	s7 =	sadd.s32 $0xFFFFFE10, s17;
	s1 =	smul.u32 $0x199A, s1  }
0x219: {  	(v2sf) =	vpush v4, $0x7;
	s10 =	sadd.s32 $0xFFFFFE40, s17;
	s28 =	sadd.s32 $0xFFFFFE70, s17;
	s0 =	sshrl.u32 s3, $0xF  }
0x21a: {  	s26 =	smov.u32 @p2 s8;
	s0 =	smul.u32 $0xFFFFB000, s0;
	s1 =	sshrl.u32 s1, $0xF  }
0x21b: {  	(v2sf) =	vpush v4, $0x8;
	s8 =	sadd.s32 $0xFFFFFE20, s17;
	s30 =	sadd.s32 $0xFFFFFEF0, s17;
	p0 =	seq.s32 s1, $0x2  }
0x21c: {  	p1 =	seq.s32 s1, $0x1;
	s0 =	sadd.s32 s31, s0;
	s31 =	sadd.s32 $0xFFFFFEE0, s17  }
0x21d: {  	s29 =	smov.u32 @p0 s10;
	s28 =	smov.u32 @p0 s12;
	s0 =	sshrl.u32 s0, $0xA  }
0x21e: {  	p0 =	seq.s32 s1, $0x0;
	s12 =	sshrl.u32 s4, $0xC;
	s10 =	sadd.s32 $0xFFFFFED0, s17  }
0x21f: {  	s1 =	sadd.s32 $0xFFFFFF70, s17;
	s29 =	smov.u32 @p1 s8;
	s0 =	smul.u32 $0x199A, s0  }
0x220: {  	s28 =	smov.u32 @p1 s9;
	s5 =	smul.u32 $0x199A, s12;
	s8 =	sadd.s32 $0xFFFFFEB0, s17  }
0x221: {  	s9 =	sadd.s32 $0xFFFFFEC0, s17;
	s29 =	smov.u32 @p0 s6;
	s28 =	smov.u32 @p0 s7  }
0x222: {  	s6 =	sadd.s32 $0xFFFFFE80, s17;
	s0 =	sshrl.u32 s0, $0xF;
	s5 =	sshrl.u32 s5, $0xF  }
0x223: {  	s7 =	sadd.s32 $0xFFFFFEA0, s17;
	p0 =	seq.s32 s0, $0x2;
	s5 =	smul.u32 $0xFFFFB000, s5  }
0x224: {  	p1 =	seq.s32 s0, $0x1;
	p2 =	seq.s32 s0, $0x0;
	s31 =	smov.u32 @p0 s9  }
0x225: {  	s30 =	smov.u32 @p0 s10;
	s9 =	sadd.s32 $0xFFFFFF40, s17;
	s10 =	sadd.s32 $0xFFFFFF50, s17  }
0x226: {  	s31 =	smov.u32 @p1 s7;
	s13 =	sadd.s32 s4, s5;
	s30 =	smov.u32 @p1 s8  }
0x227: {  	s7 =	sadd.s32 $0xFFFFFF00, s17;
	s8 =	sadd.s32 $0xFFFFFF20, s17;
	s31 =	smov.u32 @p2 s6  }
0x228: {  	s0 =	sshrl.u32 s13, $0xA;
	s15 =	spop (v2sf);
	(v2sf) =	vpush v4, $0x9;
	s6 =	sadd.s32 $0xFFFFFE90, s17  }
0x229: {  	s0 =	smul.u32 $0x199A, s0;
	s2 =	sshrl.u32 s15, $0xC;
	s30 =	smov.u32 @p2 s6  }
0x22a: {  	s6 =	sadd.s32 $0xFFFFFF30, s17;
	s4 =	spop (v2sf);
	s5 =	smul.u32 $0x199A, s2  }
0x22b: {  	s13 =	sshrl.u32 s4, $0xC;
	s3 =	sshrl.u32 s0, $0xF;
	s0 =	sadd.s32 $0xFFFFFF60, s17  }
0x22c: {  	s5 =	sshrl.u32 s5, $0xF;
	p0 =	seq.s32 s3, $0x2;
	p1 =	seq.s32 s3, $0x1  }
0x22d: {  	s5 =	smul.u32 $0xFFFFB000, s5;
	s0 =	smov.u32 @p0 s9;
	s1 =	smov.u32 @p0 s10  }
0x22e: {  	p2 =	seq.s32 s3, $0x0;
	s0 =	smov.u32 @p1 s8;
	s1 =	smov.u32 @p1 s6  }
0x22f: {  	s5 =	sadd.s32 s15, s5;
	s0 =	smov.u32 @p2 s7;
	s7 =	sadd.s32 $0xFFFFFF10, s17  }
0x230: {  	s5 =	sshrl.u32 s5, $0xA;
	s1 =	smov.u32 @p2 s7;
	s7 =	smul.u32 $0x199A, s13  }
0x231: {  	v19 =	vld [tilespmem:s25+$0x0];
	s25 =	sadd.s32 $0x10004, s14;
	s12 =	sadd.s32 $0xFFFFFFA0, s17;
	s5 =	smul.u32 $0x199A, s5  }
0x232: {  	(v2sf) =	vpush v4, $0xA;
	s2 =	sadd.s32 $0xFFFFFFC0, s17;
	s9 =	sadd.s32 $0xFFFFFF90, s17;
	s10 =	sadd.s32 $0xFFFFFFE0, s17  }
0x233: {  	s8 =	sadd.s32 $0xFFFFFF80, s17;
	s7 =	sshrl.u32 s7, $0xF;
	s5 =	sshrl.u32 s5, $0xF  }
0x234: {  	s13 =	sadd.s32 $0xFFFFFFB0, s17;
	s15 =	smul.u32 $0xFFFFB000, s7;
	p0 =	seq.s32 s5, $0x2  }
0x235: {  	v31 =	vld [tilespmem:s0+$0x0];
	s0 =	sadd.s32 $0x260, s17;
	p1 =	seq.s32 s5, $0x1;
	s10 =	smov.u32 @p0 s2  }
0x236: {  	s7 =	sadd.s32 $0xFFFFFFD0, s17;
	s2 =	sadd.s32 s4, s15;
	s10 =	smov.u32 @p1 s12  }
0x237: {  	s12 =	sadd.s32 $0xFFFFFFF0, s17;
	s2 =	sshrl.u32 s2, $0xA;
	s3 =	spop (v2sf)  }
0x238: {  	s12 =	smov.u32 @p0 s7;
	p0 =	seq.s32 s5, $0x0;
	s2 =	smul.u32 $0x199A, s2  }
0x239: {  	s5 =	sadd.s32 $0x70, s17;
	s7 =	sadd.s32 $0x40, s17;
	s4 =	sshrl.u32 s3, $0xC  }
0x23a: {  	s12 =	smov.u32 @p1 s13;
	s10 =	smov.u32 @p0 s8;
	s13 =	sadd.s32 $0x30, s17  }
0x23b: {  	s8 =	sadd.s32 $0x50, s17;
	s6 =	smul.u32 $0x199A, s4;
	s12 =	smov.u32 @p0 s9  }
0x23c: {  	s2 =	sshrl.u32 s2, $0xF;
	s9 =	sadd.s32 $0x20, s17;
	v35 =	vld [tilespmem:s10+$0x0];
	s10 =	sadd.s32 $0x340, s17  }
0x23d: {  	p1 =	seq.s32 s2, $0x2;
	p2 =	seq.s32 s2, $0x1;
	s15 =	sshrl.u32 s6, $0xF  }
0x23e: {  	p0 =	seq.s32 s2, $0x0;
	v36 =	vld [tilespmem:s12+$0x0];
	s12 =	sadd.s32 $0x13338, s14;
	s4 =	smul.u32 $0xFFFFB000, s15  }
0x23f: {  	s6 =	sadd.s32 $0x10, s17;
	s5 =	smov.u32 @p1 s8;
	s8 =	sadd.s32 $0x60, s17  }
0x240: {  	s8 =	smov.u32 @p1 s7;
	s5 =	smov.u32 @p2 s13;
	s3 =	sadd.s32 s3, s4  }
0x241: {  	s13 =	spop (v2sf);
	s7 =	sadd.s32 $0xF0, s17;
	s3 =	sshrl.u32 s3, $0xA  }
0x242: {  	s15 =	sadd.s32 $0x3334, s14;
	s8 =	smov.u32 @p2 s9;
	s3 =	smul.u32 $0x199A, s3  }
0x243: {  	s5 =	smov.u32 @p0 s6;
	s9 =	sadd.s32 $0xD0, s17;
	s6 =	sadd.s32 $0xE0, s17  }
0x244: {  	(v2sf) =	vpush v4, $0xB;
	s4 =	sshrl.u32 s13, $0xC;
	s8 =	smov.u32 @p0 s17;
	s2 =	sshrl.u32 s3, $0xF  }
0x245: {  	v38 =	vld [tilespmem:s8+$0x0];
	s8 =	sadd.s32 $0x210, s17;
	s3 =	sadd.s32 $0xC0, s17;
	p1 =	seq.s32 s2, $0x2  }
0x246: {  	p2 =	seq.s32 s2, $0x1;
	s6 =	smov.u32 @p1 s3;
	s3 =	smul.u32 $0x199A, s4  }
0x247: {  	(v2sf) =	vpush v4, $0xC;
	s4 =	sand.u32 $0x7F80, s11;
	s7 =	smov.u32 @p1 s9;
	s9 =	sshrl.u32 s15, $0x8  }
0x248: {  	p1 =	seq.s32 s2, $0x0;
	s2 =	sadd.s32 $0xA0, s17;
	s3 =	sshrl.u32 s3, $0xF  }
0x249: {  	v13 =	vld [tilespmem:s21+$0x0];
	s11 =	sadd.s32 $0x4CCE, s14;
	s15 =	sadd.s32 $0x6668, s14;
	s3 =	smul.u32 $0xFFFFB000, s3  }
0x24a: {  	v21 =	vld [tilespmem:s26+$0x0];
	s9 =	sand.u32 $0x7F80, s9;
	s6 =	smov.u32 @p2 s2;
	s2 =	sshrl.u32 s11, $0x8  }
0x24b: {  	v39 =	vld [tilespmem:s5+$0x0];
	s11 =	sadd.s32 $0x80, s17;
	s2 =	sand.u32 $0x7F80, s2;
	s3 =	sadd.s32 s13, s3  }
0x24c: {  	s6 =	smov.u32 @p1 s11;
	s11 =	sadd.s32 $0xB0, s17;
	v16 =	vld [tilespmem:s2+$0x4300];
	s3 =	sshrl.u32 s3, $0xA  }
0x24d: {  	s7 =	smov.u32 @p2 s11;
	s11 =	sshrl.u32 s15, $0x8;
	v18 =	vld [tilespmem:s2+$0x4310];
	s3 =	smul.u32 $0x199A, s3  }
0x24e: {  	s15 =	sadd.s32 $0x999C, s14;
	s2 =	sadd.s32 $0x100, s17;
	v42 =	vld [tilespmem:s6+$0x0];
	s6 =	sadd.s32 $0x2C0, s17  }
0x24f: {  	(v2sf) =	vpush v4, $0xD;
	v9 =	vld [tilespmem:s4+$0x4300];
	s11 =	sand.u32 $0x7F80, s11;
	s13 =	sadd.s32 $0x90, s17;
	s3 =	sshrl.u32 s3, $0xF  }
0x250: {  	v20 =	vld [tilespmem:s11+$0x4300];
	s7 =	smov.u32 @p1 s13;
	s13 =	sadd.s32 $0x140, s17;
	p1 =	seq.s32 s3, $0x2  }
0x251: {  	v22 =	vld [tilespmem:s11+$0x4310];
	s11 =	sadd.s32 $0x1E0, s17;
	p2 =	seq.s32 s3, $0x1;
	s18 =	smov.u32 @p1 s13  }
0x252: {  	v10 =	vld [tilespmem:s4+$0x4310];
	s19 =	smov.u32 @p1 s20;
	s20 =	sadd.s32 $0x8002, s14;
	s13 =	sshrl.u32 s15, $0x8  }
0x253: {  	v12 =	vld [tilespmem:s9+$0x4300];
	s15 =	spop (v2sf);
	p1 =	seq.s32 s3, $0x0;
	s3 =	sadd.s32 $0x120, s17  }
0x254: {  	v14 =	vld [tilespmem:s9+$0x4310];
	s4 =	sshrl.u32 s20, $0x8;
	s18 =	smov.u32 @p2 s3;
	s13 =	sand.u32 $0x7F80, s13  }
0x255: {  	s21 =	sshrl.u32 s15, $0xC;
	s20 =	sshrl.u32 s22, $0x8;
	s22 =	sadd.s32 $0xCCD0, s14;
	v28 =	vld [tilespmem:s13+$0x4300]  }
0x256: {  	s3 =	smul.u32 $0x199A, s21;
	s21 =	spop (v2sf);
	s4 =	sand.u32 $0x7F80, s4;
	v30 =	vld [tilespmem:s13+$0x4310]  }
0x257: {  	(v2sf) =	vpush v4, $0xE;
	s9 =	sand.u32 $0x7F80, s20;
	s20 =	sshrl.u32 s22, $0x8;
	s18 =	smov.u32 @p1 s2;
	v24 =	vld [tilespmem:s4+$0x4300]  }
0x258: {  	s13 =	sadd.s32 $0x14CD2, s14;
	s22 =	sand.u32 $0x7F80, s20;
	v26 =	vld [tilespmem:s4+$0x4310];
	s3 =	sshrl.u32 s3, $0xF  }
0x259: {  	s20 =	sand.u32 $0x7F80, s24;
	v32 =	vld [tilespmem:s9+$0x4300];
	s5 =	sshrl.u32 s13, $0x8;
	s3 =	smul.u32 $0xFFFFB000, s3  }
0x25a: {  	s26 =	sshrl.u32 s21, $0xC;
	s4 =	sadd.s32 $0x1D0, s17;
	v34 =	vld [tilespmem:s9+$0x4310];
	s5 =	sand.u32 $0x7F80, s5  }
0x25b: {  	s9 =	sadd.s32 $0x220, s17;
	v56 =	vld [tilespmem:s5+$0x4300];
	s3 =	sadd.s32 s15, s3;
	s15 =	sadd.s32 $0x130, s17  }
0x25c: {  	v57 =	vld [tilespmem:s5+$0x4310];
	s5 =	sadd.s32 $0x3C0, s17;
	s19 =	smov.u32 @p2 s15;
	s24 =	sshrl.u32 s3, $0xA  }
0x25d: {  	s3 =	sadd.s32 $0x110, s17;
	s15 =	sshrl.u32 s25, $0x8;
	s2 =	smul.u32 $0x199A, s24  }
0x25e: {  	s24 =	spop (v2sf);
	s19 =	smov.u32 @p1 s3;
	s3 =	smul.u32 $0x199A, s26  }
0x25f: {  	s25 =	sand.u32 $0x7F80, s15;
	s26 =	sadd.s32 $0x1199E, s14;
	s2 =	sshrl.u32 s2, $0xF  }
0x260: {  	v23 =	vld [tilespmem:s29+$0x0];
	s29 =	sshrl.u32 s3, $0xF;
	p0 =	seq.s32 s2, $0x0;
	p1 =	seq.s32 s2, $0x1  }
0x261: {  	p2 =	seq.s32 s2, $0x2;
	s2 =	smul.u32 $0xFFFFB000, s29;
	s29 =	sshrl.u32 s24, $0xC  }
0x262: {  	v33 =	vld [tilespmem:s1+$0x0];
	s3 =	sadd.s32 $0x1A0, s17;
	s11 =	smov.u32 @p2 s23;
	s1 =	smul.u32 $0x199A, s29  }
0x263: {  	s11 =	smov.u32 @p1 s3;
	s2 =	sadd.s32 s21, s2;
	s21 =	sadd.s32 $0x1F0, s17  }
0x264: {  	v27 =	vld [tilespmem:s31+$0x0];
	s3 =	sadd.s32 $0x180, s17;
	s21 =	smov.u32 @p2 s4;
	s4 =	sadd.s32 $0x1B0, s17  }
0x265: {  	v29 =	vld [tilespmem:s30+$0x0];
	s2 =	sshrl.u32 s2, $0xA;
	s11 =	smov.u32 @p0 s3;
	s30 =	sshrl.u32 s1, $0xF  }
0x266: {  	v37 =	vld [tilespmem:s22+$0x4310];
	s31 =	spop (v2sf);
	s1 =	sadd.s32 $0x270, s17;
	s2 =	smul.u32 $0x199A, s2  }
0x267: {  	(v2sf) =	vpush v4, $0xF;
	v4 =	vld [tilespmem:s22+$0x4300];
	s3 =	sshrl.u32 s26, $0x8;
	s22 =	sadd.s32 $0x1666C, s14;
	s21 =	smov.u32 @p1 s4  }
0x268: {  	v25 =	vld [tilespmem:s28+$0x0];
	s4 =	sadd.s32 $0x190, s17;
	s3 =	sand.u32 $0x7F80, s3;
	s28 =	sshrl.u32 s2, $0xF  }
0x269: {  	s21 =	smov.u32 @p0 s4;
	s4 =	sadd.s32 $0x240, s17;
	p2 =	seq.s32 s28, $0x2  }
0x26a: {  	s15 =	sshrl.u32 s31, $0xC;
	v50 =	vld [tilespmem:s11+$0x0];
	p1 =	seq.s32 s28, $0x1;
	s0 =	smov.u32 @p2 s4  }
0x26b: {  	s11 =	sadd.s32 $0x360, s17;
	v48 =	vld [tilespmem:s3+$0x4300];
	s0 =	smov.u32 @p1 s9;
	s9 =	smul.u32 $0xFFFFB000, s30  }
0x26c: {  	v49 =	vld [tilespmem:s3+$0x4310];
	s3 =	sshrl.u32 s22, $0x8;
	s2 =	sadd.s32 $0x200, s17;
	p0 =	seq.s32 s28, $0x0  }
0x26d: {  	s3 =	sand.u32 $0x7F80, s3;
	s0 =	smov.u32 @p0 s2;
	s2 =	sadd.s32 s24, s9  }
0x26e: {  	v43 =	vld [tilespmem:s7+$0x0];
	s28 =	sadd.s32 $0x18006, s14;
	s4 =	sadd.s32 $0x250, s17;
	s2 =	sshrl.u32 s2, $0xA  }
0x26f: {  	v62 =	vmul.f32 v15, v12;
	v15 =	vld [tilespmem:s3+$0x4300];
	s1 =	smov.u32 @p2 s4;
	s4 =	sshrl.u32 s12, $0x8;
	s2 =	smul.u32 $0x199A, s2  }
0x270: {  	v63 =	vmul.f32 v17, v14;
	v17 =	vld [tilespmem:s3+$0x4310];
	s3 =	sadd.s32 $0x3A0, s17;
	s4 =	sand.u32 $0x7F80, s4;
	s9 =	sadd.s32 $0x230, s17  }
0x271: {  	v46 =	vld [tilespmem:s18+$0x0];
	s1 =	smov.u32 @p1 s9;
	s9 =	sadd.s32 $0x290, s17;
	s2 =	sshrl.u32 s2, $0xF  }
0x272: {  	v40 =	vld [tilespmem:s20+$0x4300];
	s1 =	smov.u32 @p0 s8;
	s8 =	smul.u32 $0x199A, s15;
	p0 =	seq.s32 s2, $0x0  }
0x273: {  	v41 =	vld [tilespmem:s20+$0x4310];
	p1 =	seq.s32 s2, $0x1;
	p2 =	seq.s32 s2, $0x2;
	s2 =	sadd.s32 $0x2E0, s17  }
0x274: {  	v44 =	vld [tilespmem:s25+$0x4300];
	s20 =	sshrl.u32 s8, $0xF;
	s2 =	smov.u32 @p2 s6;
	s6 =	sadd.s32 $0x2A0, s17  }
0x275: {  	v5 =	vmul.f32 v7, v5;
	v6 =	vmul.f32 v8, v6;
	v45 =	vld [tilespmem:s25+$0x4310];
	s8 =	sadd.s32 $0x2D0, s17;
	s2 =	smov.u32 @p1 s6;
	s6 =	sadd.s32 $0x280, s17  }
0x276: {  	v60 =	vmul.f32 v11, v9;
	v61 =	vmul.f32 v13, v10;
	v47 =	vld [tilespmem:s19+$0x0];
	s7 =	smul.u32 $0xFFFFB000, s20;
	s2 =	smov.u32 @p0 s6;
	s6 =	sadd.s32 $0x2F0, s17  }
0x277: {  	v5 =	vadd.f32 v6, v5;
	v13 =	vmul.f32 v19, v16;
	v14 =	vmul.f32 v21, v18;
	v52 =	vld [tilespmem:s4+$0x4300];
	s23 =	spop (v2sf);
	s6 =	smov.u32 @p2 s8;
	s8 =	sadd.s32 $0x2B0, s17  }
0x278: {  	v7 =	vadd.f32 v61, v60;
	v6 =	vmul.f32 v23, v20;
	v58 =	vmul.f32 v25, v22;
	v53 =	vld [tilespmem:s4+$0x4310];
	s7 =	sadd.s32 s31, s7;
	s24 =	sshrl.u32 s23, $0xC;
	s6 =	smov.u32 @p1 s8  }
0x279: {  	v10 =	vadd.f32 v63, v62;
	v25 =	vperm.xlane v5, v0;
	v61 =	vmul.f32 v31, v28;
	v54 =	vld [tilespmem:s0+$0x0];
	s7 =	sshrl.u32 s7, $0xA;
	s6 =	smov.u32 @p0 s9;
	s9 =	smul.u32 $0x199A, s24  }
0x27a: {  	v62 =	vmul.f32 v33, v30;
	v28 =	vperm.xlane v7, v0;
	s4 =	sadd.s32 $0x300, s17;
	s0 =	sadd.s32 $0x320, s17;
	v55 =	vld [tilespmem:s1+$0x0];
	s7 =	smul.u32 $0x199A, s7  }
0x27b: {  	v30 =	vperm.xlane v10, v0;
	v59 =	vmul.f32 v27, v24;
	s1 =	sadd.s32 $0x310, s17;
	v9 =	vld [tilespmem:s2+$0x0];
	s2 =	sadd.s32 $0x380, s17;
	s9 =	sshrl.u32 s9, $0xF  }
0x27c: {  	v13 =	vadd.f32 v14, v13;
	v60 =	vmul.f32 v29, v26;
	v33 =	vmul.f32 v35, v32;
	s8 =	sadd.s32 $0x370, s17;
	s7 =	sshrl.u32 s7, $0xF;
	s9 =	smul.u32 $0xFFFFB000, s9  }
0x27d: {  	v6 =	vadd.f32 v58, v6;
	v40 =	vmul.f32 v42, v40;
	v42 =	vmul.f32 v43, v41;
	p1 =	seq.s32 s7, $0x2;
	p2 =	seq.s32 s7, $0x1;
	p0 =	seq.s32 s7, $0x0  }
0x27e: {  	v5 =	vadd.f32 v25, v5;
	v44 =	vmul.f32 v46, v44;
	v46 =	vmul.f32 v47, v45;
	v12 =	vld [tilespmem:s6+$0x0];
	s6 =	sadd.s32 $0x3D0, s17;
	s11 =	smov.u32 @p1 s10;
	s25 =	sadd.s32 s23, s9  }
0x27f: {  	v18 =	vadd.f32 v42, v40;
	v51 =	vld [tilespmem:s21+$0x0];
	v4 =	vmul.f32 v38, v4;
	v38 =	vmul.f32 v39, v37;
	s11 =	smov.u32 @p2 s0;
	s0 =	sadd.s32 $0x350, s17;
	s26 =	sshrl.u32 s25, $0xA  }
0x280: {  	v35 =	vmul.f32 v36, v34;
	v34 =	vperm.xlane v13, v0;
	v11 =	vadd.f32 v62, v61;
	s7 =	sadd.s32 $0x3E0, s17;
	s8 =	smov.u32 @p1 s0;
	s29 =	smul.u32 $0x199A, s26  }
0x281: {  	v29 =	vperm.xlane v18, v0;
	v20 =	vadd.f32 v46, v44;
	v4 =	vadd.f32 v38, v4;
	s0 =	sadd.s32 $0x330, s17;
	s11 =	smov.u32 @p0 s4;
	s4 =	sadd.s32 $0x3B0, s17  }
0x282: {  	v7 =	vadd.f32 v28, v7;
	v8 =	vadd.f32 v60, v59;
	v42 =	vperm.xlane v11, v0;
	s8 =	smov.u32 @p2 s0;
	s0 =	sshrl.u32 s28, $0x8;
	s30 =	sshrl.u32 s29, $0xF  }
0x283: {  	v32 =	vadd.f32 v29, v18;
	v31 =	vperm.xlane v20, v0;
	v27 =	vperm.xlane v4, v0;
	v19 =	vld [tilespmem:s11+$0x0];
	s8 =	smov.u32 @p0 s1;
	s0 =	sand.u32 $0x7F80, s0;
	p1 =	seq.s32 s30, $0x2  }
0x284: {  	v14 =	vadd.f32 v35, v33;
	v58 =	vmul.f32 v50, v48;
	v59 =	vmul.f32 v51, v49;
	v63 =	vld [tilespmem:s8+$0x0];
	s8 =	sadd.s32 $0x3F0, s17;
	p0 =	seq.s32 s30, $0x1;
	s7 =	smov.u32 @p1 s5  }
0x285: {  	v7 =	vsel vm2, v7, v32;
	v33 =	vadd.f32 v31, v20;
	v4 =	vadd.f32 v27, v4;
	v36 =	vld [tilespmem:s0+$0x4300];
	p2 =	seq.s32 s30, $0x0;
	s8 =	smov.u32 @p1 s6;
	s7 =	smov.u32 @p0 s3  }
0x286: {  	v62 =	vadd.f32 v59, v58;
	v60 =	vmul.f32 v54, v52;
	v61 =	vmul.f32 v55, v53;
	v39 =	vld [tilespmem:s0+$0x4310];
	s0 =	sadd.s32 $0x390, s17;
	s8 =	smov.u32 @p0 s4;
	s7 =	smov.u32 @p2 s2  }
0x287: {  	v51 =	vperm.xlane v7, v1;
	v4 =	vsel vm2, v5, v4;
	v5 =	vadd.f32 v30, v10;
	s8 =	smov.u32 @p2 s0;
	v43 =	vld [tilespmem:s7+$0x0]  }
0x288: {  	v11 =	vadd.f32 v42, v11;
	v35 =	vperm.xlane v62, v0;
	v16 =	vadd.f32 v61, v60;
	v47 =	vld [tilespmem:s8+$0x0]  }
0x289: {  	v7 =	vadd.f32 v51, v7;
	v49 =	vperm.xlane v4, v1;
	v5 =	vsel vm2, v5, v33  }
0x28a: {  	v38 =	vadd.f32 v35, v62;
	v53 =	vperm.xlane v5, v1;
	v37 =	vperm.xlane v16, v0  }
0x28b: {  	v4 =	vadd.f32 v49, v4;
	v9 =	vmul.f32 v9, v56;
	v12 =	vmul.f32 v12, v57  }
0x28c: {  	v5 =	vadd.f32 v53, v5;
	v15 =	vmul.f32 v19, v15;
	v17 =	vmul.f32 v63, v17  }
0x28d: {  	v9 =	vadd.f32 v12, v9;
	v63 =	vmul.f32 v43, v36;
	v24 =	vmul.f32 v47, v39  }
0x28e: {  	v44 =	vperm.xlane v14, v0;
	v40 =	vadd.f32 v37, v16;
	v15 =	vadd.f32 v17, v15  }
0x28f: {  	v41 =	vperm.xlane v9, v0;
	v36 =	vperm.xlane v6, v0;
	v26 =	vadd.f32 v24, v63  }
0x290: {  	v12 =	vadd.f32 v34, v13;
	v39 =	vperm.xlane v8, v0;
	v43 =	vperm.xlane v15, v0  }
0x291: {  	v9 =	vadd.f32 v41, v9;
	v6 =	vadd.f32 v36, v6;
	v45 =	vperm.xlane v26, v0  }
0x292: {  	v12 =	vsel vm2, v12, v38;
	v8 =	vadd.f32 v39, v8;
	v46 =	vadd.f32 v43, v15  }
0x293: {  	v47 =	vadd.f32 v44, v14;
	v6 =	vsel vm2, v6, v40;
	v48 =	vadd.f32 v45, v26  }
0x294: {  	v8 =	vsel vm2, v8, v9;
	v11 =	vsel vm2, v11, v46;
	v50 =	vperm.xlane v6, v1  }
0x295: {  	v52 =	vperm.xlane v8, v1;
	v54 =	vperm.xlane v11, v1;
	v10 =	vsel vm2, v47, v48  }
0x296: {  	v55 =	vperm.xlane v12, v1;
	v6 =	vadd.f32 v50, v6;
	v56 =	vperm.xlane v10, v1  }
0x297: {  	v8 =	vadd.f32 v52, v8;
	v11 =	vadd.f32 v54, v11  }
0x298: {  	v9 =	vadd.f32 v55, v12;
	v10 =	vadd.f32 v56, v10  }
0x299: {  	v4 =	vsel vm0, v4, v6;
	v57 =	vsel vm0, v7, v8;
	v5 =	vsel vm0, v5, v11  }
0x29a: {  	v59 =	vperm.xlane v4, v2;
	v60 =	vperm.xlane v5, v2;
	v58 =	vsel vm0, v9, v10  }
0x29b: {  	v61 =	vperm.xlane v57, v2;
	v62 =	vperm.xlane v58, v2  }
0x29c: {  	v4 =	vadd.f32 v59, v4;
	v5 =	vadd.f32 v60, v5  }
0x29d: {  	v6 =	vadd.f32 v61, v57;
	v7 =	vadd.f32 v62, v58;
	_ =	sdelay $0x1  }
0x29e: {  	v4 =	vsel vm1, v4, v5;
	v5 =	vsel vm1, v6, v7  }
0x29f: {  	p0 =	sne.s32 s14, $0x3E6760;
	v63 =	vperm.xlane v4, v3;
	v7 =	vperm.xlane v5, v3  }
.Ltmp3:
0x2a0: {  	_ = 	snop;
	(pc) =	sbr.rel @p0 .LBB2_8-.Ltmp3, $3  }
0x2a1: {  	v4 =	vadd.f32 v63, v4;
	v5 =	vadd.f32 v7, v5;
	_ =	sdelay $0x1  }
0x2a2: {  	s16 =	sadd.s32 $0x10, s16;
	s31 =	rddreg [dreg:$0xa];
	v4 =	vsel vm3, v4, v5  }
0x2a3: {  	s17 =	sadd.s32 $0x800, s17;
	s14 =	sadd.s32 $0x199A0, s14;
	s0 =	sadd.s32 $0x10, s31;
	[tilespmem:s31+$0x0] =	vst v4  }
0x2a4: {  	s9 =	simm.s32 $0x0;
	s0 =	rddreg [dreg:$0x7];
	s1 =	simm.s32 $0x1C300  }
0x2a5: {  	[hbm4b:s0+s9] =	stream.linear.scatter [tilespmem:s1], [sflag:$0x2], $0x280, $0x38;
	[tilespmem:$0x1C580] =	vst v63  }
0x2a6: {  	s1 =	simm.s32 $0x2  }
0x2a7: {  	_ =	swait.ge [sflag:s1], $0x280  }
0x2a8: {  	s4 =	rddreg [dreg:$0x9]  }
0x2a9: {  	s31 =	rddreg [dreg:$0x8];
	s4 =	sadd.s32 $0x1, s4  }
0x2aa: {  	p0 =	sne.s32 s4, s31  }
.Ltmp4:
0x2ab: {  	_ = 	snop;
	(pc) =	sbr.rel @p0 .LBB2_1-.Ltmp4, $3  }
0x2ac: {  	_ =	sdelay $0x1  }
0x2ad: {  	[sflag:s1] =	ssyncset.done $0x0;
	s2 =	rddreg [dreg:$0x3]  }
0x2ae: {  	s3 =	rddreg [dreg:$0x4];
	[sflag:s1] =	ssyncadd.s32 $0xFFFFFD80  }
0x2af: {  	_ =	sfence.sel $0x180000  }
0x2b0: {  	[bflag:$0x0] =	sbarrier.arrive $0xFFFF  }
0x2b1: {  	_ =	strace $0x90000047  }
0x2b2: {  	s0 =	stileid.u32;
	[bflag:$0x2] =	sbarrier.arrive $0xFFFF  }
0x2b3: {  	p0 =	sne.s32 s0, $0x0;
	s0 =	rddreg [dreg:$0x2]  }
0x2b4: {  	s0 =	sadd.s32 @!p0 $0x100000, s0  }
0x2b5: {  	[sflag:s0] =	ssyncadd.tile.s32 @!p0 $0x1;
	_ =	shalt  }
.Lfunc_end2:
_tile_overlayer_lowered:
.L_overlay_start_2:
0x2b6: {  	(tag) =	ssettag $0x2  }
0x2b7: {  	s0 =	rddreg [dreg:$0x0];
	s2 =	stileid.u32  }
0x2b8: {  	s1 =	rddreg [dreg:$0x1];
	p0 =	sne.s32 s2, $0x0  }
0x2b9: {  	s3 =	rddreg [dreg:$0x2];
	[bflag:$0x3] =	sbarrier.arrive $0xFFFF;
	s2 =	simm.s32 @!p0 $0x1C02  }
0x2ba: {  	[timem:s3], [sflag:s2] =	dma.local @!p0 [hbm:s0], s1  }
0x2bb: {  	s0 =	simm.s32 @!p0 $0x2  }
0x2bc: {  	_ =	swait.ge @!p0 [sflag:s0], s1  }
0x2bd: {  	s1 =	ssub.s32 @!p0 $0x0, s1;
	[sflag:s0] =	ssyncset.done @!p0 $0x0  }
0x2be: {  	[sflag:s0] =	ssyncadd.s32 @!p0 s1  }
0x2bf: {  	[bflag:$0x3] =	sbarrier.arrive $0xFFFF  }
0x2c0: {  	_ =	shalt  }

</sc_bundles>
